<compile_context>
chip_gen: v7x
topology: tpu7x:2x2x1
jax: 0.10.2.dev20260603
libtpu: 0.0.44.dev20260713+nightly
codegen_flags: <defaults>
</compile_context>

<pallas_src>
import functools

import jax
import jax.numpy as jnp
from jax import lax
from jax.experimental import pallas as pl
from jax.experimental.pallas import tpu as pltpu
from jax.experimental.pallas import tpu_sc as plsc

N = 10000
E = 160000
D = 256
DH = 128
NS = 16
CH = 80
EPT = E // NS
NCHUNK = EPT // CH
RPT = 624
RPT_LAST = N - 15 * RPT


def _sc_segment_sum(nf2, ef2, sidx0, sidx1, eidx0, eidx1, dst, zrows):
    mesh = plsc.VectorSubcoreMesh(core_axis_name="c", subcore_axis_name="s")

    @functools.partial(
        pl.kernel,
        out_type=(
            jax.ShapeDtypeStruct((N, DH), jnp.float32),
            jax.ShapeDtypeStruct((N, DH), jnp.float32),
        ),
        mesh=mesh,
        scratch_types=[
            pltpu.VMEM_SHARED((N, DH), jnp.float32),
            pltpu.VMEM((3, CH), jnp.int32),
            pltpu.VMEM((3, CH), jnp.int32),
            pltpu.VMEM((3, CH), jnp.int32),
            pltpu.VMEM((CH, DH), jnp.float32),
            pltpu.VMEM((CH, DH), jnp.float32),
            pltpu.VMEM((CH, DH), jnp.float32),
            pltpu.VMEM((CH, DH), jnp.float32),
            pltpu.SemaphoreType.DMA,
            pltpu.SemaphoreType.DMA,
            pltpu.SemaphoreType.DMA,
            pltpu.SemaphoreType.DMA,
            pltpu.SemaphoreType.DMA,
            pltpu.SemaphoreType.DMA,
        ],
    )
    def k(nf2_h, ef2_h, sidx0_h, sidx1_h, eidx0_h, eidx1_h, dst_h, zrows_h,
          out0_h, out1_h, acc, sib, eib, dib,
          nr0, er0, nr1, er1,
          isem0, isem1, isem2, gsem0, gsem1, ssem):
        c = lax.axis_index("c")
        s = lax.axis_index("s")
        nrbuf = (nr0, nr1)
        erbuf = (er0, er1)
        isem = (isem0, isem1, isem2)
        gsem = (gsem0, gsem1)

        def run(sidx_h, eidx_h, out_h):
            def idx_stage(kk, bi):
                base = s * EPT + kk * CH
                pltpu.async_copy(sidx_h.at[pl.ds(base, CH)], sib.at[bi],
                                 isem[bi])
                pltpu.async_copy(eidx_h.at[pl.ds(base, CH)], eib.at[bi],
                                 isem[bi])
                pltpu.async_copy(dst_h.at[pl.ds(base, CH)], dib.at[bi],
                                 isem[bi])

            def idx_wait(bi):
                pltpu.make_async_copy(sidx_h.at[pl.ds(0, CH)], sib.at[bi],
                                      isem[bi]).wait()
                pltpu.make_async_copy(eidx_h.at[pl.ds(0, CH)], eib.at[bi],
                                      isem[bi]).wait()
                pltpu.make_async_copy(dst_h.at[pl.ds(0, CH)], dib.at[bi],
                                      isem[bi]).wait()

            def gathers(bd, bi):
                pltpu.async_copy(nf2_h.at[sib.at[bi]], nrbuf[bd], gsem[bd])
                pltpu.async_copy(ef2_h.at[eib.at[bi]], erbuf[bd], gsem[bd])

            def gathers_wait(bd):
                pltpu.make_async_copy(nf2_h.at[pl.ds(0, CH)], nrbuf[bd],
                                      gsem[bd]).wait()
                pltpu.make_async_copy(ef2_h.at[pl.ds(0, CH)], erbuf[bd],
                                      gsem[bd]).wait()

            def scatter(bd, bi):
                a1 = pltpu.async_copy(nrbuf[bd], acc.at[dib.at[bi]], ssem,
                                      add=True)
                a2 = pltpu.async_copy(erbuf[bd], acc.at[dib.at[bi]], ssem,
                                      add=True)
                a1.wait()
                a2.wait()

            def sub(kk, bd, bi, do_next_g, do_next_i):
                if do_next_g:
                    idx_wait((bi + 1) % 3)
                    gathers((bd + 1) % 2, (bi + 1) % 3)
                if do_next_i:
                    idx_stage(kk + 2, (bi + 2) % 3)
                gathers_wait(bd)
                scatter(bd, bi)

            idx_stage(0, 0)
            idx_wait(0)
            gathers(0, 0)
            idx_stage(1, 1)

            @pl.when(s < 15)
            def _():
                pltpu.sync_copy(zrows_h.at[pl.ds(0, RPT)],
                                acc.at[pl.ds(s * RPT, RPT)])

            @pl.when(s == 15)
            def _():
                pltpu.sync_copy(zrows_h, acc.at[pl.ds(15 * RPT, RPT_LAST)])

            plsc.subcore_barrier()

            def six(i, carry):
                kk = 6 * i
                for j in range(6):
                    sub(kk + j, j % 2, j % 3, True, True)
                return carry

            nt = (NCHUNK - 4) // 6
            lax.fori_loop(0, nt, six, 0)
            for kk in range(6 * nt, NCHUNK):
                sub(kk, kk % 2, kk % 3, kk + 1 < NCHUNK, kk + 2 < NCHUNK)

            plsc.subcore_barrier()

            @pl.when(s < 15)
            def _():
                pltpu.sync_copy(acc.at[pl.ds(s * RPT, RPT)],
                                out_h.at[pl.ds(s * RPT, RPT)])

            @pl.when(s == 15)
            def _():
                pltpu.sync_copy(acc.at[pl.ds(15 * RPT, RPT_LAST)],
                                out_h.at[pl.ds(15 * RPT, RPT_LAST)])

        @pl.when(c == 0)
        def _():
            run(sidx0_h, eidx0_h, out0_h)

        @pl.when(c == 1)
        def _():
            run(sidx1_h, eidx1_h, out1_h)

    return k(nf2, ef2, sidx0, sidx1, eidx0, eidx1, dst, zrows)


RB = 2000


def _mlp_bn_kernel(a0_ref, a1_ref, w1_ref, b1_ref, w2_ref, b2_ref,
                   g_ref, bt_ref, o_ref, h_scr, st_scr):
    p = pl.program_id(0)
    i = pl.program_id(1)

    @pl.when(p == 0)
    def _():
        x = jnp.concatenate([a0_ref[...], a1_ref[...]],
                            axis=1).astype(jnp.bfloat16)
        h1 = jnp.maximum(
            jnp.dot(x, w1_ref[...], preferred_element_type=jnp.float32)
            + b1_ref[...], 0.0)
        h = (jnp.dot(h1.astype(jnp.bfloat16), w2_ref[...],
                     preferred_element_type=jnp.float32) + b2_ref[...])
        h_scr[pl.ds(i * RB, RB), :] = h
        s1 = jnp.sum(h, axis=0, keepdims=True)
        s2 = jnp.sum(h * h, axis=0, keepdims=True)

        @pl.when(i == 0)
        def _():
            st_scr[...] = jnp.zeros_like(st_scr)

        st_scr[0:2] += jnp.concatenate([s1, s2], axis=0)

    @pl.when(p == 1)
    def _():
        inv_n = 1.0 / N
        mean = st_scr[0:1] * inv_n
        var = st_scr[1:2] * inv_n - mean * mean
        rstd = lax.rsqrt(var + 1e-5)
        hb = h_scr[pl.ds(i * RB, RB), :]
        o_ref[...] = (hb - mean) * (rstd * g_ref[...]) + bt_ref[...]


def _mlp_bn(a0, a1, W1, b1, W2, b2, gamma, beta):
    grid = (2, N // RB)
    return pl.pallas_call(
        _mlp_bn_kernel,
        grid=grid,
        in_specs=[
            pl.BlockSpec((RB, DH), lambda p, i: (i, 0)),
            pl.BlockSpec((RB, DH), lambda p, i: (i, 0)),
            pl.BlockSpec((D, 2 * D), lambda p, i: (0, 0)),
            pl.BlockSpec((1, 2 * D), lambda p, i: (0, 0)),
            pl.BlockSpec((2 * D, D), lambda p, i: (0, 0)),
            pl.BlockSpec((1, D), lambda p, i: (0, 0)),
            pl.BlockSpec((1, D), lambda p, i: (0, 0)),
            pl.BlockSpec((1, D), lambda p, i: (0, 0)),
        ],
        out_specs=pl.BlockSpec((RB, D), lambda p, i: (i, 0)),
        out_shape=jax.ShapeDtypeStruct((N, D), jnp.float32),
        scratch_shapes=[
            pltpu.VMEM((N, D), jnp.float32),
            pltpu.VMEM((8, D), jnp.float32),
        ],
    )(a0, a1, W1.astype(jnp.bfloat16), b1.reshape(1, 2 * D),
      W2.astype(jnp.bfloat16), b2.reshape(1, D),
      gamma.reshape(1, D), beta.reshape(1, D))


def kernel(node_feats, edge_index, edge_feats, W1, b1, W2, b2, gamma, beta):
    src = edge_index[0]
    dst = edge_index[1]
    nf2 = node_feats.reshape(2 * N, DH)
    ef2 = edge_feats.reshape(2 * E, DH)
    sidx0 = src * 2
    sidx1 = sidx0 + 1
    eidx0 = jnp.arange(E, dtype=jnp.int32) * 2
    eidx1 = eidx0 + 1
    zrows = jnp.zeros((RPT_LAST, DH), jnp.float32)
    a0, a1 = _sc_segment_sum(nf2, ef2, sidx0, sidx1, eidx0, eidx1, dst, zrows)
    return _mlp_bn(a0, a1, W1, b1, W2, b2, gamma, beta)

# --- scband reference (transcript-rebuilt; emitter-appended) ---
"""Pipeline reference for scband-ginlayer-52175262712466 (READ-ONLY COPY).

The authoritative reference and input builder live on the scoring server;
editing this copy changes nothing except your own understanding.
"""

import jax, jax.numpy as jnp
import numpy as np

N = 10000
E = 160000
D = 256

def setup_inputs(seed: int = 0) -> dict:
    key = jax.random.key(seed)
    ks = jax.random.split(key, 10)
    node_feats = jax.random.normal(ks[0], (N, D), dtype=jnp.float32)
    edge_index = jax.random.randint(ks[1], (2, E), 0, N, dtype=jnp.int32)
    edge_feats = jax.random.normal(ks[2], (E, D), dtype=jnp.float32)
    # MLP params: Linear(D, 2D) -> ReLU -> Linear(2D, D)
    lim1 = 1.0 / np.sqrt(D)
    lim2 = 1.0 / np.sqrt(2 * D)
    W1 = jax.random.uniform(ks[3], (D, 2 * D), dtype=jnp.float32, minval=-lim1, maxval=lim1)
    b1 = jax.random.uniform(ks[4], (2 * D,), dtype=jnp.float32, minval=-lim1, maxval=lim1)
    W2 = jax.random.uniform(ks[5], (2 * D, D), dtype=jnp.float32, minval=-lim2, maxval=lim2)
    b2 = jax.random.uniform(ks[6], (D,), dtype=jnp.float32, minval=-lim2, maxval=lim2)
    gamma = jnp.ones((D,), dtype=jnp.float32)
    beta = jnp.zeros((D,), dtype=jnp.float32)
    return {"node_feats": node_feats, "edge_index": edge_index, "edge_feats": edge_feats,
            "W1": W1, "b1": b1, "W2": W2, "b2": b2, "gamma": gamma, "beta": beta}

def reference(node_feats, edge_index, edge_feats, W1, b1, W2, b2, gamma, beta):
    src = edge_index[0]
    dst = edge_index[1]
    # message: u_add_e -> m_e = h_src(e) + e_feat(e); reduce: sum over incoming edges
    msgs = jnp.take(node_feats, src, axis=0) + edge_feats
    agg = jax.ops.segment_sum(msgs, dst, num_segments=N)
    # MLP
    h = jnp.maximum(agg @ W1 + b1, 0.0)
    h = h @ W2 + b2
    # BatchNorm1d (training mode, biased variance, eps=1e-5)
    mean = jnp.mean(h, axis=0)
    var = jnp.var(h, axis=0)
    out = (h - mean) / jnp.sqrt(var + 1e-5) * gamma + beta
    # activation is None -> identity
    return out

if __name__ == "__main__":
    import jax
    _d = setup_inputs()
    print(jax.jit(kernel)(*tuple(_d.values())))

</pallas_src>

<mosaic_0001>
#map = affine_map<(d0, d1) -> (0, 0)>
#map1 = affine_map<(d0, d1) -> (0)>
module attributes {stable_mosaic.version = 14 : i64} {
  func.func @k(%arg0: i32, %arg1: i32, %arg2: memref<20000x128xf32, #tpu.memory_space<hbm>>, %arg3: memref<320000x128xf32, #tpu.memory_space<hbm>>, %arg4: memref<160000xi32, #tpu.memory_space<hbm>>, %arg5: memref<160000xi32, #tpu.memory_space<hbm>>, %arg6: memref<160000xi32, #tpu.memory_space<hbm>>, %arg7: memref<160000xi32, #tpu.memory_space<hbm>>, %arg8: memref<160000xi32, #tpu.memory_space<hbm>>, %arg9: memref<640x128xf32, #tpu.memory_space<hbm>>, %arg10: memref<10000x128xf32, #tpu.memory_space<hbm>>, %arg11: memref<10000x128xf32, #tpu.memory_space<hbm>>, %arg12: memref<10000x128xf32, #tpu.memory_space<vmem_shared>>, %arg13: memref<3x80xi32, #tpu.memory_space<vmem>>, %arg14: memref<3x80xi32, #tpu.memory_space<vmem>>, %arg15: memref<3x80xi32, #tpu.memory_space<vmem>>, %arg16: memref<80x128xf32, #tpu.memory_space<vmem>>, %arg17: memref<80x128xf32, #tpu.memory_space<vmem>>, %arg18: memref<80x128xf32, #tpu.memory_space<vmem>>, %arg19: memref<80x128xf32, #tpu.memory_space<vmem>>, %arg20: memref<!tpu.dma_semaphore, #tpu.memory_space<semaphore_mem>>, %arg21: memref<!tpu.dma_semaphore, #tpu.memory_space<semaphore_mem>>, %arg22: memref<!tpu.dma_semaphore, #tpu.memory_space<semaphore_mem>>, %arg23: memref<!tpu.dma_semaphore, #tpu.memory_space<semaphore_mem>>, %arg24: memref<!tpu.dma_semaphore, #tpu.memory_space<semaphore_mem>>, %arg25: memref<!tpu.dma_semaphore, #tpu.memory_space<semaphore_mem>>) attributes {dimension_semantics = [#tpu.dimension_semantics<core_parallel>, #tpu.dimension_semantics<subcore_parallel>], iteration_bounds = array<i64: 2, 16>, scalar_prefetch = 0 : i64, scratch_operands = 14 : i64, tpu.core_type = #tpu.core_type<sc_vector_subcore>, window_params = [{transform_indices = #map}, {transform_indices = #map}, {transform_indices = #map1}, {transform_indices = #map1}, {transform_indices = #map1}, {transform_indices = #map1}, {transform_indices = #map1}, {transform_indices = #map}, {transform_indices = #map}, {transform_indices = #map}]} {
    %eq3A = arith.constant 0 : i32
    %eq3A_0 = arith.cmpi eq, %arg0, %eq3A : i32
    %convert_element_type3A = arith.extui %eq3A_0 : i1 to i32
    %cond3A = arith.constant 0 : i32
    %cond3A_1 = arith.cmpi ne, %convert_element_type3A, %cond3A : i32
    scf.if %cond3A_1 {
      %mul3A = arith.constant 10000 : i32
      %mul3A_7 = arith.muli %arg1, %mul3A : i32
      %add3A = arith.constant 0 : i32
      %add3A_8 = arith.addi %mul3A_7, %add3A : i32
      %dma_start3A = arith.constant 0 : i32
      %dma_start3A_9 = arith.constant 0 : i32
      %dma_start3A_10 = tpu.memref_slice %arg13[%dma_start3A, %dma_start3A_9] : memref<3x80xi32, #tpu.memory_space<vmem>> -> memref<1x80xi32, #tpu.memory_space<vmem>>
      %dma_start3A_11 = tpu.memref_squeeze %dma_start3A_10 : memref<1x80xi32, #tpu.memory_space<vmem>> -> memref<80xi32, #tpu.memory_space<vmem>>
      %dma_start3A_12 = tpu.memref_slice %arg4[%add3A_8] : memref<160000xi32, #tpu.memory_space<hbm>> -> memref<80xi32, #tpu.memory_space<hbm>>
      %dma_start3A_13 = arith.constant 0 : i32
      %dma_start3A_14 = tpu.memref_slice %arg13[%dma_start3A, %dma_start3A_13] : memref<3x80xi32, #tpu.memory_space<vmem>> -> memref<1x80xi32, #tpu.memory_space<vmem>>
      %dma_start3A_15 = tpu.memref_squeeze %dma_start3A_14 : memref<1x80xi32, #tpu.memory_space<vmem>> -> memref<80xi32, #tpu.memory_space<vmem>>
      %dma_start3A_16 = tpu.memref_slice %arg4[%add3A_8] : memref<160000xi32, #tpu.memory_space<hbm>> -> memref<80xi32, #tpu.memory_space<hbm>>
      tpu.enqueue_dma source(%dma_start3A_16 : memref<80xi32, #tpu.memory_space<hbm>>) target(%dma_start3A_15 : memref<80xi32, #tpu.memory_space<vmem>>) target_semaphore(%arg20 : memref<!tpu.dma_semaphore, #tpu.memory_space<semaphore_mem>>)
      %dma_start3A_17 = arith.constant 0 : i32
      %dma_start3A_18 = arith.constant 0 : i32
      %dma_start3A_19 = tpu.memref_slice %arg14[%dma_start3A_17, %dma_start3A_18] : memref<3x80xi32, #tpu.memory_space<vmem>> -> memref<1x80xi32, #tpu.memory_space<vmem>>
      %dma_start3A_20 = tpu.memref_squeeze %dma_start3A_19 : memref<1x80xi32, #tpu.memory_space<vmem>> -> memref<80xi32, #tpu.memory_space<vmem>>
      %dma_start3A_21 = tpu.memref_slice %arg6[%add3A_8] : memref<160000xi32, #tpu.memory_space<hbm>> -> memref<80xi32, #tpu.memory_space<hbm>>
      %dma_start3A_22 = arith.constant 0 : i32
      %dma_start3A_23 = tpu.memref_slice %arg14[%dma_start3A_17, %dma_start3A_22] : memref<3x80xi32, #tpu.memory_space<vmem>> -> memref<1x80xi32, #tpu.memory_space<vmem>>
      %dma_start3A_24 = tpu.memref_squeeze %dma_start3A_23 : memref<1x80xi32, #tpu.memory_space<vmem>> -> memref<80xi32, #tpu.memory_space<vmem>>
      %dma_start3A_25 = tpu.memref_slice %arg6[%add3A_8] : memref<160000xi32, #tpu.memory_space<hbm>> -> memref<80xi32, #tpu.memory_space<hbm>>
      tpu.enqueue_dma source(%dma_start3A_25 : memref<80xi32, #tpu.memory_space<hbm>>) target(%dma_start3A_24 : memref<80xi32, #tpu.memory_space<vmem>>) target_semaphore(%arg20 : memref<!tpu.dma_semaphore, #tpu.memory_space<semaphore_mem>>)
      %dma_start3A_26 = arith.constant 0 : i32
      %dma_start3A_27 = arith.constant 0 : i32
      %dma_start3A_28 = tpu.memref_slice %arg15[%dma_start3A_26, %dma_start3A_27] : memref<3x80xi32, #tpu.memory_space<vmem>> -> memref<1x80xi32, #tpu.memory_space<vmem>>
      %dma_start3A_29 = tpu.memref_squeeze %dma_start3A_28 : memref<1x80xi32, #tpu.memory_space<vmem>> -> memref<80xi32, #tpu.memory_space<vmem>>
      %dma_start3A_30 = tpu.memref_slice %arg8[%add3A_8] : memref<160000xi32, #tpu.memory_space<hbm>> -> memref<80xi32, #tpu.memory_space<hbm>>
      %dma_start3A_31 = arith.constant 0 : i32
      %dma_start3A_32 = tpu.memref_slice %arg15[%dma_start3A_26, %dma_start3A_31] : memref<3x80xi32, #tpu.memory_space<vmem>> -> memref<1x80xi32, #tpu.memory_space<vmem>>
      %dma_start3A_33 = tpu.memref_squeeze %dma_start3A_32 : memref<1x80xi32, #tpu.memory_space<vmem>> -> memref<80xi32, #tpu.memory_space<vmem>>
      %dma_start3A_34 = tpu.memref_slice %arg8[%add3A_8] : memref<160000xi32, #tpu.memory_space<hbm>> -> memref<80xi32, #tpu.memory_space<hbm>>
      tpu.enqueue_dma source(%dma_start3A_34 : memref<80xi32, #tpu.memory_space<hbm>>) target(%dma_start3A_33 : memref<80xi32, #tpu.memory_space<vmem>>) target_semaphore(%arg20 : memref<!tpu.dma_semaphore, #tpu.memory_space<semaphore_mem>>)
      %dma_wait3A = arith.constant 0 : i32
      %dma_wait3A_35 = arith.constant 0 : i32
      %dma_wait3A_36 = tpu.memref_slice %arg13[%dma_wait3A, %dma_wait3A_35] : memref<3x80xi32, #tpu.memory_space<vmem>> -> memref<1x80xi32, #tpu.memory_space<vmem>>
      %dma_wait3A_37 = tpu.memref_squeeze %dma_wait3A_36 : memref<1x80xi32, #tpu.memory_space<vmem>> -> memref<80xi32, #tpu.memory_space<vmem>>
      %dma_wait3A_38 = arith.constant 0 : i32
      %dma_wait3A_39 = tpu.memref_slice %arg4[%dma_wait3A_38] : memref<160000xi32, #tpu.memory_space<hbm>> -> memref<80xi32, #tpu.memory_space<hbm>>
      %dma_wait3A_40 = arith.constant 0 : i32
      %dma_wait3A_41 = tpu.memref_slice %arg13[%dma_wait3A, %dma_wait3A_40] : memref<3x80xi32, #tpu.memory_space<vmem>> -> memref<1x80xi32, #tpu.memory_space<vmem>>
      %dma_wait3A_42 = tpu.memref_squeeze %dma_wait3A_41 : memref<1x80xi32, #tpu.memory_space<vmem>> -> memref<80xi32, #tpu.memory_space<vmem>>
      %dma_wait3A_43 = arith.constant 0 : i32
      %dma_wait3A_44 = tpu.memref_slice %arg4[%dma_wait3A_43] : memref<160000xi32, #tpu.memory_space<hbm>> -> memref<80xi32, #tpu.memory_space<hbm>>
      tpu.wait_dma2 semaphore(%arg20 : memref<!tpu.dma_semaphore, #tpu.memory_space<semaphore_mem>>) src(%dma_wait3A_44 : memref<80xi32, #tpu.memory_space<hbm>>) dst(%dma_wait3A_42 : memref<80xi32, #tpu.memory_space<vmem>>)
      %dma_wait3A_45 = arith.constant 0 : i32
      %dma_wait3A_46 = arith.constant 0 : i32
      %dma_wait3A_47 = tpu.memref_slice %arg14[%dma_wait3A_45, %dma_wait3A_46] : memref<3x80xi32, #tpu.memory_space<vmem>> -> memref<1x80xi32, #tpu.memory_space<vmem>>
      %dma_wait3A_48 = tpu.memref_squeeze %dma_wait3A_47 : memref<1x80xi32, #tpu.memory_space<vmem>> -> memref<80xi32, #tpu.memory_space<vmem>>
      %dma_wait3A_49 = arith.constant 0 : i32
      %dma_wait3A_50 = tpu.memref_slice %arg6[%dma_wait3A_49] : memref<160000xi32, #tpu.memory_space<hbm>> -> memref<80xi32, #tpu.memory_space<hbm>>
      %dma_wait3A_51 = arith.constant 0 : i32
      %dma_wait3A_52 = tpu.memref_slice %arg14[%dma_wait3A_45, %dma_wait3A_51] : memref<3x80xi32, #tpu.memory_space<vmem>> -> memref<1x80xi32, #tpu.memory_space<vmem>>
      %dma_wait3A_53 = tpu.memref_squeeze %dma_wait3A_52 : memref<1x80xi32, #tpu.memory_space<vmem>> -> memref<80xi32, #tpu.memory_space<vmem>>
      %dma_wait3A_54 = arith.constant 0 : i32
      %dma_wait3A_55 = tpu.memref_slice %arg6[%dma_wait3A_54] : memref<160000xi32, #tpu.memory_space<hbm>> -> memref<80xi32, #tpu.memory_space<hbm>>
      tpu.wait_dma2 semaphore(%arg20 : memref<!tpu.dma_semaphore, #tpu.memory_space<semaphore_mem>>) src(%dma_wait3A_55 : memref<80xi32, #tpu.memory_space<hbm>>) dst(%dma_wait3A_53 : memref<80xi32, #tpu.memory_space<vmem>>)
      %dma_wait3A_56 = arith.constant 0 : i32
      %dma_wait3A_57 = arith.constant 0 : i32
      %dma_wait3A_58 = tpu.memref_slice %arg15[%dma_wait3A_56, %dma_wait3A_57] : memref<3x80xi32, #tpu.memory_space<vmem>> -> memref<1x80xi32, #tpu.memory_space<vmem>>
      %dma_wait3A_59 = tpu.memref_squeeze %dma_wait3A_58 : memref<1x80xi32, #tpu.memory_space<vmem>> -> memref<80xi32, #tpu.memory_space<vmem>>
      %dma_wait3A_60 = arith.constant 0 : i32
      %dma_wait3A_61 = tpu.memref_slice %arg8[%dma_wait3A_60] : memref<160000xi32, #tpu.memory_space<hbm>> -> memref<80xi32, #tpu.memory_space<hbm>>
      %dma_wait3A_62 = arith.constant 0 : i32
      %dma_wait3A_63 = tpu.memref_slice %arg15[%dma_wait3A_56, %dma_wait3A_62] : memref<3x80xi32, #tpu.memory_space<vmem>> -> memref<1x80xi32, #tpu.memory_space<vmem>>
      %dma_wait3A_64 = tpu.memref_squeeze %dma_wait3A_63 : memref<1x80xi32, #tpu.memory_space<vmem>> -> memref<80xi32, #tpu.memory_space<vmem>>
      %dma_wait3A_65 = arith.constant 0 : i32
      %dma_wait3A_66 = tpu.memref_slice %arg8[%dma_wait3A_65] : memref<160000xi32, #tpu.memory_space<hbm>> -> memref<80xi32, #tpu.memory_space<hbm>>
      tpu.wait_dma2 semaphore(%arg20 : memref<!tpu.dma_semaphore, #tpu.memory_space<semaphore_mem>>) src(%dma_wait3A_66 : memref<80xi32, #tpu.memory_space<hbm>>) dst(%dma_wait3A_64 : memref<80xi32, #tpu.memory_space<vmem>>)
      %dma_start3A_67 = arith.constant 0 : i32
      %dma_start3A_68 = arith.constant 0 : i32
      %dma_start3A_69 = tpu.memref_slice %arg13[%dma_start3A_67, %dma_start3A_68] : memref<3x80xi32, #tpu.memory_space<vmem>> -> memref<1x80xi32, #tpu.memory_space<vmem>>
      %dma_start3A_70 = tpu.memref_squeeze %dma_start3A_69 : memref<1x80xi32, #tpu.memory_space<vmem>> -> memref<80xi32, #tpu.memory_space<vmem>>
      %dma_start3A_71 = arith.constant 0 : i32
      %dma_start3A_72 = arith.constant 0 : i32
      %dma_start3A_73 = tpu.memref_slice %arg2[%dma_start3A_71, %dma_start3A_72] : memref<20000x128xf32, #tpu.memory_space<hbm>> -> memref<20000x128xf32, #tpu.memory_space<hbm>>
      tpu.enqueue_indirect_dma source(%dma_start3A_73 : memref<20000x128xf32, #tpu.memory_space<hbm>>) target(%arg16 : memref<80x128xf32, #tpu.memory_space<vmem>>) offsets(%dma_start3A_70 : memref<80xi32, #tpu.memory_space<vmem>>) semaphore(%arg23 : memref<!tpu.dma_semaphore, #tpu.memory_space<semaphore_mem>>)
      %dma_start3A_74 = arith.constant 0 : i32
      %dma_start3A_75 = arith.constant 0 : i32
      %dma_start3A_76 = tpu.memref_slice %arg14[%dma_start3A_74, %dma_start3A_75] : memref<3x80xi32, #tpu.memory_space<vmem>> -> memref<1x80xi32, #tpu.memory_space<vmem>>
      %dma_start3A_77 = tpu.memref_squeeze %dma_start3A_76 : memref<1x80xi32, #tpu.memory_space<vmem>> -> memref<80xi32, #tpu.memory_space<vmem>>
      %dma_start3A_78 = arith.constant 0 : i32
      %dma_start3A_79 = arith.constant 0 : i32
      %dma_start3A_80 = tpu.memref_slice %arg3[%dma_start3A_78, %dma_start3A_79] : memref<320000x128xf32, #tpu.memory_space<hbm>> -> memref<320000x128xf32, #tpu.memory_space<hbm>>
      tpu.enqueue_indirect_dma source(%dma_start3A_80 : memref<320000x128xf32, #tpu.memory_space<hbm>>) target(%arg17 : memref<80x128xf32, #tpu.memory_space<vmem>>) offsets(%dma_start3A_77 : memref<80xi32, #tpu.memory_space<vmem>>) semaphore(%arg23 : memref<!tpu.dma_semaphore, #tpu.memory_space<semaphore_mem>>)
      %mul3A_81 = arith.constant 10000 : i32
      %mul3A_82 = arith.muli %arg1, %mul3A_81 : i32
      %add3A_83 = arith.constant 80 : i32
      %add3A_84 = arith.addi %mul3A_82, %add3A_83 : i32
      %dma_start3A_85 = arith.constant 1 : i32
      %dma_start3A_86 = arith.constant 0 : i32
      %dma_start3A_87 = tpu.memref_slice %arg13[%dma_start3A_85, %dma_start3A_86] : memref<3x80xi32, #tpu.memory_space<vmem>> -> memref<1x80xi32, #tpu.memory_space<vmem>>
      %dma_start3A_88 = tpu.memref_squeeze %dma_start3A_87 : memref<1x80xi32, #tpu.memory_space<vmem>> -> memref<80xi32, #tpu.memory_space<vmem>>
      %dma_start3A_89 = tpu.memref_slice %arg4[%add3A_84] : memref<160000xi32, #tpu.memory_space<hbm>> -> memref<80xi32, #tpu.memory_space<hbm>>
      %dma_start3A_90 = arith.constant 0 : i32
      %dma_start3A_91 = tpu.memref_slice %arg13[%dma_start3A_85, %dma_start3A_90] : memref<3x80xi32, #tpu.memory_space<vmem>> -> memref<1x80xi32, #tpu.memory_space<vmem>>
      %dma_start3A_92 = tpu.memref_squeeze %dma_start3A_91 : memref<1x80xi32, #tpu.memory_space<vmem>> -> memref<80xi32, #tpu.memory_space<vmem>>
      %dma_start3A_93 = tpu.memref_slice %arg4[%add3A_84] : memref<160000xi32, #tpu.memory_space<hbm>> -> memref<80xi32, #tpu.memory_space<hbm>>
      tpu.enqueue_dma source(%dma_start3A_93 : memref<80xi32, #tpu.memory_space<hbm>>) target(%dma_start3A_92 : memref<80xi32, #tpu.memory_space<vmem>>) target_semaphore(%arg21 : memref<!tpu.dma_semaphore, #tpu.memory_space<semaphore_mem>>)
      %dma_start3A_94 = arith.constant 1 : i32
      %dma_start3A_95 = arith.constant 0 : i32
      %dma_start3A_96 = tpu.memref_slice %arg14[%dma_start3A_94, %dma_start3A_95] : memref<3x80xi32, #tpu.memory_space<vmem>> -> memref<1x80xi32, #tpu.memory_space<vmem>>
      %dma_start3A_97 = tpu.memref_squeeze %dma_start3A_96 : memref<1x80xi32, #tpu.memory_space<vmem>> -> memref<80xi32, #tpu.memory_space<vmem>>
      %dma_start3A_98 = tpu.memref_slice %arg6[%add3A_84] : memref<160000xi32, #tpu.memory_space<hbm>> -> memref<80xi32, #tpu.memory_space<hbm>>
      %dma_start3A_99 = arith.constant 0 : i32
      %dma_start3A_100 = tpu.memref_slice %arg14[%dma_start3A_94, %dma_start3A_99] : memref<3x80xi32, #tpu.memory_space<vmem>> -> memref<1x80xi32, #tpu.memory_space<vmem>>
      %dma_start3A_101 = tpu.memref_squeeze %dma_start3A_100 : memref<1x80xi32, #tpu.memory_space<vmem>> -> memref<80xi32, #tpu.memory_space<vmem>>
      %dma_start3A_102 = tpu.memref_slice %arg6[%add3A_84] : memref<160000xi32, #tpu.memory_space<hbm>> -> memref<80xi32, #tpu.memory_space<hbm>>
      tpu.enqueue_dma source(%dma_start3A_102 : memref<80xi32, #tpu.memory_space<hbm>>) target(%dma_start3A_101 : memref<80xi32, #tpu.memory_space<vmem>>) target_semaphore(%arg21 : memref<!tpu.dma_semaphore, #tpu.memory_space<semaphore_mem>>)
      %dma_start3A_103 = arith.constant 1 : i32
      %dma_start3A_104 = arith.constant 0 : i32
      %dma_start3A_105 = tpu.memref_slice %arg15[%dma_start3A_103, %dma_start3A_104] : memref<3x80xi32, #tpu.memory_space<vmem>> -> memref<1x80xi32, #tpu.memory_space<vmem>>
      %dma_start3A_106 = tpu.memref_squeeze %dma_start3A_105 : memref<1x80xi32, #tpu.memory_space<vmem>> -> memref<80xi32, #tpu.memory_space<vmem>>
      %dma_start3A_107 = tpu.memref_slice %arg8[%add3A_84] : memref<160000xi32, #tpu.memory_space<hbm>> -> memref<80xi32, #tpu.memory_space<hbm>>
      %dma_start3A_108 = arith.constant 0 : i32
      %dma_start3A_109 = tpu.memref_slice %arg15[%dma_start3A_103, %dma_start3A_108] : memref<3x80xi32, #tpu.memory_space<vmem>> -> memref<1x80xi32, #tpu.memory_space<vmem>>
      %dma_start3A_110 = tpu.memref_squeeze %dma_start3A_109 : memref<1x80xi32, #tpu.memory_space<vmem>> -> memref<80xi32, #tpu.memory_space<vmem>>
      %dma_start3A_111 = tpu.memref_slice %arg8[%add3A_84] : memref<160000xi32, #tpu.memory_space<hbm>> -> memref<80xi32, #tpu.memory_space<hbm>>
      tpu.enqueue_dma source(%dma_start3A_111 : memref<80xi32, #tpu.memory_space<hbm>>) target(%dma_start3A_110 : memref<80xi32, #tpu.memory_space<vmem>>) target_semaphore(%arg21 : memref<!tpu.dma_semaphore, #tpu.memory_space<semaphore_mem>>)
      %lt3A = arith.constant 15 : i32
      %lt3A_112 = arith.cmpi slt, %arg1, %lt3A : i32
      %convert_element_type3A_113 = arith.extui %lt3A_112 : i1 to i32
      %cond3A_114 = arith.constant 0 : i32
      %cond3A_115 = arith.cmpi ne, %convert_element_type3A_113, %cond3A_114 : i32
      scf.if %cond3A_115 {
        %mul3A_618 = arith.constant 624 : i32
        %mul3A_619 = arith.muli %arg1, %mul3A_618 : i32
        "tpu.region"() ({
          %run_scoped3A = tpu.sem_alloc : memref<!tpu.dma_semaphore, #tpu.memory_space<semaphore_mem>>
          %dma_start3A_620 = arith.constant 0 : i32
          %dma_start3A_621 = tpu.memref_slice %arg12[%mul3A_619, %dma_start3A_620] : memref<10000x128xf32, #tpu.memory_space<vmem_shared>> -> memref<624x128xf32, #tpu.memory_space<vmem_shared>>
          %dma_start3A_622 = arith.constant 0 : i32
          %dma_start3A_623 = arith.constant 0 : i32
          %dma_start3A_624 = tpu.memref_slice %arg9[%dma_start3A_622, %dma_start3A_623] : memref<640x128xf32, #tpu.memory_space<hbm>> -> memref<624x128xf32, #tpu.memory_space<hbm>>
          tpu.enqueue_dma source(%dma_start3A_624 : memref<624x128xf32, #tpu.memory_space<hbm>>) target(%dma_start3A_621 : memref<624x128xf32, #tpu.memory_space<vmem_shared>>) target_semaphore(%run_scoped3A : memref<!tpu.dma_semaphore, #tpu.memory_space<semaphore_mem>>)
          %dma_wait3A_625 = arith.constant 0 : i32
          %dma_wait3A_626 = tpu.memref_slice %arg12[%mul3A_619, %dma_wait3A_625] : memref<10000x128xf32, #tpu.memory_space<vmem_shared>> -> memref<624x128xf32, #tpu.memory_space<vmem_shared>>
          %dma_wait3A_627 = arith.constant 0 : i32
          %dma_wait3A_628 = arith.constant 0 : i32
          %dma_wait3A_629 = tpu.memref_slice %arg9[%dma_wait3A_627, %dma_wait3A_628] : memref<640x128xf32, #tpu.memory_space<hbm>> -> memref<624x128xf32, #tpu.memory_space<hbm>>
          tpu.wait_dma2 semaphore(%run_scoped3A : memref<!tpu.dma_semaphore, #tpu.memory_space<semaphore_mem>>) src(%dma_wait3A_629 : memref<624x128xf32, #tpu.memory_space<hbm>>) dst(%dma_wait3A_626 : memref<624x128xf32, #tpu.memory_space<vmem_shared>>)
          tpu.yield
        }) : () -> ()
      } else {
      }
      %eq3A_116 = arith.constant 15 : i32
      %eq3A_117 = arith.cmpi eq, %arg1, %eq3A_116 : i32
      %convert_element_type3A_118 = arith.extui %eq3A_117 : i1 to i32
      %cond3A_119 = arith.constant 0 : i32
      %cond3A_120 = arith.cmpi ne, %convert_element_type3A_118, %cond3A_119 : i32
      scf.if %cond3A_120 {
        "tpu.region"() ({
          %run_scoped3A = tpu.sem_alloc : memref<!tpu.dma_semaphore, #tpu.memory_space<semaphore_mem>>
          %dma_start3A_618 = arith.constant 9360 : i32
          %dma_start3A_619 = arith.constant 0 : i32
          %dma_start3A_620 = tpu.memref_slice %arg12[%dma_start3A_618, %dma_start3A_619] : memref<10000x128xf32, #tpu.memory_space<vmem_shared>> -> memref<640x128xf32, #tpu.memory_space<vmem_shared>>
          tpu.enqueue_dma source(%arg9 : memref<640x128xf32, #tpu.memory_space<hbm>>) target(%dma_start3A_620 : memref<640x128xf32, #tpu.memory_space<vmem_shared>>) target_semaphore(%run_scoped3A : memref<!tpu.dma_semaphore, #tpu.memory_space<semaphore_mem>>)
          %dma_wait3A_621 = arith.constant 9360 : i32
          %dma_wait3A_622 = arith.constant 0 : i32
          %dma_wait3A_623 = tpu.memref_slice %arg12[%dma_wait3A_621, %dma_wait3A_622] : memref<10000x128xf32, #tpu.memory_space<vmem_shared>> -> memref<640x128xf32, #tpu.memory_space<vmem_shared>>
          tpu.wait_dma2 semaphore(%run_scoped3A : memref<!tpu.dma_semaphore, #tpu.memory_space<semaphore_mem>>) src(%arg9 : memref<640x128xf32, #tpu.memory_space<hbm>>) dst(%dma_wait3A_623 : memref<640x128xf32, #tpu.memory_space<vmem_shared>>)
          tpu.yield
        }) : () -> ()
      } else {
      }
      %barrier3A = arith.constant 0 : index
      tpu.barrier barrier_id(%barrier3A)
      %scan3A = arith.constant 0 : i32
      %scan3A_121 = arith.constant 0 : i32
      %scan3A_122 = arith.constant 20 : i32
      %scan3A_123 = arith.addi %scan3A_121, %scan3A_122 : i32
      %scan3A_124 = arith.constant 1 : i32
      scf.for %scan3A_618 = %scan3A_121 to %scan3A_123 step %scan3A_124  : i32 {
        %mul3A_619 = arith.constant 6 : i32
        %mul3A_620 = arith.muli %mul3A_619, %scan3A_618 : i32
        %add3A_621 = arith.constant 0 : i32
        %add3A_622 = arith.addi %mul3A_620, %add3A_621 : i32
        %dma_wait3A_623 = arith.constant 1 : i32
        %dma_wait3A_624 = arith.constant 0 : i32
        %dma_wait3A_625 = tpu.memref_slice %arg13[%dma_wait3A_623, %dma_wait3A_624] : memref<3x80xi32, #tpu.memory_space<vmem>> -> memref<1x80xi32, #tpu.memory_space<vmem>>
        %dma_wait3A_626 = tpu.memref_squeeze %dma_wait3A_625 : memref<1x80xi32, #tpu.memory_space<vmem>> -> memref<80xi32, #tpu.memory_space<vmem>>
        %dma_wait3A_627 = arith.constant 0 : i32
        %dma_wait3A_628 = tpu.memref_slice %arg4[%dma_wait3A_627] : memref<160000xi32, #tpu.memory_space<hbm>> -> memref<80xi32, #tpu.memory_space<hbm>>
        %dma_wait3A_629 = arith.constant 0 : i32
        %dma_wait3A_630 = tpu.memref_slice %arg13[%dma_wait3A_623, %dma_wait3A_629] : memref<3x80xi32, #tpu.memory_space<vmem>> -> memref<1x80xi32, #tpu.memory_space<vmem>>
        %dma_wait3A_631 = tpu.memref_squeeze %dma_wait3A_630 : memref<1x80xi32, #tpu.memory_space<vmem>> -> memref<80xi32, #tpu.memory_space<vmem>>
        %dma_wait3A_632 = arith.constant 0 : i32
        %dma_wait3A_633 = tpu.memref_slice %arg4[%dma_wait3A_632] : memref<160000xi32, #tpu.memory_space<hbm>> -> memref<80xi32, #tpu.memory_space<hbm>>
        tpu.wait_dma2 semaphore(%arg21 : memref<!tpu.dma_semaphore, #tpu.memory_space<semaphore_mem>>) src(%dma_wait3A_633 : memref<80xi32, #tpu.memory_space<hbm>>) dst(%dma_wait3A_631 : memref<80xi32, #tpu.memory_space<vmem>>)
        %dma_wait3A_634 = arith.constant 1 : i32
        %dma_wait3A_635 = arith.constant 0 : i32
        %dma_wait3A_636 = tpu.memref_slice %arg14[%dma_wait3A_634, %dma_wait3A_635] : memref<3x80xi32, #tpu.memory_space<vmem>> -> memref<1x80xi32, #tpu.memory_space<vmem>>
        %dma_wait3A_637 = tpu.memref_squeeze %dma_wait3A_636 : memref<1x80xi32, #tpu.memory_space<vmem>> -> memref<80xi32, #tpu.memory_space<vmem>>
        %dma_wait3A_638 = arith.constant 0 : i32
        %dma_wait3A_639 = tpu.memref_slice %arg6[%dma_wait3A_638] : memref<160000xi32, #tpu.memory_space<hbm>> -> memref<80xi32, #tpu.memory_space<hbm>>
        %dma_wait3A_640 = arith.constant 0 : i32
        %dma_wait3A_641 = tpu.memref_slice %arg14[%dma_wait3A_634, %dma_wait3A_640] : memref<3x80xi32, #tpu.memory_space<vmem>> -> memref<1x80xi32, #tpu.memory_space<vmem>>
        %dma_wait3A_642 = tpu.memref_squeeze %dma_wait3A_641 : memref<1x80xi32, #tpu.memory_space<vmem>> -> memref<80xi32, #tpu.memory_space<vmem>>
        %dma_wait3A_643 = arith.constant 0 : i32
        %dma_wait3A_644 = tpu.memref_slice %arg6[%dma_wait3A_643] : memref<160000xi32, #tpu.memory_space<hbm>> -> memref<80xi32, #tpu.memory_space<hbm>>
        tpu.wait_dma2 semaphore(%arg21 : memref<!tpu.dma_semaphore, #tpu.memory_space<semaphore_mem>>) src(%dma_wait3A_644 : memref<80xi32, #tpu.memory_space<hbm>>) dst(%dma_wait3A_642 : memref<80xi32, #tpu.memory_space<vmem>>)
        %dma_wait3A_645 = arith.constant 1 : i32
        %dma_wait3A_646 = arith.constant 0 : i32
        %dma_wait3A_647 = tpu.memref_slice %arg15[%dma_wait3A_645, %dma_wait3A_646] : memref<3x80xi32, #tpu.memory_space<vmem>> -> memref<1x80xi32, #tpu.memory_space<vmem>>
        %dma_wait3A_648 = tpu.memref_squeeze %dma_wait3A_647 : memref<1x80xi32, #tpu.memory_space<vmem>> -> memref<80xi32, #tpu.memory_space<vmem>>
        %dma_wait3A_649 = arith.constant 0 : i32
        %dma_wait3A_650 = tpu.memref_slice %arg8[%dma_wait3A_649] : memref<160000xi32, #tpu.memory_space<hbm>> -> memref<80xi32, #tpu.memory_space<hbm>>
        %dma_wait3A_651 = arith.constant 0 : i32
        %dma_wait3A_652 = tpu.memref_slice %arg15[%dma_wait3A_645, %dma_wait3A_651] : memref<3x80xi32, #tpu.memory_space<vmem>> -> memref<1x80xi32, #tpu.memory_space<vmem>>
        %dma_wait3A_653 = tpu.memref_squeeze %dma_wait3A_652 : memref<1x80xi32, #tpu.memory_space<vmem>> -> memref<80xi32, #tpu.memory_space<vmem>>
        %dma_wait3A_654 = arith.constant 0 : i32
        %dma_wait3A_655 = tpu.memref_slice %arg8[%dma_wait3A_654] : memref<160000xi32, #tpu.memory_space<hbm>> -> memref<80xi32, #tpu.memory_space<hbm>>
        tpu.wait_dma2 semaphore(%arg21 : memref<!tpu.dma_semaphore, #tpu.memory_space<semaphore_mem>>) src(%dma_wait3A_655 : memref<80xi32, #tpu.memory_space<hbm>>) dst(%dma_wait3A_653 : memref<80xi32, #tpu.memory_space<vmem>>)
        %dma_start3A_656 = arith.constant 1 : i32
        %dma_start3A_657 = arith.constant 0 : i32
        %dma_start3A_658 = tpu.memref_slice %arg13[%dma_start3A_656, %dma_start3A_657] : memref<3x80xi32, #tpu.memory_space<vmem>> -> memref<1x80xi32, #tpu.memory_space<vmem>>
        %dma_start3A_659 = tpu.memref_squeeze %dma_start3A_658 : memref<1x80xi32, #tpu.memory_space<vmem>> -> memref<80xi32, #tpu.memory_space<vmem>>
        %dma_start3A_660 = arith.constant 0 : i32
        %dma_start3A_661 = arith.constant 0 : i32
        %dma_start3A_662 = tpu.memref_slice %arg2[%dma_start3A_660, %dma_start3A_661] : memref<20000x128xf32, #tpu.memory_space<hbm>> -> memref<20000x128xf32, #tpu.memory_space<hbm>>
        tpu.enqueue_indirect_dma source(%dma_start3A_662 : memref<20000x128xf32, #tpu.memory_space<hbm>>) target(%arg18 : memref<80x128xf32, #tpu.memory_space<vmem>>) offsets(%dma_start3A_659 : memref<80xi32, #tpu.memory_space<vmem>>) semaphore(%arg24 : memref<!tpu.dma_semaphore, #tpu.memory_space<semaphore_mem>>)
        %dma_start3A_663 = arith.constant 1 : i32
        %dma_start3A_664 = arith.constant 0 : i32
        %dma_start3A_665 = tpu.memref_slice %arg14[%dma_start3A_663, %dma_start3A_664] : memref<3x80xi32, #tpu.memory_space<vmem>> -> memref<1x80xi32, #tpu.memory_space<vmem>>
        %dma_start3A_666 = tpu.memref_squeeze %dma_start3A_665 : memref<1x80xi32, #tpu.memory_space<vmem>> -> memref<80xi32, #tpu.memory_space<vmem>>
        %dma_start3A_667 = arith.constant 0 : i32
        %dma_start3A_668 = arith.constant 0 : i32
        %dma_start3A_669 = tpu.memref_slice %arg3[%dma_start3A_667, %dma_start3A_668] : memref<320000x128xf32, #tpu.memory_space<hbm>> -> memref<320000x128xf32, #tpu.memory_space<hbm>>
        tpu.enqueue_indirect_dma source(%dma_start3A_669 : memref<320000x128xf32, #tpu.memory_space<hbm>>) target(%arg19 : memref<80x128xf32, #tpu.memory_space<vmem>>) offsets(%dma_start3A_666 : memref<80xi32, #tpu.memory_space<vmem>>) semaphore(%arg24 : memref<!tpu.dma_semaphore, #tpu.memory_space<semaphore_mem>>)
        %add3A_670 = arith.constant 2 : i32
        %add3A_671 = arith.addi %add3A_622, %add3A_670 : i32
        %mul3A_672 = arith.constant 10000 : i32
        %mul3A_673 = arith.muli %arg1, %mul3A_672 : i32
        %mul3A_674 = arith.constant 80 : i32
        %mul3A_675 = arith.muli %add3A_671, %mul3A_674 : i32
        %add3A_676 = arith.addi %mul3A_673, %mul3A_675 : i32
        %dma_start3A_677 = arith.constant 2 : i32
        %dma_start3A_678 = arith.constant 0 : i32
        %dma_start3A_679 = tpu.memref_slice %arg13[%dma_start3A_677, %dma_start3A_678] : memref<3x80xi32, #tpu.memory_space<vmem>> -> memref<1x80xi32, #tpu.memory_space<vmem>>
        %dma_start3A_680 = tpu.memref_squeeze %dma_start3A_679 : memref<1x80xi32, #tpu.memory_space<vmem>> -> memref<80xi32, #tpu.memory_space<vmem>>
        %dma_start3A_681 = tpu.memref_slice %arg4[%add3A_676] : memref<160000xi32, #tpu.memory_space<hbm>> -> memref<80xi32, #tpu.memory_space<hbm>>
        %dma_start3A_682 = arith.constant 0 : i32
        %dma_start3A_683 = tpu.memref_slice %arg13[%dma_start3A_677, %dma_start3A_682] : memref<3x80xi32, #tpu.memory_space<vmem>> -> memref<1x80xi32, #tpu.memory_space<vmem>>
        %dma_start3A_684 = tpu.memref_squeeze %dma_start3A_683 : memref<1x80xi32, #tpu.memory_space<vmem>> -> memref<80xi32, #tpu.memory_space<vmem>>
        %dma_start3A_685 = tpu.memref_slice %arg4[%add3A_676] : memref<160000xi32, #tpu.memory_space<hbm>> -> memref<80xi32, #tpu.memory_space<hbm>>
        tpu.enqueue_dma source(%dma_start3A_685 : memref<80xi32, #tpu.memory_space<hbm>>) target(%dma_start3A_684 : memref<80xi32, #tpu.memory_space<vmem>>) target_semaphore(%arg22 : memref<!tpu.dma_semaphore, #tpu.memory_space<semaphore_mem>>)
        %dma_start3A_686 = arith.constant 2 : i32
        %dma_start3A_687 = arith.constant 0 : i32
        %dma_start3A_688 = tpu.memref_slice %arg14[%dma_start3A_686, %dma_start3A_687] : memref<3x80xi32, #tpu.memory_space<vmem>> -> memref<1x80xi32, #tpu.memory_space<vmem>>
        %dma_start3A_689 = tpu.memref_squeeze %dma_start3A_688 : memref<1x80xi32, #tpu.memory_space<vmem>> -> memref<80xi32, #tpu.memory_space<vmem>>
        %dma_start3A_690 = tpu.memref_slice %arg6[%add3A_676] : memref<160000xi32, #tpu.memory_space<hbm>> -> memref<80xi32, #tpu.memory_space<hbm>>
        %dma_start3A_691 = arith.constant 0 : i32
        %dma_start3A_692 = tpu.memref_slice %arg14[%dma_start3A_686, %dma_start3A_691] : memref<3x80xi32, #tpu.memory_space<vmem>> -> memref<1x80xi32, #tpu.memory_space<vmem>>
        %dma_start3A_693 = tpu.memref_squeeze %dma_start3A_692 : memref<1x80xi32, #tpu.memory_space<vmem>> -> memref<80xi32, #tpu.memory_space<vmem>>
        %dma_start3A_694 = tpu.memref_slice %arg6[%add3A_676] : memref<160000xi32, #tpu.memory_space<hbm>> -> memref<80xi32, #tpu.memory_space<hbm>>
        tpu.enqueue_dma source(%dma_start3A_694 : memref<80xi32, #tpu.memory_space<hbm>>) target(%dma_start3A_693 : memref<80xi32, #tpu.memory_space<vmem>>) target_semaphore(%arg22 : memref<!tpu.dma_semaphore, #tpu.memory_space<semaphore_mem>>)
        %dma_start3A_695 = arith.constant 2 : i32
        %dma_start3A_696 = arith.constant 0 : i32
        %dma_start3A_697 = tpu.memref_slice %arg15[%dma_start3A_695, %dma_start3A_696] : memref<3x80xi32, #tpu.memory_space<vmem>> -> memref<1x80xi32, #tpu.memory_space<vmem>>
        %dma_start3A_698 = tpu.memref_squeeze %dma_start3A_697 : memref<1x80xi32, #tpu.memory_space<vmem>> -> memref<80xi32, #tpu.memory_space<vmem>>
        %dma_start3A_699 = tpu.memref_slice %arg8[%add3A_676] : memref<160000xi32, #tpu.memory_space<hbm>> -> memref<80xi32, #tpu.memory_space<hbm>>
        %dma_start3A_700 = arith.constant 0 : i32
        %dma_start3A_701 = tpu.memref_slice %arg15[%dma_start3A_695, %dma_start3A_700] : memref<3x80xi32, #tpu.memory_space<vmem>> -> memref<1x80xi32, #tpu.memory_space<vmem>>
        %dma_start3A_702 = tpu.memref_squeeze %dma_start3A_701 : memref<1x80xi32, #tpu.memory_space<vmem>> -> memref<80xi32, #tpu.memory_space<vmem>>
        %dma_start3A_703 = tpu.memref_slice %arg8[%add3A_676] : memref<160000xi32, #tpu.memory_space<hbm>> -> memref<80xi32, #tpu.memory_space<hbm>>
        tpu.enqueue_dma source(%dma_start3A_703 : memref<80xi32, #tpu.memory_space<hbm>>) target(%dma_start3A_702 : memref<80xi32, #tpu.memory_space<vmem>>) target_semaphore(%arg22 : memref<!tpu.dma_semaphore, #tpu.memory_space<semaphore_mem>>)
        %dma_wait3A_704 = arith.constant 0 : i32
        %dma_wait3A_705 = arith.constant 0 : i32
        %dma_wait3A_706 = tpu.memref_slice %arg2[%dma_wait3A_704, %dma_wait3A_705] : memref<20000x128xf32, #tpu.memory_space<hbm>> -> memref<80x128xf32, #tpu.memory_space<hbm>>
        %dma_wait3A_707 = arith.constant 0 : i32
        %dma_wait3A_708 = arith.constant 0 : i32
        %dma_wait3A_709 = tpu.memref_slice %arg2[%dma_wait3A_707, %dma_wait3A_708] : memref<20000x128xf32, #tpu.memory_space<hbm>> -> memref<80x128xf32, #tpu.memory_space<hbm>>
        tpu.wait_dma2 semaphore(%arg23 : memref<!tpu.dma_semaphore, #tpu.memory_space<semaphore_mem>>) src(%dma_wait3A_709 : memref<80x128xf32, #tpu.memory_space<hbm>>) dst(%arg16 : memref<80x128xf32, #tpu.memory_space<vmem>>)
        %dma_wait3A_710 = arith.constant 0 : i32
        %dma_wait3A_711 = arith.constant 0 : i32
        %dma_wait3A_712 = tpu.memref_slice %arg3[%dma_wait3A_710, %dma_wait3A_711] : memref<320000x128xf32, #tpu.memory_space<hbm>> -> memref<80x128xf32, #tpu.memory_space<hbm>>
        %dma_wait3A_713 = arith.constant 0 : i32
        %dma_wait3A_714 = arith.constant 0 : i32
        %dma_wait3A_715 = tpu.memref_slice %arg3[%dma_wait3A_713, %dma_wait3A_714] : memref<320000x128xf32, #tpu.memory_space<hbm>> -> memref<80x128xf32, #tpu.memory_space<hbm>>
        tpu.wait_dma2 semaphore(%arg23 : memref<!tpu.dma_semaphore, #tpu.memory_space<semaphore_mem>>) src(%dma_wait3A_715 : memref<80x128xf32, #tpu.memory_space<hbm>>) dst(%arg17 : memref<80x128xf32, #tpu.memory_space<vmem>>)
        %dma_start3A_716 = arith.constant 0 : i32
        %dma_start3A_717 = arith.constant 0 : i32
        %dma_start3A_718 = tpu.memref_slice %arg15[%dma_start3A_716, %dma_start3A_717] : memref<3x80xi32, #tpu.memory_space<vmem>> -> memref<1x80xi32, #tpu.memory_space<vmem>>
        %dma_start3A_719 = tpu.memref_squeeze %dma_start3A_718 : memref<1x80xi32, #tpu.memory_space<vmem>> -> memref<80xi32, #tpu.memory_space<vmem>>
        %dma_start3A_720 = arith.constant 0 : i32
        %dma_start3A_721 = arith.constant 0 : i32
        %dma_start3A_722 = tpu.memref_slice %arg12[%dma_start3A_720, %dma_start3A_721] : memref<10000x128xf32, #tpu.memory_space<vmem_shared>> -> memref<10000x128xf32, #tpu.memory_space<vmem_shared>>
        tpu.enqueue_indirect_dma source(%arg16 : memref<80x128xf32, #tpu.memory_space<vmem>>) target(%dma_start3A_722 : memref<10000x128xf32, #tpu.memory_space<vmem_shared>>) offsets(%dma_start3A_719 : memref<80xi32, #tpu.memory_space<vmem>>) semaphore(%arg25 : memref<!tpu.dma_semaphore, #tpu.memory_space<semaphore_mem>>) {add = true}
        %dma_start3A_723 = arith.constant 0 : i32
        %dma_start3A_724 = arith.constant 0 : i32
        %dma_start3A_725 = tpu.memref_slice %arg15[%dma_start3A_723, %dma_start3A_724] : memref<3x80xi32, #tpu.memory_space<vmem>> -> memref<1x80xi32, #tpu.memory_space<vmem>>
        %dma_start3A_726 = tpu.memref_squeeze %dma_start3A_725 : memref<1x80xi32, #tpu.memory_space<vmem>> -> memref<80xi32, #tpu.memory_space<vmem>>
        %dma_start3A_727 = arith.constant 0 : i32
        %dma_start3A_728 = arith.constant 0 : i32
        %dma_start3A_729 = tpu.memref_slice %arg12[%dma_start3A_727, %dma_start3A_728] : memref<10000x128xf32, #tpu.memory_space<vmem_shared>> -> memref<10000x128xf32, #tpu.memory_space<vmem_shared>>
        tpu.enqueue_indirect_dma source(%arg17 : memref<80x128xf32, #tpu.memory_space<vmem>>) target(%dma_start3A_729 : memref<10000x128xf32, #tpu.memory_space<vmem_shared>>) offsets(%dma_start3A_726 : memref<80xi32, #tpu.memory_space<vmem>>) semaphore(%arg25 : memref<!tpu.dma_semaphore, #tpu.memory_space<semaphore_mem>>) {add = true}
        %dma_wait3A_730 = arith.constant 0 : i32
        %dma_wait3A_731 = arith.constant 0 : i32
        %dma_wait3A_732 = tpu.memref_slice %arg15[%dma_wait3A_730, %dma_wait3A_731] : memref<3x80xi32, #tpu.memory_space<vmem>> -> memref<1x80xi32, #tpu.memory_space<vmem>>
        %dma_wait3A_733 = tpu.memref_squeeze %dma_wait3A_732 : memref<1x80xi32, #tpu.memory_space<vmem>> -> memref<80xi32, #tpu.memory_space<vmem>>
        %dma_wait3A_734 = arith.constant 0 : i32
        %dma_wait3A_735 = arith.constant 0 : i32
        %dma_wait3A_736 = tpu.memref_slice %arg12[%dma_wait3A_734, %dma_wait3A_735] : memref<10000x128xf32, #tpu.memory_space<vmem_shared>> -> memref<10000x128xf32, #tpu.memory_space<vmem_shared>>
        tpu.wait_indirect_dma semaphore(%arg25 : memref<!tpu.dma_semaphore, #tpu.memory_space<semaphore_mem>>) src(%arg16 : memref<80x128xf32, #tpu.memory_space<vmem>>) dst(%dma_wait3A_736 : memref<10000x128xf32, #tpu.memory_space<vmem_shared>>)
        %dma_wait3A_737 = arith.constant 0 : i32
        %dma_wait3A_738 = arith.constant 0 : i32
        %dma_wait3A_739 = tpu.memref_slice %arg15[%dma_wait3A_737, %dma_wait3A_738] : memref<3x80xi32, #tpu.memory_space<vmem>> -> memref<1x80xi32, #tpu.memory_space<vmem>>
        %dma_wait3A_740 = tpu.memref_squeeze %dma_wait3A_739 : memref<1x80xi32, #tpu.memory_space<vmem>> -> memref<80xi32, #tpu.memory_space<vmem>>
        %dma_wait3A_741 = arith.constant 0 : i32
        %dma_wait3A_742 = arith.constant 0 : i32
        %dma_wait3A_743 = tpu.memref_slice %arg12[%dma_wait3A_741, %dma_wait3A_742] : memref<10000x128xf32, #tpu.memory_space<vmem_shared>> -> memref<10000x128xf32, #tpu.memory_space<vmem_shared>>
        tpu.wait_indirect_dma semaphore(%arg25 : memref<!tpu.dma_semaphore, #tpu.memory_space<semaphore_mem>>) src(%arg17 : memref<80x128xf32, #tpu.memory_space<vmem>>) dst(%dma_wait3A_743 : memref<10000x128xf32, #tpu.memory_space<vmem_shared>>)
        %add3A_744 = arith.constant 1 : i32
        %add3A_745 = arith.addi %mul3A_620, %add3A_744 : i32
        %dma_wait3A_746 = arith.constant 2 : i32
        %dma_wait3A_747 = arith.constant 0 : i32
        %dma_wait3A_748 = tpu.memref_slice %arg13[%dma_wait3A_746, %dma_wait3A_747] : memref<3x80xi32, #tpu.memory_space<vmem>> -> memref<1x80xi32, #tpu.memory_space<vmem>>
        %dma_wait3A_749 = tpu.memref_squeeze %dma_wait3A_748 : memref<1x80xi32, #tpu.memory_space<vmem>> -> memref<80xi32, #tpu.memory_space<vmem>>
        %dma_wait3A_750 = arith.constant 0 : i32
        %dma_wait3A_751 = tpu.memref_slice %arg4[%dma_wait3A_750] : memref<160000xi32, #tpu.memory_space<hbm>> -> memref<80xi32, #tpu.memory_space<hbm>>
        %dma_wait3A_752 = arith.constant 0 : i32
        %dma_wait3A_753 = tpu.memref_slice %arg13[%dma_wait3A_746, %dma_wait3A_752] : memref<3x80xi32, #tpu.memory_space<vmem>> -> memref<1x80xi32, #tpu.memory_space<vmem>>
        %dma_wait3A_754 = tpu.memref_squeeze %dma_wait3A_753 : memref<1x80xi32, #tpu.memory_space<vmem>> -> memref<80xi32, #tpu.memory_space<vmem>>
        %dma_wait3A_755 = arith.constant 0 : i32
        %dma_wait3A_756 = tpu.memref_slice %arg4[%dma_wait3A_755] : memref<160000xi32, #tpu.memory_space<hbm>> -> memref<80xi32, #tpu.memory_space<hbm>>
        tpu.wait_dma2 semaphore(%arg22 : memref<!tpu.dma_semaphore, #tpu.memory_space<semaphore_mem>>) src(%dma_wait3A_756 : memref<80xi32, #tpu.memory_space<hbm>>) dst(%dma_wait3A_754 : memref<80xi32, #tpu.memory_space<vmem>>)
        %dma_wait3A_757 = arith.constant 2 : i32
        %dma_wait3A_758 = arith.constant 0 : i32
        %dma_wait3A_759 = tpu.memref_slice %arg14[%dma_wait3A_757, %dma_wait3A_758] : memref<3x80xi32, #tpu.memory_space<vmem>> -> memref<1x80xi32, #tpu.memory_space<vmem>>
        %dma_wait3A_760 = tpu.memref_squeeze %dma_wait3A_759 : memref<1x80xi32, #tpu.memory_space<vmem>> -> memref<80xi32, #tpu.memory_space<vmem>>
        %dma_wait3A_761 = arith.constant 0 : i32
        %dma_wait3A_762 = tpu.memref_slice %arg6[%dma_wait3A_761] : memref<160000xi32, #tpu.memory_space<hbm>> -> memref<80xi32, #tpu.memory_space<hbm>>
        %dma_wait3A_763 = arith.constant 0 : i32
        %dma_wait3A_764 = tpu.memref_slice %arg14[%dma_wait3A_757, %dma_wait3A_763] : memref<3x80xi32, #tpu.memory_space<vmem>> -> memref<1x80xi32, #tpu.memory_space<vmem>>
        %dma_wait3A_765 = tpu.memref_squeeze %dma_wait3A_764 : memref<1x80xi32, #tpu.memory_space<vmem>> -> memref<80xi32, #tpu.memory_space<vmem>>
        %dma_wait3A_766 = arith.constant 0 : i32
        %dma_wait3A_767 = tpu.memref_slice %arg6[%dma_wait3A_766] : memref<160000xi32, #tpu.memory_space<hbm>> -> memref<80xi32, #tpu.memory_space<hbm>>
        tpu.wait_dma2 semaphore(%arg22 : memref<!tpu.dma_semaphore, #tpu.memory_space<semaphore_mem>>) src(%dma_wait3A_767 : memref<80xi32, #tpu.memory_space<hbm>>) dst(%dma_wait3A_765 : memref<80xi32, #tpu.memory_space<vmem>>)
        %dma_wait3A_768 = arith.constant 2 : i32
        %dma_wait3A_769 = arith.constant 0 : i32
        %dma_wait3A_770 = tpu.memref_slice %arg15[%dma_wait3A_768, %dma_wait3A_769] : memref<3x80xi32, #tpu.memory_space<vmem>> -> memref<1x80xi32, #tpu.memory_space<vmem>>
        %dma_wait3A_771 = tpu.memref_squeeze %dma_wait3A_770 : memref<1x80xi32, #tpu.memory_space<vmem>> -> memref<80xi32, #tpu.memory_space<vmem>>
        %dma_wait3A_772 = arith.constant 0 : i32
        %dma_wait3A_773 = tpu.memref_slice %arg8[%dma_wait3A_772] : memref<160000xi32, #tpu.memory_space<hbm>> -> memref<80xi32, #tpu.memory_space<hbm>>
        %dma_wait3A_774 = arith.constant 0 : i32
        %dma_wait3A_775 = tpu.memref_slice %arg15[%dma_wait3A_768, %dma_wait3A_774] : memref<3x80xi32, #tpu.memory_space<vmem>> -> memref<1x80xi32, #tpu.memory_space<vmem>>
        %dma_wait3A_776 = tpu.memref_squeeze %dma_wait3A_775 : memref<1x80xi32, #tpu.memory_space<vmem>> -> memref<80xi32, #tpu.memory_space<vmem>>
        %dma_wait3A_777 = arith.constant 0 : i32
        %dma_wait3A_778 = tpu.memref_slice %arg8[%dma_wait3A_777] : memref<160000xi32, #tpu.memory_space<hbm>> -> memref<80xi32, #tpu.memory_space<hbm>>
        tpu.wait_dma2 semaphore(%arg22 : memref<!tpu.dma_semaphore, #tpu.memory_space<semaphore_mem>>) src(%dma_wait3A_778 : memref<80xi32, #tpu.memory_space<hbm>>) dst(%dma_wait3A_776 : memref<80xi32, #tpu.memory_space<vmem>>)
        %dma_start3A_779 = arith.constant 2 : i32
        %dma_start3A_780 = arith.constant 0 : i32
        %dma_start3A_781 = tpu.memref_slice %arg13[%dma_start3A_779, %dma_start3A_780] : memref<3x80xi32, #tpu.memory_space<vmem>> -> memref<1x80xi32, #tpu.memory_space<vmem>>
        %dma_start3A_782 = tpu.memref_squeeze %dma_start3A_781 : memref<1x80xi32, #tpu.memory_space<vmem>> -> memref<80xi32, #tpu.memory_space<vmem>>
        %dma_start3A_783 = arith.constant 0 : i32
        %dma_start3A_784 = arith.constant 0 : i32
        %dma_start3A_785 = tpu.memref_slice %arg2[%dma_start3A_783, %dma_start3A_784] : memref<20000x128xf32, #tpu.memory_space<hbm>> -> memref<20000x128xf32, #tpu.memory_space<hbm>>
        tpu.enqueue_indirect_dma source(%dma_start3A_785 : memref<20000x128xf32, #tpu.memory_space<hbm>>) target(%arg16 : memref<80x128xf32, #tpu.memory_space<vmem>>) offsets(%dma_start3A_782 : memref<80xi32, #tpu.memory_space<vmem>>) semaphore(%arg23 : memref<!tpu.dma_semaphore, #tpu.memory_space<semaphore_mem>>)
        %dma_start3A_786 = arith.constant 2 : i32
        %dma_start3A_787 = arith.constant 0 : i32
        %dma_start3A_788 = tpu.memref_slice %arg14[%dma_start3A_786, %dma_start3A_787] : memref<3x80xi32, #tpu.memory_space<vmem>> -> memref<1x80xi32, #tpu.memory_space<vmem>>
        %dma_start3A_789 = tpu.memref_squeeze %dma_start3A_788 : memref<1x80xi32, #tpu.memory_space<vmem>> -> memref<80xi32, #tpu.memory_space<vmem>>
        %dma_start3A_790 = arith.constant 0 : i32
        %dma_start3A_791 = arith.constant 0 : i32
        %dma_start3A_792 = tpu.memref_slice %arg3[%dma_start3A_790, %dma_start3A_791] : memref<320000x128xf32, #tpu.memory_space<hbm>> -> memref<320000x128xf32, #tpu.memory_space<hbm>>
        tpu.enqueue_indirect_dma source(%dma_start3A_792 : memref<320000x128xf32, #tpu.memory_space<hbm>>) target(%arg17 : memref<80x128xf32, #tpu.memory_space<vmem>>) offsets(%dma_start3A_789 : memref<80xi32, #tpu.memory_space<vmem>>) semaphore(%arg23 : memref<!tpu.dma_semaphore, #tpu.memory_space<semaphore_mem>>)
        %add3A_793 = arith.constant 2 : i32
        %add3A_794 = arith.addi %add3A_745, %add3A_793 : i32
        %mul3A_795 = arith.constant 10000 : i32
        %mul3A_796 = arith.muli %arg1, %mul3A_795 : i32
        %mul3A_797 = arith.constant 80 : i32
        %mul3A_798 = arith.muli %add3A_794, %mul3A_797 : i32
        %add3A_799 = arith.addi %mul3A_796, %mul3A_798 : i32
        %dma_start3A_800 = arith.constant 0 : i32
        %dma_start3A_801 = arith.constant 0 : i32
        %dma_start3A_802 = tpu.memref_slice %arg13[%dma_start3A_800, %dma_start3A_801] : memref<3x80xi32, #tpu.memory_space<vmem>> -> memref<1x80xi32, #tpu.memory_space<vmem>>
        %dma_start3A_803 = tpu.memref_squeeze %dma_start3A_802 : memref<1x80xi32, #tpu.memory_space<vmem>> -> memref<80xi32, #tpu.memory_space<vmem>>
        %dma_start3A_804 = tpu.memref_slice %arg4[%add3A_799] : memref<160000xi32, #tpu.memory_space<hbm>> -> memref<80xi32, #tpu.memory_space<hbm>>
        %dma_start3A_805 = arith.constant 0 : i32
        %dma_start3A_806 = tpu.memref_slice %arg13[%dma_start3A_800, %dma_start3A_805] : memref<3x80xi32, #tpu.memory_space<vmem>> -> memref<1x80xi32, #tpu.memory_space<vmem>>
        %dma_start3A_807 = tpu.memref_squeeze %dma_start3A_806 : memref<1x80xi32, #tpu.memory_space<vmem>> -> memref<80xi32, #tpu.memory_space<vmem>>
        %dma_start3A_808 = tpu.memref_slice %arg4[%add3A_799] : memref<160000xi32, #tpu.memory_space<hbm>> -> memref<80xi32, #tpu.memory_space<hbm>>
        tpu.enqueue_dma source(%dma_start3A_808 : memref<80xi32, #tpu.memory_space<hbm>>) target(%dma_start3A_807 : memref<80xi32, #tpu.memory_space<vmem>>) target_semaphore(%arg20 : memref<!tpu.dma_semaphore, #tpu.memory_space<semaphore_mem>>)
        %dma_start3A_809 = arith.constant 0 : i32
        %dma_start3A_810 = arith.constant 0 : i32
        %dma_start3A_811 = tpu.memref_slice %arg14[%dma_start3A_809, %dma_start3A_810] : memref<3x80xi32, #tpu.memory_space<vmem>> -> memref<1x80xi32, #tpu.memory_space<vmem>>
        %dma_start3A_812 = tpu.memref_squeeze %dma_start3A_811 : memref<1x80xi32, #tpu.memory_space<vmem>> -> memref<80xi32, #tpu.memory_space<vmem>>
        %dma_start3A_813 = tpu.memref_slice %arg6[%add3A_799] : memref<160000xi32, #tpu.memory_space<hbm>> -> memref<80xi32, #tpu.memory_space<hbm>>
        %dma_start3A_814 = arith.constant 0 : i32
        %dma_start3A_815 = tpu.memref_slice %arg14[%dma_start3A_809, %dma_start3A_814] : memref<3x80xi32, #tpu.memory_space<vmem>> -> memref<1x80xi32, #tpu.memory_space<vmem>>
        %dma_start3A_816 = tpu.memref_squeeze %dma_start3A_815 : memref<1x80xi32, #tpu.memory_space<vmem>> -> memref<80xi32, #tpu.memory_space<vmem>>
        %dma_start3A_817 = tpu.memref_slice %arg6[%add3A_799] : memref<160000xi32, #tpu.memory_space<hbm>> -> memref<80xi32, #tpu.memory_space<hbm>>
        tpu.enqueue_dma source(%dma_start3A_817 : memref<80xi32, #tpu.memory_space<hbm>>) target(%dma_start3A_816 : memref<80xi32, #tpu.memory_space<vmem>>) target_semaphore(%arg20 : memref<!tpu.dma_semaphore, #tpu.memory_space<semaphore_mem>>)
        %dma_start3A_818 = arith.constant 0 : i32
        %dma_start3A_819 = arith.constant 0 : i32
        %dma_start3A_820 = tpu.memref_slice %arg15[%dma_start3A_818, %dma_start3A_819] : memref<3x80xi32, #tpu.memory_space<vmem>> -> memref<1x80xi32, #tpu.memory_space<vmem>>
        %dma_start3A_821 = tpu.memref_squeeze %dma_start3A_820 : memref<1x80xi32, #tpu.memory_space<vmem>> -> memref<80xi32, #tpu.memory_space<vmem>>
        %dma_start3A_822 = tpu.memref_slice %arg8[%add3A_799] : memref<160000xi32, #tpu.memory_space<hbm>> -> memref<80xi32, #tpu.memory_space<hbm>>
        %dma_start3A_823 = arith.constant 0 : i32
        %dma_start3A_824 = tpu.memref_slice %arg15[%dma_start3A_818, %dma_start3A_823] : memref<3x80xi32, #tpu.memory_space<vmem>> -> memref<1x80xi32, #tpu.memory_space<vmem>>
        %dma_start3A_825 = tpu.memref_squeeze %dma_start3A_824 : memref<1x80xi32, #tpu.memory_space<vmem>> -> memref<80xi32, #tpu.memory_space<vmem>>
        %dma_start3A_826 = tpu.memref_slice %arg8[%add3A_799] : memref<160000xi32, #tpu.memory_space<hbm>> -> memref<80xi32, #tpu.memory_space<hbm>>
        tpu.enqueue_dma source(%dma_start3A_826 : memref<80xi32, #tpu.memory_space<hbm>>) target(%dma_start3A_825 : memref<80xi32, #tpu.memory_space<vmem>>) target_semaphore(%arg20 : memref<!tpu.dma_semaphore, #tpu.memory_space<semaphore_mem>>)
        %dma_wait3A_827 = arith.constant 0 : i32
        %dma_wait3A_828 = arith.constant 0 : i32
        %dma_wait3A_829 = tpu.memref_slice %arg2[%dma_wait3A_827, %dma_wait3A_828] : memref<20000x128xf32, #tpu.memory_space<hbm>> -> memref<80x128xf32, #tpu.memory_space<hbm>>
        %dma_wait3A_830 = arith.constant 0 : i32
        %dma_wait3A_831 = arith.constant 0 : i32
        %dma_wait3A_832 = tpu.memref_slice %arg2[%dma_wait3A_830, %dma_wait3A_831] : memref<20000x128xf32, #tpu.memory_space<hbm>> -> memref<80x128xf32, #tpu.memory_space<hbm>>
        tpu.wait_dma2 semaphore(%arg24 : memref<!tpu.dma_semaphore, #tpu.memory_space<semaphore_mem>>) src(%dma_wait3A_832 : memref<80x128xf32, #tpu.memory_space<hbm>>) dst(%arg18 : memref<80x128xf32, #tpu.memory_space<vmem>>)
        %dma_wait3A_833 = arith.constant 0 : i32
        %dma_wait3A_834 = arith.constant 0 : i32
        %dma_wait3A_835 = tpu.memref_slice %arg3[%dma_wait3A_833, %dma_wait3A_834] : memref<320000x128xf32, #tpu.memory_space<hbm>> -> memref<80x128xf32, #tpu.memory_space<hbm>>
        %dma_wait3A_836 = arith.constant 0 : i32
        %dma_wait3A_837 = arith.constant 0 : i32
        %dma_wait3A_838 = tpu.memref_slice %arg3[%dma_wait3A_836, %dma_wait3A_837] : memref<320000x128xf32, #tpu.memory_space<hbm>> -> memref<80x128xf32, #tpu.memory_space<hbm>>
        tpu.wait_dma2 semaphore(%arg24 : memref<!tpu.dma_semaphore, #tpu.memory_space<semaphore_mem>>) src(%dma_wait3A_838 : memref<80x128xf32, #tpu.memory_space<hbm>>) dst(%arg19 : memref<80x128xf32, #tpu.memory_space<vmem>>)
        %dma_start3A_839 = arith.constant 1 : i32
        %dma_start3A_840 = arith.constant 0 : i32
        %dma_start3A_841 = tpu.memref_slice %arg15[%dma_start3A_839, %dma_start3A_840] : memref<3x80xi32, #tpu.memory_space<vmem>> -> memref<1x80xi32, #tpu.memory_space<vmem>>
        %dma_start3A_842 = tpu.memref_squeeze %dma_start3A_841 : memref<1x80xi32, #tpu.memory_space<vmem>> -> memref<80xi32, #tpu.memory_space<vmem>>
        %dma_start3A_843 = arith.constant 0 : i32
        %dma_start3A_844 = arith.constant 0 : i32
        %dma_start3A_845 = tpu.memref_slice %arg12[%dma_start3A_843, %dma_start3A_844] : memref<10000x128xf32, #tpu.memory_space<vmem_shared>> -> memref<10000x128xf32, #tpu.memory_space<vmem_shared>>
        tpu.enqueue_indirect_dma source(%arg18 : memref<80x128xf32, #tpu.memory_space<vmem>>) target(%dma_start3A_845 : memref<10000x128xf32, #tpu.memory_space<vmem_shared>>) offsets(%dma_start3A_842 : memref<80xi32, #tpu.memory_space<vmem>>) semaphore(%arg25 : memref<!tpu.dma_semaphore, #tpu.memory_space<semaphore_mem>>) {add = true}
        %dma_start3A_846 = arith.constant 1 : i32
        %dma_start3A_847 = arith.constant 0 : i32
        %dma_start3A_848 = tpu.memref_slice %arg15[%dma_start3A_846, %dma_start3A_847] : memref<3x80xi32, #tpu.memory_space<vmem>> -> memref<1x80xi32, #tpu.memory_space<vmem>>
        %dma_start3A_849 = tpu.memref_squeeze %dma_start3A_848 : memref<1x80xi32, #tpu.memory_space<vmem>> -> memref<80xi32, #tpu.memory_space<vmem>>
        %dma_start3A_850 = arith.constant 0 : i32
        %dma_start3A_851 = arith.constant 0 : i32
        %dma_start3A_852 = tpu.memref_slice %arg12[%dma_start3A_850, %dma_start3A_851] : memref<10000x128xf32, #tpu.memory_space<vmem_shared>> -> memref<10000x128xf32, #tpu.memory_space<vmem_shared>>
        tpu.enqueue_indirect_dma source(%arg19 : memref<80x128xf32, #tpu.memory_space<vmem>>) target(%dma_start3A_852 : memref<10000x128xf32, #tpu.memory_space<vmem_shared>>) offsets(%dma_start3A_849 : memref<80xi32, #tpu.memory_space<vmem>>) semaphore(%arg25 : memref<!tpu.dma_semaphore, #tpu.memory_space<semaphore_mem>>) {add = true}
        %dma_wait3A_853 = arith.constant 1 : i32
        %dma_wait3A_854 = arith.constant 0 : i32
        %dma_wait3A_855 = tpu.memref_slice %arg15[%dma_wait3A_853, %dma_wait3A_854] : memref<3x80xi32, #tpu.memory_space<vmem>> -> memref<1x80xi32, #tpu.memory_space<vmem>>
        %dma_wait3A_856 = tpu.memref_squeeze %dma_wait3A_855 : memref<1x80xi32, #tpu.memory_space<vmem>> -> memref<80xi32, #tpu.memory_space<vmem>>
        %dma_wait3A_857 = arith.constant 0 : i32
        %dma_wait3A_858 = arith.constant 0 : i32
        %dma_wait3A_859 = tpu.memref_slice %arg12[%dma_wait3A_857, %dma_wait3A_858] : memref<10000x128xf32, #tpu.memory_space<vmem_shared>> -> memref<10000x128xf32, #tpu.memory_space<vmem_shared>>
        tpu.wait_indirect_dma semaphore(%arg25 : memref<!tpu.dma_semaphore, #tpu.memory_space<semaphore_mem>>) src(%arg18 : memref<80x128xf32, #tpu.memory_space<vmem>>) dst(%dma_wait3A_859 : memref<10000x128xf32, #tpu.memory_space<vmem_shared>>)
        %dma_wait3A_860 = arith.constant 1 : i32
        %dma_wait3A_861 = arith.constant 0 : i32
        %dma_wait3A_862 = tpu.memref_slice %arg15[%dma_wait3A_860, %dma_wait3A_861] : memref<3x80xi32, #tpu.memory_space<vmem>> -> memref<1x80xi32, #tpu.memory_space<vmem>>
        %dma_wait3A_863 = tpu.memref_squeeze %dma_wait3A_862 : memref<1x80xi32, #tpu.memory_space<vmem>> -> memref<80xi32, #tpu.memory_space<vmem>>
        %dma_wait3A_864 = arith.constant 0 : i32
        %dma_wait3A_865 = arith.constant 0 : i32
        %dma_wait3A_866 = tpu.memref_slice %arg12[%dma_wait3A_864, %dma_wait3A_865] : memref<10000x128xf32, #tpu.memory_space<vmem_shared>> -> memref<10000x128xf32, #tpu.memory_space<vmem_shared>>
        tpu.wait_indirect_dma semaphore(%arg25 : memref<!tpu.dma_semaphore, #tpu.memory_space<semaphore_mem>>) src(%arg19 : memref<80x128xf32, #tpu.memory_space<vmem>>) dst(%dma_wait3A_866 : memref<10000x128xf32, #tpu.memory_space<vmem_shared>>)
        %add3A_867 = arith.constant 2 : i32
        %add3A_868 = arith.addi %mul3A_620, %add3A_867 : i32
        %dma_wait3A_869 = arith.constant 0 : i32
        %dma_wait3A_870 = arith.constant 0 : i32
        %dma_wait3A_871 = tpu.memref_slice %arg13[%dma_wait3A_869, %dma_wait3A_870] : memref<3x80xi32, #tpu.memory_space<vmem>> -> memref<1x80xi32, #tpu.memory_space<vmem>>
        %dma_wait3A_872 = tpu.memref_squeeze %dma_wait3A_871 : memref<1x80xi32, #tpu.memory_space<vmem>> -> memref<80xi32, #tpu.memory_space<vmem>>
        %dma_wait3A_873 = arith.constant 0 : i32
        %dma_wait3A_874 = tpu.memref_slice %arg4[%dma_wait3A_873] : memref<160000xi32, #tpu.memory_space<hbm>> -> memref<80xi32, #tpu.memory_space<hbm>>
        %dma_wait3A_875 = arith.constant 0 : i32
        %dma_wait3A_876 = tpu.memref_slice %arg13[%dma_wait3A_869, %dma_wait3A_875] : memref<3x80xi32, #tpu.memory_space<vmem>> -> memref<1x80xi32, #tpu.memory_space<vmem>>
        %dma_wait3A_877 = tpu.memref_squeeze %dma_wait3A_876 : memref<1x80xi32, #tpu.memory_space<vmem>> -> memref<80xi32, #tpu.memory_space<vmem>>
        %dma_wait3A_878 = arith.constant 0 : i32
        %dma_wait3A_879 = tpu.memref_slice %arg4[%dma_wait3A_878] : memref<160000xi32, #tpu.memory_space<hbm>> -> memref<80xi32, #tpu.memory_space<hbm>>
        tpu.wait_dma2 semaphore(%arg20 : memref<!tpu.dma_semaphore, #tpu.memory_space<semaphore_mem>>) src(%dma_wait3A_879 : memref<80xi32, #tpu.memory_space<hbm>>) dst(%dma_wait3A_877 : memref<80xi32, #tpu.memory_space<vmem>>)
        %dma_wait3A_880 = arith.constant 0 : i32
        %dma_wait3A_881 = arith.constant 0 : i32
        %dma_wait3A_882 = tpu.memref_slice %arg14[%dma_wait3A_880, %dma_wait3A_881] : memref<3x80xi32, #tpu.memory_space<vmem>> -> memref<1x80xi32, #tpu.memory_space<vmem>>
        %dma_wait3A_883 = tpu.memref_squeeze %dma_wait3A_882 : memref<1x80xi32, #tpu.memory_space<vmem>> -> memref<80xi32, #tpu.memory_space<vmem>>
        %dma_wait3A_884 = arith.constant 0 : i32
        %dma_wait3A_885 = tpu.memref_slice %arg6[%dma_wait3A_884] : memref<160000xi32, #tpu.memory_space<hbm>> -> memref<80xi32, #tpu.memory_space<hbm>>
        %dma_wait3A_886 = arith.constant 0 : i32
        %dma_wait3A_887 = tpu.memref_slice %arg14[%dma_wait3A_880, %dma_wait3A_886] : memref<3x80xi32, #tpu.memory_space<vmem>> -> memref<1x80xi32, #tpu.memory_space<vmem>>
        %dma_wait3A_888 = tpu.memref_squeeze %dma_wait3A_887 : memref<1x80xi32, #tpu.memory_space<vmem>> -> memref<80xi32, #tpu.memory_space<vmem>>
        %dma_wait3A_889 = arith.constant 0 : i32
        %dma_wait3A_890 = tpu.memref_slice %arg6[%dma_wait3A_889] : memref<160000xi32, #tpu.memory_space<hbm>> -> memref<80xi32, #tpu.memory_space<hbm>>
        tpu.wait_dma2 semaphore(%arg20 : memref<!tpu.dma_semaphore, #tpu.memory_space<semaphore_mem>>) src(%dma_wait3A_890 : memref<80xi32, #tpu.memory_space<hbm>>) dst(%dma_wait3A_888 : memref<80xi32, #tpu.memory_space<vmem>>)
        %dma_wait3A_891 = arith.constant 0 : i32
        %dma_wait3A_892 = arith.constant 0 : i32
        %dma_wait3A_893 = tpu.memref_slice %arg15[%dma_wait3A_891, %dma_wait3A_892] : memref<3x80xi32, #tpu.memory_space<vmem>> -> memref<1x80xi32, #tpu.memory_space<vmem>>
        %dma_wait3A_894 = tpu.memref_squeeze %dma_wait3A_893 : memref<1x80xi32, #tpu.memory_space<vmem>> -> memref<80xi32, #tpu.memory_space<vmem>>
        %dma_wait3A_895 = arith.constant 0 : i32
        %dma_wait3A_896 = tpu.memref_slice %arg8[%dma_wait3A_895] : memref<160000xi32, #tpu.memory_space<hbm>> -> memref<80xi32, #tpu.memory_space<hbm>>
        %dma_wait3A_897 = arith.constant 0 : i32
        %dma_wait3A_898 = tpu.memref_slice %arg15[%dma_wait3A_891, %dma_wait3A_897] : memref<3x80xi32, #tpu.memory_space<vmem>> -> memref<1x80xi32, #tpu.memory_space<vmem>>
        %dma_wait3A_899 = tpu.memref_squeeze %dma_wait3A_898 : memref<1x80xi32, #tpu.memory_space<vmem>> -> memref<80xi32, #tpu.memory_space<vmem>>
        %dma_wait3A_900 = arith.constant 0 : i32
        %dma_wait3A_901 = tpu.memref_slice %arg8[%dma_wait3A_900] : memref<160000xi32, #tpu.memory_space<hbm>> -> memref<80xi32, #tpu.memory_space<hbm>>
        tpu.wait_dma2 semaphore(%arg20 : memref<!tpu.dma_semaphore, #tpu.memory_space<semaphore_mem>>) src(%dma_wait3A_901 : memref<80xi32, #tpu.memory_space<hbm>>) dst(%dma_wait3A_899 : memref<80xi32, #tpu.memory_space<vmem>>)
        %dma_start3A_902 = arith.constant 0 : i32
        %dma_start3A_903 = arith.constant 0 : i32
        %dma_start3A_904 = tpu.memref_slice %arg13[%dma_start3A_902, %dma_start3A_903] : memref<3x80xi32, #tpu.memory_space<vmem>> -> memref<1x80xi32, #tpu.memory_space<vmem>>
        %dma_start3A_905 = tpu.memref_squeeze %dma_start3A_904 : memref<1x80xi32, #tpu.memory_space<vmem>> -> memref<80xi32, #tpu.memory_space<vmem>>
        %dma_start3A_906 = arith.constant 0 : i32
        %dma_start3A_907 = arith.constant 0 : i32
        %dma_start3A_908 = tpu.memref_slice %arg2[%dma_start3A_906, %dma_start3A_907] : memref<20000x128xf32, #tpu.memory_space<hbm>> -> memref<20000x128xf32, #tpu.memory_space<hbm>>
        tpu.enqueue_indirect_dma source(%dma_start3A_908 : memref<20000x128xf32, #tpu.memory_space<hbm>>) target(%arg18 : memref<80x128xf32, #tpu.memory_space<vmem>>) offsets(%dma_start3A_905 : memref<80xi32, #tpu.memory_space<vmem>>) semaphore(%arg24 : memref<!tpu.dma_semaphore, #tpu.memory_space<semaphore_mem>>)
        %dma_start3A_909 = arith.constant 0 : i32
        %dma_start3A_910 = arith.constant 0 : i32
        %dma_start3A_911 = tpu.memref_slice %arg14[%dma_start3A_909, %dma_start3A_910] : memref<3x80xi32, #tpu.memory_space<vmem>> -> memref<1x80xi32, #tpu.memory_space<vmem>>
        %dma_start3A_912 = tpu.memref_squeeze %dma_start3A_911 : memref<1x80xi32, #tpu.memory_space<vmem>> -> memref<80xi32, #tpu.memory_space<vmem>>
        %dma_start3A_913 = arith.constant 0 : i32
        %dma_start3A_914 = arith.constant 0 : i32
        %dma_start3A_915 = tpu.memref_slice %arg3[%dma_start3A_913, %dma_start3A_914] : memref<320000x128xf32, #tpu.memory_space<hbm>> -> memref<320000x128xf32, #tpu.memory_space<hbm>>
        tpu.enqueue_indirect_dma source(%dma_start3A_915 : memref<320000x128xf32, #tpu.memory_space<hbm>>) target(%arg19 : memref<80x128xf32, #tpu.memory_space<vmem>>) offsets(%dma_start3A_912 : memref<80xi32, #tpu.memory_space<vmem>>) semaphore(%arg24 : memref<!tpu.dma_semaphore, #tpu.memory_space<semaphore_mem>>)
        %add3A_916 = arith.constant 2 : i32
        %add3A_917 = arith.addi %add3A_868, %add3A_916 : i32
        %mul3A_918 = arith.constant 10000 : i32
        %mul3A_919 = arith.muli %arg1, %mul3A_918 : i32
        %mul3A_920 = arith.constant 80 : i32
        %mul3A_921 = arith.muli %add3A_917, %mul3A_920 : i32
        %add3A_922 = arith.addi %mul3A_919, %mul3A_921 : i32
        %dma_start3A_923 = arith.constant 1 : i32
        %dma_start3A_924 = arith.constant 0 : i32
        %dma_start3A_925 = tpu.memref_slice %arg13[%dma_start3A_923, %dma_start3A_924] : memref<3x80xi32, #tpu.memory_space<vmem>> -> memref<1x80xi32, #tpu.memory_space<vmem>>
        %dma_start3A_926 = tpu.memref_squeeze %dma_start3A_925 : memref<1x80xi32, #tpu.memory_space<vmem>> -> memref<80xi32, #tpu.memory_space<vmem>>
        %dma_start3A_927 = tpu.memref_slice %arg4[%add3A_922] : memref<160000xi32, #tpu.memory_space<hbm>> -> memref<80xi32, #tpu.memory_space<hbm>>
        %dma_start3A_928 = arith.constant 0 : i32
        %dma_start3A_929 = tpu.memref_slice %arg13[%dma_start3A_923, %dma_start3A_928] : memref<3x80xi32, #tpu.memory_space<vmem>> -> memref<1x80xi32, #tpu.memory_space<vmem>>
        %dma_start3A_930 = tpu.memref_squeeze %dma_start3A_929 : memref<1x80xi32, #tpu.memory_space<vmem>> -> memref<80xi32, #tpu.memory_space<vmem>>
        %dma_start3A_931 = tpu.memref_slice %arg4[%add3A_922] : memref<160000xi32, #tpu.memory_space<hbm>> -> memref<80xi32, #tpu.memory_space<hbm>>
        tpu.enqueue_dma source(%dma_start3A_931 : memref<80xi32, #tpu.memory_space<hbm>>) target(%dma_start3A_930 : memref<80xi32, #tpu.memory_space<vmem>>) target_semaphore(%arg21 : memref<!tpu.dma_semaphore, #tpu.memory_space<semaphore_mem>>)
        %dma_start3A_932 = arith.constant 1 : i32
        %dma_start3A_933 = arith.constant 0 : i32
        %dma_start3A_934 = tpu.memref_slice %arg14[%dma_start3A_932, %dma_start3A_933] : memref<3x80xi32, #tpu.memory_space<vmem>> -> memref<1x80xi32, #tpu.memory_space<vmem>>
        %dma_start3A_935 = tpu.memref_squeeze %dma_start3A_934 : memref<1x80xi32, #tpu.memory_space<vmem>> -> memref<80xi32, #tpu.memory_space<vmem>>
        %dma_start3A_936 = tpu.memref_slice %arg6[%add3A_922] : memref<160000xi32, #tpu.memory_space<hbm>> -> memref<80xi32, #tpu.memory_space<hbm>>
        %dma_start3A_937 = arith.constant 0 : i32
        %dma_start3A_938 = tpu.memref_slice %arg14[%dma_start3A_932, %dma_start3A_937] : memref<3x80xi32, #tpu.memory_space<vmem>> -> memref<1x80xi32, #tpu.memory_space<vmem>>
        %dma_start3A_939 = tpu.memref_squeeze %dma_start3A_938 : memref<1x80xi32, #tpu.memory_space<vmem>> -> memref<80xi32, #tpu.memory_space<vmem>>
        %dma_start3A_940 = tpu.memref_slice %arg6[%add3A_922] : memref<160000xi32, #tpu.memory_space<hbm>> -> memref<80xi32, #tpu.memory_space<hbm>>
        tpu.enqueue_dma source(%dma_start3A_940 : memref<80xi32, #tpu.memory_space<hbm>>) target(%dma_start3A_939 : memref<80xi32, #tpu.memory_space<vmem>>) target_semaphore(%arg21 : memref<!tpu.dma_semaphore, #tpu.memory_space<semaphore_mem>>)
        %dma_start3A_941 = arith.constant 1 : i32
        %dma_start3A_942 = arith.constant 0 : i32
        %dma_start3A_943 = tpu.memref_slice %arg15[%dma_start3A_941, %dma_start3A_942] : memref<3x80xi32, #tpu.memory_space<vmem>> -> memref<1x80xi32, #tpu.memory_space<vmem>>
        %dma_start3A_944 = tpu.memref_squeeze %dma_start3A_943 : memref<1x80xi32, #tpu.memory_space<vmem>> -> memref<80xi32, #tpu.memory_space<vmem>>
        %dma_start3A_945 = tpu.memref_slice %arg8[%add3A_922] : memref<160000xi32, #tpu.memory_space<hbm>> -> memref<80xi32, #tpu.memory_space<hbm>>
        %dma_start3A_946 = arith.constant 0 : i32
        %dma_start3A_947 = tpu.memref_slice %arg15[%dma_start3A_941, %dma_start3A_946] : memref<3x80xi32, #tpu.memory_space<vmem>> -> memref<1x80xi32, #tpu.memory_space<vmem>>
        %dma_start3A_948 = tpu.memref_squeeze %dma_start3A_947 : memref<1x80xi32, #tpu.memory_space<vmem>> -> memref<80xi32, #tpu.memory_space<vmem>>
        %dma_start3A_949 = tpu.memref_slice %arg8[%add3A_922] : memref<160000xi32, #tpu.memory_space<hbm>> -> memref<80xi32, #tpu.memory_space<hbm>>
        tpu.enqueue_dma source(%dma_start3A_949 : memref<80xi32, #tpu.memory_space<hbm>>) target(%dma_start3A_948 : memref<80xi32, #tpu.memory_space<vmem>>) target_semaphore(%arg21 : memref<!tpu.dma_semaphore, #tpu.memory_space<semaphore_mem>>)
        %dma_wait3A_950 = arith.constant 0 : i32
        %dma_wait3A_951 = arith.constant 0 : i32
        %dma_wait3A_952 = tpu.memref_slice %arg2[%dma_wait3A_950, %dma_wait3A_951] : memref<20000x128xf32, #tpu.memory_space<hbm>> -> memref<80x128xf32, #tpu.memory_space<hbm>>
        %dma_wait3A_953 = arith.constant 0 : i32
        %dma_wait3A_954 = arith.constant 0 : i32
        %dma_wait3A_955 = tpu.memref_slice %arg2[%dma_wait3A_953, %dma_wait3A_954] : memref<20000x128xf32, #tpu.memory_space<hbm>> -> memref<80x128xf32, #tpu.memory_space<hbm>>
        tpu.wait_dma2 semaphore(%arg23 : memref<!tpu.dma_semaphore, #tpu.memory_space<semaphore_mem>>) src(%dma_wait3A_955 : memref<80x128xf32, #tpu.memory_space<hbm>>) dst(%arg16 : memref<80x128xf32, #tpu.memory_space<vmem>>)
        %dma_wait3A_956 = arith.constant 0 : i32
        %dma_wait3A_957 = arith.constant 0 : i32
        %dma_wait3A_958 = tpu.memref_slice %arg3[%dma_wait3A_956, %dma_wait3A_957] : memref<320000x128xf32, #tpu.memory_space<hbm>> -> memref<80x128xf32, #tpu.memory_space<hbm>>
        %dma_wait3A_959 = arith.constant 0 : i32
        %dma_wait3A_960 = arith.constant 0 : i32
        %dma_wait3A_961 = tpu.memref_slice %arg3[%dma_wait3A_959, %dma_wait3A_960] : memref<320000x128xf32, #tpu.memory_space<hbm>> -> memref<80x128xf32, #tpu.memory_space<hbm>>
        tpu.wait_dma2 semaphore(%arg23 : memref<!tpu.dma_semaphore, #tpu.memory_space<semaphore_mem>>) src(%dma_wait3A_961 : memref<80x128xf32, #tpu.memory_space<hbm>>) dst(%arg17 : memref<80x128xf32, #tpu.memory_space<vmem>>)
        %dma_start3A_962 = arith.constant 2 : i32
        %dma_start3A_963 = arith.constant 0 : i32
        %dma_start3A_964 = tpu.memref_slice %arg15[%dma_start3A_962, %dma_start3A_963] : memref<3x80xi32, #tpu.memory_space<vmem>> -> memref<1x80xi32, #tpu.memory_space<vmem>>
        %dma_start3A_965 = tpu.memref_squeeze %dma_start3A_964 : memref<1x80xi32, #tpu.memory_space<vmem>> -> memref<80xi32, #tpu.memory_space<vmem>>
        %dma_start3A_966 = arith.constant 0 : i32
        %dma_start3A_967 = arith.constant 0 : i32
        %dma_start3A_968 = tpu.memref_slice %arg12[%dma_start3A_966, %dma_start3A_967] : memref<10000x128xf32, #tpu.memory_space<vmem_shared>> -> memref<10000x128xf32, #tpu.memory_space<vmem_shared>>
        tpu.enqueue_indirect_dma source(%arg16 : memref<80x128xf32, #tpu.memory_space<vmem>>) target(%dma_start3A_968 : memref<10000x128xf32, #tpu.memory_space<vmem_shared>>) offsets(%dma_start3A_965 : memref<80xi32, #tpu.memory_space<vmem>>) semaphore(%arg25 : memref<!tpu.dma_semaphore, #tpu.memory_space<semaphore_mem>>) {add = true}
        %dma_start3A_969 = arith.constant 2 : i32
        %dma_start3A_970 = arith.constant 0 : i32
        %dma_start3A_971 = tpu.memref_slice %arg15[%dma_start3A_969, %dma_start3A_970] : memref<3x80xi32, #tpu.memory_space<vmem>> -> memref<1x80xi32, #tpu.memory_space<vmem>>
        %dma_start3A_972 = tpu.memref_squeeze %dma_start3A_971 : memref<1x80xi32, #tpu.memory_space<vmem>> -> memref<80xi32, #tpu.memory_space<vmem>>
        %dma_start3A_973 = arith.constant 0 : i32
        %dma_start3A_974 = arith.constant 0 : i32
        %dma_start3A_975 = tpu.memref_slice %arg12[%dma_start3A_973, %dma_start3A_974] : memref<10000x128xf32, #tpu.memory_space<vmem_shared>> -> memref<10000x128xf32, #tpu.memory_space<vmem_shared>>
        tpu.enqueue_indirect_dma source(%arg17 : memref<80x128xf32, #tpu.memory_space<vmem>>) target(%dma_start3A_975 : memref<10000x128xf32, #tpu.memory_space<vmem_shared>>) offsets(%dma_start3A_972 : memref<80xi32, #tpu.memory_space<vmem>>) semaphore(%arg25 : memref<!tpu.dma_semaphore, #tpu.memory_space<semaphore_mem>>) {add = true}
        %dma_wait3A_976 = arith.constant 2 : i32
        %dma_wait3A_977 = arith.constant 0 : i32
        %dma_wait3A_978 = tpu.memref_slice %arg15[%dma_wait3A_976, %dma_wait3A_977] : memref<3x80xi32, #tpu.memory_space<vmem>> -> memref<1x80xi32, #tpu.memory_space<vmem>>
        %dma_wait3A_979 = tpu.memref_squeeze %dma_wait3A_978 : memref<1x80xi32, #tpu.memory_space<vmem>> -> memref<80xi32, #tpu.memory_space<vmem>>
        %dma_wait3A_980 = arith.constant 0 : i32
        %dma_wait3A_981 = arith.constant 0 : i32
        %dma_wait3A_982 = tpu.memref_slice %arg12[%dma_wait3A_980, %dma_wait3A_981] : memref<10000x128xf32, #tpu.memory_space<vmem_shared>> -> memref<10000x128xf32, #tpu.memory_space<vmem_shared>>
        tpu.wait_indirect_dma semaphore(%arg25 : memref<!tpu.dma_semaphore, #tpu.memory_space<semaphore_mem>>) src(%arg16 : memref<80x128xf32, #tpu.memory_space<vmem>>) dst(%dma_wait3A_982 : memref<10000x128xf32, #tpu.memory_space<vmem_shared>>)
        %dma_wait3A_983 = arith.constant 2 : i32
        %dma_wait3A_984 = arith.constant 0 : i32
        %dma_wait3A_985 = tpu.memref_slice %arg15[%dma_wait3A_983, %dma_wait3A_984] : memref<3x80xi32, #tpu.memory_space<vmem>> -> memref<1x80xi32, #tpu.memory_space<vmem>>
        %dma_wait3A_986 = tpu.memref_squeeze %dma_wait3A_985 : memref<1x80xi32, #tpu.memory_space<vmem>> -> memref<80xi32, #tpu.memory_space<vmem>>
        %dma_wait3A_987 = arith.constant 0 : i32
        %dma_wait3A_988 = arith.constant 0 : i32
        %dma_wait3A_989 = tpu.memref_slice %arg12[%dma_wait3A_987, %dma_wait3A_988] : memref<10000x128xf32, #tpu.memory_space<vmem_shared>> -> memref<10000x128xf32, #tpu.memory_space<vmem_shared>>
        tpu.wait_indirect_dma semaphore(%arg25 : memref<!tpu.dma_semaphore, #tpu.memory_space<semaphore_mem>>) src(%arg17 : memref<80x128xf32, #tpu.memory_space<vmem>>) dst(%dma_wait3A_989 : memref<10000x128xf32, #tpu.memory_space<vmem_shared>>)
        %add3A_990 = arith.constant 3 : i32
        %add3A_991 = arith.addi %mul3A_620, %add3A_990 : i32
        %dma_wait3A_992 = arith.constant 1 : i32
        %dma_wait3A_993 = arith.constant 0 : i32
        %dma_wait3A_994 = tpu.memref_slice %arg13[%dma_wait3A_992, %dma_wait3A_993] : memref<3x80xi32, #tpu.memory_space<vmem>> -> memref<1x80xi32, #tpu.memory_space<vmem>>
        %dma_wait3A_995 = tpu.memref_squeeze %dma_wait3A_994 : memref<1x80xi32, #tpu.memory_space<vmem>> -> memref<80xi32, #tpu.memory_space<vmem>>
        %dma_wait3A_996 = arith.constant 0 : i32
        %dma_wait3A_997 = tpu.memref_slice %arg4[%dma_wait3A_996] : memref<160000xi32, #tpu.memory_space<hbm>> -> memref<80xi32, #tpu.memory_space<hbm>>
        %dma_wait3A_998 = arith.constant 0 : i32
        %dma_wait3A_999 = tpu.memref_slice %arg13[%dma_wait3A_992, %dma_wait3A_998] : memref<3x80xi32, #tpu.memory_space<vmem>> -> memref<1x80xi32, #tpu.memory_space<vmem>>
        %dma_wait3A_1000 = tpu.memref_squeeze %dma_wait3A_999 : memref<1x80xi32, #tpu.memory_space<vmem>> -> memref<80xi32, #tpu.memory_space<vmem>>
        %dma_wait3A_1001 = arith.constant 0 : i32
        %dma_wait3A_1002 = tpu.memref_slice %arg4[%dma_wait3A_1001] : memref<160000xi32, #tpu.memory_space<hbm>> -> memref<80xi32, #tpu.memory_space<hbm>>
        tpu.wait_dma2 semaphore(%arg21 : memref<!tpu.dma_semaphore, #tpu.memory_space<semaphore_mem>>) src(%dma_wait3A_1002 : memref<80xi32, #tpu.memory_space<hbm>>) dst(%dma_wait3A_1000 : memref<80xi32, #tpu.memory_space<vmem>>)
        %dma_wait3A_1003 = arith.constant 1 : i32
        %dma_wait3A_1004 = arith.constant 0 : i32
        %dma_wait3A_1005 = tpu.memref_slice %arg14[%dma_wait3A_1003, %dma_wait3A_1004] : memref<3x80xi32, #tpu.memory_space<vmem>> -> memref<1x80xi32, #tpu.memory_space<vmem>>
        %dma_wait3A_1006 = tpu.memref_squeeze %dma_wait3A_1005 : memref<1x80xi32, #tpu.memory_space<vmem>> -> memref<80xi32, #tpu.memory_space<vmem>>
        %dma_wait3A_1007 = arith.constant 0 : i32
        %dma_wait3A_1008 = tpu.memref_slice %arg6[%dma_wait3A_1007] : memref<160000xi32, #tpu.memory_space<hbm>> -> memref<80xi32, #tpu.memory_space<hbm>>
        %dma_wait3A_1009 = arith.constant 0 : i32
        %dma_wait3A_1010 = tpu.memref_slice %arg14[%dma_wait3A_1003, %dma_wait3A_1009] : memref<3x80xi32, #tpu.memory_space<vmem>> -> memref<1x80xi32, #tpu.memory_space<vmem>>
        %dma_wait3A_1011 = tpu.memref_squeeze %dma_wait3A_1010 : memref<1x80xi32, #tpu.memory_space<vmem>> -> memref<80xi32, #tpu.memory_space<vmem>>
        %dma_wait3A_1012 = arith.constant 0 : i32
        %dma_wait3A_1013 = tpu.memref_slice %arg6[%dma_wait3A_1012] : memref<160000xi32, #tpu.memory_space<hbm>> -> memref<80xi32, #tpu.memory_space<hbm>>
        tpu.wait_dma2 semaphore(%arg21 : memref<!tpu.dma_semaphore, #tpu.memory_space<semaphore_mem>>) src(%dma_wait3A_1013 : memref<80xi32, #tpu.memory_space<hbm>>) dst(%dma_wait3A_1011 : memref<80xi32, #tpu.memory_space<vmem>>)
        %dma_wait3A_1014 = arith.constant 1 : i32
        %dma_wait3A_1015 = arith.constant 0 : i32
        %dma_wait3A_1016 = tpu.memref_slice %arg15[%dma_wait3A_1014, %dma_wait3A_1015] : memref<3x80xi32, #tpu.memory_space<vmem>> -> memref<1x80xi32, #tpu.memory_space<vmem>>
        %dma_wait3A_1017 = tpu.memref_squeeze %dma_wait3A_1016 : memref<1x80xi32, #tpu.memory_space<vmem>> -> memref<80xi32, #tpu.memory_space<vmem>>
        %dma_wait3A_1018 = arith.constant 0 : i32
        %dma_wait3A_1019 = tpu.memref_slice %arg8[%dma_wait3A_1018] : memref<160000xi32, #tpu.memory_space<hbm>> -> memref<80xi32, #tpu.memory_space<hbm>>
        %dma_wait3A_1020 = arith.constant 0 : i32
        %dma_wait3A_1021 = tpu.memref_slice %arg15[%dma_wait3A_1014, %dma_wait3A_1020] : memref<3x80xi32, #tpu.memory_space<vmem>> -> memref<1x80xi32, #tpu.memory_space<vmem>>
        %dma_wait3A_1022 = tpu.memref_squeeze %dma_wait3A_1021 : memref<1x80xi32, #tpu.memory_space<vmem>> -> memref<80xi32, #tpu.memory_space<vmem>>
        %dma_wait3A_1023 = arith.constant 0 : i32
        %dma_wait3A_1024 = tpu.memref_slice %arg8[%dma_wait3A_1023] : memref<160000xi32, #tpu.memory_space<hbm>> -> memref<80xi32, #tpu.memory_space<hbm>>
        tpu.wait_dma2 semaphore(%arg21 : memref<!tpu.dma_semaphore, #tpu.memory_space<semaphore_mem>>) src(%dma_wait3A_1024 : memref<80xi32, #tpu.memory_space<hbm>>) dst(%dma_wait3A_1022 : memref<80xi32, #tpu.memory_space<vmem>>)
        %dma_start3A_1025 = arith.constant 1 : i32
        %dma_start3A_1026 = arith.constant 0 : i32
        %dma_start3A_1027 = tpu.memref_slice %arg13[%dma_start3A_1025, %dma_start3A_1026] : memref<3x80xi32, #tpu.memory_space<vmem>> -> memref<1x80xi32, #tpu.memory_space<vmem>>
        %dma_start3A_1028 = tpu.memref_squeeze %dma_start3A_1027 : memref<1x80xi32, #tpu.memory_space<vmem>> -> memref<80xi32, #tpu.memory_space<vmem>>
        %dma_start3A_1029 = arith.constant 0 : i32
        %dma_start3A_1030 = arith.constant 0 : i32
        %dma_start3A_1031 = tpu.memref_slice %arg2[%dma_start3A_1029, %dma_start3A_1030] : memref<20000x128xf32, #tpu.memory_space<hbm>> -> memref<20000x128xf32, #tpu.memory_space<hbm>>
        tpu.enqueue_indirect_dma source(%dma_start3A_1031 : memref<20000x128xf32, #tpu.memory_space<hbm>>) target(%arg16 : memref<80x128xf32, #tpu.memory_space<vmem>>) offsets(%dma_start3A_1028 : memref<80xi32, #tpu.memory_space<vmem>>) semaphore(%arg23 : memref<!tpu.dma_semaphore, #tpu.memory_space<semaphore_mem>>)
        %dma_start3A_1032 = arith.constant 1 : i32
        %dma_start3A_1033 = arith.constant 0 : i32
        %dma_start3A_1034 = tpu.memref_slice %arg14[%dma_start3A_1032, %dma_start3A_1033] : memref<3x80xi32, #tpu.memory_space<vmem>> -> memref<1x80xi32, #tpu.memory_space<vmem>>
        %dma_start3A_1035 = tpu.memref_squeeze %dma_start3A_1034 : memref<1x80xi32, #tpu.memory_space<vmem>> -> memref<80xi32, #tpu.memory_space<vmem>>
        %dma_start3A_1036 = arith.constant 0 : i32
        %dma_start3A_1037 = arith.constant 0 : i32
        %dma_start3A_1038 = tpu.memref_slice %arg3[%dma_start3A_1036, %dma_start3A_1037] : memref<320000x128xf32, #tpu.memory_space<hbm>> -> memref<320000x128xf32, #tpu.memory_space<hbm>>
        tpu.enqueue_indirect_dma source(%dma_start3A_1038 : memref<320000x128xf32, #tpu.memory_space<hbm>>) target(%arg17 : memref<80x128xf32, #tpu.memory_space<vmem>>) offsets(%dma_start3A_1035 : memref<80xi32, #tpu.memory_space<vmem>>) semaphore(%arg23 : memref<!tpu.dma_semaphore, #tpu.memory_space<semaphore_mem>>)
        %add3A_1039 = arith.constant 2 : i32
        %add3A_1040 = arith.addi %add3A_991, %add3A_1039 : i32
        %mul3A_1041 = arith.constant 10000 : i32
        %mul3A_1042 = arith.muli %arg1, %mul3A_1041 : i32
        %mul3A_1043 = arith.constant 80 : i32
        %mul3A_1044 = arith.muli %add3A_1040, %mul3A_1043 : i32
        %add3A_1045 = arith.addi %mul3A_1042, %mul3A_1044 : i32
        %dma_start3A_1046 = arith.constant 2 : i32
        %dma_start3A_1047 = arith.constant 0 : i32
        %dma_start3A_1048 = tpu.memref_slice %arg13[%dma_start3A_1046, %dma_start3A_1047] : memref<3x80xi32, #tpu.memory_space<vmem>> -> memref<1x80xi32, #tpu.memory_space<vmem>>
        %dma_start3A_1049 = tpu.memref_squeeze %dma_start3A_1048 : memref<1x80xi32, #tpu.memory_space<vmem>> -> memref<80xi32, #tpu.memory_space<vmem>>
        %dma_start3A_1050 = tpu.memref_slice %arg4[%add3A_1045] : memref<160000xi32, #tpu.memory_space<hbm>> -> memref<80xi32, #tpu.memory_space<hbm>>
        %dma_start3A_1051 = arith.constant 0 : i32
        %dma_start3A_1052 = tpu.memref_slice %arg13[%dma_start3A_1046, %dma_start3A_1051] : memref<3x80xi32, #tpu.memory_space<vmem>> -> memref<1x80xi32, #tpu.memory_space<vmem>>
        %dma_start3A_1053 = tpu.memref_squeeze %dma_start3A_1052 : memref<1x80xi32, #tpu.memory_space<vmem>> -> memref<80xi32, #tpu.memory_space<vmem>>
        %dma_start3A_1054 = tpu.memref_slice %arg4[%add3A_1045] : memref<160000xi32, #tpu.memory_space<hbm>> -> memref<80xi32, #tpu.memory_space<hbm>>
        tpu.enqueue_dma source(%dma_start3A_1054 : memref<80xi32, #tpu.memory_space<hbm>>) target(%dma_start3A_1053 : memref<80xi32, #tpu.memory_space<vmem>>) target_semaphore(%arg22 : memref<!tpu.dma_semaphore, #tpu.memory_space<semaphore_mem>>)
        %dma_start3A_1055 = arith.constant 2 : i32
        %dma_start3A_1056 = arith.constant 0 : i32
        %dma_start3A_1057 = tpu.memref_slice %arg14[%dma_start3A_1055, %dma_start3A_1056] : memref<3x80xi32, #tpu.memory_space<vmem>> -> memref<1x80xi32, #tpu.memory_space<vmem>>
        %dma_start3A_1058 = tpu.memref_squeeze %dma_start3A_1057 : memref<1x80xi32, #tpu.memory_space<vmem>> -> memref<80xi32, #tpu.memory_space<vmem>>
        %dma_start3A_1059 = tpu.memref_slice %arg6[%add3A_1045] : memref<160000xi32, #tpu.memory_space<hbm>> -> memref<80xi32, #tpu.memory_space<hbm>>
        %dma_start3A_1060 = arith.constant 0 : i32
        %dma_start3A_1061 = tpu.memref_slice %arg14[%dma_start3A_1055, %dma_start3A_1060] : memref<3x80xi32, #tpu.memory_space<vmem>> -> memref<1x80xi32, #tpu.memory_space<vmem>>
        %dma_start3A_1062 = tpu.memref_squeeze %dma_start3A_1061 : memref<1x80xi32, #tpu.memory_space<vmem>> -> memref<80xi32, #tpu.memory_space<vmem>>
        %dma_start3A_1063 = tpu.memref_slice %arg6[%add3A_1045] : memref<160000xi32, #tpu.memory_space<hbm>> -> memref<80xi32, #tpu.memory_space<hbm>>
        tpu.enqueue_dma source(%dma_start3A_1063 : memref<80xi32, #tpu.memory_space<hbm>>) target(%dma_start3A_1062 : memref<80xi32, #tpu.memory_space<vmem>>) target_semaphore(%arg22 : memref<!tpu.dma_semaphore, #tpu.memory_space<semaphore_mem>>)
        %dma_start3A_1064 = arith.constant 2 : i32
        %dma_start3A_1065 = arith.constant 0 : i32
        %dma_start3A_1066 = tpu.memref_slice %arg15[%dma_start3A_1064, %dma_start3A_1065] : memref<3x80xi32, #tpu.memory_space<vmem>> -> memref<1x80xi32, #tpu.memory_space<vmem>>
        %dma_start3A_1067 = tpu.memref_squeeze %dma_start3A_1066 : memref<1x80xi32, #tpu.memory_space<vmem>> -> memref<80xi32, #tpu.memory_space<vmem>>
        %dma_start3A_1068 = tpu.memref_slice %arg8[%add3A_1045] : memref<160000xi32, #tpu.memory_space<hbm>> -> memref<80xi32, #tpu.memory_space<hbm>>
        %dma_start3A_1069 = arith.constant 0 : i32
        %dma_start3A_1070 = tpu.memref_slice %arg15[%dma_start3A_1064, %dma_start3A_1069] : memref<3x80xi32, #tpu.memory_space<vmem>> -> memref<1x80xi32, #tpu.memory_space<vmem>>
        %dma_start3A_1071 = tpu.memref_squeeze %dma_start3A_1070 : memref<1x80xi32, #tpu.memory_space<vmem>> -> memref<80xi32, #tpu.memory_space<vmem>>
        %dma_start3A_1072 = tpu.memref_slice %arg8[%add3A_1045] : memref<160000xi32, #tpu.memory_space<hbm>> -> memref<80xi32, #tpu.memory_space<hbm>>
        tpu.enqueue_dma source(%dma_start3A_1072 : memref<80xi32, #tpu.memory_space<hbm>>) target(%dma_start3A_1071 : memref<80xi32, #tpu.memory_space<vmem>>) target_semaphore(%arg22 : memref<!tpu.dma_semaphore, #tpu.memory_space<semaphore_mem>>)
        %dma_wait3A_1073 = arith.constant 0 : i32
        %dma_wait3A_1074 = arith.constant 0 : i32
        %dma_wait3A_1075 = tpu.memref_slice %arg2[%dma_wait3A_1073, %dma_wait3A_1074] : memref<20000x128xf32, #tpu.memory_space<hbm>> -> memref<80x128xf32, #tpu.memory_space<hbm>>
        %dma_wait3A_1076 = arith.constant 0 : i32
        %dma_wait3A_1077 = arith.constant 0 : i32
        %dma_wait3A_1078 = tpu.memref_slice %arg2[%dma_wait3A_1076, %dma_wait3A_1077] : memref<20000x128xf32, #tpu.memory_space<hbm>> -> memref<80x128xf32, #tpu.memory_space<hbm>>
        tpu.wait_dma2 semaphore(%arg24 : memref<!tpu.dma_semaphore, #tpu.memory_space<semaphore_mem>>) src(%dma_wait3A_1078 : memref<80x128xf32, #tpu.memory_space<hbm>>) dst(%arg18 : memref<80x128xf32, #tpu.memory_space<vmem>>)
        %dma_wait3A_1079 = arith.constant 0 : i32
        %dma_wait3A_1080 = arith.constant 0 : i32
        %dma_wait3A_1081 = tpu.memref_slice %arg3[%dma_wait3A_1079, %dma_wait3A_1080] : memref<320000x128xf32, #tpu.memory_space<hbm>> -> memref<80x128xf32, #tpu.memory_space<hbm>>
        %dma_wait3A_1082 = arith.constant 0 : i32
        %dma_wait3A_1083 = arith.constant 0 : i32
        %dma_wait3A_1084 = tpu.memref_slice %arg3[%dma_wait3A_1082, %dma_wait3A_1083] : memref<320000x128xf32, #tpu.memory_space<hbm>> -> memref<80x128xf32, #tpu.memory_space<hbm>>
        tpu.wait_dma2 semaphore(%arg24 : memref<!tpu.dma_semaphore, #tpu.memory_space<semaphore_mem>>) src(%dma_wait3A_1084 : memref<80x128xf32, #tpu.memory_space<hbm>>) dst(%arg19 : memref<80x128xf32, #tpu.memory_space<vmem>>)
        %dma_start3A_1085 = arith.constant 0 : i32
        %dma_start3A_1086 = arith.constant 0 : i32
        %dma_start3A_1087 = tpu.memref_slice %arg15[%dma_start3A_1085, %dma_start3A_1086] : memref<3x80xi32, #tpu.memory_space<vmem>> -> memref<1x80xi32, #tpu.memory_space<vmem>>
        %dma_start3A_1088 = tpu.memref_squeeze %dma_start3A_1087 : memref<1x80xi32, #tpu.memory_space<vmem>> -> memref<80xi32, #tpu.memory_space<vmem>>
        %dma_start3A_1089 = arith.constant 0 : i32
        %dma_start3A_1090 = arith.constant 0 : i32
        %dma_start3A_1091 = tpu.memref_slice %arg12[%dma_start3A_1089, %dma_start3A_1090] : memref<10000x128xf32, #tpu.memory_space<vmem_shared>> -> memref<10000x128xf32, #tpu.memory_space<vmem_shared>>
        tpu.enqueue_indirect_dma source(%arg18 : memref<80x128xf32, #tpu.memory_space<vmem>>) target(%dma_start3A_1091 : memref<10000x128xf32, #tpu.memory_space<vmem_shared>>) offsets(%dma_start3A_1088 : memref<80xi32, #tpu.memory_space<vmem>>) semaphore(%arg25 : memref<!tpu.dma_semaphore, #tpu.memory_space<semaphore_mem>>) {add = true}
        %dma_start3A_1092 = arith.constant 0 : i32
        %dma_start3A_1093 = arith.constant 0 : i32
        %dma_start3A_1094 = tpu.memref_slice %arg15[%dma_start3A_1092, %dma_start3A_1093] : memref<3x80xi32, #tpu.memory_space<vmem>> -> memref<1x80xi32, #tpu.memory_space<vmem>>
        %dma_start3A_1095 = tpu.memref_squeeze %dma_start3A_1094 : memref<1x80xi32, #tpu.memory_space<vmem>> -> memref<80xi32, #tpu.memory_space<vmem>>
        %dma_start3A_1096 = arith.constant 0 : i32
        %dma_start3A_1097 = arith.constant 0 : i32
        %dma_start3A_1098 = tpu.memref_slice %arg12[%dma_start3A_1096, %dma_start3A_1097] : memref<10000x128xf32, #tpu.memory_space<vmem_shared>> -> memref<10000x128xf32, #tpu.memory_space<vmem_shared>>
        tpu.enqueue_indirect_dma source(%arg19 : memref<80x128xf32, #tpu.memory_space<vmem>>) target(%dma_start3A_1098 : memref<10000x128xf32, #tpu.memory_space<vmem_shared>>) offsets(%dma_start3A_1095 : memref<80xi32, #tpu.memory_space<vmem>>) semaphore(%arg25 : memref<!tpu.dma_semaphore, #tpu.memory_space<semaphore_mem>>) {add = true}
        %dma_wait3A_1099 = arith.constant 0 : i32
        %dma_wait3A_1100 = arith.constant 0 : i32
        %dma_wait3A_1101 = tpu.memref_slice %arg15[%dma_wait3A_1099, %dma_wait3A_1100] : memref<3x80xi32, #tpu.memory_space<vmem>> -> memref<1x80xi32, #tpu.memory_space<vmem>>
        %dma_wait3A_1102 = tpu.memref_squeeze %dma_wait3A_1101 : memref<1x80xi32, #tpu.memory_space<vmem>> -> memref<80xi32, #tpu.memory_space<vmem>>
        %dma_wait3A_1103 = arith.constant 0 : i32
        %dma_wait3A_1104 = arith.constant 0 : i32
        %dma_wait3A_1105 = tpu.memref_slice %arg12[%dma_wait3A_1103, %dma_wait3A_1104] : memref<10000x128xf32, #tpu.memory_space<vmem_shared>> -> memref<10000x128xf32, #tpu.memory_space<vmem_shared>>
        tpu.wait_indirect_dma semaphore(%arg25 : memref<!tpu.dma_semaphore, #tpu.memory_space<semaphore_mem>>) src(%arg18 : memref<80x128xf32, #tpu.memory_space<vmem>>) dst(%dma_wait3A_1105 : memref<10000x128xf32, #tpu.memory_space<vmem_shared>>)
        %dma_wait3A_1106 = arith.constant 0 : i32
        %dma_wait3A_1107 = arith.constant 0 : i32
        %dma_wait3A_1108 = tpu.memref_slice %arg15[%dma_wait3A_1106, %dma_wait3A_1107] : memref<3x80xi32, #tpu.memory_space<vmem>> -> memref<1x80xi32, #tpu.memory_space<vmem>>
        %dma_wait3A_1109 = tpu.memref_squeeze %dma_wait3A_1108 : memref<1x80xi32, #tpu.memory_space<vmem>> -> memref<80xi32, #tpu.memory_space<vmem>>
        %dma_wait3A_1110 = arith.constant 0 : i32
        %dma_wait3A_1111 = arith.constant 0 : i32
        %dma_wait3A_1112 = tpu.memref_slice %arg12[%dma_wait3A_1110, %dma_wait3A_1111] : memref<10000x128xf32, #tpu.memory_space<vmem_shared>> -> memref<10000x128xf32, #tpu.memory_space<vmem_shared>>
        tpu.wait_indirect_dma semaphore(%arg25 : memref<!tpu.dma_semaphore, #tpu.memory_space<semaphore_mem>>) src(%arg19 : memref<80x128xf32, #tpu.memory_space<vmem>>) dst(%dma_wait3A_1112 : memref<10000x128xf32, #tpu.memory_space<vmem_shared>>)
        %add3A_1113 = arith.constant 4 : i32
        %add3A_1114 = arith.addi %mul3A_620, %add3A_1113 : i32
        %dma_wait3A_1115 = arith.constant 2 : i32
        %dma_wait3A_1116 = arith.constant 0 : i32
        %dma_wait3A_1117 = tpu.memref_slice %arg13[%dma_wait3A_1115, %dma_wait3A_1116] : memref<3x80xi32, #tpu.memory_space<vmem>> -> memref<1x80xi32, #tpu.memory_space<vmem>>
        %dma_wait3A_1118 = tpu.memref_squeeze %dma_wait3A_1117 : memref<1x80xi32, #tpu.memory_space<vmem>> -> memref<80xi32, #tpu.memory_space<vmem>>
        %dma_wait3A_1119 = arith.constant 0 : i32
        %dma_wait3A_1120 = tpu.memref_slice %arg4[%dma_wait3A_1119] : memref<160000xi32, #tpu.memory_space<hbm>> -> memref<80xi32, #tpu.memory_space<hbm>>
        %dma_wait3A_1121 = arith.constant 0 : i32
        %dma_wait3A_1122 = tpu.memref_slice %arg13[%dma_wait3A_1115, %dma_wait3A_1121] : memref<3x80xi32, #tpu.memory_space<vmem>> -> memref<1x80xi32, #tpu.memory_space<vmem>>
        %dma_wait3A_1123 = tpu.memref_squeeze %dma_wait3A_1122 : memref<1x80xi32, #tpu.memory_space<vmem>> -> memref<80xi32, #tpu.memory_space<vmem>>
        %dma_wait3A_1124 = arith.constant 0 : i32
        %dma_wait3A_1125 = tpu.memref_slice %arg4[%dma_wait3A_1124] : memref<160000xi32, #tpu.memory_space<hbm>> -> memref<80xi32, #tpu.memory_space<hbm>>
        tpu.wait_dma2 semaphore(%arg22 : memref<!tpu.dma_semaphore, #tpu.memory_space<semaphore_mem>>) src(%dma_wait3A_1125 : memref<80xi32, #tpu.memory_space<hbm>>) dst(%dma_wait3A_1123 : memref<80xi32, #tpu.memory_space<vmem>>)
        %dma_wait3A_1126 = arith.constant 2 : i32
        %dma_wait3A_1127 = arith.constant 0 : i32
        %dma_wait3A_1128 = tpu.memref_slice %arg14[%dma_wait3A_1126, %dma_wait3A_1127] : memref<3x80xi32, #tpu.memory_space<vmem>> -> memref<1x80xi32, #tpu.memory_space<vmem>>
        %dma_wait3A_1129 = tpu.memref_squeeze %dma_wait3A_1128 : memref<1x80xi32, #tpu.memory_space<vmem>> -> memref<80xi32, #tpu.memory_space<vmem>>
        %dma_wait3A_1130 = arith.constant 0 : i32
        %dma_wait3A_1131 = tpu.memref_slice %arg6[%dma_wait3A_1130] : memref<160000xi32, #tpu.memory_space<hbm>> -> memref<80xi32, #tpu.memory_space<hbm>>
        %dma_wait3A_1132 = arith.constant 0 : i32
        %dma_wait3A_1133 = tpu.memref_slice %arg14[%dma_wait3A_1126, %dma_wait3A_1132] : memref<3x80xi32, #tpu.memory_space<vmem>> -> memref<1x80xi32, #tpu.memory_space<vmem>>
        %dma_wait3A_1134 = tpu.memref_squeeze %dma_wait3A_1133 : memref<1x80xi32, #tpu.memory_space<vmem>> -> memref<80xi32, #tpu.memory_space<vmem>>
        %dma_wait3A_1135 = arith.constant 0 : i32
        %dma_wait3A_1136 = tpu.memref_slice %arg6[%dma_wait3A_1135] : memref<160000xi32, #tpu.memory_space<hbm>> -> memref<80xi32, #tpu.memory_space<hbm>>
        tpu.wait_dma2 semaphore(%arg22 : memref<!tpu.dma_semaphore, #tpu.memory_space<semaphore_mem>>) src(%dma_wait3A_1136 : memref<80xi32, #tpu.memory_space<hbm>>) dst(%dma_wait3A_1134 : memref<80xi32, #tpu.memory_space<vmem>>)
        %dma_wait3A_1137 = arith.constant 2 : i32
        %dma_wait3A_1138 = arith.constant 0 : i32
        %dma_wait3A_1139 = tpu.memref_slice %arg15[%dma_wait3A_1137, %dma_wait3A_1138] : memref<3x80xi32, #tpu.memory_space<vmem>> -> memref<1x80xi32, #tpu.memory_space<vmem>>
        %dma_wait3A_1140 = tpu.memref_squeeze %dma_wait3A_1139 : memref<1x80xi32, #tpu.memory_space<vmem>> -> memref<80xi32, #tpu.memory_space<vmem>>
        %dma_wait3A_1141 = arith.constant 0 : i32
        %dma_wait3A_1142 = tpu.memref_slice %arg8[%dma_wait3A_1141] : memref<160000xi32, #tpu.memory_space<hbm>> -> memref<80xi32, #tpu.memory_space<hbm>>
        %dma_wait3A_1143 = arith.constant 0 : i32
        %dma_wait3A_1144 = tpu.memref_slice %arg15[%dma_wait3A_1137, %dma_wait3A_1143] : memref<3x80xi32, #tpu.memory_space<vmem>> -> memref<1x80xi32, #tpu.memory_space<vmem>>
        %dma_wait3A_1145 = tpu.memref_squeeze %dma_wait3A_1144 : memref<1x80xi32, #tpu.memory_space<vmem>> -> memref<80xi32, #tpu.memory_space<vmem>>
        %dma_wait3A_1146 = arith.constant 0 : i32
        %dma_wait3A_1147 = tpu.memref_slice %arg8[%dma_wait3A_1146] : memref<160000xi32, #tpu.memory_space<hbm>> -> memref<80xi32, #tpu.memory_space<hbm>>
        tpu.wait_dma2 semaphore(%arg22 : memref<!tpu.dma_semaphore, #tpu.memory_space<semaphore_mem>>) src(%dma_wait3A_1147 : memref<80xi32, #tpu.memory_space<hbm>>) dst(%dma_wait3A_1145 : memref<80xi32, #tpu.memory_space<vmem>>)
        %dma_start3A_1148 = arith.constant 2 : i32
        %dma_start3A_1149 = arith.constant 0 : i32
        %dma_start3A_1150 = tpu.memref_slice %arg13[%dma_start3A_1148, %dma_start3A_1149] : memref<3x80xi32, #tpu.memory_space<vmem>> -> memref<1x80xi32, #tpu.memory_space<vmem>>
        %dma_start3A_1151 = tpu.memref_squeeze %dma_start3A_1150 : memref<1x80xi32, #tpu.memory_space<vmem>> -> memref<80xi32, #tpu.memory_space<vmem>>
        %dma_start3A_1152 = arith.constant 0 : i32
        %dma_start3A_1153 = arith.constant 0 : i32
        %dma_start3A_1154 = tpu.memref_slice %arg2[%dma_start3A_1152, %dma_start3A_1153] : memref<20000x128xf32, #tpu.memory_space<hbm>> -> memref<20000x128xf32, #tpu.memory_space<hbm>>
        tpu.enqueue_indirect_dma source(%dma_start3A_1154 : memref<20000x128xf32, #tpu.memory_space<hbm>>) target(%arg18 : memref<80x128xf32, #tpu.memory_space<vmem>>) offsets(%dma_start3A_1151 : memref<80xi32, #tpu.memory_space<vmem>>) semaphore(%arg24 : memref<!tpu.dma_semaphore, #tpu.memory_space<semaphore_mem>>)
        %dma_start3A_1155 = arith.constant 2 : i32
        %dma_start3A_1156 = arith.constant 0 : i32
        %dma_start3A_1157 = tpu.memref_slice %arg14[%dma_start3A_1155, %dma_start3A_1156] : memref<3x80xi32, #tpu.memory_space<vmem>> -> memref<1x80xi32, #tpu.memory_space<vmem>>
        %dma_start3A_1158 = tpu.memref_squeeze %dma_start3A_1157 : memref<1x80xi32, #tpu.memory_space<vmem>> -> memref<80xi32, #tpu.memory_space<vmem>>
        %dma_start3A_1159 = arith.constant 0 : i32
        %dma_start3A_1160 = arith.constant 0 : i32
        %dma_start3A_1161 = tpu.memref_slice %arg3[%dma_start3A_1159, %dma_start3A_1160] : memref<320000x128xf32, #tpu.memory_space<hbm>> -> memref<320000x128xf32, #tpu.memory_space<hbm>>
        tpu.enqueue_indirect_dma source(%dma_start3A_1161 : memref<320000x128xf32, #tpu.memory_space<hbm>>) target(%arg19 : memref<80x128xf32, #tpu.memory_space<vmem>>) offsets(%dma_start3A_1158 : memref<80xi32, #tpu.memory_space<vmem>>) semaphore(%arg24 : memref<!tpu.dma_semaphore, #tpu.memory_space<semaphore_mem>>)
        %add3A_1162 = arith.constant 2 : i32
        %add3A_1163 = arith.addi %add3A_1114, %add3A_1162 : i32
        %mul3A_1164 = arith.constant 10000 : i32
        %mul3A_1165 = arith.muli %arg1, %mul3A_1164 : i32
        %mul3A_1166 = arith.constant 80 : i32
        %mul3A_1167 = arith.muli %add3A_1163, %mul3A_1166 : i32
        %add3A_1168 = arith.addi %mul3A_1165, %mul3A_1167 : i32
        %dma_start3A_1169 = arith.constant 0 : i32
        %dma_start3A_1170 = arith.constant 0 : i32
        %dma_start3A_1171 = tpu.memref_slice %arg13[%dma_start3A_1169, %dma_start3A_1170] : memref<3x80xi32, #tpu.memory_space<vmem>> -> memref<1x80xi32, #tpu.memory_space<vmem>>
        %dma_start3A_1172 = tpu.memref_squeeze %dma_start3A_1171 : memref<1x80xi32, #tpu.memory_space<vmem>> -> memref<80xi32, #tpu.memory_space<vmem>>
        %dma_start3A_1173 = tpu.memref_slice %arg4[%add3A_1168] : memref<160000xi32, #tpu.memory_space<hbm>> -> memref<80xi32, #tpu.memory_space<hbm>>
        %dma_start3A_1174 = arith.constant 0 : i32
        %dma_start3A_1175 = tpu.memref_slice %arg13[%dma_start3A_1169, %dma_start3A_1174] : memref<3x80xi32, #tpu.memory_space<vmem>> -> memref<1x80xi32, #tpu.memory_space<vmem>>
        %dma_start3A_1176 = tpu.memref_squeeze %dma_start3A_1175 : memref<1x80xi32, #tpu.memory_space<vmem>> -> memref<80xi32, #tpu.memory_space<vmem>>
        %dma_start3A_1177 = tpu.memref_slice %arg4[%add3A_1168] : memref<160000xi32, #tpu.memory_space<hbm>> -> memref<80xi32, #tpu.memory_space<hbm>>
        tpu.enqueue_dma source(%dma_start3A_1177 : memref<80xi32, #tpu.memory_space<hbm>>) target(%dma_start3A_1176 : memref<80xi32, #tpu.memory_space<vmem>>) target_semaphore(%arg20 : memref<!tpu.dma_semaphore, #tpu.memory_space<semaphore_mem>>)
        %dma_start3A_1178 = arith.constant 0 : i32
        %dma_start3A_1179 = arith.constant 0 : i32
        %dma_start3A_1180 = tpu.memref_slice %arg14[%dma_start3A_1178, %dma_start3A_1179] : memref<3x80xi32, #tpu.memory_space<vmem>> -> memref<1x80xi32, #tpu.memory_space<vmem>>
        %dma_start3A_1181 = tpu.memref_squeeze %dma_start3A_1180 : memref<1x80xi32, #tpu.memory_space<vmem>> -> memref<80xi32, #tpu.memory_space<vmem>>
        %dma_start3A_1182 = tpu.memref_slice %arg6[%add3A_1168] : memref<160000xi32, #tpu.memory_space<hbm>> -> memref<80xi32, #tpu.memory_space<hbm>>
        %dma_start3A_1183 = arith.constant 0 : i32
        %dma_start3A_1184 = tpu.memref_slice %arg14[%dma_start3A_1178, %dma_start3A_1183] : memref<3x80xi32, #tpu.memory_space<vmem>> -> memref<1x80xi32, #tpu.memory_space<vmem>>
        %dma_start3A_1185 = tpu.memref_squeeze %dma_start3A_1184 : memref<1x80xi32, #tpu.memory_space<vmem>> -> memref<80xi32, #tpu.memory_space<vmem>>
        %dma_start3A_1186 = tpu.memref_slice %arg6[%add3A_1168] : memref<160000xi32, #tpu.memory_space<hbm>> -> memref<80xi32, #tpu.memory_space<hbm>>
        tpu.enqueue_dma source(%dma_start3A_1186 : memref<80xi32, #tpu.memory_space<hbm>>) target(%dma_start3A_1185 : memref<80xi32, #tpu.memory_space<vmem>>) target_semaphore(%arg20 : memref<!tpu.dma_semaphore, #tpu.memory_space<semaphore_mem>>)
        %dma_start3A_1187 = arith.constant 0 : i32
        %dma_start3A_1188 = arith.constant 0 : i32
        %dma_start3A_1189 = tpu.memref_slice %arg15[%dma_start3A_1187, %dma_start3A_1188] : memref<3x80xi32, #tpu.memory_space<vmem>> -> memref<1x80xi32, #tpu.memory_space<vmem>>
        %dma_start3A_1190 = tpu.memref_squeeze %dma_start3A_1189 : memref<1x80xi32, #tpu.memory_space<vmem>> -> memref<80xi32, #tpu.memory_space<vmem>>
        %dma_start3A_1191 = tpu.memref_slice %arg8[%add3A_1168] : memref<160000xi32, #tpu.memory_space<hbm>> -> memref<80xi32, #tpu.memory_space<hbm>>
        %dma_start3A_1192 = arith.constant 0 : i32
        %dma_start3A_1193 = tpu.memref_slice %arg15[%dma_start3A_1187, %dma_start3A_1192] : memref<3x80xi32, #tpu.memory_space<vmem>> -> memref<1x80xi32, #tpu.memory_space<vmem>>
        %dma_start3A_1194 = tpu.memref_squeeze %dma_start3A_1193 : memref<1x80xi32, #tpu.memory_space<vmem>> -> memref<80xi32, #tpu.memory_space<vmem>>
        %dma_start3A_1195 = tpu.memref_slice %arg8[%add3A_1168] : memref<160000xi32, #tpu.memory_space<hbm>> -> memref<80xi32, #tpu.memory_space<hbm>>
        tpu.enqueue_dma source(%dma_start3A_1195 : memref<80xi32, #tpu.memory_space<hbm>>) target(%dma_start3A_1194 : memref<80xi32, #tpu.memory_space<vmem>>) target_semaphore(%arg20 : memref<!tpu.dma_semaphore, #tpu.memory_space<semaphore_mem>>)
        %dma_wait3A_1196 = arith.constant 0 : i32
        %dma_wait3A_1197 = arith.constant 0 : i32
        %dma_wait3A_1198 = tpu.memref_slice %arg2[%dma_wait3A_1196, %dma_wait3A_1197] : memref<20000x128xf32, #tpu.memory_space<hbm>> -> memref<80x128xf32, #tpu.memory_space<hbm>>
        %dma_wait3A_1199 = arith.constant 0 : i32
        %dma_wait3A_1200 = arith.constant 0 : i32
        %dma_wait3A_1201 = tpu.memref_slice %arg2[%dma_wait3A_1199, %dma_wait3A_1200] : memref<20000x128xf32, #tpu.memory_space<hbm>> -> memref<80x128xf32, #tpu.memory_space<hbm>>
        tpu.wait_dma2 semaphore(%arg23 : memref<!tpu.dma_semaphore, #tpu.memory_space<semaphore_mem>>) src(%dma_wait3A_1201 : memref<80x128xf32, #tpu.memory_space<hbm>>) dst(%arg16 : memref<80x128xf32, #tpu.memory_space<vmem>>)
        %dma_wait3A_1202 = arith.constant 0 : i32
        %dma_wait3A_1203 = arith.constant 0 : i32
        %dma_wait3A_1204 = tpu.memref_slice %arg3[%dma_wait3A_1202, %dma_wait3A_1203] : memref<320000x128xf32, #tpu.memory_space<hbm>> -> memref<80x128xf32, #tpu.memory_space<hbm>>
        %dma_wait3A_1205 = arith.constant 0 : i32
        %dma_wait3A_1206 = arith.constant 0 : i32
        %dma_wait3A_1207 = tpu.memref_slice %arg3[%dma_wait3A_1205, %dma_wait3A_1206] : memref<320000x128xf32, #tpu.memory_space<hbm>> -> memref<80x128xf32, #tpu.memory_space<hbm>>
        tpu.wait_dma2 semaphore(%arg23 : memref<!tpu.dma_semaphore, #tpu.memory_space<semaphore_mem>>) src(%dma_wait3A_1207 : memref<80x128xf32, #tpu.memory_space<hbm>>) dst(%arg17 : memref<80x128xf32, #tpu.memory_space<vmem>>)
        %dma_start3A_1208 = arith.constant 1 : i32
        %dma_start3A_1209 = arith.constant 0 : i32
        %dma_start3A_1210 = tpu.memref_slice %arg15[%dma_start3A_1208, %dma_start3A_1209] : memref<3x80xi32, #tpu.memory_space<vmem>> -> memref<1x80xi32, #tpu.memory_space<vmem>>
        %dma_start3A_1211 = tpu.memref_squeeze %dma_start3A_1210 : memref<1x80xi32, #tpu.memory_space<vmem>> -> memref<80xi32, #tpu.memory_space<vmem>>
        %dma_start3A_1212 = arith.constant 0 : i32
        %dma_start3A_1213 = arith.constant 0 : i32
        %dma_start3A_1214 = tpu.memref_slice %arg12[%dma_start3A_1212, %dma_start3A_1213] : memref<10000x128xf32, #tpu.memory_space<vmem_shared>> -> memref<10000x128xf32, #tpu.memory_space<vmem_shared>>
        tpu.enqueue_indirect_dma source(%arg16 : memref<80x128xf32, #tpu.memory_space<vmem>>) target(%dma_start3A_1214 : memref<10000x128xf32, #tpu.memory_space<vmem_shared>>) offsets(%dma_start3A_1211 : memref<80xi32, #tpu.memory_space<vmem>>) semaphore(%arg25 : memref<!tpu.dma_semaphore, #tpu.memory_space<semaphore_mem>>) {add = true}
        %dma_start3A_1215 = arith.constant 1 : i32
        %dma_start3A_1216 = arith.constant 0 : i32
        %dma_start3A_1217 = tpu.memref_slice %arg15[%dma_start3A_1215, %dma_start3A_1216] : memref<3x80xi32, #tpu.memory_space<vmem>> -> memref<1x80xi32, #tpu.memory_space<vmem>>
        %dma_start3A_1218 = tpu.memref_squeeze %dma_start3A_1217 : memref<1x80xi32, #tpu.memory_space<vmem>> -> memref<80xi32, #tpu.memory_space<vmem>>
        %dma_start3A_1219 = arith.constant 0 : i32
        %dma_start3A_1220 = arith.constant 0 : i32
        %dma_start3A_1221 = tpu.memref_slice %arg12[%dma_start3A_1219, %dma_start3A_1220] : memref<10000x128xf32, #tpu.memory_space<vmem_shared>> -> memref<10000x128xf32, #tpu.memory_space<vmem_shared>>
        tpu.enqueue_indirect_dma source(%arg17 : memref<80x128xf32, #tpu.memory_space<vmem>>) target(%dma_start3A_1221 : memref<10000x128xf32, #tpu.memory_space<vmem_shared>>) offsets(%dma_start3A_1218 : memref<80xi32, #tpu.memory_space<vmem>>) semaphore(%arg25 : memref<!tpu.dma_semaphore, #tpu.memory_space<semaphore_mem>>) {add = true}
        %dma_wait3A_1222 = arith.constant 1 : i32
        %dma_wait3A_1223 = arith.constant 0 : i32
        %dma_wait3A_1224 = tpu.memref_slice %arg15[%dma_wait3A_1222, %dma_wait3A_1223] : memref<3x80xi32, #tpu.memory_space<vmem>> -> memref<1x80xi32, #tpu.memory_space<vmem>>
        %dma_wait3A_1225 = tpu.memref_squeeze %dma_wait3A_1224 : memref<1x80xi32, #tpu.memory_space<vmem>> -> memref<80xi32, #tpu.memory_space<vmem>>
        %dma_wait3A_1226 = arith.constant 0 : i32
        %dma_wait3A_1227 = arith.constant 0 : i32
        %dma_wait3A_1228 = tpu.memref_slice %arg12[%dma_wait3A_1226, %dma_wait3A_1227] : memref<10000x128xf32, #tpu.memory_space<vmem_shared>> -> memref<10000x128xf32, #tpu.memory_space<vmem_shared>>
        tpu.wait_indirect_dma semaphore(%arg25 : memref<!tpu.dma_semaphore, #tpu.memory_space<semaphore_mem>>) src(%arg16 : memref<80x128xf32, #tpu.memory_space<vmem>>) dst(%dma_wait3A_1228 : memref<10000x128xf32, #tpu.memory_space<vmem_shared>>)
        %dma_wait3A_1229 = arith.constant 1 : i32
        %dma_wait3A_1230 = arith.constant 0 : i32
        %dma_wait3A_1231 = tpu.memref_slice %arg15[%dma_wait3A_1229, %dma_wait3A_1230] : memref<3x80xi32, #tpu.memory_space<vmem>> -> memref<1x80xi32, #tpu.memory_space<vmem>>
        %dma_wait3A_1232 = tpu.memref_squeeze %dma_wait3A_1231 : memref<1x80xi32, #tpu.memory_space<vmem>> -> memref<80xi32, #tpu.memory_space<vmem>>
        %dma_wait3A_1233 = arith.constant 0 : i32
        %dma_wait3A_1234 = arith.constant 0 : i32
        %dma_wait3A_1235 = tpu.memref_slice %arg12[%dma_wait3A_1233, %dma_wait3A_1234] : memref<10000x128xf32, #tpu.memory_space<vmem_shared>> -> memref<10000x128xf32, #tpu.memory_space<vmem_shared>>
        tpu.wait_indirect_dma semaphore(%arg25 : memref<!tpu.dma_semaphore, #tpu.memory_space<semaphore_mem>>) src(%arg17 : memref<80x128xf32, #tpu.memory_space<vmem>>) dst(%dma_wait3A_1235 : memref<10000x128xf32, #tpu.memory_space<vmem_shared>>)
        %add3A_1236 = arith.constant 5 : i32
        %add3A_1237 = arith.addi %mul3A_620, %add3A_1236 : i32
        %dma_wait3A_1238 = arith.constant 0 : i32
        %dma_wait3A_1239 = arith.constant 0 : i32
        %dma_wait3A_1240 = tpu.memref_slice %arg13[%dma_wait3A_1238, %dma_wait3A_1239] : memref<3x80xi32, #tpu.memory_space<vmem>> -> memref<1x80xi32, #tpu.memory_space<vmem>>
        %dma_wait3A_1241 = tpu.memref_squeeze %dma_wait3A_1240 : memref<1x80xi32, #tpu.memory_space<vmem>> -> memref<80xi32, #tpu.memory_space<vmem>>
        %dma_wait3A_1242 = arith.constant 0 : i32
        %dma_wait3A_1243 = tpu.memref_slice %arg4[%dma_wait3A_1242] : memref<160000xi32, #tpu.memory_space<hbm>> -> memref<80xi32, #tpu.memory_space<hbm>>
        %dma_wait3A_1244 = arith.constant 0 : i32
        %dma_wait3A_1245 = tpu.memref_slice %arg13[%dma_wait3A_1238, %dma_wait3A_1244] : memref<3x80xi32, #tpu.memory_space<vmem>> -> memref<1x80xi32, #tpu.memory_space<vmem>>
        %dma_wait3A_1246 = tpu.memref_squeeze %dma_wait3A_1245 : memref<1x80xi32, #tpu.memory_space<vmem>> -> memref<80xi32, #tpu.memory_space<vmem>>
        %dma_wait3A_1247 = arith.constant 0 : i32
        %dma_wait3A_1248 = tpu.memref_slice %arg4[%dma_wait3A_1247] : memref<160000xi32, #tpu.memory_space<hbm>> -> memref<80xi32, #tpu.memory_space<hbm>>
        tpu.wait_dma2 semaphore(%arg20 : memref<!tpu.dma_semaphore, #tpu.memory_space<semaphore_mem>>) src(%dma_wait3A_1248 : memref<80xi32, #tpu.memory_space<hbm>>) dst(%dma_wait3A_1246 : memref<80xi32, #tpu.memory_space<vmem>>)
        %dma_wait3A_1249 = arith.constant 0 : i32
        %dma_wait3A_1250 = arith.constant 0 : i32
        %dma_wait3A_1251 = tpu.memref_slice %arg14[%dma_wait3A_1249, %dma_wait3A_1250] : memref<3x80xi32, #tpu.memory_space<vmem>> -> memref<1x80xi32, #tpu.memory_space<vmem>>
        %dma_wait3A_1252 = tpu.memref_squeeze %dma_wait3A_1251 : memref<1x80xi32, #tpu.memory_space<vmem>> -> memref<80xi32, #tpu.memory_space<vmem>>
        %dma_wait3A_1253 = arith.constant 0 : i32
        %dma_wait3A_1254 = tpu.memref_slice %arg6[%dma_wait3A_1253] : memref<160000xi32, #tpu.memory_space<hbm>> -> memref<80xi32, #tpu.memory_space<hbm>>
        %dma_wait3A_1255 = arith.constant 0 : i32
        %dma_wait3A_1256 = tpu.memref_slice %arg14[%dma_wait3A_1249, %dma_wait3A_1255] : memref<3x80xi32, #tpu.memory_space<vmem>> -> memref<1x80xi32, #tpu.memory_space<vmem>>
        %dma_wait3A_1257 = tpu.memref_squeeze %dma_wait3A_1256 : memref<1x80xi32, #tpu.memory_space<vmem>> -> memref<80xi32, #tpu.memory_space<vmem>>
        %dma_wait3A_1258 = arith.constant 0 : i32
        %dma_wait3A_1259 = tpu.memref_slice %arg6[%dma_wait3A_1258] : memref<160000xi32, #tpu.memory_space<hbm>> -> memref<80xi32, #tpu.memory_space<hbm>>
        tpu.wait_dma2 semaphore(%arg20 : memref<!tpu.dma_semaphore, #tpu.memory_space<semaphore_mem>>) src(%dma_wait3A_1259 : memref<80xi32, #tpu.memory_space<hbm>>) dst(%dma_wait3A_1257 : memref<80xi32, #tpu.memory_space<vmem>>)
        %dma_wait3A_1260 = arith.constant 0 : i32
        %dma_wait3A_1261 = arith.constant 0 : i32
        %dma_wait3A_1262 = tpu.memref_slice %arg15[%dma_wait3A_1260, %dma_wait3A_1261] : memref<3x80xi32, #tpu.memory_space<vmem>> -> memref<1x80xi32, #tpu.memory_space<vmem>>
        %dma_wait3A_1263 = tpu.memref_squeeze %dma_wait3A_1262 : memref<1x80xi32, #tpu.memory_space<vmem>> -> memref<80xi32, #tpu.memory_space<vmem>>
        %dma_wait3A_1264 = arith.constant 0 : i32
        %dma_wait3A_1265 = tpu.memref_slice %arg8[%dma_wait3A_1264] : memref<160000xi32, #tpu.memory_space<hbm>> -> memref<80xi32, #tpu.memory_space<hbm>>
        %dma_wait3A_1266 = arith.constant 0 : i32
        %dma_wait3A_1267 = tpu.memref_slice %arg15[%dma_wait3A_1260, %dma_wait3A_1266] : memref<3x80xi32, #tpu.memory_space<vmem>> -> memref<1x80xi32, #tpu.memory_space<vmem>>
        %dma_wait3A_1268 = tpu.memref_squeeze %dma_wait3A_1267 : memref<1x80xi32, #tpu.memory_space<vmem>> -> memref<80xi32, #tpu.memory_space<vmem>>
        %dma_wait3A_1269 = arith.constant 0 : i32
        %dma_wait3A_1270 = tpu.memref_slice %arg8[%dma_wait3A_1269] : memref<160000xi32, #tpu.memory_space<hbm>> -> memref<80xi32, #tpu.memory_space<hbm>>
        tpu.wait_dma2 semaphore(%arg20 : memref<!tpu.dma_semaphore, #tpu.memory_space<semaphore_mem>>) src(%dma_wait3A_1270 : memref<80xi32, #tpu.memory_space<hbm>>) dst(%dma_wait3A_1268 : memref<80xi32, #tpu.memory_space<vmem>>)
        %dma_start3A_1271 = arith.constant 0 : i32
        %dma_start3A_1272 = arith.constant 0 : i32
        %dma_start3A_1273 = tpu.memref_slice %arg13[%dma_start3A_1271, %dma_start3A_1272] : memref<3x80xi32, #tpu.memory_space<vmem>> -> memref<1x80xi32, #tpu.memory_space<vmem>>
        %dma_start3A_1274 = tpu.memref_squeeze %dma_start3A_1273 : memref<1x80xi32, #tpu.memory_space<vmem>> -> memref<80xi32, #tpu.memory_space<vmem>>
        %dma_start3A_1275 = arith.constant 0 : i32
        %dma_start3A_1276 = arith.constant 0 : i32
        %dma_start3A_1277 = tpu.memref_slice %arg2[%dma_start3A_1275, %dma_start3A_1276] : memref<20000x128xf32, #tpu.memory_space<hbm>> -> memref<20000x128xf32, #tpu.memory_space<hbm>>
        tpu.enqueue_indirect_dma source(%dma_start3A_1277 : memref<20000x128xf32, #tpu.memory_space<hbm>>) target(%arg16 : memref<80x128xf32, #tpu.memory_space<vmem>>) offsets(%dma_start3A_1274 : memref<80xi32, #tpu.memory_space<vmem>>) semaphore(%arg23 : memref<!tpu.dma_semaphore, #tpu.memory_space<semaphore_mem>>)
        %dma_start3A_1278 = arith.constant 0 : i32
        %dma_start3A_1279 = arith.constant 0 : i32
        %dma_start3A_1280 = tpu.memref_slice %arg14[%dma_start3A_1278, %dma_start3A_1279] : memref<3x80xi32, #tpu.memory_space<vmem>> -> memref<1x80xi32, #tpu.memory_space<vmem>>
        %dma_start3A_1281 = tpu.memref_squeeze %dma_start3A_1280 : memref<1x80xi32, #tpu.memory_space<vmem>> -> memref<80xi32, #tpu.memory_space<vmem>>
        %dma_start3A_1282 = arith.constant 0 : i32
        %dma_start3A_1283 = arith.constant 0 : i32
        %dma_start3A_1284 = tpu.memref_slice %arg3[%dma_start3A_1282, %dma_start3A_1283] : memref<320000x128xf32, #tpu.memory_space<hbm>> -> memref<320000x128xf32, #tpu.memory_space<hbm>>
        tpu.enqueue_indirect_dma source(%dma_start3A_1284 : memref<320000x128xf32, #tpu.memory_space<hbm>>) target(%arg17 : memref<80x128xf32, #tpu.memory_space<vmem>>) offsets(%dma_start3A_1281 : memref<80xi32, #tpu.memory_space<vmem>>) semaphore(%arg23 : memref<!tpu.dma_semaphore, #tpu.memory_space<semaphore_mem>>)
        %add3A_1285 = arith.constant 2 : i32
        %add3A_1286 = arith.addi %add3A_1237, %add3A_1285 : i32
        %mul3A_1287 = arith.constant 10000 : i32
        %mul3A_1288 = arith.muli %arg1, %mul3A_1287 : i32
        %mul3A_1289 = arith.constant 80 : i32
        %mul3A_1290 = arith.muli %add3A_1286, %mul3A_1289 : i32
        %add3A_1291 = arith.addi %mul3A_1288, %mul3A_1290 : i32
        %dma_start3A_1292 = arith.constant 1 : i32
        %dma_start3A_1293 = arith.constant 0 : i32
        %dma_start3A_1294 = tpu.memref_slice %arg13[%dma_start3A_1292, %dma_start3A_1293] : memref<3x80xi32, #tpu.memory_space<vmem>> -> memref<1x80xi32, #tpu.memory_space<vmem>>
        %dma_start3A_1295 = tpu.memref_squeeze %dma_start3A_1294 : memref<1x80xi32, #tpu.memory_space<vmem>> -> memref<80xi32, #tpu.memory_space<vmem>>
        %dma_start3A_1296 = tpu.memref_slice %arg4[%add3A_1291] : memref<160000xi32, #tpu.memory_space<hbm>> -> memref<80xi32, #tpu.memory_space<hbm>>
        %dma_start3A_1297 = arith.constant 0 : i32
        %dma_start3A_1298 = tpu.memref_slice %arg13[%dma_start3A_1292, %dma_start3A_1297] : memref<3x80xi32, #tpu.memory_space<vmem>> -> memref<1x80xi32, #tpu.memory_space<vmem>>
        %dma_start3A_1299 = tpu.memref_squeeze %dma_start3A_1298 : memref<1x80xi32, #tpu.memory_space<vmem>> -> memref<80xi32, #tpu.memory_space<vmem>>
        %dma_start3A_1300 = tpu.memref_slice %arg4[%add3A_1291] : memref<160000xi32, #tpu.memory_space<hbm>> -> memref<80xi32, #tpu.memory_space<hbm>>
        tpu.enqueue_dma source(%dma_start3A_1300 : memref<80xi32, #tpu.memory_space<hbm>>) target(%dma_start3A_1299 : memref<80xi32, #tpu.memory_space<vmem>>) target_semaphore(%arg21 : memref<!tpu.dma_semaphore, #tpu.memory_space<semaphore_mem>>)
        %dma_start3A_1301 = arith.constant 1 : i32
        %dma_start3A_1302 = arith.constant 0 : i32
        %dma_start3A_1303 = tpu.memref_slice %arg14[%dma_start3A_1301, %dma_start3A_1302] : memref<3x80xi32, #tpu.memory_space<vmem>> -> memref<1x80xi32, #tpu.memory_space<vmem>>
        %dma_start3A_1304 = tpu.memref_squeeze %dma_start3A_1303 : memref<1x80xi32, #tpu.memory_space<vmem>> -> memref<80xi32, #tpu.memory_space<vmem>>
        %dma_start3A_1305 = tpu.memref_slice %arg6[%add3A_1291] : memref<160000xi32, #tpu.memory_space<hbm>> -> memref<80xi32, #tpu.memory_space<hbm>>
        %dma_start3A_1306 = arith.constant 0 : i32
        %dma_start3A_1307 = tpu.memref_slice %arg14[%dma_start3A_1301, %dma_start3A_1306] : memref<3x80xi32, #tpu.memory_space<vmem>> -> memref<1x80xi32, #tpu.memory_space<vmem>>
        %dma_start3A_1308 = tpu.memref_squeeze %dma_start3A_1307 : memref<1x80xi32, #tpu.memory_space<vmem>> -> memref<80xi32, #tpu.memory_space<vmem>>
        %dma_start3A_1309 = tpu.memref_slice %arg6[%add3A_1291] : memref<160000xi32, #tpu.memory_space<hbm>> -> memref<80xi32, #tpu.memory_space<hbm>>
        tpu.enqueue_dma source(%dma_start3A_1309 : memref<80xi32, #tpu.memory_space<hbm>>) target(%dma_start3A_1308 : memref<80xi32, #tpu.memory_space<vmem>>) target_semaphore(%arg21 : memref<!tpu.dma_semaphore, #tpu.memory_space<semaphore_mem>>)
        %dma_start3A_1310 = arith.constant 1 : i32
        %dma_start3A_1311 = arith.constant 0 : i32
        %dma_start3A_1312 = tpu.memref_slice %arg15[%dma_start3A_1310, %dma_start3A_1311] : memref<3x80xi32, #tpu.memory_space<vmem>> -> memref<1x80xi32, #tpu.memory_space<vmem>>
        %dma_start3A_1313 = tpu.memref_squeeze %dma_start3A_1312 : memref<1x80xi32, #tpu.memory_space<vmem>> -> memref<80xi32, #tpu.memory_space<vmem>>
        %dma_start3A_1314 = tpu.memref_slice %arg8[%add3A_1291] : memref<160000xi32, #tpu.memory_space<hbm>> -> memref<80xi32, #tpu.memory_space<hbm>>
        %dma_start3A_1315 = arith.constant 0 : i32
        %dma_start3A_1316 = tpu.memref_slice %arg15[%dma_start3A_1310, %dma_start3A_1315] : memref<3x80xi32, #tpu.memory_space<vmem>> -> memref<1x80xi32, #tpu.memory_space<vmem>>
        %dma_start3A_1317 = tpu.memref_squeeze %dma_start3A_1316 : memref<1x80xi32, #tpu.memory_space<vmem>> -> memref<80xi32, #tpu.memory_space<vmem>>
        %dma_start3A_1318 = tpu.memref_slice %arg8[%add3A_1291] : memref<160000xi32, #tpu.memory_space<hbm>> -> memref<80xi32, #tpu.memory_space<hbm>>
        tpu.enqueue_dma source(%dma_start3A_1318 : memref<80xi32, #tpu.memory_space<hbm>>) target(%dma_start3A_1317 : memref<80xi32, #tpu.memory_space<vmem>>) target_semaphore(%arg21 : memref<!tpu.dma_semaphore, #tpu.memory_space<semaphore_mem>>)
        %dma_wait3A_1319 = arith.constant 0 : i32
        %dma_wait3A_1320 = arith.constant 0 : i32
        %dma_wait3A_1321 = tpu.memref_slice %arg2[%dma_wait3A_1319, %dma_wait3A_1320] : memref<20000x128xf32, #tpu.memory_space<hbm>> -> memref<80x128xf32, #tpu.memory_space<hbm>>
        %dma_wait3A_1322 = arith.constant 0 : i32
        %dma_wait3A_1323 = arith.constant 0 : i32
        %dma_wait3A_1324 = tpu.memref_slice %arg2[%dma_wait3A_1322, %dma_wait3A_1323] : memref<20000x128xf32, #tpu.memory_space<hbm>> -> memref<80x128xf32, #tpu.memory_space<hbm>>
        tpu.wait_dma2 semaphore(%arg24 : memref<!tpu.dma_semaphore, #tpu.memory_space<semaphore_mem>>) src(%dma_wait3A_1324 : memref<80x128xf32, #tpu.memory_space<hbm>>) dst(%arg18 : memref<80x128xf32, #tpu.memory_space<vmem>>)
        %dma_wait3A_1325 = arith.constant 0 : i32
        %dma_wait3A_1326 = arith.constant 0 : i32
        %dma_wait3A_1327 = tpu.memref_slice %arg3[%dma_wait3A_1325, %dma_wait3A_1326] : memref<320000x128xf32, #tpu.memory_space<hbm>> -> memref<80x128xf32, #tpu.memory_space<hbm>>
        %dma_wait3A_1328 = arith.constant 0 : i32
        %dma_wait3A_1329 = arith.constant 0 : i32
        %dma_wait3A_1330 = tpu.memref_slice %arg3[%dma_wait3A_1328, %dma_wait3A_1329] : memref<320000x128xf32, #tpu.memory_space<hbm>> -> memref<80x128xf32, #tpu.memory_space<hbm>>
        tpu.wait_dma2 semaphore(%arg24 : memref<!tpu.dma_semaphore, #tpu.memory_space<semaphore_mem>>) src(%dma_wait3A_1330 : memref<80x128xf32, #tpu.memory_space<hbm>>) dst(%arg19 : memref<80x128xf32, #tpu.memory_space<vmem>>)
        %dma_start3A_1331 = arith.constant 2 : i32
        %dma_start3A_1332 = arith.constant 0 : i32
        %dma_start3A_1333 = tpu.memref_slice %arg15[%dma_start3A_1331, %dma_start3A_1332] : memref<3x80xi32, #tpu.memory_space<vmem>> -> memref<1x80xi32, #tpu.memory_space<vmem>>
        %dma_start3A_1334 = tpu.memref_squeeze %dma_start3A_1333 : memref<1x80xi32, #tpu.memory_space<vmem>> -> memref<80xi32, #tpu.memory_space<vmem>>
        %dma_start3A_1335 = arith.constant 0 : i32
        %dma_start3A_1336 = arith.constant 0 : i32
        %dma_start3A_1337 = tpu.memref_slice %arg12[%dma_start3A_1335, %dma_start3A_1336] : memref<10000x128xf32, #tpu.memory_space<vmem_shared>> -> memref<10000x128xf32, #tpu.memory_space<vmem_shared>>
        tpu.enqueue_indirect_dma source(%arg18 : memref<80x128xf32, #tpu.memory_space<vmem>>) target(%dma_start3A_1337 : memref<10000x128xf32, #tpu.memory_space<vmem_shared>>) offsets(%dma_start3A_1334 : memref<80xi32, #tpu.memory_space<vmem>>) semaphore(%arg25 : memref<!tpu.dma_semaphore, #tpu.memory_space<semaphore_mem>>) {add = true}
        %dma_start3A_1338 = arith.constant 2 : i32
        %dma_start3A_1339 = arith.constant 0 : i32
        %dma_start3A_1340 = tpu.memref_slice %arg15[%dma_start3A_1338, %dma_start3A_1339] : memref<3x80xi32, #tpu.memory_space<vmem>> -> memref<1x80xi32, #tpu.memory_space<vmem>>
        %dma_start3A_1341 = tpu.memref_squeeze %dma_start3A_1340 : memref<1x80xi32, #tpu.memory_space<vmem>> -> memref<80xi32, #tpu.memory_space<vmem>>
        %dma_start3A_1342 = arith.constant 0 : i32
        %dma_start3A_1343 = arith.constant 0 : i32
        %dma_start3A_1344 = tpu.memref_slice %arg12[%dma_start3A_1342, %dma_start3A_1343] : memref<10000x128xf32, #tpu.memory_space<vmem_shared>> -> memref<10000x128xf32, #tpu.memory_space<vmem_shared>>
        tpu.enqueue_indirect_dma source(%arg19 : memref<80x128xf32, #tpu.memory_space<vmem>>) target(%dma_start3A_1344 : memref<10000x128xf32, #tpu.memory_space<vmem_shared>>) offsets(%dma_start3A_1341 : memref<80xi32, #tpu.memory_space<vmem>>) semaphore(%arg25 : memref<!tpu.dma_semaphore, #tpu.memory_space<semaphore_mem>>) {add = true}
        %dma_wait3A_1345 = arith.constant 2 : i32
        %dma_wait3A_1346 = arith.constant 0 : i32
        %dma_wait3A_1347 = tpu.memref_slice %arg15[%dma_wait3A_1345, %dma_wait3A_1346] : memref<3x80xi32, #tpu.memory_space<vmem>> -> memref<1x80xi32, #tpu.memory_space<vmem>>
        %dma_wait3A_1348 = tpu.memref_squeeze %dma_wait3A_1347 : memref<1x80xi32, #tpu.memory_space<vmem>> -> memref<80xi32, #tpu.memory_space<vmem>>
        %dma_wait3A_1349 = arith.constant 0 : i32
        %dma_wait3A_1350 = arith.constant 0 : i32
        %dma_wait3A_1351 = tpu.memref_slice %arg12[%dma_wait3A_1349, %dma_wait3A_1350] : memref<10000x128xf32, #tpu.memory_space<vmem_shared>> -> memref<10000x128xf32, #tpu.memory_space<vmem_shared>>
        tpu.wait_indirect_dma semaphore(%arg25 : memref<!tpu.dma_semaphore, #tpu.memory_space<semaphore_mem>>) src(%arg18 : memref<80x128xf32, #tpu.memory_space<vmem>>) dst(%dma_wait3A_1351 : memref<10000x128xf32, #tpu.memory_space<vmem_shared>>)
        %dma_wait3A_1352 = arith.constant 2 : i32
        %dma_wait3A_1353 = arith.constant 0 : i32
        %dma_wait3A_1354 = tpu.memref_slice %arg15[%dma_wait3A_1352, %dma_wait3A_1353] : memref<3x80xi32, #tpu.memory_space<vmem>> -> memref<1x80xi32, #tpu.memory_space<vmem>>
        %dma_wait3A_1355 = tpu.memref_squeeze %dma_wait3A_1354 : memref<1x80xi32, #tpu.memory_space<vmem>> -> memref<80xi32, #tpu.memory_space<vmem>>
        %dma_wait3A_1356 = arith.constant 0 : i32
        %dma_wait3A_1357 = arith.constant 0 : i32
        %dma_wait3A_1358 = tpu.memref_slice %arg12[%dma_wait3A_1356, %dma_wait3A_1357] : memref<10000x128xf32, #tpu.memory_space<vmem_shared>> -> memref<10000x128xf32, #tpu.memory_space<vmem_shared>>
        tpu.wait_indirect_dma semaphore(%arg25 : memref<!tpu.dma_semaphore, #tpu.memory_space<semaphore_mem>>) src(%arg19 : memref<80x128xf32, #tpu.memory_space<vmem>>) dst(%dma_wait3A_1358 : memref<10000x128xf32, #tpu.memory_space<vmem_shared>>)
      }
      %scan3A_125 = arith.constant 20 : i32
      %dma_wait3A_126 = arith.constant 1 : i32
      %dma_wait3A_127 = arith.constant 0 : i32
      %dma_wait3A_128 = tpu.memref_slice %arg13[%dma_wait3A_126, %dma_wait3A_127] : memref<3x80xi32, #tpu.memory_space<vmem>> -> memref<1x80xi32, #tpu.memory_space<vmem>>
      %dma_wait3A_129 = tpu.memref_squeeze %dma_wait3A_128 : memref<1x80xi32, #tpu.memory_space<vmem>> -> memref<80xi32, #tpu.memory_space<vmem>>
      %dma_wait3A_130 = arith.constant 0 : i32
      %dma_wait3A_131 = tpu.memref_slice %arg4[%dma_wait3A_130] : memref<160000xi32, #tpu.memory_space<hbm>> -> memref<80xi32, #tpu.memory_space<hbm>>
      %dma_wait3A_132 = arith.constant 0 : i32
      %dma_wait3A_133 = tpu.memref_slice %arg13[%dma_wait3A_126, %dma_wait3A_132] : memref<3x80xi32, #tpu.memory_space<vmem>> -> memref<1x80xi32, #tpu.memory_space<vmem>>
      %dma_wait3A_134 = tpu.memref_squeeze %dma_wait3A_133 : memref<1x80xi32, #tpu.memory_space<vmem>> -> memref<80xi32, #tpu.memory_space<vmem>>
      %dma_wait3A_135 = arith.constant 0 : i32
      %dma_wait3A_136 = tpu.memref_slice %arg4[%dma_wait3A_135] : memref<160000xi32, #tpu.memory_space<hbm>> -> memref<80xi32, #tpu.memory_space<hbm>>
      tpu.wait_dma2 semaphore(%arg21 : memref<!tpu.dma_semaphore, #tpu.memory_space<semaphore_mem>>) src(%dma_wait3A_136 : memref<80xi32, #tpu.memory_space<hbm>>) dst(%dma_wait3A_134 : memref<80xi32, #tpu.memory_space<vmem>>)
      %dma_wait3A_137 = arith.constant 1 : i32
      %dma_wait3A_138 = arith.constant 0 : i32
      %dma_wait3A_139 = tpu.memref_slice %arg14[%dma_wait3A_137, %dma_wait3A_138] : memref<3x80xi32, #tpu.memory_space<vmem>> -> memref<1x80xi32, #tpu.memory_space<vmem>>
      %dma_wait3A_140 = tpu.memref_squeeze %dma_wait3A_139 : memref<1x80xi32, #tpu.memory_space<vmem>> -> memref<80xi32, #tpu.memory_space<vmem>>
      %dma_wait3A_141 = arith.constant 0 : i32
      %dma_wait3A_142 = tpu.memref_slice %arg6[%dma_wait3A_141] : memref<160000xi32, #tpu.memory_space<hbm>> -> memref<80xi32, #tpu.memory_space<hbm>>
      %dma_wait3A_143 = arith.constant 0 : i32
      %dma_wait3A_144 = tpu.memref_slice %arg14[%dma_wait3A_137, %dma_wait3A_143] : memref<3x80xi32, #tpu.memory_space<vmem>> -> memref<1x80xi32, #tpu.memory_space<vmem>>
      %dma_wait3A_145 = tpu.memref_squeeze %dma_wait3A_144 : memref<1x80xi32, #tpu.memory_space<vmem>> -> memref<80xi32, #tpu.memory_space<vmem>>
      %dma_wait3A_146 = arith.constant 0 : i32
      %dma_wait3A_147 = tpu.memref_slice %arg6[%dma_wait3A_146] : memref<160000xi32, #tpu.memory_space<hbm>> -> memref<80xi32, #tpu.memory_space<hbm>>
      tpu.wait_dma2 semaphore(%arg21 : memref<!tpu.dma_semaphore, #tpu.memory_space<semaphore_mem>>) src(%dma_wait3A_147 : memref<80xi32, #tpu.memory_space<hbm>>) dst(%dma_wait3A_145 : memref<80xi32, #tpu.memory_space<vmem>>)
      %dma_wait3A_148 = arith.constant 1 : i32
      %dma_wait3A_149 = arith.constant 0 : i32
      %dma_wait3A_150 = tpu.memref_slice %arg15[%dma_wait3A_148, %dma_wait3A_149] : memref<3x80xi32, #tpu.memory_space<vmem>> -> memref<1x80xi32, #tpu.memory_space<vmem>>
      %dma_wait3A_151 = tpu.memref_squeeze %dma_wait3A_150 : memref<1x80xi32, #tpu.memory_space<vmem>> -> memref<80xi32, #tpu.memory_space<vmem>>
      %dma_wait3A_152 = arith.constant 0 : i32
      %dma_wait3A_153 = tpu.memref_slice %arg8[%dma_wait3A_152] : memref<160000xi32, #tpu.memory_space<hbm>> -> memref<80xi32, #tpu.memory_space<hbm>>
      %dma_wait3A_154 = arith.constant 0 : i32
      %dma_wait3A_155 = tpu.memref_slice %arg15[%dma_wait3A_148, %dma_wait3A_154] : memref<3x80xi32, #tpu.memory_space<vmem>> -> memref<1x80xi32, #tpu.memory_space<vmem>>
      %dma_wait3A_156 = tpu.memref_squeeze %dma_wait3A_155 : memref<1x80xi32, #tpu.memory_space<vmem>> -> memref<80xi32, #tpu.memory_space<vmem>>
      %dma_wait3A_157 = arith.constant 0 : i32
      %dma_wait3A_158 = tpu.memref_slice %arg8[%dma_wait3A_157] : memref<160000xi32, #tpu.memory_space<hbm>> -> memref<80xi32, #tpu.memory_space<hbm>>
      tpu.wait_dma2 semaphore(%arg21 : memref<!tpu.dma_semaphore, #tpu.memory_space<semaphore_mem>>) src(%dma_wait3A_158 : memref<80xi32, #tpu.memory_space<hbm>>) dst(%dma_wait3A_156 : memref<80xi32, #tpu.memory_space<vmem>>)
      %dma_start3A_159 = arith.constant 1 : i32
      %dma_start3A_160 = arith.constant 0 : i32
      %dma_start3A_161 = tpu.memref_slice %arg13[%dma_start3A_159, %dma_start3A_160] : memref<3x80xi32, #tpu.memory_space<vmem>> -> memref<1x80xi32, #tpu.memory_space<vmem>>
      %dma_start3A_162 = tpu.memref_squeeze %dma_start3A_161 : memref<1x80xi32, #tpu.memory_space<vmem>> -> memref<80xi32, #tpu.memory_space<vmem>>
      %dma_start3A_163 = arith.constant 0 : i32
      %dma_start3A_164 = arith.constant 0 : i32
      %dma_start3A_165 = tpu.memref_slice %arg2[%dma_start3A_163, %dma_start3A_164] : memref<20000x128xf32, #tpu.memory_space<hbm>> -> memref<20000x128xf32, #tpu.memory_space<hbm>>
      tpu.enqueue_indirect_dma source(%dma_start3A_165 : memref<20000x128xf32, #tpu.memory_space<hbm>>) target(%arg18 : memref<80x128xf32, #tpu.memory_space<vmem>>) offsets(%dma_start3A_162 : memref<80xi32, #tpu.memory_space<vmem>>) semaphore(%arg24 : memref<!tpu.dma_semaphore, #tpu.memory_space<semaphore_mem>>)
      %dma_start3A_166 = arith.constant 1 : i32
      %dma_start3A_167 = arith.constant 0 : i32
      %dma_start3A_168 = tpu.memref_slice %arg14[%dma_start3A_166, %dma_start3A_167] : memref<3x80xi32, #tpu.memory_space<vmem>> -> memref<1x80xi32, #tpu.memory_space<vmem>>
      %dma_start3A_169 = tpu.memref_squeeze %dma_start3A_168 : memref<1x80xi32, #tpu.memory_space<vmem>> -> memref<80xi32, #tpu.memory_space<vmem>>
      %dma_start3A_170 = arith.constant 0 : i32
      %dma_start3A_171 = arith.constant 0 : i32
      %dma_start3A_172 = tpu.memref_slice %arg3[%dma_start3A_170, %dma_start3A_171] : memref<320000x128xf32, #tpu.memory_space<hbm>> -> memref<320000x128xf32, #tpu.memory_space<hbm>>
      tpu.enqueue_indirect_dma source(%dma_start3A_172 : memref<320000x128xf32, #tpu.memory_space<hbm>>) target(%arg19 : memref<80x128xf32, #tpu.memory_space<vmem>>) offsets(%dma_start3A_169 : memref<80xi32, #tpu.memory_space<vmem>>) semaphore(%arg24 : memref<!tpu.dma_semaphore, #tpu.memory_space<semaphore_mem>>)
      %mul3A_173 = arith.constant 10000 : i32
      %mul3A_174 = arith.muli %arg1, %mul3A_173 : i32
      %add3A_175 = arith.constant 9760 : i32
      %add3A_176 = arith.addi %mul3A_174, %add3A_175 : i32
      %dma_start3A_177 = arith.constant 2 : i32
      %dma_start3A_178 = arith.constant 0 : i32
      %dma_start3A_179 = tpu.memref_slice %arg13[%dma_start3A_177, %dma_start3A_178] : memref<3x80xi32, #tpu.memory_space<vmem>> -> memref<1x80xi32, #tpu.memory_space<vmem>>
      %dma_start3A_180 = tpu.memref_squeeze %dma_start3A_179 : memref<1x80xi32, #tpu.memory_space<vmem>> -> memref<80xi32, #tpu.memory_space<vmem>>
      %dma_start3A_181 = tpu.memref_slice %arg4[%add3A_176] : memref<160000xi32, #tpu.memory_space<hbm>> -> memref<80xi32, #tpu.memory_space<hbm>>
      %dma_start3A_182 = arith.constant 0 : i32
      %dma_start3A_183 = tpu.memref_slice %arg13[%dma_start3A_177, %dma_start3A_182] : memref<3x80xi32, #tpu.memory_space<vmem>> -> memref<1x80xi32, #tpu.memory_space<vmem>>
      %dma_start3A_184 = tpu.memref_squeeze %dma_start3A_183 : memref<1x80xi32, #tpu.memory_space<vmem>> -> memref<80xi32, #tpu.memory_space<vmem>>
      %dma_start3A_185 = tpu.memref_slice %arg4[%add3A_176] : memref<160000xi32, #tpu.memory_space<hbm>> -> memref<80xi32, #tpu.memory_space<hbm>>
      tpu.enqueue_dma source(%dma_start3A_185 : memref<80xi32, #tpu.memory_space<hbm>>) target(%dma_start3A_184 : memref<80xi32, #tpu.memory_space<vmem>>) target_semaphore(%arg22 : memref<!tpu.dma_semaphore, #tpu.memory_space<semaphore_mem>>)
      %dma_start3A_186 = arith.constant 2 : i32
      %dma_start3A_187 = arith.constant 0 : i32
      %dma_start3A_188 = tpu.memref_slice %arg14[%dma_start3A_186, %dma_start3A_187] : memref<3x80xi32, #tpu.memory_space<vmem>> -> memref<1x80xi32, #tpu.memory_space<vmem>>
      %dma_start3A_189 = tpu.memref_squeeze %dma_start3A_188 : memref<1x80xi32, #tpu.memory_space<vmem>> -> memref<80xi32, #tpu.memory_space<vmem>>
      %dma_start3A_190 = tpu.memref_slice %arg6[%add3A_176] : memref<160000xi32, #tpu.memory_space<hbm>> -> memref<80xi32, #tpu.memory_space<hbm>>
      %dma_start3A_191 = arith.constant 0 : i32
      %dma_start3A_192 = tpu.memref_slice %arg14[%dma_start3A_186, %dma_start3A_191] : memref<3x80xi32, #tpu.memory_space<vmem>> -> memref<1x80xi32, #tpu.memory_space<vmem>>
      %dma_start3A_193 = tpu.memref_squeeze %dma_start3A_192 : memref<1x80xi32, #tpu.memory_space<vmem>> -> memref<80xi32, #tpu.memory_space<vmem>>
      %dma_start3A_194 = tpu.memref_slice %arg6[%add3A_176] : memref<160000xi32, #tpu.memory_space<hbm>> -> memref<80xi32, #tpu.memory_space<hbm>>
      tpu.enqueue_dma source(%dma_start3A_194 : memref<80xi32, #tpu.memory_space<hbm>>) target(%dma_start3A_193 : memref<80xi32, #tpu.memory_space<vmem>>) target_semaphore(%arg22 : memref<!tpu.dma_semaphore, #tpu.memory_space<semaphore_mem>>)
      %dma_start3A_195 = arith.constant 2 : i32
      %dma_start3A_196 = arith.constant 0 : i32
      %dma_start3A_197 = tpu.memref_slice %arg15[%dma_start3A_195, %dma_start3A_196] : memref<3x80xi32, #tpu.memory_space<vmem>> -> memref<1x80xi32, #tpu.memory_space<vmem>>
      %dma_start3A_198 = tpu.memref_squeeze %dma_start3A_197 : memref<1x80xi32, #tpu.memory_space<vmem>> -> memref<80xi32, #tpu.memory_space<vmem>>
      %dma_start3A_199 = tpu.memref_slice %arg8[%add3A_176] : memref<160000xi32, #tpu.memory_space<hbm>> -> memref<80xi32, #tpu.memory_space<hbm>>
      %dma_start3A_200 = arith.constant 0 : i32
      %dma_start3A_201 = tpu.memref_slice %arg15[%dma_start3A_195, %dma_start3A_200] : memref<3x80xi32, #tpu.memory_space<vmem>> -> memref<1x80xi32, #tpu.memory_space<vmem>>
      %dma_start3A_202 = tpu.memref_squeeze %dma_start3A_201 : memref<1x80xi32, #tpu.memory_space<vmem>> -> memref<80xi32, #tpu.memory_space<vmem>>
      %dma_start3A_203 = tpu.memref_slice %arg8[%add3A_176] : memref<160000xi32, #tpu.memory_space<hbm>> -> memref<80xi32, #tpu.memory_space<hbm>>
      tpu.enqueue_dma source(%dma_start3A_203 : memref<80xi32, #tpu.memory_space<hbm>>) target(%dma_start3A_202 : memref<80xi32, #tpu.memory_space<vmem>>) target_semaphore(%arg22 : memref<!tpu.dma_semaphore, #tpu.memory_space<semaphore_mem>>)
      %dma_wait3A_204 = arith.constant 0 : i32
      %dma_wait3A_205 = arith.constant 0 : i32
      %dma_wait3A_206 = tpu.memref_slice %arg2[%dma_wait3A_204, %dma_wait3A_205] : memref<20000x128xf32, #tpu.memory_space<hbm>> -> memref<80x128xf32, #tpu.memory_space<hbm>>
      %dma_wait3A_207 = arith.constant 0 : i32
      %dma_wait3A_208 = arith.constant 0 : i32
      %dma_wait3A_209 = tpu.memref_slice %arg2[%dma_wait3A_207, %dma_wait3A_208] : memref<20000x128xf32, #tpu.memory_space<hbm>> -> memref<80x128xf32, #tpu.memory_space<hbm>>
      tpu.wait_dma2 semaphore(%arg23 : memref<!tpu.dma_semaphore, #tpu.memory_space<semaphore_mem>>) src(%dma_wait3A_209 : memref<80x128xf32, #tpu.memory_space<hbm>>) dst(%arg16 : memref<80x128xf32, #tpu.memory_space<vmem>>)
      %dma_wait3A_210 = arith.constant 0 : i32
      %dma_wait3A_211 = arith.constant 0 : i32
      %dma_wait3A_212 = tpu.memref_slice %arg3[%dma_wait3A_210, %dma_wait3A_211] : memref<320000x128xf32, #tpu.memory_space<hbm>> -> memref<80x128xf32, #tpu.memory_space<hbm>>
      %dma_wait3A_213 = arith.constant 0 : i32
      %dma_wait3A_214 = arith.constant 0 : i32
      %dma_wait3A_215 = tpu.memref_slice %arg3[%dma_wait3A_213, %dma_wait3A_214] : memref<320000x128xf32, #tpu.memory_space<hbm>> -> memref<80x128xf32, #tpu.memory_space<hbm>>
      tpu.wait_dma2 semaphore(%arg23 : memref<!tpu.dma_semaphore, #tpu.memory_space<semaphore_mem>>) src(%dma_wait3A_215 : memref<80x128xf32, #tpu.memory_space<hbm>>) dst(%arg17 : memref<80x128xf32, #tpu.memory_space<vmem>>)
      %dma_start3A_216 = arith.constant 0 : i32
      %dma_start3A_217 = arith.constant 0 : i32
      %dma_start3A_218 = tpu.memref_slice %arg15[%dma_start3A_216, %dma_start3A_217] : memref<3x80xi32, #tpu.memory_space<vmem>> -> memref<1x80xi32, #tpu.memory_space<vmem>>
      %dma_start3A_219 = tpu.memref_squeeze %dma_start3A_218 : memref<1x80xi32, #tpu.memory_space<vmem>> -> memref<80xi32, #tpu.memory_space<vmem>>
      %dma_start3A_220 = arith.constant 0 : i32
      %dma_start3A_221 = arith.constant 0 : i32
      %dma_start3A_222 = tpu.memref_slice %arg12[%dma_start3A_220, %dma_start3A_221] : memref<10000x128xf32, #tpu.memory_space<vmem_shared>> -> memref<10000x128xf32, #tpu.memory_space<vmem_shared>>
      tpu.enqueue_indirect_dma source(%arg16 : memref<80x128xf32, #tpu.memory_space<vmem>>) target(%dma_start3A_222 : memref<10000x128xf32, #tpu.memory_space<vmem_shared>>) offsets(%dma_start3A_219 : memref<80xi32, #tpu.memory_space<vmem>>) semaphore(%arg25 : memref<!tpu.dma_semaphore, #tpu.memory_space<semaphore_mem>>) {add = true}
      %dma_start3A_223 = arith.constant 0 : i32
      %dma_start3A_224 = arith.constant 0 : i32
      %dma_start3A_225 = tpu.memref_slice %arg15[%dma_start3A_223, %dma_start3A_224] : memref<3x80xi32, #tpu.memory_space<vmem>> -> memref<1x80xi32, #tpu.memory_space<vmem>>
      %dma_start3A_226 = tpu.memref_squeeze %dma_start3A_225 : memref<1x80xi32, #tpu.memory_space<vmem>> -> memref<80xi32, #tpu.memory_space<vmem>>
      %dma_start3A_227 = arith.constant 0 : i32
      %dma_start3A_228 = arith.constant 0 : i32
      %dma_start3A_229 = tpu.memref_slice %arg12[%dma_start3A_227, %dma_start3A_228] : memref<10000x128xf32, #tpu.memory_space<vmem_shared>> -> memref<10000x128xf32, #tpu.memory_space<vmem_shared>>
      tpu.enqueue_indirect_dma source(%arg17 : memref<80x128xf32, #tpu.memory_space<vmem>>) target(%dma_start3A_229 : memref<10000x128xf32, #tpu.memory_space<vmem_shared>>) offsets(%dma_start3A_226 : memref<80xi32, #tpu.memory_space<vmem>>) semaphore(%arg25 : memref<!tpu.dma_semaphore, #tpu.memory_space<semaphore_mem>>) {add = true}
      %dma_wait3A_230 = arith.constant 0 : i32
      %dma_wait3A_231 = arith.constant 0 : i32
      %dma_wait3A_232 = tpu.memref_slice %arg15[%dma_wait3A_230, %dma_wait3A_231] : memref<3x80xi32, #tpu.memory_space<vmem>> -> memref<1x80xi32, #tpu.memory_space<vmem>>
      %dma_wait3A_233 = tpu.memref_squeeze %dma_wait3A_232 : memref<1x80xi32, #tpu.memory_space<vmem>> -> memref<80xi32, #tpu.memory_space<vmem>>
      %dma_wait3A_234 = arith.constant 0 : i32
      %dma_wait3A_235 = arith.constant 0 : i32
      %dma_wait3A_236 = tpu.memref_slice %arg12[%dma_wait3A_234, %dma_wait3A_235] : memref<10000x128xf32, #tpu.memory_space<vmem_shared>> -> memref<10000x128xf32, #tpu.memory_space<vmem_shared>>
      tpu.wait_indirect_dma semaphore(%arg25 : memref<!tpu.dma_semaphore, #tpu.memory_space<semaphore_mem>>) src(%arg16 : memref<80x128xf32, #tpu.memory_space<vmem>>) dst(%dma_wait3A_236 : memref<10000x128xf32, #tpu.memory_space<vmem_shared>>)
      %dma_wait3A_237 = arith.constant 0 : i32
      %dma_wait3A_238 = arith.constant 0 : i32
      %dma_wait3A_239 = tpu.memref_slice %arg15[%dma_wait3A_237, %dma_wait3A_238] : memref<3x80xi32, #tpu.memory_space<vmem>> -> memref<1x80xi32, #tpu.memory_space<vmem>>
      %dma_wait3A_240 = tpu.memref_squeeze %dma_wait3A_239 : memref<1x80xi32, #tpu.memory_space<vmem>> -> memref<80xi32, #tpu.memory_space<vmem>>
      %dma_wait3A_241 = arith.constant 0 : i32
      %dma_wait3A_242 = arith.constant 0 : i32
      %dma_wait3A_243 = tpu.memref_slice %arg12[%dma_wait3A_241, %dma_wait3A_242] : memref<10000x128xf32, #tpu.memory_space<vmem_shared>> -> memref<10000x128xf32, #tpu.memory_space<vmem_shared>>
      tpu.wait_indirect_dma semaphore(%arg25 : memref<!tpu.dma_semaphore, #tpu.memory_space<semaphore_mem>>) src(%arg17 : memref<80x128xf32, #tpu.memory_space<vmem>>) dst(%dma_wait3A_243 : memref<10000x128xf32, #tpu.memory_space<vmem_shared>>)
      %dma_wait3A_244 = arith.constant 2 : i32
      %dma_wait3A_245 = arith.constant 0 : i32
      %dma_wait3A_246 = tpu.memref_slice %arg13[%dma_wait3A_244, %dma_wait3A_245] : memref<3x80xi32, #tpu.memory_space<vmem>> -> memref<1x80xi32, #tpu.memory_space<vmem>>
      %dma_wait3A_247 = tpu.memref_squeeze %dma_wait3A_246 : memref<1x80xi32, #tpu.memory_space<vmem>> -> memref<80xi32, #tpu.memory_space<vmem>>
      %dma_wait3A_248 = arith.constant 0 : i32
      %dma_wait3A_249 = tpu.memref_slice %arg4[%dma_wait3A_248] : memref<160000xi32, #tpu.memory_space<hbm>> -> memref<80xi32, #tpu.memory_space<hbm>>
      %dma_wait3A_250 = arith.constant 0 : i32
      %dma_wait3A_251 = tpu.memref_slice %arg13[%dma_wait3A_244, %dma_wait3A_250] : memref<3x80xi32, #tpu.memory_space<vmem>> -> memref<1x80xi32, #tpu.memory_space<vmem>>
      %dma_wait3A_252 = tpu.memref_squeeze %dma_wait3A_251 : memref<1x80xi32, #tpu.memory_space<vmem>> -> memref<80xi32, #tpu.memory_space<vmem>>
      %dma_wait3A_253 = arith.constant 0 : i32
      %dma_wait3A_254 = tpu.memref_slice %arg4[%dma_wait3A_253] : memref<160000xi32, #tpu.memory_space<hbm>> -> memref<80xi32, #tpu.memory_space<hbm>>
      tpu.wait_dma2 semaphore(%arg22 : memref<!tpu.dma_semaphore, #tpu.memory_space<semaphore_mem>>) src(%dma_wait3A_254 : memref<80xi32, #tpu.memory_space<hbm>>) dst(%dma_wait3A_252 : memref<80xi32, #tpu.memory_space<vmem>>)
      %dma_wait3A_255 = arith.constant 2 : i32
      %dma_wait3A_256 = arith.constant 0 : i32
      %dma_wait3A_257 = tpu.memref_slice %arg14[%dma_wait3A_255, %dma_wait3A_256] : memref<3x80xi32, #tpu.memory_space<vmem>> -> memref<1x80xi32, #tpu.memory_space<vmem>>
      %dma_wait3A_258 = tpu.memref_squeeze %dma_wait3A_257 : memref<1x80xi32, #tpu.memory_space<vmem>> -> memref<80xi32, #tpu.memory_space<vmem>>
      %dma_wait3A_259 = arith.constant 0 : i32
      %dma_wait3A_260 = tpu.memref_slice %arg6[%dma_wait3A_259] : memref<160000xi32, #tpu.memory_space<hbm>> -> memref<80xi32, #tpu.memory_space<hbm>>
      %dma_wait3A_261 = arith.constant 0 : i32
      %dma_wait3A_262 = tpu.memref_slice %arg14[%dma_wait3A_255, %dma_wait3A_261] : memref<3x80xi32, #tpu.memory_space<vmem>> -> memref<1x80xi32, #tpu.memory_space<vmem>>
      %dma_wait3A_263 = tpu.memref_squeeze %dma_wait3A_262 : memref<1x80xi32, #tpu.memory_space<vmem>> -> memref<80xi32, #tpu.memory_space<vmem>>
      %dma_wait3A_264 = arith.constant 0 : i32
      %dma_wait3A_265 = tpu.memref_slice %arg6[%dma_wait3A_264] : memref<160000xi32, #tpu.memory_space<hbm>> -> memref<80xi32, #tpu.memory_space<hbm>>
      tpu.wait_dma2 semaphore(%arg22 : memref<!tpu.dma_semaphore, #tpu.memory_space<semaphore_mem>>) src(%dma_wait3A_265 : memref<80xi32, #tpu.memory_space<hbm>>) dst(%dma_wait3A_263 : memref<80xi32, #tpu.memory_space<vmem>>)
      %dma_wait3A_266 = arith.constant 2 : i32
      %dma_wait3A_267 = arith.constant 0 : i32
      %dma_wait3A_268 = tpu.memref_slice %arg15[%dma_wait3A_266, %dma_wait3A_267] : memref<3x80xi32, #tpu.memory_space<vmem>> -> memref<1x80xi32, #tpu.memory_space<vmem>>
      %dma_wait3A_269 = tpu.memref_squeeze %dma_wait3A_268 : memref<1x80xi32, #tpu.memory_space<vmem>> -> memref<80xi32, #tpu.memory_space<vmem>>
      %dma_wait3A_270 = arith.constant 0 : i32
      %dma_wait3A_271 = tpu.memref_slice %arg8[%dma_wait3A_270] : memref<160000xi32, #tpu.memory_space<hbm>> -> memref<80xi32, #tpu.memory_space<hbm>>
      %dma_wait3A_272 = arith.constant 0 : i32
      %dma_wait3A_273 = tpu.memref_slice %arg15[%dma_wait3A_266, %dma_wait3A_272] : memref<3x80xi32, #tpu.memory_space<vmem>> -> memref<1x80xi32, #tpu.memory_space<vmem>>
      %dma_wait3A_274 = tpu.memref_squeeze %dma_wait3A_273 : memref<1x80xi32, #tpu.memory_space<vmem>> -> memref<80xi32, #tpu.memory_space<vmem>>
      %dma_wait3A_275 = arith.constant 0 : i32
      %dma_wait3A_276 = tpu.memref_slice %arg8[%dma_wait3A_275] : memref<160000xi32, #tpu.memory_space<hbm>> -> memref<80xi32, #tpu.memory_space<hbm>>
      tpu.wait_dma2 semaphore(%arg22 : memref<!tpu.dma_semaphore, #tpu.memory_space<semaphore_mem>>) src(%dma_wait3A_276 : memref<80xi32, #tpu.memory_space<hbm>>) dst(%dma_wait3A_274 : memref<80xi32, #tpu.memory_space<vmem>>)
      %dma_start3A_277 = arith.constant 2 : i32
      %dma_start3A_278 = arith.constant 0 : i32
      %dma_start3A_279 = tpu.memref_slice %arg13[%dma_start3A_277, %dma_start3A_278] : memref<3x80xi32, #tpu.memory_space<vmem>> -> memref<1x80xi32, #tpu.memory_space<vmem>>
      %dma_start3A_280 = tpu.memref_squeeze %dma_start3A_279 : memref<1x80xi32, #tpu.memory_space<vmem>> -> memref<80xi32, #tpu.memory_space<vmem>>
      %dma_start3A_281 = arith.constant 0 : i32
      %dma_start3A_282 = arith.constant 0 : i32
      %dma_start3A_283 = tpu.memref_slice %arg2[%dma_start3A_281, %dma_start3A_282] : memref<20000x128xf32, #tpu.memory_space<hbm>> -> memref<20000x128xf32, #tpu.memory_space<hbm>>
      tpu.enqueue_indirect_dma source(%dma_start3A_283 : memref<20000x128xf32, #tpu.memory_space<hbm>>) target(%arg16 : memref<80x128xf32, #tpu.memory_space<vmem>>) offsets(%dma_start3A_280 : memref<80xi32, #tpu.memory_space<vmem>>) semaphore(%arg23 : memref<!tpu.dma_semaphore, #tpu.memory_space<semaphore_mem>>)
      %dma_start3A_284 = arith.constant 2 : i32
      %dma_start3A_285 = arith.constant 0 : i32
      %dma_start3A_286 = tpu.memref_slice %arg14[%dma_start3A_284, %dma_start3A_285] : memref<3x80xi32, #tpu.memory_space<vmem>> -> memref<1x80xi32, #tpu.memory_space<vmem>>
      %dma_start3A_287 = tpu.memref_squeeze %dma_start3A_286 : memref<1x80xi32, #tpu.memory_space<vmem>> -> memref<80xi32, #tpu.memory_space<vmem>>
      %dma_start3A_288 = arith.constant 0 : i32
      %dma_start3A_289 = arith.constant 0 : i32
      %dma_start3A_290 = tpu.memref_slice %arg3[%dma_start3A_288, %dma_start3A_289] : memref<320000x128xf32, #tpu.memory_space<hbm>> -> memref<320000x128xf32, #tpu.memory_space<hbm>>
      tpu.enqueue_indirect_dma source(%dma_start3A_290 : memref<320000x128xf32, #tpu.memory_space<hbm>>) target(%arg17 : memref<80x128xf32, #tpu.memory_space<vmem>>) offsets(%dma_start3A_287 : memref<80xi32, #tpu.memory_space<vmem>>) semaphore(%arg23 : memref<!tpu.dma_semaphore, #tpu.memory_space<semaphore_mem>>)
      %mul3A_291 = arith.constant 10000 : i32
      %mul3A_292 = arith.muli %arg1, %mul3A_291 : i32
      %add3A_293 = arith.constant 9840 : i32
      %add3A_294 = arith.addi %mul3A_292, %add3A_293 : i32
      %dma_start3A_295 = arith.constant 0 : i32
      %dma_start3A_296 = arith.constant 0 : i32
      %dma_start3A_297 = tpu.memref_slice %arg13[%dma_start3A_295, %dma_start3A_296] : memref<3x80xi32, #tpu.memory_space<vmem>> -> memref<1x80xi32, #tpu.memory_space<vmem>>
      %dma_start3A_298 = tpu.memref_squeeze %dma_start3A_297 : memref<1x80xi32, #tpu.memory_space<vmem>> -> memref<80xi32, #tpu.memory_space<vmem>>
      %dma_start3A_299 = tpu.memref_slice %arg4[%add3A_294] : memref<160000xi32, #tpu.memory_space<hbm>> -> memref<80xi32, #tpu.memory_space<hbm>>
      %dma_start3A_300 = arith.constant 0 : i32
      %dma_start3A_301 = tpu.memref_slice %arg13[%dma_start3A_295, %dma_start3A_300] : memref<3x80xi32, #tpu.memory_space<vmem>> -> memref<1x80xi32, #tpu.memory_space<vmem>>
      %dma_start3A_302 = tpu.memref_squeeze %dma_start3A_301 : memref<1x80xi32, #tpu.memory_space<vmem>> -> memref<80xi32, #tpu.memory_space<vmem>>
      %dma_start3A_303 = tpu.memref_slice %arg4[%add3A_294] : memref<160000xi32, #tpu.memory_space<hbm>> -> memref<80xi32, #tpu.memory_space<hbm>>
      tpu.enqueue_dma source(%dma_start3A_303 : memref<80xi32, #tpu.memory_space<hbm>>) target(%dma_start3A_302 : memref<80xi32, #tpu.memory_space<vmem>>) target_semaphore(%arg20 : memref<!tpu.dma_semaphore, #tpu.memory_space<semaphore_mem>>)
      %dma_start3A_304 = arith.constant 0 : i32
      %dma_start3A_305 = arith.constant 0 : i32
      %dma_start3A_306 = tpu.memref_slice %arg14[%dma_start3A_304, %dma_start3A_305] : memref<3x80xi32, #tpu.memory_space<vmem>> -> memref<1x80xi32, #tpu.memory_space<vmem>>
      %dma_start3A_307 = tpu.memref_squeeze %dma_start3A_306 : memref<1x80xi32, #tpu.memory_space<vmem>> -> memref<80xi32, #tpu.memory_space<vmem>>
      %dma_start3A_308 = tpu.memref_slice %arg6[%add3A_294] : memref<160000xi32, #tpu.memory_space<hbm>> -> memref<80xi32, #tpu.memory_space<hbm>>
      %dma_start3A_309 = arith.constant 0 : i32
      %dma_start3A_310 = tpu.memref_slice %arg14[%dma_start3A_304, %dma_start3A_309] : memref<3x80xi32, #tpu.memory_space<vmem>> -> memref<1x80xi32, #tpu.memory_space<vmem>>
      %dma_start3A_311 = tpu.memref_squeeze %dma_start3A_310 : memref<1x80xi32, #tpu.memory_space<vmem>> -> memref<80xi32, #tpu.memory_space<vmem>>
      %dma_start3A_312 = tpu.memref_slice %arg6[%add3A_294] : memref<160000xi32, #tpu.memory_space<hbm>> -> memref<80xi32, #tpu.memory_space<hbm>>
      tpu.enqueue_dma source(%dma_start3A_312 : memref<80xi32, #tpu.memory_space<hbm>>) target(%dma_start3A_311 : memref<80xi32, #tpu.memory_space<vmem>>) target_semaphore(%arg20 : memref<!tpu.dma_semaphore, #tpu.memory_space<semaphore_mem>>)
      %dma_start3A_313 = arith.constant 0 : i32
      %dma_start3A_314 = arith.constant 0 : i32
      %dma_start3A_315 = tpu.memref_slice %arg15[%dma_start3A_313, %dma_start3A_314] : memref<3x80xi32, #tpu.memory_space<vmem>> -> memref<1x80xi32, #tpu.memory_space<vmem>>
      %dma_start3A_316 = tpu.memref_squeeze %dma_start3A_315 : memref<1x80xi32, #tpu.memory_space<vmem>> -> memref<80xi32, #tpu.memory_space<vmem>>
      %dma_start3A_317 = tpu.memref_slice %arg8[%add3A_294] : memref<160000xi32, #tpu.memory_space<hbm>> -> memref<80xi32, #tpu.memory_space<hbm>>
      %dma_start3A_318 = arith.constant 0 : i32
      %dma_start3A_319 = tpu.memref_slice %arg15[%dma_start3A_313, %dma_start3A_318] : memref<3x80xi32, #tpu.memory_space<vmem>> -> memref<1x80xi32, #tpu.memory_space<vmem>>
      %dma_start3A_320 = tpu.memref_squeeze %dma_start3A_319 : memref<1x80xi32, #tpu.memory_space<vmem>> -> memref<80xi32, #tpu.memory_space<vmem>>
      %dma_start3A_321 = tpu.memref_slice %arg8[%add3A_294] : memref<160000xi32, #tpu.memory_space<hbm>> -> memref<80xi32, #tpu.memory_space<hbm>>
      tpu.enqueue_dma source(%dma_start3A_321 : memref<80xi32, #tpu.memory_space<hbm>>) target(%dma_start3A_320 : memref<80xi32, #tpu.memory_space<vmem>>) target_semaphore(%arg20 : memref<!tpu.dma_semaphore, #tpu.memory_space<semaphore_mem>>)
      %dma_wait3A_322 = arith.constant 0 : i32
      %dma_wait3A_323 = arith.constant 0 : i32
      %dma_wait3A_324 = tpu.memref_slice %arg2[%dma_wait3A_322, %dma_wait3A_323] : memref<20000x128xf32, #tpu.memory_space<hbm>> -> memref<80x128xf32, #tpu.memory_space<hbm>>
      %dma_wait3A_325 = arith.constant 0 : i32
      %dma_wait3A_326 = arith.constant 0 : i32
      %dma_wait3A_327 = tpu.memref_slice %arg2[%dma_wait3A_325, %dma_wait3A_326] : memref<20000x128xf32, #tpu.memory_space<hbm>> -> memref<80x128xf32, #tpu.memory_space<hbm>>
      tpu.wait_dma2 semaphore(%arg24 : memref<!tpu.dma_semaphore, #tpu.memory_space<semaphore_mem>>) src(%dma_wait3A_327 : memref<80x128xf32, #tpu.memory_space<hbm>>) dst(%arg18 : memref<80x128xf32, #tpu.memory_space<vmem>>)
      %dma_wait3A_328 = arith.constant 0 : i32
      %dma_wait3A_329 = arith.constant 0 : i32
      %dma_wait3A_330 = tpu.memref_slice %arg3[%dma_wait3A_328, %dma_wait3A_329] : memref<320000x128xf32, #tpu.memory_space<hbm>> -> memref<80x128xf32, #tpu.memory_space<hbm>>
      %dma_wait3A_331 = arith.constant 0 : i32
      %dma_wait3A_332 = arith.constant 0 : i32
      %dma_wait3A_333 = tpu.memref_slice %arg3[%dma_wait3A_331, %dma_wait3A_332] : memref<320000x128xf32, #tpu.memory_space<hbm>> -> memref<80x128xf32, #tpu.memory_space<hbm>>
      tpu.wait_dma2 semaphore(%arg24 : memref<!tpu.dma_semaphore, #tpu.memory_space<semaphore_mem>>) src(%dma_wait3A_333 : memref<80x128xf32, #tpu.memory_space<hbm>>) dst(%arg19 : memref<80x128xf32, #tpu.memory_space<vmem>>)
      %dma_start3A_334 = arith.constant 1 : i32
      %dma_start3A_335 = arith.constant 0 : i32
      %dma_start3A_336 = tpu.memref_slice %arg15[%dma_start3A_334, %dma_start3A_335] : memref<3x80xi32, #tpu.memory_space<vmem>> -> memref<1x80xi32, #tpu.memory_space<vmem>>
      %dma_start3A_337 = tpu.memref_squeeze %dma_start3A_336 : memref<1x80xi32, #tpu.memory_space<vmem>> -> memref<80xi32, #tpu.memory_space<vmem>>
      %dma_start3A_338 = arith.constant 0 : i32
      %dma_start3A_339 = arith.constant 0 : i32
      %dma_start3A_340 = tpu.memref_slice %arg12[%dma_start3A_338, %dma_start3A_339] : memref<10000x128xf32, #tpu.memory_space<vmem_shared>> -> memref<10000x128xf32, #tpu.memory_space<vmem_shared>>
      tpu.enqueue_indirect_dma source(%arg18 : memref<80x128xf32, #tpu.memory_space<vmem>>) target(%dma_start3A_340 : memref<10000x128xf32, #tpu.memory_space<vmem_shared>>) offsets(%dma_start3A_337 : memref<80xi32, #tpu.memory_space<vmem>>) semaphore(%arg25 : memref<!tpu.dma_semaphore, #tpu.memory_space<semaphore_mem>>) {add = true}
      %dma_start3A_341 = arith.constant 1 : i32
      %dma_start3A_342 = arith.constant 0 : i32
      %dma_start3A_343 = tpu.memref_slice %arg15[%dma_start3A_341, %dma_start3A_342] : memref<3x80xi32, #tpu.memory_space<vmem>> -> memref<1x80xi32, #tpu.memory_space<vmem>>
      %dma_start3A_344 = tpu.memref_squeeze %dma_start3A_343 : memref<1x80xi32, #tpu.memory_space<vmem>> -> memref<80xi32, #tpu.memory_space<vmem>>
      %dma_start3A_345 = arith.constant 0 : i32
      %dma_start3A_346 = arith.constant 0 : i32
      %dma_start3A_347 = tpu.memref_slice %arg12[%dma_start3A_345, %dma_start3A_346] : memref<10000x128xf32, #tpu.memory_space<vmem_shared>> -> memref<10000x128xf32, #tpu.memory_space<vmem_shared>>
      tpu.enqueue_indirect_dma source(%arg19 : memref<80x128xf32, #tpu.memory_space<vmem>>) target(%dma_start3A_347 : memref<10000x128xf32, #tpu.memory_space<vmem_shared>>) offsets(%dma_start3A_344 : memref<80xi32, #tpu.memory_space<vmem>>) semaphore(%arg25 : memref<!tpu.dma_semaphore, #tpu.memory_space<semaphore_mem>>) {add = true}
      %dma_wait3A_348 = arith.constant 1 : i32
      %dma_wait3A_349 = arith.constant 0 : i32
      %dma_wait3A_350 = tpu.memref_slice %arg15[%dma_wait3A_348, %dma_wait3A_349] : memref<3x80xi32, #tpu.memory_space<vmem>> -> memref<1x80xi32, #tpu.memory_space<vmem>>
      %dma_wait3A_351 = tpu.memref_squeeze %dma_wait3A_350 : memref<1x80xi32, #tpu.memory_space<vmem>> -> memref<80xi32, #tpu.memory_space<vmem>>
      %dma_wait3A_352 = arith.constant 0 : i32
      %dma_wait3A_353 = arith.constant 0 : i32
      %dma_wait3A_354 = tpu.memref_slice %arg12[%dma_wait3A_352, %dma_wait3A_353] : memref<10000x128xf32, #tpu.memory_space<vmem_shared>> -> memref<10000x128xf32, #tpu.memory_space<vmem_shared>>
      tpu.wait_indirect_dma semaphore(%arg25 : memref<!tpu.dma_semaphore, #tpu.memory_space<semaphore_mem>>) src(%arg18 : memref<80x128xf32, #tpu.memory_space<vmem>>) dst(%dma_wait3A_354 : memref<10000x128xf32, #tpu.memory_space<vmem_shared>>)
      %dma_wait3A_355 = arith.constant 1 : i32
      %dma_wait3A_356 = arith.constant 0 : i32
      %dma_wait3A_357 = tpu.memref_slice %arg15[%dma_wait3A_355, %dma_wait3A_356] : memref<3x80xi32, #tpu.memory_space<vmem>> -> memref<1x80xi32, #tpu.memory_space<vmem>>
      %dma_wait3A_358 = tpu.memref_squeeze %dma_wait3A_357 : memref<1x80xi32, #tpu.memory_space<vmem>> -> memref<80xi32, #tpu.memory_space<vmem>>
      %dma_wait3A_359 = arith.constant 0 : i32
      %dma_wait3A_360 = arith.constant 0 : i32
      %dma_wait3A_361 = tpu.memref_slice %arg12[%dma_wait3A_359, %dma_wait3A_360] : memref<10000x128xf32, #tpu.memory_space<vmem_shared>> -> memref<10000x128xf32, #tpu.memory_space<vmem_shared>>
      tpu.wait_indirect_dma semaphore(%arg25 : memref<!tpu.dma_semaphore, #tpu.memory_space<semaphore_mem>>) src(%arg19 : memref<80x128xf32, #tpu.memory_space<vmem>>) dst(%dma_wait3A_361 : memref<10000x128xf32, #tpu.memory_space<vmem_shared>>)
      %dma_wait3A_362 = arith.constant 0 : i32
      %dma_wait3A_363 = arith.constant 0 : i32
      %dma_wait3A_364 = tpu.memref_slice %arg13[%dma_wait3A_362, %dma_wait3A_363] : memref<3x80xi32, #tpu.memory_space<vmem>> -> memref<1x80xi32, #tpu.memory_space<vmem>>
      %dma_wait3A_365 = tpu.memref_squeeze %dma_wait3A_364 : memref<1x80xi32, #tpu.memory_space<vmem>> -> memref<80xi32, #tpu.memory_space<vmem>>
      %dma_wait3A_366 = arith.constant 0 : i32
      %dma_wait3A_367 = tpu.memref_slice %arg4[%dma_wait3A_366] : memref<160000xi32, #tpu.memory_space<hbm>> -> memref<80xi32, #tpu.memory_space<hbm>>
      %dma_wait3A_368 = arith.constant 0 : i32
      %dma_wait3A_369 = tpu.memref_slice %arg13[%dma_wait3A_362, %dma_wait3A_368] : memref<3x80xi32, #tpu.memory_space<vmem>> -> memref<1x80xi32, #tpu.memory_space<vmem>>
      %dma_wait3A_370 = tpu.memref_squeeze %dma_wait3A_369 : memref<1x80xi32, #tpu.memory_space<vmem>> -> memref<80xi32, #tpu.memory_space<vmem>>
      %dma_wait3A_371 = arith.constant 0 : i32
      %dma_wait3A_372 = tpu.memref_slice %arg4[%dma_wait3A_371] : memref<160000xi32, #tpu.memory_space<hbm>> -> memref<80xi32, #tpu.memory_space<hbm>>
      tpu.wait_dma2 semaphore(%arg20 : memref<!tpu.dma_semaphore, #tpu.memory_space<semaphore_mem>>) src(%dma_wait3A_372 : memref<80xi32, #tpu.memory_space<hbm>>) dst(%dma_wait3A_370 : memref<80xi32, #tpu.memory_space<vmem>>)
      %dma_wait3A_373 = arith.constant 0 : i32
      %dma_wait3A_374 = arith.constant 0 : i32
      %dma_wait3A_375 = tpu.memref_slice %arg14[%dma_wait3A_373, %dma_wait3A_374] : memref<3x80xi32, #tpu.memory_space<vmem>> -> memref<1x80xi32, #tpu.memory_space<vmem>>
      %dma_wait3A_376 = tpu.memref_squeeze %dma_wait3A_375 : memref<1x80xi32, #tpu.memory_space<vmem>> -> memref<80xi32, #tpu.memory_space<vmem>>
      %dma_wait3A_377 = arith.constant 0 : i32
      %dma_wait3A_378 = tpu.memref_slice %arg6[%dma_wait3A_377] : memref<160000xi32, #tpu.memory_space<hbm>> -> memref<80xi32, #tpu.memory_space<hbm>>
      %dma_wait3A_379 = arith.constant 0 : i32
      %dma_wait3A_380 = tpu.memref_slice %arg14[%dma_wait3A_373, %dma_wait3A_379] : memref<3x80xi32, #tpu.memory_space<vmem>> -> memref<1x80xi32, #tpu.memory_space<vmem>>
      %dma_wait3A_381 = tpu.memref_squeeze %dma_wait3A_380 : memref<1x80xi32, #tpu.memory_space<vmem>> -> memref<80xi32, #tpu.memory_space<vmem>>
      %dma_wait3A_382 = arith.constant 0 : i32
      %dma_wait3A_383 = tpu.memref_slice %arg6[%dma_wait3A_382] : memref<160000xi32, #tpu.memory_space<hbm>> -> memref<80xi32, #tpu.memory_space<hbm>>
      tpu.wait_dma2 semaphore(%arg20 : memref<!tpu.dma_semaphore, #tpu.memory_space<semaphore_mem>>) src(%dma_wait3A_383 : memref<80xi32, #tpu.memory_space<hbm>>) dst(%dma_wait3A_381 : memref<80xi32, #tpu.memory_space<vmem>>)
      %dma_wait3A_384 = arith.constant 0 : i32
      %dma_wait3A_385 = arith.constant 0 : i32
      %dma_wait3A_386 = tpu.memref_slice %arg15[%dma_wait3A_384, %dma_wait3A_385] : memref<3x80xi32, #tpu.memory_space<vmem>> -> memref<1x80xi32, #tpu.memory_space<vmem>>
      %dma_wait3A_387 = tpu.memref_squeeze %dma_wait3A_386 : memref<1x80xi32, #tpu.memory_space<vmem>> -> memref<80xi32, #tpu.memory_space<vmem>>
      %dma_wait3A_388 = arith.constant 0 : i32
      %dma_wait3A_389 = tpu.memref_slice %arg8[%dma_wait3A_388] : memref<160000xi32, #tpu.memory_space<hbm>> -> memref<80xi32, #tpu.memory_space<hbm>>
      %dma_wait3A_390 = arith.constant 0 : i32
      %dma_wait3A_391 = tpu.memref_slice %arg15[%dma_wait3A_384, %dma_wait3A_390] : memref<3x80xi32, #tpu.memory_space<vmem>> -> memref<1x80xi32, #tpu.memory_space<vmem>>
      %dma_wait3A_392 = tpu.memref_squeeze %dma_wait3A_391 : memref<1x80xi32, #tpu.memory_space<vmem>> -> memref<80xi32, #tpu.memory_space<vmem>>
      %dma_wait3A_393 = arith.constant 0 : i32
      %dma_wait3A_394 = tpu.memref_slice %arg8[%dma_wait3A_393] : memref<160000xi32, #tpu.memory_space<hbm>> -> memref<80xi32, #tpu.memory_space<hbm>>
      tpu.wait_dma2 semaphore(%arg20 : memref<!tpu.dma_semaphore, #tpu.memory_space<semaphore_mem>>) src(%dma_wait3A_394 : memref<80xi32, #tpu.memory_space<hbm>>) dst(%dma_wait3A_392 : memref<80xi32, #tpu.memory_space<vmem>>)
      %dma_start3A_395 = arith.constant 0 : i32
      %dma_start3A_396 = arith.constant 0 : i32
      %dma_start3A_397 = tpu.memref_slice %arg13[%dma_start3A_395, %dma_start3A_396] : memref<3x80xi32, #tpu.memory_space<vmem>> -> memref<1x80xi32, #tpu.memory_space<vmem>>
      %dma_start3A_398 = tpu.memref_squeeze %dma_start3A_397 : memref<1x80xi32, #tpu.memory_space<vmem>> -> memref<80xi32, #tpu.memory_space<vmem>>
      %dma_start3A_399 = arith.constant 0 : i32
      %dma_start3A_400 = arith.constant 0 : i32
      %dma_start3A_401 = tpu.memref_slice %arg2[%dma_start3A_399, %dma_start3A_400] : memref<20000x128xf32, #tpu.memory_space<hbm>> -> memref<20000x128xf32, #tpu.memory_space<hbm>>
      tpu.enqueue_indirect_dma source(%dma_start3A_401 : memref<20000x128xf32, #tpu.memory_space<hbm>>) target(%arg18 : memref<80x128xf32, #tpu.memory_space<vmem>>) offsets(%dma_start3A_398 : memref<80xi32, #tpu.memory_space<vmem>>) semaphore(%arg24 : memref<!tpu.dma_semaphore, #tpu.memory_space<semaphore_mem>>)
      %dma_start3A_402 = arith.constant 0 : i32
      %dma_start3A_403 = arith.constant 0 : i32
      %dma_start3A_404 = tpu.memref_slice %arg14[%dma_start3A_402, %dma_start3A_403] : memref<3x80xi32, #tpu.memory_space<vmem>> -> memref<1x80xi32, #tpu.memory_space<vmem>>
      %dma_start3A_405 = tpu.memref_squeeze %dma_start3A_404 : memref<1x80xi32, #tpu.memory_space<vmem>> -> memref<80xi32, #tpu.memory_space<vmem>>
      %dma_start3A_406 = arith.constant 0 : i32
      %dma_start3A_407 = arith.constant 0 : i32
      %dma_start3A_408 = tpu.memref_slice %arg3[%dma_start3A_406, %dma_start3A_407] : memref<320000x128xf32, #tpu.memory_space<hbm>> -> memref<320000x128xf32, #tpu.memory_space<hbm>>
      tpu.enqueue_indirect_dma source(%dma_start3A_408 : memref<320000x128xf32, #tpu.memory_space<hbm>>) target(%arg19 : memref<80x128xf32, #tpu.memory_space<vmem>>) offsets(%dma_start3A_405 : memref<80xi32, #tpu.memory_space<vmem>>) semaphore(%arg24 : memref<!tpu.dma_semaphore, #tpu.memory_space<semaphore_mem>>)
      %mul3A_409 = arith.constant 10000 : i32
      %mul3A_410 = arith.muli %arg1, %mul3A_409 : i32
      %add3A_411 = arith.constant 9920 : i32
      %add3A_412 = arith.addi %mul3A_410, %add3A_411 : i32
      %dma_start3A_413 = arith.constant 1 : i32
      %dma_start3A_414 = arith.constant 0 : i32
      %dma_start3A_415 = tpu.memref_slice %arg13[%dma_start3A_413, %dma_start3A_414] : memref<3x80xi32, #tpu.memory_space<vmem>> -> memref<1x80xi32, #tpu.memory_space<vmem>>
      %dma_start3A_416 = tpu.memref_squeeze %dma_start3A_415 : memref<1x80xi32, #tpu.memory_space<vmem>> -> memref<80xi32, #tpu.memory_space<vmem>>
      %dma_start3A_417 = tpu.memref_slice %arg4[%add3A_412] : memref<160000xi32, #tpu.memory_space<hbm>> -> memref<80xi32, #tpu.memory_space<hbm>>
      %dma_start3A_418 = arith.constant 0 : i32
      %dma_start3A_419 = tpu.memref_slice %arg13[%dma_start3A_413, %dma_start3A_418] : memref<3x80xi32, #tpu.memory_space<vmem>> -> memref<1x80xi32, #tpu.memory_space<vmem>>
      %dma_start3A_420 = tpu.memref_squeeze %dma_start3A_419 : memref<1x80xi32, #tpu.memory_space<vmem>> -> memref<80xi32, #tpu.memory_space<vmem>>
      %dma_start3A_421 = tpu.memref_slice %arg4[%add3A_412] : memref<160000xi32, #tpu.memory_space<hbm>> -> memref<80xi32, #tpu.memory_space<hbm>>
      tpu.enqueue_dma source(%dma_start3A_421 : memref<80xi32, #tpu.memory_space<hbm>>) target(%dma_start3A_420 : memref<80xi32, #tpu.memory_space<vmem>>) target_semaphore(%arg21 : memref<!tpu.dma_semaphore, #tpu.memory_space<semaphore_mem>>)
      %dma_start3A_422 = arith.constant 1 : i32
      %dma_start3A_423 = arith.constant 0 : i32
      %dma_start3A_424 = tpu.memref_slice %arg14[%dma_start3A_422, %dma_start3A_423] : memref<3x80xi32, #tpu.memory_space<vmem>> -> memref<1x80xi32, #tpu.memory_space<vmem>>
      %dma_start3A_425 = tpu.memref_squeeze %dma_start3A_424 : memref<1x80xi32, #tpu.memory_space<vmem>> -> memref<80xi32, #tpu.memory_space<vmem>>
      %dma_start3A_426 = tpu.memref_slice %arg6[%add3A_412] : memref<160000xi32, #tpu.memory_space<hbm>> -> memref<80xi32, #tpu.memory_space<hbm>>
      %dma_start3A_427 = arith.constant 0 : i32
      %dma_start3A_428 = tpu.memref_slice %arg14[%dma_start3A_422, %dma_start3A_427] : memref<3x80xi32, #tpu.memory_space<vmem>> -> memref<1x80xi32, #tpu.memory_space<vmem>>
      %dma_start3A_429 = tpu.memref_squeeze %dma_start3A_428 : memref<1x80xi32, #tpu.memory_space<vmem>> -> memref<80xi32, #tpu.memory_space<vmem>>
      %dma_start3A_430 = tpu.memref_slice %arg6[%add3A_412] : memref<160000xi32, #tpu.memory_space<hbm>> -> memref<80xi32, #tpu.memory_space<hbm>>
      tpu.enqueue_dma source(%dma_start3A_430 : memref<80xi32, #tpu.memory_space<hbm>>) target(%dma_start3A_429 : memref<80xi32, #tpu.memory_space<vmem>>) target_semaphore(%arg21 : memref<!tpu.dma_semaphore, #tpu.memory_space<semaphore_mem>>)
      %dma_start3A_431 = arith.constant 1 : i32
      %dma_start3A_432 = arith.constant 0 : i32
      %dma_start3A_433 = tpu.memref_slice %arg15[%dma_start3A_431, %dma_start3A_432] : memref<3x80xi32, #tpu.memory_space<vmem>> -> memref<1x80xi32, #tpu.memory_space<vmem>>
      %dma_start3A_434 = tpu.memref_squeeze %dma_start3A_433 : memref<1x80xi32, #tpu.memory_space<vmem>> -> memref<80xi32, #tpu.memory_space<vmem>>
      %dma_start3A_435 = tpu.memref_slice %arg8[%add3A_412] : memref<160000xi32, #tpu.memory_space<hbm>> -> memref<80xi32, #tpu.memory_space<hbm>>
      %dma_start3A_436 = arith.constant 0 : i32
      %dma_start3A_437 = tpu.memref_slice %arg15[%dma_start3A_431, %dma_start3A_436] : memref<3x80xi32, #tpu.memory_space<vmem>> -> memref<1x80xi32, #tpu.memory_space<vmem>>
      %dma_start3A_438 = tpu.memref_squeeze %dma_start3A_437 : memref<1x80xi32, #tpu.memory_space<vmem>> -> memref<80xi32, #tpu.memory_space<vmem>>
      %dma_start3A_439 = tpu.memref_slice %arg8[%add3A_412] : memref<160000xi32, #tpu.memory_space<hbm>> -> memref<80xi32, #tpu.memory_space<hbm>>
      tpu.enqueue_dma source(%dma_start3A_439 : memref<80xi32, #tpu.memory_space<hbm>>) target(%dma_start3A_438 : memref<80xi32, #tpu.memory_space<vmem>>) target_semaphore(%arg21 : memref<!tpu.dma_semaphore, #tpu.memory_space<semaphore_mem>>)
      %dma_wait3A_440 = arith.constant 0 : i32
      %dma_wait3A_441 = arith.constant 0 : i32
      %dma_wait3A_442 = tpu.memref_slice %arg2[%dma_wait3A_440, %dma_wait3A_441] : memref<20000x128xf32, #tpu.memory_space<hbm>> -> memref<80x128xf32, #tpu.memory_space<hbm>>
      %dma_wait3A_443 = arith.constant 0 : i32
      %dma_wait3A_444 = arith.constant 0 : i32
      %dma_wait3A_445 = tpu.memref_slice %arg2[%dma_wait3A_443, %dma_wait3A_444] : memref<20000x128xf32, #tpu.memory_space<hbm>> -> memref<80x128xf32, #tpu.memory_space<hbm>>
      tpu.wait_dma2 semaphore(%arg23 : memref<!tpu.dma_semaphore, #tpu.memory_space<semaphore_mem>>) src(%dma_wait3A_445 : memref<80x128xf32, #tpu.memory_space<hbm>>) dst(%arg16 : memref<80x128xf32, #tpu.memory_space<vmem>>)
      %dma_wait3A_446 = arith.constant 0 : i32
      %dma_wait3A_447 = arith.constant 0 : i32
      %dma_wait3A_448 = tpu.memref_slice %arg3[%dma_wait3A_446, %dma_wait3A_447] : memref<320000x128xf32, #tpu.memory_space<hbm>> -> memref<80x128xf32, #tpu.memory_space<hbm>>
      %dma_wait3A_449 = arith.constant 0 : i32
      %dma_wait3A_450 = arith.constant 0 : i32
      %dma_wait3A_451 = tpu.memref_slice %arg3[%dma_wait3A_449, %dma_wait3A_450] : memref<320000x128xf32, #tpu.memory_space<hbm>> -> memref<80x128xf32, #tpu.memory_space<hbm>>
      tpu.wait_dma2 semaphore(%arg23 : memref<!tpu.dma_semaphore, #tpu.memory_space<semaphore_mem>>) src(%dma_wait3A_451 : memref<80x128xf32, #tpu.memory_space<hbm>>) dst(%arg17 : memref<80x128xf32, #tpu.memory_space<vmem>>)
      %dma_start3A_452 = arith.constant 2 : i32
      %dma_start3A_453 = arith.constant 0 : i32
      %dma_start3A_454 = tpu.memref_slice %arg15[%dma_start3A_452, %dma_start3A_453] : memref<3x80xi32, #tpu.memory_space<vmem>> -> memref<1x80xi32, #tpu.memory_space<vmem>>
      %dma_start3A_455 = tpu.memref_squeeze %dma_start3A_454 : memref<1x80xi32, #tpu.memory_space<vmem>> -> memref<80xi32, #tpu.memory_space<vmem>>
      %dma_start3A_456 = arith.constant 0 : i32
      %dma_start3A_457 = arith.constant 0 : i32
      %dma_start3A_458 = tpu.memref_slice %arg12[%dma_start3A_456, %dma_start3A_457] : memref<10000x128xf32, #tpu.memory_space<vmem_shared>> -> memref<10000x128xf32, #tpu.memory_space<vmem_shared>>
      tpu.enqueue_indirect_dma source(%arg16 : memref<80x128xf32, #tpu.memory_space<vmem>>) target(%dma_start3A_458 : memref<10000x128xf32, #tpu.memory_space<vmem_shared>>) offsets(%dma_start3A_455 : memref<80xi32, #tpu.memory_space<vmem>>) semaphore(%arg25 : memref<!tpu.dma_semaphore, #tpu.memory_space<semaphore_mem>>) {add = true}
      %dma_start3A_459 = arith.constant 2 : i32
      %dma_start3A_460 = arith.constant 0 : i32
      %dma_start3A_461 = tpu.memref_slice %arg15[%dma_start3A_459, %dma_start3A_460] : memref<3x80xi32, #tpu.memory_space<vmem>> -> memref<1x80xi32, #tpu.memory_space<vmem>>
      %dma_start3A_462 = tpu.memref_squeeze %dma_start3A_461 : memref<1x80xi32, #tpu.memory_space<vmem>> -> memref<80xi32, #tpu.memory_space<vmem>>
      %dma_start3A_463 = arith.constant 0 : i32
      %dma_start3A_464 = arith.constant 0 : i32
      %dma_start3A_465 = tpu.memref_slice %arg12[%dma_start3A_463, %dma_start3A_464] : memref<10000x128xf32, #tpu.memory_space<vmem_shared>> -> memref<10000x128xf32, #tpu.memory_space<vmem_shared>>
      tpu.enqueue_indirect_dma source(%arg17 : memref<80x128xf32, #tpu.memory_space<vmem>>) target(%dma_start3A_465 : memref<10000x128xf32, #tpu.memory_space<vmem_shared>>) offsets(%dma_start3A_462 : memref<80xi32, #tpu.memory_space<vmem>>) semaphore(%arg25 : memref<!tpu.dma_semaphore, #tpu.memory_space<semaphore_mem>>) {add = true}
      %dma_wait3A_466 = arith.constant 2 : i32
      %dma_wait3A_467 = arith.constant 0 : i32
      %dma_wait3A_468 = tpu.memref_slice %arg15[%dma_wait3A_466, %dma_wait3A_467] : memref<3x80xi32, #tpu.memory_space<vmem>> -> memref<1x80xi32, #tpu.memory_space<vmem>>
      %dma_wait3A_469 = tpu.memref_squeeze %dma_wait3A_468 : memref<1x80xi32, #tpu.memory_space<vmem>> -> memref<80xi32, #tpu.memory_space<vmem>>
      %dma_wait3A_470 = arith.constant 0 : i32
      %dma_wait3A_471 = arith.constant 0 : i32
      %dma_wait3A_472 = tpu.memref_slice %arg12[%dma_wait3A_470, %dma_wait3A_471] : memref<10000x128xf32, #tpu.memory_space<vmem_shared>> -> memref<10000x128xf32, #tpu.memory_space<vmem_shared>>
      tpu.wait_indirect_dma semaphore(%arg25 : memref<!tpu.dma_semaphore, #tpu.memory_space<semaphore_mem>>) src(%arg16 : memref<80x128xf32, #tpu.memory_space<vmem>>) dst(%dma_wait3A_472 : memref<10000x128xf32, #tpu.memory_space<vmem_shared>>)
      %dma_wait3A_473 = arith.constant 2 : i32
      %dma_wait3A_474 = arith.constant 0 : i32
      %dma_wait3A_475 = tpu.memref_slice %arg15[%dma_wait3A_473, %dma_wait3A_474] : memref<3x80xi32, #tpu.memory_space<vmem>> -> memref<1x80xi32, #tpu.memory_space<vmem>>
      %dma_wait3A_476 = tpu.memref_squeeze %dma_wait3A_475 : memref<1x80xi32, #tpu.memory_space<vmem>> -> memref<80xi32, #tpu.memory_space<vmem>>
      %dma_wait3A_477 = arith.constant 0 : i32
      %dma_wait3A_478 = arith.constant 0 : i32
      %dma_wait3A_479 = tpu.memref_slice %arg12[%dma_wait3A_477, %dma_wait3A_478] : memref<10000x128xf32, #tpu.memory_space<vmem_shared>> -> memref<10000x128xf32, #tpu.memory_space<vmem_shared>>
      tpu.wait_indirect_dma semaphore(%arg25 : memref<!tpu.dma_semaphore, #tpu.memory_space<semaphore_mem>>) src(%arg17 : memref<80x128xf32, #tpu.memory_space<vmem>>) dst(%dma_wait3A_479 : memref<10000x128xf32, #tpu.memory_space<vmem_shared>>)
      %dma_wait3A_480 = arith.constant 1 : i32
      %dma_wait3A_481 = arith.constant 0 : i32
      %dma_wait3A_482 = tpu.memref_slice %arg13[%dma_wait3A_480, %dma_wait3A_481] : memref<3x80xi32, #tpu.memory_space<vmem>> -> memref<1x80xi32, #tpu.memory_space<vmem>>
      %dma_wait3A_483 = tpu.memref_squeeze %dma_wait3A_482 : memref<1x80xi32, #tpu.memory_space<vmem>> -> memref<80xi32, #tpu.memory_space<vmem>>
      %dma_wait3A_484 = arith.constant 0 : i32
      %dma_wait3A_485 = tpu.memref_slice %arg4[%dma_wait3A_484] : memref<160000xi32, #tpu.memory_space<hbm>> -> memref<80xi32, #tpu.memory_space<hbm>>
      %dma_wait3A_486 = arith.constant 0 : i32
      %dma_wait3A_487 = tpu.memref_slice %arg13[%dma_wait3A_480, %dma_wait3A_486] : memref<3x80xi32, #tpu.memory_space<vmem>> -> memref<1x80xi32, #tpu.memory_space<vmem>>
      %dma_wait3A_488 = tpu.memref_squeeze %dma_wait3A_487 : memref<1x80xi32, #tpu.memory_space<vmem>> -> memref<80xi32, #tpu.memory_space<vmem>>
      %dma_wait3A_489 = arith.constant 0 : i32
      %dma_wait3A_490 = tpu.memref_slice %arg4[%dma_wait3A_489] : memref<160000xi32, #tpu.memory_space<hbm>> -> memref<80xi32, #tpu.memory_space<hbm>>
      tpu.wait_dma2 semaphore(%arg21 : memref<!tpu.dma_semaphore, #tpu.memory_space<semaphore_mem>>) src(%dma_wait3A_490 : memref<80xi32, #tpu.memory_space<hbm>>) dst(%dma_wait3A_488 : memref<80xi32, #tpu.memory_space<vmem>>)
      %dma_wait3A_491 = arith.constant 1 : i32
      %dma_wait3A_492 = arith.constant 0 : i32
      %dma_wait3A_493 = tpu.memref_slice %arg14[%dma_wait3A_491, %dma_wait3A_492] : memref<3x80xi32, #tpu.memory_space<vmem>> -> memref<1x80xi32, #tpu.memory_space<vmem>>
      %dma_wait3A_494 = tpu.memref_squeeze %dma_wait3A_493 : memref<1x80xi32, #tpu.memory_space<vmem>> -> memref<80xi32, #tpu.memory_space<vmem>>
      %dma_wait3A_495 = arith.constant 0 : i32
      %dma_wait3A_496 = tpu.memref_slice %arg6[%dma_wait3A_495] : memref<160000xi32, #tpu.memory_space<hbm>> -> memref<80xi32, #tpu.memory_space<hbm>>
      %dma_wait3A_497 = arith.constant 0 : i32
      %dma_wait3A_498 = tpu.memref_slice %arg14[%dma_wait3A_491, %dma_wait3A_497] : memref<3x80xi32, #tpu.memory_space<vmem>> -> memref<1x80xi32, #tpu.memory_space<vmem>>
      %dma_wait3A_499 = tpu.memref_squeeze %dma_wait3A_498 : memref<1x80xi32, #tpu.memory_space<vmem>> -> memref<80xi32, #tpu.memory_space<vmem>>
      %dma_wait3A_500 = arith.constant 0 : i32
      %dma_wait3A_501 = tpu.memref_slice %arg6[%dma_wait3A_500] : memref<160000xi32, #tpu.memory_space<hbm>> -> memref<80xi32, #tpu.memory_space<hbm>>
      tpu.wait_dma2 semaphore(%arg21 : memref<!tpu.dma_semaphore, #tpu.memory_space<semaphore_mem>>) src(%dma_wait3A_501 : memref<80xi32, #tpu.memory_space<hbm>>) dst(%dma_wait3A_499 : memref<80xi32, #tpu.memory_space<vmem>>)
      %dma_wait3A_502 = arith.constant 1 : i32
      %dma_wait3A_503 = arith.constant 0 : i32
      %dma_wait3A_504 = tpu.memref_slice %arg15[%dma_wait3A_502, %dma_wait3A_503] : memref<3x80xi32, #tpu.memory_space<vmem>> -> memref<1x80xi32, #tpu.memory_space<vmem>>
      %dma_wait3A_505 = tpu.memref_squeeze %dma_wait3A_504 : memref<1x80xi32, #tpu.memory_space<vmem>> -> memref<80xi32, #tpu.memory_space<vmem>>
      %dma_wait3A_506 = arith.constant 0 : i32
      %dma_wait3A_507 = tpu.memref_slice %arg8[%dma_wait3A_506] : memref<160000xi32, #tpu.memory_space<hbm>> -> memref<80xi32, #tpu.memory_space<hbm>>
      %dma_wait3A_508 = arith.constant 0 : i32
      %dma_wait3A_509 = tpu.memref_slice %arg15[%dma_wait3A_502, %dma_wait3A_508] : memref<3x80xi32, #tpu.memory_space<vmem>> -> memref<1x80xi32, #tpu.memory_space<vmem>>
      %dma_wait3A_510 = tpu.memref_squeeze %dma_wait3A_509 : memref<1x80xi32, #tpu.memory_space<vmem>> -> memref<80xi32, #tpu.memory_space<vmem>>
      %dma_wait3A_511 = arith.constant 0 : i32
      %dma_wait3A_512 = tpu.memref_slice %arg8[%dma_wait3A_511] : memref<160000xi32, #tpu.memory_space<hbm>> -> memref<80xi32, #tpu.memory_space<hbm>>
      tpu.wait_dma2 semaphore(%arg21 : memref<!tpu.dma_semaphore, #tpu.memory_space<semaphore_mem>>) src(%dma_wait3A_512 : memref<80xi32, #tpu.memory_space<hbm>>) dst(%dma_wait3A_510 : memref<80xi32, #tpu.memory_space<vmem>>)
      %dma_start3A_513 = arith.constant 1 : i32
      %dma_start3A_514 = arith.constant 0 : i32
      %dma_start3A_515 = tpu.memref_slice %arg13[%dma_start3A_513, %dma_start3A_514] : memref<3x80xi32, #tpu.memory_space<vmem>> -> memref<1x80xi32, #tpu.memory_space<vmem>>
      %dma_start3A_516 = tpu.memref_squeeze %dma_start3A_515 : memref<1x80xi32, #tpu.memory_space<vmem>> -> memref<80xi32, #tpu.memory_space<vmem>>
      %dma_start3A_517 = arith.constant 0 : i32
      %dma_start3A_518 = arith.constant 0 : i32
      %dma_start3A_519 = tpu.memref_slice %arg2[%dma_start3A_517, %dma_start3A_518] : memref<20000x128xf32, #tpu.memory_space<hbm>> -> memref<20000x128xf32, #tpu.memory_space<hbm>>
      tpu.enqueue_indirect_dma source(%dma_start3A_519 : memref<20000x128xf32, #tpu.memory_space<hbm>>) target(%arg16 : memref<80x128xf32, #tpu.memory_space<vmem>>) offsets(%dma_start3A_516 : memref<80xi32, #tpu.memory_space<vmem>>) semaphore(%arg23 : memref<!tpu.dma_semaphore, #tpu.memory_space<semaphore_mem>>)
      %dma_start3A_520 = arith.constant 1 : i32
      %dma_start3A_521 = arith.constant 0 : i32
      %dma_start3A_522 = tpu.memref_slice %arg14[%dma_start3A_520, %dma_start3A_521] : memref<3x80xi32, #tpu.memory_space<vmem>> -> memref<1x80xi32, #tpu.memory_space<vmem>>
      %dma_start3A_523 = tpu.memref_squeeze %dma_start3A_522 : memref<1x80xi32, #tpu.memory_space<vmem>> -> memref<80xi32, #tpu.memory_space<vmem>>
      %dma_start3A_524 = arith.constant 0 : i32
      %dma_start3A_525 = arith.constant 0 : i32
      %dma_start3A_526 = tpu.memref_slice %arg3[%dma_start3A_524, %dma_start3A_525] : memref<320000x128xf32, #tpu.memory_space<hbm>> -> memref<320000x128xf32, #tpu.memory_space<hbm>>
      tpu.enqueue_indirect_dma source(%dma_start3A_526 : memref<320000x128xf32, #tpu.memory_space<hbm>>) target(%arg17 : memref<80x128xf32, #tpu.memory_space<vmem>>) offsets(%dma_start3A_523 : memref<80xi32, #tpu.memory_space<vmem>>) semaphore(%arg23 : memref<!tpu.dma_semaphore, #tpu.memory_space<semaphore_mem>>)
      %dma_wait3A_527 = arith.constant 0 : i32
      %dma_wait3A_528 = arith.constant 0 : i32
      %dma_wait3A_529 = tpu.memref_slice %arg2[%dma_wait3A_527, %dma_wait3A_528] : memref<20000x128xf32, #tpu.memory_space<hbm>> -> memref<80x128xf32, #tpu.memory_space<hbm>>
      %dma_wait3A_530 = arith.constant 0 : i32
      %dma_wait3A_531 = arith.constant 0 : i32
      %dma_wait3A_532 = tpu.memref_slice %arg2[%dma_wait3A_530, %dma_wait3A_531] : memref<20000x128xf32, #tpu.memory_space<hbm>> -> memref<80x128xf32, #tpu.memory_space<hbm>>
      tpu.wait_dma2 semaphore(%arg24 : memref<!tpu.dma_semaphore, #tpu.memory_space<semaphore_mem>>) src(%dma_wait3A_532 : memref<80x128xf32, #tpu.memory_space<hbm>>) dst(%arg18 : memref<80x128xf32, #tpu.memory_space<vmem>>)
      %dma_wait3A_533 = arith.constant 0 : i32
      %dma_wait3A_534 = arith.constant 0 : i32
      %dma_wait3A_535 = tpu.memref_slice %arg3[%dma_wait3A_533, %dma_wait3A_534] : memref<320000x128xf32, #tpu.memory_space<hbm>> -> memref<80x128xf32, #tpu.memory_space<hbm>>
      %dma_wait3A_536 = arith.constant 0 : i32
      %dma_wait3A_537 = arith.constant 0 : i32
      %dma_wait3A_538 = tpu.memref_slice %arg3[%dma_wait3A_536, %dma_wait3A_537] : memref<320000x128xf32, #tpu.memory_space<hbm>> -> memref<80x128xf32, #tpu.memory_space<hbm>>
      tpu.wait_dma2 semaphore(%arg24 : memref<!tpu.dma_semaphore, #tpu.memory_space<semaphore_mem>>) src(%dma_wait3A_538 : memref<80x128xf32, #tpu.memory_space<hbm>>) dst(%arg19 : memref<80x128xf32, #tpu.memory_space<vmem>>)
      %dma_start3A_539 = arith.constant 0 : i32
      %dma_start3A_540 = arith.constant 0 : i32
      %dma_start3A_541 = tpu.memref_slice %arg15[%dma_start3A_539, %dma_start3A_540] : memref<3x80xi32, #tpu.memory_space<vmem>> -> memref<1x80xi32, #tpu.memory_space<vmem>>
      %dma_start3A_542 = tpu.memref_squeeze %dma_start3A_541 : memref<1x80xi32, #tpu.memory_space<vmem>> -> memref<80xi32, #tpu.memory_space<vmem>>
      %dma_start3A_543 = arith.constant 0 : i32
      %dma_start3A_544 = arith.constant 0 : i32
      %dma_start3A_545 = tpu.memref_slice %arg12[%dma_start3A_543, %dma_start3A_544] : memref<10000x128xf32, #tpu.memory_space<vmem_shared>> -> memref<10000x128xf32, #tpu.memory_space<vmem_shared>>
      tpu.enqueue_indirect_dma source(%arg18 : memref<80x128xf32, #tpu.memory_space<vmem>>) target(%dma_start3A_545 : memref<10000x128xf32, #tpu.memory_space<vmem_shared>>) offsets(%dma_start3A_542 : memref<80xi32, #tpu.memory_space<vmem>>) semaphore(%arg25 : memref<!tpu.dma_semaphore, #tpu.memory_space<semaphore_mem>>) {add = true}
      %dma_start3A_546 = arith.constant 0 : i32
      %dma_start3A_547 = arith.constant 0 : i32
      %dma_start3A_548 = tpu.memref_slice %arg15[%dma_start3A_546, %dma_start3A_547] : memref<3x80xi32, #tpu.memory_space<vmem>> -> memref<1x80xi32, #tpu.memory_space<vmem>>
      %dma_start3A_549 = tpu.memref_squeeze %dma_start3A_548 : memref<1x80xi32, #tpu.memory_space<vmem>> -> memref<80xi32, #tpu.memory_space<vmem>>
      %dma_start3A_550 = arith.constant 0 : i32
      %dma_start3A_551 = arith.constant 0 : i32
      %dma_start3A_552 = tpu.memref_slice %arg12[%dma_start3A_550, %dma_start3A_551] : memref<10000x128xf32, #tpu.memory_space<vmem_shared>> -> memref<10000x128xf32, #tpu.memory_space<vmem_shared>>
      tpu.enqueue_indirect_dma source(%arg19 : memref<80x128xf32, #tpu.memory_space<vmem>>) target(%dma_start3A_552 : memref<10000x128xf32, #tpu.memory_space<vmem_shared>>) offsets(%dma_start3A_549 : memref<80xi32, #tpu.memory_space<vmem>>) semaphore(%arg25 : memref<!tpu.dma_semaphore, #tpu.memory_space<semaphore_mem>>) {add = true}
      %dma_wait3A_553 = arith.constant 0 : i32
      %dma_wait3A_554 = arith.constant 0 : i32
      %dma_wait3A_555 = tpu.memref_slice %arg15[%dma_wait3A_553, %dma_wait3A_554] : memref<3x80xi32, #tpu.memory_space<vmem>> -> memref<1x80xi32, #tpu.memory_space<vmem>>
      %dma_wait3A_556 = tpu.memref_squeeze %dma_wait3A_555 : memref<1x80xi32, #tpu.memory_space<vmem>> -> memref<80xi32, #tpu.memory_space<vmem>>
      %dma_wait3A_557 = arith.constant 0 : i32
      %dma_wait3A_558 = arith.constant 0 : i32
      %dma_wait3A_559 = tpu.memref_slice %arg12[%dma_wait3A_557, %dma_wait3A_558] : memref<10000x128xf32, #tpu.memory_space<vmem_shared>> -> memref<10000x128xf32, #tpu.memory_space<vmem_shared>>
      tpu.wait_indirect_dma semaphore(%arg25 : memref<!tpu.dma_semaphore, #tpu.memory_space<semaphore_mem>>) src(%arg18 : memref<80x128xf32, #tpu.memory_space<vmem>>) dst(%dma_wait3A_559 : memref<10000x128xf32, #tpu.memory_space<vmem_shared>>)
      %dma_wait3A_560 = arith.constant 0 : i32
      %dma_wait3A_561 = arith.constant 0 : i32
      %dma_wait3A_562 = tpu.memref_slice %arg15[%dma_wait3A_560, %dma_wait3A_561] : memref<3x80xi32, #tpu.memory_space<vmem>> -> memref<1x80xi32, #tpu.memory_space<vmem>>
      %dma_wait3A_563 = tpu.memref_squeeze %dma_wait3A_562 : memref<1x80xi32, #tpu.memory_space<vmem>> -> memref<80xi32, #tpu.memory_space<vmem>>
      %dma_wait3A_564 = arith.constant 0 : i32
      %dma_wait3A_565 = arith.constant 0 : i32
      %dma_wait3A_566 = tpu.memref_slice %arg12[%dma_wait3A_564, %dma_wait3A_565] : memref<10000x128xf32, #tpu.memory_space<vmem_shared>> -> memref<10000x128xf32, #tpu.memory_space<vmem_shared>>
      tpu.wait_indirect_dma semaphore(%arg25 : memref<!tpu.dma_semaphore, #tpu.memory_space<semaphore_mem>>) src(%arg19 : memref<80x128xf32, #tpu.memory_space<vmem>>) dst(%dma_wait3A_566 : memref<10000x128xf32, #tpu.memory_space<vmem_shared>>)
      %dma_wait3A_567 = arith.constant 0 : i32
      %dma_wait3A_568 = arith.constant 0 : i32
      %dma_wait3A_569 = tpu.memref_slice %arg2[%dma_wait3A_567, %dma_wait3A_568] : memref<20000x128xf32, #tpu.memory_space<hbm>> -> memref<80x128xf32, #tpu.memory_space<hbm>>
      %dma_wait3A_570 = arith.constant 0 : i32
      %dma_wait3A_571 = arith.constant 0 : i32
      %dma_wait3A_572 = tpu.memref_slice %arg2[%dma_wait3A_570, %dma_wait3A_571] : memref<20000x128xf32, #tpu.memory_space<hbm>> -> memref<80x128xf32, #tpu.memory_space<hbm>>
      tpu.wait_dma2 semaphore(%arg23 : memref<!tpu.dma_semaphore, #tpu.memory_space<semaphore_mem>>) src(%dma_wait3A_572 : memref<80x128xf32, #tpu.memory_space<hbm>>) dst(%arg16 : memref<80x128xf32, #tpu.memory_space<vmem>>)
      %dma_wait3A_573 = arith.constant 0 : i32
      %dma_wait3A_574 = arith.constant 0 : i32
      %dma_wait3A_575 = tpu.memref_slice %arg3[%dma_wait3A_573, %dma_wait3A_574] : memref<320000x128xf32, #tpu.memory_space<hbm>> -> memref<80x128xf32, #tpu.memory_space<hbm>>
      %dma_wait3A_576 = arith.constant 0 : i32
      %dma_wait3A_577 = arith.constant 0 : i32
      %dma_wait3A_578 = tpu.memref_slice %arg3[%dma_wait3A_576, %dma_wait3A_577] : memref<320000x128xf32, #tpu.memory_space<hbm>> -> memref<80x128xf32, #tpu.memory_space<hbm>>
      tpu.wait_dma2 semaphore(%arg23 : memref<!tpu.dma_semaphore, #tpu.memory_space<semaphore_mem>>) src(%dma_wait3A_578 : memref<80x128xf32, #tpu.memory_space<hbm>>) dst(%arg17 : memref<80x128xf32, #tpu.memory_space<vmem>>)
      %dma_start3A_579 = arith.constant 1 : i32
      %dma_start3A_580 = arith.constant 0 : i32
      %dma_start3A_581 = tpu.memref_slice %arg15[%dma_start3A_579, %dma_start3A_580] : memref<3x80xi32, #tpu.memory_space<vmem>> -> memref<1x80xi32, #tpu.memory_space<vmem>>
      %dma_start3A_582 = tpu.memref_squeeze %dma_start3A_581 : memref<1x80xi32, #tpu.memory_space<vmem>> -> memref<80xi32, #tpu.memory_space<vmem>>
      %dma_start3A_583 = arith.constant 0 : i32
      %dma_start3A_584 = arith.constant 0 : i32
      %dma_start3A_585 = tpu.memref_slice %arg12[%dma_start3A_583, %dma_start3A_584] : memref<10000x128xf32, #tpu.memory_space<vmem_shared>> -> memref<10000x128xf32, #tpu.memory_space<vmem_shared>>
      tpu.enqueue_indirect_dma source(%arg16 : memref<80x128xf32, #tpu.memory_space<vmem>>) target(%dma_start3A_585 : memref<10000x128xf32, #tpu.memory_space<vmem_shared>>) offsets(%dma_start3A_582 : memref<80xi32, #tpu.memory_space<vmem>>) semaphore(%arg25 : memref<!tpu.dma_semaphore, #tpu.memory_space<semaphore_mem>>) {add = true}
      %dma_start3A_586 = arith.constant 1 : i32
      %dma_start3A_587 = arith.constant 0 : i32
      %dma_start3A_588 = tpu.memref_slice %arg15[%dma_start3A_586, %dma_start3A_587] : memref<3x80xi32, #tpu.memory_space<vmem>> -> memref<1x80xi32, #tpu.memory_space<vmem>>
      %dma_start3A_589 = tpu.memref_squeeze %dma_start3A_588 : memref<1x80xi32, #tpu.memory_space<vmem>> -> memref<80xi32, #tpu.memory_space<vmem>>
      %dma_start3A_590 = arith.constant 0 : i32
      %dma_start3A_591 = arith.constant 0 : i32
      %dma_start3A_592 = tpu.memref_slice %arg12[%dma_start3A_590, %dma_start3A_591] : memref<10000x128xf32, #tpu.memory_space<vmem_shared>> -> memref<10000x128xf32, #tpu.memory_space<vmem_shared>>
      tpu.enqueue_indirect_dma source(%arg17 : memref<80x128xf32, #tpu.memory_space<vmem>>) target(%dma_start3A_592 : memref<10000x128xf32, #tpu.memory_space<vmem_shared>>) offsets(%dma_start3A_589 : memref<80xi32, #tpu.memory_space<vmem>>) semaphore(%arg25 : memref<!tpu.dma_semaphore, #tpu.memory_space<semaphore_mem>>) {add = true}
      %dma_wait3A_593 = arith.constant 1 : i32
      %dma_wait3A_594 = arith.constant 0 : i32
      %dma_wait3A_595 = tpu.memref_slice %arg15[%dma_wait3A_593, %dma_wait3A_594] : memref<3x80xi32, #tpu.memory_space<vmem>> -> memref<1x80xi32, #tpu.memory_space<vmem>>
      %dma_wait3A_596 = tpu.memref_squeeze %dma_wait3A_595 : memref<1x80xi32, #tpu.memory_space<vmem>> -> memref<80xi32, #tpu.memory_space<vmem>>
      %dma_wait3A_597 = arith.constant 0 : i32
      %dma_wait3A_598 = arith.constant 0 : i32
      %dma_wait3A_599 = tpu.memref_slice %arg12[%dma_wait3A_597, %dma_wait3A_598] : memref<10000x128xf32, #tpu.memory_space<vmem_shared>> -> memref<10000x128xf32, #tpu.memory_space<vmem_shared>>
      tpu.wait_indirect_dma semaphore(%arg25 : memref<!tpu.dma_semaphore, #tpu.memory_space<semaphore_mem>>) src(%arg16 : memref<80x128xf32, #tpu.memory_space<vmem>>) dst(%dma_wait3A_599 : memref<10000x128xf32, #tpu.memory_space<vmem_shared>>)
      %dma_wait3A_600 = arith.constant 1 : i32
      %dma_wait3A_601 = arith.constant 0 : i32
      %dma_wait3A_602 = tpu.memref_slice %arg15[%dma_wait3A_600, %dma_wait3A_601] : memref<3x80xi32, #tpu.memory_space<vmem>> -> memref<1x80xi32, #tpu.memory_space<vmem>>
      %dma_wait3A_603 = tpu.memref_squeeze %dma_wait3A_602 : memref<1x80xi32, #tpu.memory_space<vmem>> -> memref<80xi32, #tpu.memory_space<vmem>>
      %dma_wait3A_604 = arith.constant 0 : i32
      %dma_wait3A_605 = arith.constant 0 : i32
      %dma_wait3A_606 = tpu.memref_slice %arg12[%dma_wait3A_604, %dma_wait3A_605] : memref<10000x128xf32, #tpu.memory_space<vmem_shared>> -> memref<10000x128xf32, #tpu.memory_space<vmem_shared>>
      tpu.wait_indirect_dma semaphore(%arg25 : memref<!tpu.dma_semaphore, #tpu.memory_space<semaphore_mem>>) src(%arg17 : memref<80x128xf32, #tpu.memory_space<vmem>>) dst(%dma_wait3A_606 : memref<10000x128xf32, #tpu.memory_space<vmem_shared>>)
      %barrier3A_607 = arith.constant 0 : index
      tpu.barrier barrier_id(%barrier3A_607)
      %lt3A_608 = arith.constant 15 : i32
      %lt3A_609 = arith.cmpi slt, %arg1, %lt3A_608 : i32
      %convert_element_type3A_610 = arith.extui %lt3A_609 : i1 to i32
      %cond3A_611 = arith.constant 0 : i32
      %cond3A_612 = arith.cmpi ne, %convert_element_type3A_610, %cond3A_611 : i32
      scf.if %cond3A_612 {
        %mul3A_618 = arith.constant 624 : i32
        %mul3A_619 = arith.muli %arg1, %mul3A_618 : i32
        %mul3A_620 = arith.constant 624 : i32
        %mul3A_621 = arith.muli %arg1, %mul3A_620 : i32
        "tpu.region"() ({
          %run_scoped3A = tpu.sem_alloc : memref<!tpu.dma_semaphore, #tpu.memory_space<semaphore_mem>>
          %dma_start3A_622 = arith.constant 0 : i32
          %dma_start3A_623 = tpu.memref_slice %arg10[%mul3A_621, %dma_start3A_622] : memref<10000x128xf32, #tpu.memory_space<hbm>> -> memref<624x128xf32, #tpu.memory_space<hbm>>
          %dma_start3A_624 = arith.constant 0 : i32
          %dma_start3A_625 = tpu.memref_slice %arg12[%mul3A_619, %dma_start3A_624] : memref<10000x128xf32, #tpu.memory_space<vmem_shared>> -> memref<624x128xf32, #tpu.memory_space<vmem_shared>>
          tpu.enqueue_dma source(%dma_start3A_625 : memref<624x128xf32, #tpu.memory_space<vmem_shared>>) target(%dma_start3A_623 : memref<624x128xf32, #tpu.memory_space<hbm>>) target_semaphore(%run_scoped3A : memref<!tpu.dma_semaphore, #tpu.memory_space<semaphore_mem>>)
          %dma_wait3A_626 = arith.constant 0 : i32
          %dma_wait3A_627 = tpu.memref_slice %arg10[%mul3A_621, %dma_wait3A_626] : memref<10000x128xf32, #tpu.memory_space<hbm>> -> memref<624x128xf32, #tpu.memory_space<hbm>>
          %dma_wait3A_628 = arith.constant 0 : i32
          %dma_wait3A_629 = tpu.memref_slice %arg12[%mul3A_619, %dma_wait3A_628] : memref<10000x128xf32, #tpu.memory_space<vmem_shared>> -> memref<624x128xf32, #tpu.memory_space<vmem_shared>>
          tpu.wait_dma2 semaphore(%run_scoped3A : memref<!tpu.dma_semaphore, #tpu.memory_space<semaphore_mem>>) src(%dma_wait3A_629 : memref<624x128xf32, #tpu.memory_space<vmem_shared>>) dst(%dma_wait3A_627 : memref<624x128xf32, #tpu.memory_space<hbm>>)
          tpu.yield
        }) : () -> ()
      } else {
      }
      %eq3A_613 = arith.constant 15 : i32
      %eq3A_614 = arith.cmpi eq, %arg1, %eq3A_613 : i32
      %convert_element_type3A_615 = arith.extui %eq3A_614 : i1 to i32
      %cond3A_616 = arith.constant 0 : i32
      %cond3A_617 = arith.cmpi ne, %convert_element_type3A_615, %cond3A_616 : i32
      scf.if %cond3A_617 {
        "tpu.region"() ({
          %run_scoped3A = tpu.sem_alloc : memref<!tpu.dma_semaphore, #tpu.memory_space<semaphore_mem>>
          %dma_start3A_618 = arith.constant 9360 : i32
          %dma_start3A_619 = arith.constant 0 : i32
          %dma_start3A_620 = tpu.memref_slice %arg10[%dma_start3A_618, %dma_start3A_619] : memref<10000x128xf32, #tpu.memory_space<hbm>> -> memref<640x128xf32, #tpu.memory_space<hbm>>
          %dma_start3A_621 = arith.constant 9360 : i32
          %dma_start3A_622 = arith.constant 0 : i32
          %dma_start3A_623 = tpu.memref_slice %arg12[%dma_start3A_621, %dma_start3A_622] : memref<10000x128xf32, #tpu.memory_space<vmem_shared>> -> memref<640x128xf32, #tpu.memory_space<vmem_shared>>
          tpu.enqueue_dma source(%dma_start3A_623 : memref<640x128xf32, #tpu.memory_space<vmem_shared>>) target(%dma_start3A_620 : memref<640x128xf32, #tpu.memory_space<hbm>>) target_semaphore(%run_scoped3A : memref<!tpu.dma_semaphore, #tpu.memory_space<semaphore_mem>>)
          %dma_wait3A_624 = arith.constant 9360 : i32
          %dma_wait3A_625 = arith.constant 0 : i32
          %dma_wait3A_626 = tpu.memref_slice %arg10[%dma_wait3A_624, %dma_wait3A_625] : memref<10000x128xf32, #tpu.memory_space<hbm>> -> memref<640x128xf32, #tpu.memory_space<hbm>>
          %dma_wait3A_627 = arith.constant 9360 : i32
          %dma_wait3A_628 = arith.constant 0 : i32
          %dma_wait3A_629 = tpu.memref_slice %arg12[%dma_wait3A_627, %dma_wait3A_628] : memref<10000x128xf32, #tpu.memory_space<vmem_shared>> -> memref<640x128xf32, #tpu.memory_space<vmem_shared>>
          tpu.wait_dma2 semaphore(%run_scoped3A : memref<!tpu.dma_semaphore, #tpu.memory_space<semaphore_mem>>) src(%dma_wait3A_629 : memref<640x128xf32, #tpu.memory_space<vmem_shared>>) dst(%dma_wait3A_626 : memref<640x128xf32, #tpu.memory_space<hbm>>)
          tpu.yield
        }) : () -> ()
      } else {
      }
    } else {
    }
    %eq3A_2 = arith.constant 1 : i32
    %eq3A_3 = arith.cmpi eq, %arg0, %eq3A_2 : i32
    %convert_element_type3A_4 = arith.extui %eq3A_3 : i1 to i32
    %cond3A_5 = arith.constant 0 : i32
    %cond3A_6 = arith.cmpi ne, %convert_element_type3A_4, %cond3A_5 : i32
    scf.if %cond3A_6 {
      %mul3A = arith.constant 10000 : i32
      %mul3A_7 = arith.muli %arg1, %mul3A : i32
      %add3A = arith.constant 0 : i32
      %add3A_8 = arith.addi %mul3A_7, %add3A : i32
      %dma_start3A = arith.constant 0 : i32
      %dma_start3A_9 = arith.constant 0 : i32
      %dma_start3A_10 = tpu.memref_slice %arg13[%dma_start3A, %dma_start3A_9] : memref<3x80xi32, #tpu.memory_space<vmem>> -> memref<1x80xi32, #tpu.memory_space<vmem>>
      %dma_start3A_11 = tpu.memref_squeeze %dma_start3A_10 : memref<1x80xi32, #tpu.memory_space<vmem>> -> memref<80xi32, #tpu.memory_space<vmem>>
      %dma_start3A_12 = tpu.memref_slice %arg5[%add3A_8] : memref<160000xi32, #tpu.memory_space<hbm>> -> memref<80xi32, #tpu.memory_space<hbm>>
      %dma_start3A_13 = arith.constant 0 : i32
      %dma_start3A_14 = tpu.memref_slice %arg13[%dma_start3A, %dma_start3A_13] : memref<3x80xi32, #tpu.memory_space<vmem>> -> memref<1x80xi32, #tpu.memory_space<vmem>>
      %dma_start3A_15 = tpu.memref_squeeze %dma_start3A_14 : memref<1x80xi32, #tpu.memory_space<vmem>> -> memref<80xi32, #tpu.memory_space<vmem>>
      %dma_start3A_16 = tpu.memref_slice %arg5[%add3A_8] : memref<160000xi32, #tpu.memory_space<hbm>> -> memref<80xi32, #tpu.memory_space<hbm>>
      tpu.enqueue_dma source(%dma_start3A_16 : memref<80xi32, #tpu.memory_space<hbm>>) target(%dma_start3A_15 : memref<80xi32, #tpu.memory_space<vmem>>) target_semaphore(%arg20 : memref<!tpu.dma_semaphore, #tpu.memory_space<semaphore_mem>>)
      %dma_start3A_17 = arith.constant 0 : i32
      %dma_start3A_18 = arith.constant 0 : i32
      %dma_start3A_19 = tpu.memref_slice %arg14[%dma_start3A_17, %dma_start3A_18] : memref<3x80xi32, #tpu.memory_space<vmem>> -> memref<1x80xi32, #tpu.memory_space<vmem>>
      %dma_start3A_20 = tpu.memref_squeeze %dma_start3A_19 : memref<1x80xi32, #tpu.memory_space<vmem>> -> memref<80xi32, #tpu.memory_space<vmem>>
      %dma_start3A_21 = tpu.memref_slice %arg7[%add3A_8] : memref<160000xi32, #tpu.memory_space<hbm>> -> memref<80xi32, #tpu.memory_space<hbm>>
      %dma_start3A_22 = arith.constant 0 : i32
      %dma_start3A_23 = tpu.memref_slice %arg14[%dma_start3A_17, %dma_start3A_22] : memref<3x80xi32, #tpu.memory_space<vmem>> -> memref<1x80xi32, #tpu.memory_space<vmem>>
      %dma_start3A_24 = tpu.memref_squeeze %dma_start3A_23 : memref<1x80xi32, #tpu.memory_space<vmem>> -> memref<80xi32, #tpu.memory_space<vmem>>
      %dma_start3A_25 = tpu.memref_slice %arg7[%add3A_8] : memref<160000xi32, #tpu.memory_space<hbm>> -> memref<80xi32, #tpu.memory_space<hbm>>
      tpu.enqueue_dma source(%dma_start3A_25 : memref<80xi32, #tpu.memory_space<hbm>>) target(%dma_start3A_24 : memref<80xi32, #tpu.memory_space<vmem>>) target_semaphore(%arg20 : memref<!tpu.dma_semaphore, #tpu.memory_space<semaphore_mem>>)
      %dma_start3A_26 = arith.constant 0 : i32
      %dma_start3A_27 = arith.constant 0 : i32
      %dma_start3A_28 = tpu.memref_slice %arg15[%dma_start3A_26, %dma_start3A_27] : memref<3x80xi32, #tpu.memory_space<vmem>> -> memref<1x80xi32, #tpu.memory_space<vmem>>
      %dma_start3A_29 = tpu.memref_squeeze %dma_start3A_28 : memref<1x80xi32, #tpu.memory_space<vmem>> -> memref<80xi32, #tpu.memory_space<vmem>>
      %dma_start3A_30 = tpu.memref_slice %arg8[%add3A_8] : memref<160000xi32, #tpu.memory_space<hbm>> -> memref<80xi32, #tpu.memory_space<hbm>>
      %dma_start3A_31 = arith.constant 0 : i32
      %dma_start3A_32 = tpu.memref_slice %arg15[%dma_start3A_26, %dma_start3A_31] : memref<3x80xi32, #tpu.memory_space<vmem>> -> memref<1x80xi32, #tpu.memory_space<vmem>>
      %dma_start3A_33 = tpu.memref_squeeze %dma_start3A_32 : memref<1x80xi32, #tpu.memory_space<vmem>> -> memref<80xi32, #tpu.memory_space<vmem>>
      %dma_start3A_34 = tpu.memref_slice %arg8[%add3A_8] : memref<160000xi32, #tpu.memory_space<hbm>> -> memref<80xi32, #tpu.memory_space<hbm>>
      tpu.enqueue_dma source(%dma_start3A_34 : memref<80xi32, #tpu.memory_space<hbm>>) target(%dma_start3A_33 : memref<80xi32, #tpu.memory_space<vmem>>) target_semaphore(%arg20 : memref<!tpu.dma_semaphore, #tpu.memory_space<semaphore_mem>>)
      %dma_wait3A = arith.constant 0 : i32
      %dma_wait3A_35 = arith.constant 0 : i32
      %dma_wait3A_36 = tpu.memref_slice %arg13[%dma_wait3A, %dma_wait3A_35] : memref<3x80xi32, #tpu.memory_space<vmem>> -> memref<1x80xi32, #tpu.memory_space<vmem>>
      %dma_wait3A_37 = tpu.memref_squeeze %dma_wait3A_36 : memref<1x80xi32, #tpu.memory_space<vmem>> -> memref<80xi32, #tpu.memory_space<vmem>>
      %dma_wait3A_38 = arith.constant 0 : i32
      %dma_wait3A_39 = tpu.memref_slice %arg5[%dma_wait3A_38] : memref<160000xi32, #tpu.memory_space<hbm>> -> memref<80xi32, #tpu.memory_space<hbm>>
      %dma_wait3A_40 = arith.constant 0 : i32
      %dma_wait3A_41 = tpu.memref_slice %arg13[%dma_wait3A, %dma_wait3A_40] : memref<3x80xi32, #tpu.memory_space<vmem>> -> memref<1x80xi32, #tpu.memory_space<vmem>>
      %dma_wait3A_42 = tpu.memref_squeeze %dma_wait3A_41 : memref<1x80xi32, #tpu.memory_space<vmem>> -> memref<80xi32, #tpu.memory_space<vmem>>
      %dma_wait3A_43 = arith.constant 0 : i32
      %dma_wait3A_44 = tpu.memref_slice %arg5[%dma_wait3A_43] : memref<160000xi32, #tpu.memory_space<hbm>> -> memref<80xi32, #tpu.memory_space<hbm>>
      tpu.wait_dma2 semaphore(%arg20 : memref<!tpu.dma_semaphore, #tpu.memory_space<semaphore_mem>>) src(%dma_wait3A_44 : memref<80xi32, #tpu.memory_space<hbm>>) dst(%dma_wait3A_42 : memref<80xi32, #tpu.memory_space<vmem>>)
      %dma_wait3A_45 = arith.constant 0 : i32
      %dma_wait3A_46 = arith.constant 0 : i32
      %dma_wait3A_47 = tpu.memref_slice %arg14[%dma_wait3A_45, %dma_wait3A_46] : memref<3x80xi32, #tpu.memory_space<vmem>> -> memref<1x80xi32, #tpu.memory_space<vmem>>
      %dma_wait3A_48 = tpu.memref_squeeze %dma_wait3A_47 : memref<1x80xi32, #tpu.memory_space<vmem>> -> memref<80xi32, #tpu.memory_space<vmem>>
      %dma_wait3A_49 = arith.constant 0 : i32
      %dma_wait3A_50 = tpu.memref_slice %arg7[%dma_wait3A_49] : memref<160000xi32, #tpu.memory_space<hbm>> -> memref<80xi32, #tpu.memory_space<hbm>>
      %dma_wait3A_51 = arith.constant 0 : i32
      %dma_wait3A_52 = tpu.memref_slice %arg14[%dma_wait3A_45, %dma_wait3A_51] : memref<3x80xi32, #tpu.memory_space<vmem>> -> memref<1x80xi32, #tpu.memory_space<vmem>>
      %dma_wait3A_53 = tpu.memref_squeeze %dma_wait3A_52 : memref<1x80xi32, #tpu.memory_space<vmem>> -> memref<80xi32, #tpu.memory_space<vmem>>
      %dma_wait3A_54 = arith.constant 0 : i32
      %dma_wait3A_55 = tpu.memref_slice %arg7[%dma_wait3A_54] : memref<160000xi32, #tpu.memory_space<hbm>> -> memref<80xi32, #tpu.memory_space<hbm>>
      tpu.wait_dma2 semaphore(%arg20 : memref<!tpu.dma_semaphore, #tpu.memory_space<semaphore_mem>>) src(%dma_wait3A_55 : memref<80xi32, #tpu.memory_space<hbm>>) dst(%dma_wait3A_53 : memref<80xi32, #tpu.memory_space<vmem>>)
      %dma_wait3A_56 = arith.constant 0 : i32
      %dma_wait3A_57 = arith.constant 0 : i32
      %dma_wait3A_58 = tpu.memref_slice %arg15[%dma_wait3A_56, %dma_wait3A_57] : memref<3x80xi32, #tpu.memory_space<vmem>> -> memref<1x80xi32, #tpu.memory_space<vmem>>
      %dma_wait3A_59 = tpu.memref_squeeze %dma_wait3A_58 : memref<1x80xi32, #tpu.memory_space<vmem>> -> memref<80xi32, #tpu.memory_space<vmem>>
      %dma_wait3A_60 = arith.constant 0 : i32
      %dma_wait3A_61 = tpu.memref_slice %arg8[%dma_wait3A_60] : memref<160000xi32, #tpu.memory_space<hbm>> -> memref<80xi32, #tpu.memory_space<hbm>>
      %dma_wait3A_62 = arith.constant 0 : i32
      %dma_wait3A_63 = tpu.memref_slice %arg15[%dma_wait3A_56, %dma_wait3A_62] : memref<3x80xi32, #tpu.memory_space<vmem>> -> memref<1x80xi32, #tpu.memory_space<vmem>>
      %dma_wait3A_64 = tpu.memref_squeeze %dma_wait3A_63 : memref<1x80xi32, #tpu.memory_space<vmem>> -> memref<80xi32, #tpu.memory_space<vmem>>
      %dma_wait3A_65 = arith.constant 0 : i32
      %dma_wait3A_66 = tpu.memref_slice %arg8[%dma_wait3A_65] : memref<160000xi32, #tpu.memory_space<hbm>> -> memref<80xi32, #tpu.memory_space<hbm>>
      tpu.wait_dma2 semaphore(%arg20 : memref<!tpu.dma_semaphore, #tpu.memory_space<semaphore_mem>>) src(%dma_wait3A_66 : memref<80xi32, #tpu.memory_space<hbm>>) dst(%dma_wait3A_64 : memref<80xi32, #tpu.memory_space<vmem>>)
      %dma_start3A_67 = arith.constant 0 : i32
      %dma_start3A_68 = arith.constant 0 : i32
      %dma_start3A_69 = tpu.memref_slice %arg13[%dma_start3A_67, %dma_start3A_68] : memref<3x80xi32, #tpu.memory_space<vmem>> -> memref<1x80xi32, #tpu.memory_space<vmem>>
      %dma_start3A_70 = tpu.memref_squeeze %dma_start3A_69 : memref<1x80xi32, #tpu.memory_space<vmem>> -> memref<80xi32, #tpu.memory_space<vmem>>
      %dma_start3A_71 = arith.constant 0 : i32
      %dma_start3A_72 = arith.constant 0 : i32
      %dma_start3A_73 = tpu.memref_slice %arg2[%dma_start3A_71, %dma_start3A_72] : memref<20000x128xf32, #tpu.memory_space<hbm>> -> memref<20000x128xf32, #tpu.memory_space<hbm>>
      tpu.enqueue_indirect_dma source(%dma_start3A_73 : memref<20000x128xf32, #tpu.memory_space<hbm>>) target(%arg16 : memref<80x128xf32, #tpu.memory_space<vmem>>) offsets(%dma_start3A_70 : memref<80xi32, #tpu.memory_space<vmem>>) semaphore(%arg23 : memref<!tpu.dma_semaphore, #tpu.memory_space<semaphore_mem>>)
      %dma_start3A_74 = arith.constant 0 : i32
      %dma_start3A_75 = arith.constant 0 : i32
      %dma_start3A_76 = tpu.memref_slice %arg14[%dma_start3A_74, %dma_start3A_75] : memref<3x80xi32, #tpu.memory_space<vmem>> -> memref<1x80xi32, #tpu.memory_space<vmem>>
      %dma_start3A_77 = tpu.memref_squeeze %dma_start3A_76 : memref<1x80xi32, #tpu.memory_space<vmem>> -> memref<80xi32, #tpu.memory_space<vmem>>
      %dma_start3A_78 = arith.constant 0 : i32
      %dma_start3A_79 = arith.constant 0 : i32
      %dma_start3A_80 = tpu.memref_slice %arg3[%dma_start3A_78, %dma_start3A_79] : memref<320000x128xf32, #tpu.memory_space<hbm>> -> memref<320000x128xf32, #tpu.memory_space<hbm>>
      tpu.enqueue_indirect_dma source(%dma_start3A_80 : memref<320000x128xf32, #tpu.memory_space<hbm>>) target(%arg17 : memref<80x128xf32, #tpu.memory_space<vmem>>) offsets(%dma_start3A_77 : memref<80xi32, #tpu.memory_space<vmem>>) semaphore(%arg23 : memref<!tpu.dma_semaphore, #tpu.memory_space<semaphore_mem>>)
      %mul3A_81 = arith.constant 10000 : i32
      %mul3A_82 = arith.muli %arg1, %mul3A_81 : i32
      %add3A_83 = arith.constant 80 : i32
      %add3A_84 = arith.addi %mul3A_82, %add3A_83 : i32
      %dma_start3A_85 = arith.constant 1 : i32
      %dma_start3A_86 = arith.constant 0 : i32
      %dma_start3A_87 = tpu.memref_slice %arg13[%dma_start3A_85, %dma_start3A_86] : memref<3x80xi32, #tpu.memory_space<vmem>> -> memref<1x80xi32, #tpu.memory_space<vmem>>
      %dma_start3A_88 = tpu.memref_squeeze %dma_start3A_87 : memref<1x80xi32, #tpu.memory_space<vmem>> -> memref<80xi32, #tpu.memory_space<vmem>>
      %dma_start3A_89 = tpu.memref_slice %arg5[%add3A_84] : memref<160000xi32, #tpu.memory_space<hbm>> -> memref<80xi32, #tpu.memory_space<hbm>>
      %dma_start3A_90 = arith.constant 0 : i32
      %dma_start3A_91 = tpu.memref_slice %arg13[%dma_start3A_85, %dma_start3A_90] : memref<3x80xi32, #tpu.memory_space<vmem>> -> memref<1x80xi32, #tpu.memory_space<vmem>>
      %dma_start3A_92 = tpu.memref_squeeze %dma_start3A_91 : memref<1x80xi32, #tpu.memory_space<vmem>> -> memref<80xi32, #tpu.memory_space<vmem>>
      %dma_start3A_93 = tpu.memref_slice %arg5[%add3A_84] : memref<160000xi32, #tpu.memory_space<hbm>> -> memref<80xi32, #tpu.memory_space<hbm>>
      tpu.enqueue_dma source(%dma_start3A_93 : memref<80xi32, #tpu.memory_space<hbm>>) target(%dma_start3A_92 : memref<80xi32, #tpu.memory_space<vmem>>) target_semaphore(%arg21 : memref<!tpu.dma_semaphore, #tpu.memory_space<semaphore_mem>>)
      %dma_start3A_94 = arith.constant 1 : i32
      %dma_start3A_95 = arith.constant 0 : i32
      %dma_start3A_96 = tpu.memref_slice %arg14[%dma_start3A_94, %dma_start3A_95] : memref<3x80xi32, #tpu.memory_space<vmem>> -> memref<1x80xi32, #tpu.memory_space<vmem>>
      %dma_start3A_97 = tpu.memref_squeeze %dma_start3A_96 : memref<1x80xi32, #tpu.memory_space<vmem>> -> memref<80xi32, #tpu.memory_space<vmem>>
      %dma_start3A_98 = tpu.memref_slice %arg7[%add3A_84] : memref<160000xi32, #tpu.memory_space<hbm>> -> memref<80xi32, #tpu.memory_space<hbm>>
      %dma_start3A_99 = arith.constant 0 : i32
      %dma_start3A_100 = tpu.memref_slice %arg14[%dma_start3A_94, %dma_start3A_99] : memref<3x80xi32, #tpu.memory_space<vmem>> -> memref<1x80xi32, #tpu.memory_space<vmem>>
      %dma_start3A_101 = tpu.memref_squeeze %dma_start3A_100 : memref<1x80xi32, #tpu.memory_space<vmem>> -> memref<80xi32, #tpu.memory_space<vmem>>
      %dma_start3A_102 = tpu.memref_slice %arg7[%add3A_84] : memref<160000xi32, #tpu.memory_space<hbm>> -> memref<80xi32, #tpu.memory_space<hbm>>
      tpu.enqueue_dma source(%dma_start3A_102 : memref<80xi32, #tpu.memory_space<hbm>>) target(%dma_start3A_101 : memref<80xi32, #tpu.memory_space<vmem>>) target_semaphore(%arg21 : memref<!tpu.dma_semaphore, #tpu.memory_space<semaphore_mem>>)
      %dma_start3A_103 = arith.constant 1 : i32
      %dma_start3A_104 = arith.constant 0 : i32
      %dma_start3A_105 = tpu.memref_slice %arg15[%dma_start3A_103, %dma_start3A_104] : memref<3x80xi32, #tpu.memory_space<vmem>> -> memref<1x80xi32, #tpu.memory_space<vmem>>
      %dma_start3A_106 = tpu.memref_squeeze %dma_start3A_105 : memref<1x80xi32, #tpu.memory_space<vmem>> -> memref<80xi32, #tpu.memory_space<vmem>>
      %dma_start3A_107 = tpu.memref_slice %arg8[%add3A_84] : memref<160000xi32, #tpu.memory_space<hbm>> -> memref<80xi32, #tpu.memory_space<hbm>>
      %dma_start3A_108 = arith.constant 0 : i32
      %dma_start3A_109 = tpu.memref_slice %arg15[%dma_start3A_103, %dma_start3A_108] : memref<3x80xi32, #tpu.memory_space<vmem>> -> memref<1x80xi32, #tpu.memory_space<vmem>>
      %dma_start3A_110 = tpu.memref_squeeze %dma_start3A_109 : memref<1x80xi32, #tpu.memory_space<vmem>> -> memref<80xi32, #tpu.memory_space<vmem>>
      %dma_start3A_111 = tpu.memref_slice %arg8[%add3A_84] : memref<160000xi32, #tpu.memory_space<hbm>> -> memref<80xi32, #tpu.memory_space<hbm>>
      tpu.enqueue_dma source(%dma_start3A_111 : memref<80xi32, #tpu.memory_space<hbm>>) target(%dma_start3A_110 : memref<80xi32, #tpu.memory_space<vmem>>) target_semaphore(%arg21 : memref<!tpu.dma_semaphore, #tpu.memory_space<semaphore_mem>>)
      %lt3A = arith.constant 15 : i32
      %lt3A_112 = arith.cmpi slt, %arg1, %lt3A : i32
      %convert_element_type3A_113 = arith.extui %lt3A_112 : i1 to i32
      %cond3A_114 = arith.constant 0 : i32
      %cond3A_115 = arith.cmpi ne, %convert_element_type3A_113, %cond3A_114 : i32
      scf.if %cond3A_115 {
        %mul3A_618 = arith.constant 624 : i32
        %mul3A_619 = arith.muli %arg1, %mul3A_618 : i32
        "tpu.region"() ({
          %run_scoped3A = tpu.sem_alloc : memref<!tpu.dma_semaphore, #tpu.memory_space<semaphore_mem>>
          %dma_start3A_620 = arith.constant 0 : i32
          %dma_start3A_621 = tpu.memref_slice %arg12[%mul3A_619, %dma_start3A_620] : memref<10000x128xf32, #tpu.memory_space<vmem_shared>> -> memref<624x128xf32, #tpu.memory_space<vmem_shared>>
          %dma_start3A_622 = arith.constant 0 : i32
          %dma_start3A_623 = arith.constant 0 : i32
          %dma_start3A_624 = tpu.memref_slice %arg9[%dma_start3A_622, %dma_start3A_623] : memref<640x128xf32, #tpu.memory_space<hbm>> -> memref<624x128xf32, #tpu.memory_space<hbm>>
          tpu.enqueue_dma source(%dma_start3A_624 : memref<624x128xf32, #tpu.memory_space<hbm>>) target(%dma_start3A_621 : memref<624x128xf32, #tpu.memory_space<vmem_shared>>) target_semaphore(%run_scoped3A : memref<!tpu.dma_semaphore, #tpu.memory_space<semaphore_mem>>)
          %dma_wait3A_625 = arith.constant 0 : i32
          %dma_wait3A_626 = tpu.memref_slice %arg12[%mul3A_619, %dma_wait3A_625] : memref<10000x128xf32, #tpu.memory_space<vmem_shared>> -> memref<624x128xf32, #tpu.memory_space<vmem_shared>>
          %dma_wait3A_627 = arith.constant 0 : i32
          %dma_wait3A_628 = arith.constant 0 : i32
          %dma_wait3A_629 = tpu.memref_slice %arg9[%dma_wait3A_627, %dma_wait3A_628] : memref<640x128xf32, #tpu.memory_space<hbm>> -> memref<624x128xf32, #tpu.memory_space<hbm>>
          tpu.wait_dma2 semaphore(%run_scoped3A : memref<!tpu.dma_semaphore, #tpu.memory_space<semaphore_mem>>) src(%dma_wait3A_629 : memref<624x128xf32, #tpu.memory_space<hbm>>) dst(%dma_wait3A_626 : memref<624x128xf32, #tpu.memory_space<vmem_shared>>)
          tpu.yield
        }) : () -> ()
      } else {
      }
      %eq3A_116 = arith.constant 15 : i32
      %eq3A_117 = arith.cmpi eq, %arg1, %eq3A_116 : i32
      %convert_element_type3A_118 = arith.extui %eq3A_117 : i1 to i32
      %cond3A_119 = arith.constant 0 : i32
      %cond3A_120 = arith.cmpi ne, %convert_element_type3A_118, %cond3A_119 : i32
      scf.if %cond3A_120 {
        "tpu.region"() ({
          %run_scoped3A = tpu.sem_alloc : memref<!tpu.dma_semaphore, #tpu.memory_space<semaphore_mem>>
          %dma_start3A_618 = arith.constant 9360 : i32
          %dma_start3A_619 = arith.constant 0 : i32
          %dma_start3A_620 = tpu.memref_slice %arg12[%dma_start3A_618, %dma_start3A_619] : memref<10000x128xf32, #tpu.memory_space<vmem_shared>> -> memref<640x128xf32, #tpu.memory_space<vmem_shared>>
          tpu.enqueue_dma source(%arg9 : memref<640x128xf32, #tpu.memory_space<hbm>>) target(%dma_start3A_620 : memref<640x128xf32, #tpu.memory_space<vmem_shared>>) target_semaphore(%run_scoped3A : memref<!tpu.dma_semaphore, #tpu.memory_space<semaphore_mem>>)
          %dma_wait3A_621 = arith.constant 9360 : i32
          %dma_wait3A_622 = arith.constant 0 : i32
          %dma_wait3A_623 = tpu.memref_slice %arg12[%dma_wait3A_621, %dma_wait3A_622] : memref<10000x128xf32, #tpu.memory_space<vmem_shared>> -> memref<640x128xf32, #tpu.memory_space<vmem_shared>>
          tpu.wait_dma2 semaphore(%run_scoped3A : memref<!tpu.dma_semaphore, #tpu.memory_space<semaphore_mem>>) src(%arg9 : memref<640x128xf32, #tpu.memory_space<hbm>>) dst(%dma_wait3A_623 : memref<640x128xf32, #tpu.memory_space<vmem_shared>>)
          tpu.yield
        }) : () -> ()
      } else {
      }
      %barrier3A = arith.constant 0 : index
      tpu.barrier barrier_id(%barrier3A)
      %scan3A = arith.constant 0 : i32
      %scan3A_121 = arith.constant 0 : i32
      %scan3A_122 = arith.constant 20 : i32
      %scan3A_123 = arith.addi %scan3A_121, %scan3A_122 : i32
      %scan3A_124 = arith.constant 1 : i32
      scf.for %scan3A_618 = %scan3A_121 to %scan3A_123 step %scan3A_124  : i32 {
        %mul3A_619 = arith.constant 6 : i32
        %mul3A_620 = arith.muli %mul3A_619, %scan3A_618 : i32
        %add3A_621 = arith.constant 0 : i32
        %add3A_622 = arith.addi %mul3A_620, %add3A_621 : i32
        %dma_wait3A_623 = arith.constant 1 : i32
        %dma_wait3A_624 = arith.constant 0 : i32
        %dma_wait3A_625 = tpu.memref_slice %arg13[%dma_wait3A_623, %dma_wait3A_624] : memref<3x80xi32, #tpu.memory_space<vmem>> -> memref<1x80xi32, #tpu.memory_space<vmem>>
        %dma_wait3A_626 = tpu.memref_squeeze %dma_wait3A_625 : memref<1x80xi32, #tpu.memory_space<vmem>> -> memref<80xi32, #tpu.memory_space<vmem>>
        %dma_wait3A_627 = arith.constant 0 : i32
        %dma_wait3A_628 = tpu.memref_slice %arg5[%dma_wait3A_627] : memref<160000xi32, #tpu.memory_space<hbm>> -> memref<80xi32, #tpu.memory_space<hbm>>
        %dma_wait3A_629 = arith.constant 0 : i32
        %dma_wait3A_630 = tpu.memref_slice %arg13[%dma_wait3A_623, %dma_wait3A_629] : memref<3x80xi32, #tpu.memory_space<vmem>> -> memref<1x80xi32, #tpu.memory_space<vmem>>
        %dma_wait3A_631 = tpu.memref_squeeze %dma_wait3A_630 : memref<1x80xi32, #tpu.memory_space<vmem>> -> memref<80xi32, #tpu.memory_space<vmem>>
        %dma_wait3A_632 = arith.constant 0 : i32
        %dma_wait3A_633 = tpu.memref_slice %arg5[%dma_wait3A_632] : memref<160000xi32, #tpu.memory_space<hbm>> -> memref<80xi32, #tpu.memory_space<hbm>>
        tpu.wait_dma2 semaphore(%arg21 : memref<!tpu.dma_semaphore, #tpu.memory_space<semaphore_mem>>) src(%dma_wait3A_633 : memref<80xi32, #tpu.memory_space<hbm>>) dst(%dma_wait3A_631 : memref<80xi32, #tpu.memory_space<vmem>>)
        %dma_wait3A_634 = arith.constant 1 : i32
        %dma_wait3A_635 = arith.constant 0 : i32
        %dma_wait3A_636 = tpu.memref_slice %arg14[%dma_wait3A_634, %dma_wait3A_635] : memref<3x80xi32, #tpu.memory_space<vmem>> -> memref<1x80xi32, #tpu.memory_space<vmem>>
        %dma_wait3A_637 = tpu.memref_squeeze %dma_wait3A_636 : memref<1x80xi32, #tpu.memory_space<vmem>> -> memref<80xi32, #tpu.memory_space<vmem>>
        %dma_wait3A_638 = arith.constant 0 : i32
        %dma_wait3A_639 = tpu.memref_slice %arg7[%dma_wait3A_638] : memref<160000xi32, #tpu.memory_space<hbm>> -> memref<80xi32, #tpu.memory_space<hbm>>
        %dma_wait3A_640 = arith.constant 0 : i32
        %dma_wait3A_641 = tpu.memref_slice %arg14[%dma_wait3A_634, %dma_wait3A_640] : memref<3x80xi32, #tpu.memory_space<vmem>> -> memref<1x80xi32, #tpu.memory_space<vmem>>
        %dma_wait3A_642 = tpu.memref_squeeze %dma_wait3A_641 : memref<1x80xi32, #tpu.memory_space<vmem>> -> memref<80xi32, #tpu.memory_space<vmem>>
        %dma_wait3A_643 = arith.constant 0 : i32
        %dma_wait3A_644 = tpu.memref_slice %arg7[%dma_wait3A_643] : memref<160000xi32, #tpu.memory_space<hbm>> -> memref<80xi32, #tpu.memory_space<hbm>>
        tpu.wait_dma2 semaphore(%arg21 : memref<!tpu.dma_semaphore, #tpu.memory_space<semaphore_mem>>) src(%dma_wait3A_644 : memref<80xi32, #tpu.memory_space<hbm>>) dst(%dma_wait3A_642 : memref<80xi32, #tpu.memory_space<vmem>>)
        %dma_wait3A_645 = arith.constant 1 : i32
        %dma_wait3A_646 = arith.constant 0 : i32
        %dma_wait3A_647 = tpu.memref_slice %arg15[%dma_wait3A_645, %dma_wait3A_646] : memref<3x80xi32, #tpu.memory_space<vmem>> -> memref<1x80xi32, #tpu.memory_space<vmem>>
        %dma_wait3A_648 = tpu.memref_squeeze %dma_wait3A_647 : memref<1x80xi32, #tpu.memory_space<vmem>> -> memref<80xi32, #tpu.memory_space<vmem>>
        %dma_wait3A_649 = arith.constant 0 : i32
        %dma_wait3A_650 = tpu.memref_slice %arg8[%dma_wait3A_649] : memref<160000xi32, #tpu.memory_space<hbm>> -> memref<80xi32, #tpu.memory_space<hbm>>
        %dma_wait3A_651 = arith.constant 0 : i32
        %dma_wait3A_652 = tpu.memref_slice %arg15[%dma_wait3A_645, %dma_wait3A_651] : memref<3x80xi32, #tpu.memory_space<vmem>> -> memref<1x80xi32, #tpu.memory_space<vmem>>
        %dma_wait3A_653 = tpu.memref_squeeze %dma_wait3A_652 : memref<1x80xi32, #tpu.memory_space<vmem>> -> memref<80xi32, #tpu.memory_space<vmem>>
        %dma_wait3A_654 = arith.constant 0 : i32
        %dma_wait3A_655 = tpu.memref_slice %arg8[%dma_wait3A_654] : memref<160000xi32, #tpu.memory_space<hbm>> -> memref<80xi32, #tpu.memory_space<hbm>>
        tpu.wait_dma2 semaphore(%arg21 : memref<!tpu.dma_semaphore, #tpu.memory_space<semaphore_mem>>) src(%dma_wait3A_655 : memref<80xi32, #tpu.memory_space<hbm>>) dst(%dma_wait3A_653 : memref<80xi32, #tpu.memory_space<vmem>>)
        %dma_start3A_656 = arith.constant 1 : i32
        %dma_start3A_657 = arith.constant 0 : i32
        %dma_start3A_658 = tpu.memref_slice %arg13[%dma_start3A_656, %dma_start3A_657] : memref<3x80xi32, #tpu.memory_space<vmem>> -> memref<1x80xi32, #tpu.memory_space<vmem>>
        %dma_start3A_659 = tpu.memref_squeeze %dma_start3A_658 : memref<1x80xi32, #tpu.memory_space<vmem>> -> memref<80xi32, #tpu.memory_space<vmem>>
        %dma_start3A_660 = arith.constant 0 : i32
        %dma_start3A_661 = arith.constant 0 : i32
        %dma_start3A_662 = tpu.memref_slice %arg2[%dma_start3A_660, %dma_start3A_661] : memref<20000x128xf32, #tpu.memory_space<hbm>> -> memref<20000x128xf32, #tpu.memory_space<hbm>>
        tpu.enqueue_indirect_dma source(%dma_start3A_662 : memref<20000x128xf32, #tpu.memory_space<hbm>>) target(%arg18 : memref<80x128xf32, #tpu.memory_space<vmem>>) offsets(%dma_start3A_659 : memref<80xi32, #tpu.memory_space<vmem>>) semaphore(%arg24 : memref<!tpu.dma_semaphore, #tpu.memory_space<semaphore_mem>>)
        %dma_start3A_663 = arith.constant 1 : i32
        %dma_start3A_664 = arith.constant 0 : i32
        %dma_start3A_665 = tpu.memref_slice %arg14[%dma_start3A_663, %dma_start3A_664] : memref<3x80xi32, #tpu.memory_space<vmem>> -> memref<1x80xi32, #tpu.memory_space<vmem>>
        %dma_start3A_666 = tpu.memref_squeeze %dma_start3A_665 : memref<1x80xi32, #tpu.memory_space<vmem>> -> memref<80xi32, #tpu.memory_space<vmem>>
        %dma_start3A_667 = arith.constant 0 : i32
        %dma_start3A_668 = arith.constant 0 : i32
        %dma_start3A_669 = tpu.memref_slice %arg3[%dma_start3A_667, %dma_start3A_668] : memref<320000x128xf32, #tpu.memory_space<hbm>> -> memref<320000x128xf32, #tpu.memory_space<hbm>>
        tpu.enqueue_indirect_dma source(%dma_start3A_669 : memref<320000x128xf32, #tpu.memory_space<hbm>>) target(%arg19 : memref<80x128xf32, #tpu.memory_space<vmem>>) offsets(%dma_start3A_666 : memref<80xi32, #tpu.memory_space<vmem>>) semaphore(%arg24 : memref<!tpu.dma_semaphore, #tpu.memory_space<semaphore_mem>>)
        %add3A_670 = arith.constant 2 : i32
        %add3A_671 = arith.addi %add3A_622, %add3A_670 : i32
        %mul3A_672 = arith.constant 10000 : i32
        %mul3A_673 = arith.muli %arg1, %mul3A_672 : i32
        %mul3A_674 = arith.constant 80 : i32
        %mul3A_675 = arith.muli %add3A_671, %mul3A_674 : i32
        %add3A_676 = arith.addi %mul3A_673, %mul3A_675 : i32
        %dma_start3A_677 = arith.constant 2 : i32
        %dma_start3A_678 = arith.constant 0 : i32
        %dma_start3A_679 = tpu.memref_slice %arg13[%dma_start3A_677, %dma_start3A_678] : memref<3x80xi32, #tpu.memory_space<vmem>> -> memref<1x80xi32, #tpu.memory_space<vmem>>
        %dma_start3A_680 = tpu.memref_squeeze %dma_start3A_679 : memref<1x80xi32, #tpu.memory_space<vmem>> -> memref<80xi32, #tpu.memory_space<vmem>>
        %dma_start3A_681 = tpu.memref_slice %arg5[%add3A_676] : memref<160000xi32, #tpu.memory_space<hbm>> -> memref<80xi32, #tpu.memory_space<hbm>>
        %dma_start3A_682 = arith.constant 0 : i32
        %dma_start3A_683 = tpu.memref_slice %arg13[%dma_start3A_677, %dma_start3A_682] : memref<3x80xi32, #tpu.memory_space<vmem>> -> memref<1x80xi32, #tpu.memory_space<vmem>>
        %dma_start3A_684 = tpu.memref_squeeze %dma_start3A_683 : memref<1x80xi32, #tpu.memory_space<vmem>> -> memref<80xi32, #tpu.memory_space<vmem>>
        %dma_start3A_685 = tpu.memref_slice %arg5[%add3A_676] : memref<160000xi32, #tpu.memory_space<hbm>> -> memref<80xi32, #tpu.memory_space<hbm>>
        tpu.enqueue_dma source(%dma_start3A_685 : memref<80xi32, #tpu.memory_space<hbm>>) target(%dma_start3A_684 : memref<80xi32, #tpu.memory_space<vmem>>) target_semaphore(%arg22 : memref<!tpu.dma_semaphore, #tpu.memory_space<semaphore_mem>>)
        %dma_start3A_686 = arith.constant 2 : i32
        %dma_start3A_687 = arith.constant 0 : i32
        %dma_start3A_688 = tpu.memref_slice %arg14[%dma_start3A_686, %dma_start3A_687] : memref<3x80xi32, #tpu.memory_space<vmem>> -> memref<1x80xi32, #tpu.memory_space<vmem>>
        %dma_start3A_689 = tpu.memref_squeeze %dma_start3A_688 : memref<1x80xi32, #tpu.memory_space<vmem>> -> memref<80xi32, #tpu.memory_space<vmem>>
        %dma_start3A_690 = tpu.memref_slice %arg7[%add3A_676] : memref<160000xi32, #tpu.memory_space<hbm>> -> memref<80xi32, #tpu.memory_space<hbm>>
        %dma_start3A_691 = arith.constant 0 : i32
        %dma_start3A_692 = tpu.memref_slice %arg14[%dma_start3A_686, %dma_start3A_691] : memref<3x80xi32, #tpu.memory_space<vmem>> -> memref<1x80xi32, #tpu.memory_space<vmem>>
        %dma_start3A_693 = tpu.memref_squeeze %dma_start3A_692 : memref<1x80xi32, #tpu.memory_space<vmem>> -> memref<80xi32, #tpu.memory_space<vmem>>
        %dma_start3A_694 = tpu.memref_slice %arg7[%add3A_676] : memref<160000xi32, #tpu.memory_space<hbm>> -> memref<80xi32, #tpu.memory_space<hbm>>
        tpu.enqueue_dma source(%dma_start3A_694 : memref<80xi32, #tpu.memory_space<hbm>>) target(%dma_start3A_693 : memref<80xi32, #tpu.memory_space<vmem>>) target_semaphore(%arg22 : memref<!tpu.dma_semaphore, #tpu.memory_space<semaphore_mem>>)
        %dma_start3A_695 = arith.constant 2 : i32
        %dma_start3A_696 = arith.constant 0 : i32
        %dma_start3A_697 = tpu.memref_slice %arg15[%dma_start3A_695, %dma_start3A_696] : memref<3x80xi32, #tpu.memory_space<vmem>> -> memref<1x80xi32, #tpu.memory_space<vmem>>
        %dma_start3A_698 = tpu.memref_squeeze %dma_start3A_697 : memref<1x80xi32, #tpu.memory_space<vmem>> -> memref<80xi32, #tpu.memory_space<vmem>>
        %dma_start3A_699 = tpu.memref_slice %arg8[%add3A_676] : memref<160000xi32, #tpu.memory_space<hbm>> -> memref<80xi32, #tpu.memory_space<hbm>>
        %dma_start3A_700 = arith.constant 0 : i32
        %dma_start3A_701 = tpu.memref_slice %arg15[%dma_start3A_695, %dma_start3A_700] : memref<3x80xi32, #tpu.memory_space<vmem>> -> memref<1x80xi32, #tpu.memory_space<vmem>>
        %dma_start3A_702 = tpu.memref_squeeze %dma_start3A_701 : memref<1x80xi32, #tpu.memory_space<vmem>> -> memref<80xi32, #tpu.memory_space<vmem>>
        %dma_start3A_703 = tpu.memref_slice %arg8[%add3A_676] : memref<160000xi32, #tpu.memory_space<hbm>> -> memref<80xi32, #tpu.memory_space<hbm>>
        tpu.enqueue_dma source(%dma_start3A_703 : memref<80xi32, #tpu.memory_space<hbm>>) target(%dma_start3A_702 : memref<80xi32, #tpu.memory_space<vmem>>) target_semaphore(%arg22 : memref<!tpu.dma_semaphore, #tpu.memory_space<semaphore_mem>>)
        %dma_wait3A_704 = arith.constant 0 : i32
        %dma_wait3A_705 = arith.constant 0 : i32
        %dma_wait3A_706 = tpu.memref_slice %arg2[%dma_wait3A_704, %dma_wait3A_705] : memref<20000x128xf32, #tpu.memory_space<hbm>> -> memref<80x128xf32, #tpu.memory_space<hbm>>
        %dma_wait3A_707 = arith.constant 0 : i32
        %dma_wait3A_708 = arith.constant 0 : i32
        %dma_wait3A_709 = tpu.memref_slice %arg2[%dma_wait3A_707, %dma_wait3A_708] : memref<20000x128xf32, #tpu.memory_space<hbm>> -> memref<80x128xf32, #tpu.memory_space<hbm>>
        tpu.wait_dma2 semaphore(%arg23 : memref<!tpu.dma_semaphore, #tpu.memory_space<semaphore_mem>>) src(%dma_wait3A_709 : memref<80x128xf32, #tpu.memory_space<hbm>>) dst(%arg16 : memref<80x128xf32, #tpu.memory_space<vmem>>)
        %dma_wait3A_710 = arith.constant 0 : i32
        %dma_wait3A_711 = arith.constant 0 : i32
        %dma_wait3A_712 = tpu.memref_slice %arg3[%dma_wait3A_710, %dma_wait3A_711] : memref<320000x128xf32, #tpu.memory_space<hbm>> -> memref<80x128xf32, #tpu.memory_space<hbm>>
        %dma_wait3A_713 = arith.constant 0 : i32
        %dma_wait3A_714 = arith.constant 0 : i32
        %dma_wait3A_715 = tpu.memref_slice %arg3[%dma_wait3A_713, %dma_wait3A_714] : memref<320000x128xf32, #tpu.memory_space<hbm>> -> memref<80x128xf32, #tpu.memory_space<hbm>>
        tpu.wait_dma2 semaphore(%arg23 : memref<!tpu.dma_semaphore, #tpu.memory_space<semaphore_mem>>) src(%dma_wait3A_715 : memref<80x128xf32, #tpu.memory_space<hbm>>) dst(%arg17 : memref<80x128xf32, #tpu.memory_space<vmem>>)
        %dma_start3A_716 = arith.constant 0 : i32
        %dma_start3A_717 = arith.constant 0 : i32
        %dma_start3A_718 = tpu.memref_slice %arg15[%dma_start3A_716, %dma_start3A_717] : memref<3x80xi32, #tpu.memory_space<vmem>> -> memref<1x80xi32, #tpu.memory_space<vmem>>
        %dma_start3A_719 = tpu.memref_squeeze %dma_start3A_718 : memref<1x80xi32, #tpu.memory_space<vmem>> -> memref<80xi32, #tpu.memory_space<vmem>>
        %dma_start3A_720 = arith.constant 0 : i32
        %dma_start3A_721 = arith.constant 0 : i32
        %dma_start3A_722 = tpu.memref_slice %arg12[%dma_start3A_720, %dma_start3A_721] : memref<10000x128xf32, #tpu.memory_space<vmem_shared>> -> memref<10000x128xf32, #tpu.memory_space<vmem_shared>>
        tpu.enqueue_indirect_dma source(%arg16 : memref<80x128xf32, #tpu.memory_space<vmem>>) target(%dma_start3A_722 : memref<10000x128xf32, #tpu.memory_space<vmem_shared>>) offsets(%dma_start3A_719 : memref<80xi32, #tpu.memory_space<vmem>>) semaphore(%arg25 : memref<!tpu.dma_semaphore, #tpu.memory_space<semaphore_mem>>) {add = true}
        %dma_start3A_723 = arith.constant 0 : i32
        %dma_start3A_724 = arith.constant 0 : i32
        %dma_start3A_725 = tpu.memref_slice %arg15[%dma_start3A_723, %dma_start3A_724] : memref<3x80xi32, #tpu.memory_space<vmem>> -> memref<1x80xi32, #tpu.memory_space<vmem>>
        %dma_start3A_726 = tpu.memref_squeeze %dma_start3A_725 : memref<1x80xi32, #tpu.memory_space<vmem>> -> memref<80xi32, #tpu.memory_space<vmem>>
        %dma_start3A_727 = arith.constant 0 : i32
        %dma_start3A_728 = arith.constant 0 : i32
        %dma_start3A_729 = tpu.memref_slice %arg12[%dma_start3A_727, %dma_start3A_728] : memref<10000x128xf32, #tpu.memory_space<vmem_shared>> -> memref<10000x128xf32, #tpu.memory_space<vmem_shared>>
        tpu.enqueue_indirect_dma source(%arg17 : memref<80x128xf32, #tpu.memory_space<vmem>>) target(%dma_start3A_729 : memref<10000x128xf32, #tpu.memory_space<vmem_shared>>) offsets(%dma_start3A_726 : memref<80xi32, #tpu.memory_space<vmem>>) semaphore(%arg25 : memref<!tpu.dma_semaphore, #tpu.memory_space<semaphore_mem>>) {add = true}
        %dma_wait3A_730 = arith.constant 0 : i32
        %dma_wait3A_731 = arith.constant 0 : i32
        %dma_wait3A_732 = tpu.memref_slice %arg15[%dma_wait3A_730, %dma_wait3A_731] : memref<3x80xi32, #tpu.memory_space<vmem>> -> memref<1x80xi32, #tpu.memory_space<vmem>>
        %dma_wait3A_733 = tpu.memref_squeeze %dma_wait3A_732 : memref<1x80xi32, #tpu.memory_space<vmem>> -> memref<80xi32, #tpu.memory_space<vmem>>
        %dma_wait3A_734 = arith.constant 0 : i32
        %dma_wait3A_735 = arith.constant 0 : i32
        %dma_wait3A_736 = tpu.memref_slice %arg12[%dma_wait3A_734, %dma_wait3A_735] : memref<10000x128xf32, #tpu.memory_space<vmem_shared>> -> memref<10000x128xf32, #tpu.memory_space<vmem_shared>>
        tpu.wait_indirect_dma semaphore(%arg25 : memref<!tpu.dma_semaphore, #tpu.memory_space<semaphore_mem>>) src(%arg16 : memref<80x128xf32, #tpu.memory_space<vmem>>) dst(%dma_wait3A_736 : memref<10000x128xf32, #tpu.memory_space<vmem_shared>>)
        %dma_wait3A_737 = arith.constant 0 : i32
        %dma_wait3A_738 = arith.constant 0 : i32
        %dma_wait3A_739 = tpu.memref_slice %arg15[%dma_wait3A_737, %dma_wait3A_738] : memref<3x80xi32, #tpu.memory_space<vmem>> -> memref<1x80xi32, #tpu.memory_space<vmem>>
        %dma_wait3A_740 = tpu.memref_squeeze %dma_wait3A_739 : memref<1x80xi32, #tpu.memory_space<vmem>> -> memref<80xi32, #tpu.memory_space<vmem>>
        %dma_wait3A_741 = arith.constant 0 : i32
        %dma_wait3A_742 = arith.constant 0 : i32
        %dma_wait3A_743 = tpu.memref_slice %arg12[%dma_wait3A_741, %dma_wait3A_742] : memref<10000x128xf32, #tpu.memory_space<vmem_shared>> -> memref<10000x128xf32, #tpu.memory_space<vmem_shared>>
        tpu.wait_indirect_dma semaphore(%arg25 : memref<!tpu.dma_semaphore, #tpu.memory_space<semaphore_mem>>) src(%arg17 : memref<80x128xf32, #tpu.memory_space<vmem>>) dst(%dma_wait3A_743 : memref<10000x128xf32, #tpu.memory_space<vmem_shared>>)
        %add3A_744 = arith.constant 1 : i32
        %add3A_745 = arith.addi %mul3A_620, %add3A_744 : i32
        %dma_wait3A_746 = arith.constant 2 : i32
        %dma_wait3A_747 = arith.constant 0 : i32
        %dma_wait3A_748 = tpu.memref_slice %arg13[%dma_wait3A_746, %dma_wait3A_747] : memref<3x80xi32, #tpu.memory_space<vmem>> -> memref<1x80xi32, #tpu.memory_space<vmem>>
        %dma_wait3A_749 = tpu.memref_squeeze %dma_wait3A_748 : memref<1x80xi32, #tpu.memory_space<vmem>> -> memref<80xi32, #tpu.memory_space<vmem>>
        %dma_wait3A_750 = arith.constant 0 : i32
        %dma_wait3A_751 = tpu.memref_slice %arg5[%dma_wait3A_750] : memref<160000xi32, #tpu.memory_space<hbm>> -> memref<80xi32, #tpu.memory_space<hbm>>
        %dma_wait3A_752 = arith.constant 0 : i32
        %dma_wait3A_753 = tpu.memref_slice %arg13[%dma_wait3A_746, %dma_wait3A_752] : memref<3x80xi32, #tpu.memory_space<vmem>> -> memref<1x80xi32, #tpu.memory_space<vmem>>
        %dma_wait3A_754 = tpu.memref_squeeze %dma_wait3A_753 : memref<1x80xi32, #tpu.memory_space<vmem>> -> memref<80xi32, #tpu.memory_space<vmem>>
        %dma_wait3A_755 = arith.constant 0 : i32
        %dma_wait3A_756 = tpu.memref_slice %arg5[%dma_wait3A_755] : memref<160000xi32, #tpu.memory_space<hbm>> -> memref<80xi32, #tpu.memory_space<hbm>>
        tpu.wait_dma2 semaphore(%arg22 : memref<!tpu.dma_semaphore, #tpu.memory_space<semaphore_mem>>) src(%dma_wait3A_756 : memref<80xi32, #tpu.memory_space<hbm>>) dst(%dma_wait3A_754 : memref<80xi32, #tpu.memory_space<vmem>>)
        %dma_wait3A_757 = arith.constant 2 : i32
        %dma_wait3A_758 = arith.constant 0 : i32
        %dma_wait3A_759 = tpu.memref_slice %arg14[%dma_wait3A_757, %dma_wait3A_758] : memref<3x80xi32, #tpu.memory_space<vmem>> -> memref<1x80xi32, #tpu.memory_space<vmem>>
        %dma_wait3A_760 = tpu.memref_squeeze %dma_wait3A_759 : memref<1x80xi32, #tpu.memory_space<vmem>> -> memref<80xi32, #tpu.memory_space<vmem>>
        %dma_wait3A_761 = arith.constant 0 : i32
        %dma_wait3A_762 = tpu.memref_slice %arg7[%dma_wait3A_761] : memref<160000xi32, #tpu.memory_space<hbm>> -> memref<80xi32, #tpu.memory_space<hbm>>
        %dma_wait3A_763 = arith.constant 0 : i32
        %dma_wait3A_764 = tpu.memref_slice %arg14[%dma_wait3A_757, %dma_wait3A_763] : memref<3x80xi32, #tpu.memory_space<vmem>> -> memref<1x80xi32, #tpu.memory_space<vmem>>
        %dma_wait3A_765 = tpu.memref_squeeze %dma_wait3A_764 : memref<1x80xi32, #tpu.memory_space<vmem>> -> memref<80xi32, #tpu.memory_space<vmem>>
        %dma_wait3A_766 = arith.constant 0 : i32
        %dma_wait3A_767 = tpu.memref_slice %arg7[%dma_wait3A_766] : memref<160000xi32, #tpu.memory_space<hbm>> -> memref<80xi32, #tpu.memory_space<hbm>>
        tpu.wait_dma2 semaphore(%arg22 : memref<!tpu.dma_semaphore, #tpu.memory_space<semaphore_mem>>) src(%dma_wait3A_767 : memref<80xi32, #tpu.memory_space<hbm>>) dst(%dma_wait3A_765 : memref<80xi32, #tpu.memory_space<vmem>>)
        %dma_wait3A_768 = arith.constant 2 : i32
        %dma_wait3A_769 = arith.constant 0 : i32
        %dma_wait3A_770 = tpu.memref_slice %arg15[%dma_wait3A_768, %dma_wait3A_769] : memref<3x80xi32, #tpu.memory_space<vmem>> -> memref<1x80xi32, #tpu.memory_space<vmem>>
        %dma_wait3A_771 = tpu.memref_squeeze %dma_wait3A_770 : memref<1x80xi32, #tpu.memory_space<vmem>> -> memref<80xi32, #tpu.memory_space<vmem>>
        %dma_wait3A_772 = arith.constant 0 : i32
        %dma_wait3A_773 = tpu.memref_slice %arg8[%dma_wait3A_772] : memref<160000xi32, #tpu.memory_space<hbm>> -> memref<80xi32, #tpu.memory_space<hbm>>
        %dma_wait3A_774 = arith.constant 0 : i32
        %dma_wait3A_775 = tpu.memref_slice %arg15[%dma_wait3A_768, %dma_wait3A_774] : memref<3x80xi32, #tpu.memory_space<vmem>> -> memref<1x80xi32, #tpu.memory_space<vmem>>
        %dma_wait3A_776 = tpu.memref_squeeze %dma_wait3A_775 : memref<1x80xi32, #tpu.memory_space<vmem>> -> memref<80xi32, #tpu.memory_space<vmem>>
        %dma_wait3A_777 = arith.constant 0 : i32
        %dma_wait3A_778 = tpu.memref_slice %arg8[%dma_wait3A_777] : memref<160000xi32, #tpu.memory_space<hbm>> -> memref<80xi32, #tpu.memory_space<hbm>>
        tpu.wait_dma2 semaphore(%arg22 : memref<!tpu.dma_semaphore, #tpu.memory_space<semaphore_mem>>) src(%dma_wait3A_778 : memref<80xi32, #tpu.memory_space<hbm>>) dst(%dma_wait3A_776 : memref<80xi32, #tpu.memory_space<vmem>>)
        %dma_start3A_779 = arith.constant 2 : i32
        %dma_start3A_780 = arith.constant 0 : i32
        %dma_start3A_781 = tpu.memref_slice %arg13[%dma_start3A_779, %dma_start3A_780] : memref<3x80xi32, #tpu.memory_space<vmem>> -> memref<1x80xi32, #tpu.memory_space<vmem>>
        %dma_start3A_782 = tpu.memref_squeeze %dma_start3A_781 : memref<1x80xi32, #tpu.memory_space<vmem>> -> memref<80xi32, #tpu.memory_space<vmem>>
        %dma_start3A_783 = arith.constant 0 : i32
        %dma_start3A_784 = arith.constant 0 : i32
        %dma_start3A_785 = tpu.memref_slice %arg2[%dma_start3A_783, %dma_start3A_784] : memref<20000x128xf32, #tpu.memory_space<hbm>> -> memref<20000x128xf32, #tpu.memory_space<hbm>>
        tpu.enqueue_indirect_dma source(%dma_start3A_785 : memref<20000x128xf32, #tpu.memory_space<hbm>>) target(%arg16 : memref<80x128xf32, #tpu.memory_space<vmem>>) offsets(%dma_start3A_782 : memref<80xi32, #tpu.memory_space<vmem>>) semaphore(%arg23 : memref<!tpu.dma_semaphore, #tpu.memory_space<semaphore_mem>>)
        %dma_start3A_786 = arith.constant 2 : i32
        %dma_start3A_787 = arith.constant 0 : i32
        %dma_start3A_788 = tpu.memref_slice %arg14[%dma_start3A_786, %dma_start3A_787] : memref<3x80xi32, #tpu.memory_space<vmem>> -> memref<1x80xi32, #tpu.memory_space<vmem>>
        %dma_start3A_789 = tpu.memref_squeeze %dma_start3A_788 : memref<1x80xi32, #tpu.memory_space<vmem>> -> memref<80xi32, #tpu.memory_space<vmem>>
        %dma_start3A_790 = arith.constant 0 : i32
        %dma_start3A_791 = arith.constant 0 : i32
        %dma_start3A_792 = tpu.memref_slice %arg3[%dma_start3A_790, %dma_start3A_791] : memref<320000x128xf32, #tpu.memory_space<hbm>> -> memref<320000x128xf32, #tpu.memory_space<hbm>>
        tpu.enqueue_indirect_dma source(%dma_start3A_792 : memref<320000x128xf32, #tpu.memory_space<hbm>>) target(%arg17 : memref<80x128xf32, #tpu.memory_space<vmem>>) offsets(%dma_start3A_789 : memref<80xi32, #tpu.memory_space<vmem>>) semaphore(%arg23 : memref<!tpu.dma_semaphore, #tpu.memory_space<semaphore_mem>>)
        %add3A_793 = arith.constant 2 : i32
        %add3A_794 = arith.addi %add3A_745, %add3A_793 : i32
        %mul3A_795 = arith.constant 10000 : i32
        %mul3A_796 = arith.muli %arg1, %mul3A_795 : i32
        %mul3A_797 = arith.constant 80 : i32
        %mul3A_798 = arith.muli %add3A_794, %mul3A_797 : i32
        %add3A_799 = arith.addi %mul3A_796, %mul3A_798 : i32
        %dma_start3A_800 = arith.constant 0 : i32
        %dma_start3A_801 = arith.constant 0 : i32
        %dma_start3A_802 = tpu.memref_slice %arg13[%dma_start3A_800, %dma_start3A_801] : memref<3x80xi32, #tpu.memory_space<vmem>> -> memref<1x80xi32, #tpu.memory_space<vmem>>
        %dma_start3A_803 = tpu.memref_squeeze %dma_start3A_802 : memref<1x80xi32, #tpu.memory_space<vmem>> -> memref<80xi32, #tpu.memory_space<vmem>>
        %dma_start3A_804 = tpu.memref_slice %arg5[%add3A_799] : memref<160000xi32, #tpu.memory_space<hbm>> -> memref<80xi32, #tpu.memory_space<hbm>>
        %dma_start3A_805 = arith.constant 0 : i32
        %dma_start3A_806 = tpu.memref_slice %arg13[%dma_start3A_800, %dma_start3A_805] : memref<3x80xi32, #tpu.memory_space<vmem>> -> memref<1x80xi32, #tpu.memory_space<vmem>>
        %dma_start3A_807 = tpu.memref_squeeze %dma_start3A_806 : memref<1x80xi32, #tpu.memory_space<vmem>> -> memref<80xi32, #tpu.memory_space<vmem>>
        %dma_start3A_808 = tpu.memref_slice %arg5[%add3A_799] : memref<160000xi32, #tpu.memory_space<hbm>> -> memref<80xi32, #tpu.memory_space<hbm>>
        tpu.enqueue_dma source(%dma_start3A_808 : memref<80xi32, #tpu.memory_space<hbm>>) target(%dma_start3A_807 : memref<80xi32, #tpu.memory_space<vmem>>) target_semaphore(%arg20 : memref<!tpu.dma_semaphore, #tpu.memory_space<semaphore_mem>>)
        %dma_start3A_809 = arith.constant 0 : i32
        %dma_start3A_810 = arith.constant 0 : i32
        %dma_start3A_811 = tpu.memref_slice %arg14[%dma_start3A_809, %dma_start3A_810] : memref<3x80xi32, #tpu.memory_space<vmem>> -> memref<1x80xi32, #tpu.memory_space<vmem>>
        %dma_start3A_812 = tpu.memref_squeeze %dma_start3A_811 : memref<1x80xi32, #tpu.memory_space<vmem>> -> memref<80xi32, #tpu.memory_space<vmem>>
        %dma_start3A_813 = tpu.memref_slice %arg7[%add3A_799] : memref<160000xi32, #tpu.memory_space<hbm>> -> memref<80xi32, #tpu.memory_space<hbm>>
        %dma_start3A_814 = arith.constant 0 : i32
        %dma_start3A_815 = tpu.memref_slice %arg14[%dma_start3A_809, %dma_start3A_814] : memref<3x80xi32, #tpu.memory_space<vmem>> -> memref<1x80xi32, #tpu.memory_space<vmem>>
        %dma_start3A_816 = tpu.memref_squeeze %dma_start3A_815 : memref<1x80xi32, #tpu.memory_space<vmem>> -> memref<80xi32, #tpu.memory_space<vmem>>
        %dma_start3A_817 = tpu.memref_slice %arg7[%add3A_799] : memref<160000xi32, #tpu.memory_space<hbm>> -> memref<80xi32, #tpu.memory_space<hbm>>
        tpu.enqueue_dma source(%dma_start3A_817 : memref<80xi32, #tpu.memory_space<hbm>>) target(%dma_start3A_816 : memref<80xi32, #tpu.memory_space<vmem>>) target_semaphore(%arg20 : memref<!tpu.dma_semaphore, #tpu.memory_space<semaphore_mem>>)
        %dma_start3A_818 = arith.constant 0 : i32
        %dma_start3A_819 = arith.constant 0 : i32
        %dma_start3A_820 = tpu.memref_slice %arg15[%dma_start3A_818, %dma_start3A_819] : memref<3x80xi32, #tpu.memory_space<vmem>> -> memref<1x80xi32, #tpu.memory_space<vmem>>
        %dma_start3A_821 = tpu.memref_squeeze %dma_start3A_820 : memref<1x80xi32, #tpu.memory_space<vmem>> -> memref<80xi32, #tpu.memory_space<vmem>>
        %dma_start3A_822 = tpu.memref_slice %arg8[%add3A_799] : memref<160000xi32, #tpu.memory_space<hbm>> -> memref<80xi32, #tpu.memory_space<hbm>>
        %dma_start3A_823 = arith.constant 0 : i32
        %dma_start3A_824 = tpu.memref_slice %arg15[%dma_start3A_818, %dma_start3A_823] : memref<3x80xi32, #tpu.memory_space<vmem>> -> memref<1x80xi32, #tpu.memory_space<vmem>>
        %dma_start3A_825 = tpu.memref_squeeze %dma_start3A_824 : memref<1x80xi32, #tpu.memory_space<vmem>> -> memref<80xi32, #tpu.memory_space<vmem>>
        %dma_start3A_826 = tpu.memref_slice %arg8[%add3A_799] : memref<160000xi32, #tpu.memory_space<hbm>> -> memref<80xi32, #tpu.memory_space<hbm>>
        tpu.enqueue_dma source(%dma_start3A_826 : memref<80xi32, #tpu.memory_space<hbm>>) target(%dma_start3A_825 : memref<80xi32, #tpu.memory_space<vmem>>) target_semaphore(%arg20 : memref<!tpu.dma_semaphore, #tpu.memory_space<semaphore_mem>>)
        %dma_wait3A_827 = arith.constant 0 : i32
        %dma_wait3A_828 = arith.constant 0 : i32
        %dma_wait3A_829 = tpu.memref_slice %arg2[%dma_wait3A_827, %dma_wait3A_828] : memref<20000x128xf32, #tpu.memory_space<hbm>> -> memref<80x128xf32, #tpu.memory_space<hbm>>
        %dma_wait3A_830 = arith.constant 0 : i32
        %dma_wait3A_831 = arith.constant 0 : i32
        %dma_wait3A_832 = tpu.memref_slice %arg2[%dma_wait3A_830, %dma_wait3A_831] : memref<20000x128xf32, #tpu.memory_space<hbm>> -> memref<80x128xf32, #tpu.memory_space<hbm>>
        tpu.wait_dma2 semaphore(%arg24 : memref<!tpu.dma_semaphore, #tpu.memory_space<semaphore_mem>>) src(%dma_wait3A_832 : memref<80x128xf32, #tpu.memory_space<hbm>>) dst(%arg18 : memref<80x128xf32, #tpu.memory_space<vmem>>)
        %dma_wait3A_833 = arith.constant 0 : i32
        %dma_wait3A_834 = arith.constant 0 : i32
        %dma_wait3A_835 = tpu.memref_slice %arg3[%dma_wait3A_833, %dma_wait3A_834] : memref<320000x128xf32, #tpu.memory_space<hbm>> -> memref<80x128xf32, #tpu.memory_space<hbm>>
        %dma_wait3A_836 = arith.constant 0 : i32
        %dma_wait3A_837 = arith.constant 0 : i32
        %dma_wait3A_838 = tpu.memref_slice %arg3[%dma_wait3A_836, %dma_wait3A_837] : memref<320000x128xf32, #tpu.memory_space<hbm>> -> memref<80x128xf32, #tpu.memory_space<hbm>>
        tpu.wait_dma2 semaphore(%arg24 : memref<!tpu.dma_semaphore, #tpu.memory_space<semaphore_mem>>) src(%dma_wait3A_838 : memref<80x128xf32, #tpu.memory_space<hbm>>) dst(%arg19 : memref<80x128xf32, #tpu.memory_space<vmem>>)
        %dma_start3A_839 = arith.constant 1 : i32
        %dma_start3A_840 = arith.constant 0 : i32
        %dma_start3A_841 = tpu.memref_slice %arg15[%dma_start3A_839, %dma_start3A_840] : memref<3x80xi32, #tpu.memory_space<vmem>> -> memref<1x80xi32, #tpu.memory_space<vmem>>
        %dma_start3A_842 = tpu.memref_squeeze %dma_start3A_841 : memref<1x80xi32, #tpu.memory_space<vmem>> -> memref<80xi32, #tpu.memory_space<vmem>>
        %dma_start3A_843 = arith.constant 0 : i32
        %dma_start3A_844 = arith.constant 0 : i32
        %dma_start3A_845 = tpu.memref_slice %arg12[%dma_start3A_843, %dma_start3A_844] : memref<10000x128xf32, #tpu.memory_space<vmem_shared>> -> memref<10000x128xf32, #tpu.memory_space<vmem_shared>>
        tpu.enqueue_indirect_dma source(%arg18 : memref<80x128xf32, #tpu.memory_space<vmem>>) target(%dma_start3A_845 : memref<10000x128xf32, #tpu.memory_space<vmem_shared>>) offsets(%dma_start3A_842 : memref<80xi32, #tpu.memory_space<vmem>>) semaphore(%arg25 : memref<!tpu.dma_semaphore, #tpu.memory_space<semaphore_mem>>) {add = true}
        %dma_start3A_846 = arith.constant 1 : i32
        %dma_start3A_847 = arith.constant 0 : i32
        %dma_start3A_848 = tpu.memref_slice %arg15[%dma_start3A_846, %dma_start3A_847] : memref<3x80xi32, #tpu.memory_space<vmem>> -> memref<1x80xi32, #tpu.memory_space<vmem>>
        %dma_start3A_849 = tpu.memref_squeeze %dma_start3A_848 : memref<1x80xi32, #tpu.memory_space<vmem>> -> memref<80xi32, #tpu.memory_space<vmem>>
        %dma_start3A_850 = arith.constant 0 : i32
        %dma_start3A_851 = arith.constant 0 : i32
        %dma_start3A_852 = tpu.memref_slice %arg12[%dma_start3A_850, %dma_start3A_851] : memref<10000x128xf32, #tpu.memory_space<vmem_shared>> -> memref<10000x128xf32, #tpu.memory_space<vmem_shared>>
        tpu.enqueue_indirect_dma source(%arg19 : memref<80x128xf32, #tpu.memory_space<vmem>>) target(%dma_start3A_852 : memref<10000x128xf32, #tpu.memory_space<vmem_shared>>) offsets(%dma_start3A_849 : memref<80xi32, #tpu.memory_space<vmem>>) semaphore(%arg25 : memref<!tpu.dma_semaphore, #tpu.memory_space<semaphore_mem>>) {add = true}
        %dma_wait3A_853 = arith.constant 1 : i32
        %dma_wait3A_854 = arith.constant 0 : i32
        %dma_wait3A_855 = tpu.memref_slice %arg15[%dma_wait3A_853, %dma_wait3A_854] : memref<3x80xi32, #tpu.memory_space<vmem>> -> memref<1x80xi32, #tpu.memory_space<vmem>>
        %dma_wait3A_856 = tpu.memref_squeeze %dma_wait3A_855 : memref<1x80xi32, #tpu.memory_space<vmem>> -> memref<80xi32, #tpu.memory_space<vmem>>
        %dma_wait3A_857 = arith.constant 0 : i32
        %dma_wait3A_858 = arith.constant 0 : i32
        %dma_wait3A_859 = tpu.memref_slice %arg12[%dma_wait3A_857, %dma_wait3A_858] : memref<10000x128xf32, #tpu.memory_space<vmem_shared>> -> memref<10000x128xf32, #tpu.memory_space<vmem_shared>>
        tpu.wait_indirect_dma semaphore(%arg25 : memref<!tpu.dma_semaphore, #tpu.memory_space<semaphore_mem>>) src(%arg18 : memref<80x128xf32, #tpu.memory_space<vmem>>) dst(%dma_wait3A_859 : memref<10000x128xf32, #tpu.memory_space<vmem_shared>>)
        %dma_wait3A_860 = arith.constant 1 : i32
        %dma_wait3A_861 = arith.constant 0 : i32
        %dma_wait3A_862 = tpu.memref_slice %arg15[%dma_wait3A_860, %dma_wait3A_861] : memref<3x80xi32, #tpu.memory_space<vmem>> -> memref<1x80xi32, #tpu.memory_space<vmem>>
        %dma_wait3A_863 = tpu.memref_squeeze %dma_wait3A_862 : memref<1x80xi32, #tpu.memory_space<vmem>> -> memref<80xi32, #tpu.memory_space<vmem>>
        %dma_wait3A_864 = arith.constant 0 : i32
        %dma_wait3A_865 = arith.constant 0 : i32
        %dma_wait3A_866 = tpu.memref_slice %arg12[%dma_wait3A_864, %dma_wait3A_865] : memref<10000x128xf32, #tpu.memory_space<vmem_shared>> -> memref<10000x128xf32, #tpu.memory_space<vmem_shared>>
        tpu.wait_indirect_dma semaphore(%arg25 : memref<!tpu.dma_semaphore, #tpu.memory_space<semaphore_mem>>) src(%arg19 : memref<80x128xf32, #tpu.memory_space<vmem>>) dst(%dma_wait3A_866 : memref<10000x128xf32, #tpu.memory_space<vmem_shared>>)
        %add3A_867 = arith.constant 2 : i32
        %add3A_868 = arith.addi %mul3A_620, %add3A_867 : i32
        %dma_wait3A_869 = arith.constant 0 : i32
        %dma_wait3A_870 = arith.constant 0 : i32
        %dma_wait3A_871 = tpu.memref_slice %arg13[%dma_wait3A_869, %dma_wait3A_870] : memref<3x80xi32, #tpu.memory_space<vmem>> -> memref<1x80xi32, #tpu.memory_space<vmem>>
        %dma_wait3A_872 = tpu.memref_squeeze %dma_wait3A_871 : memref<1x80xi32, #tpu.memory_space<vmem>> -> memref<80xi32, #tpu.memory_space<vmem>>
        %dma_wait3A_873 = arith.constant 0 : i32
        %dma_wait3A_874 = tpu.memref_slice %arg5[%dma_wait3A_873] : memref<160000xi32, #tpu.memory_space<hbm>> -> memref<80xi32, #tpu.memory_space<hbm>>
        %dma_wait3A_875 = arith.constant 0 : i32
        %dma_wait3A_876 = tpu.memref_slice %arg13[%dma_wait3A_869, %dma_wait3A_875] : memref<3x80xi32, #tpu.memory_space<vmem>> -> memref<1x80xi32, #tpu.memory_space<vmem>>
        %dma_wait3A_877 = tpu.memref_squeeze %dma_wait3A_876 : memref<1x80xi32, #tpu.memory_space<vmem>> -> memref<80xi32, #tpu.memory_space<vmem>>
        %dma_wait3A_878 = arith.constant 0 : i32
        %dma_wait3A_879 = tpu.memref_slice %arg5[%dma_wait3A_878] : memref<160000xi32, #tpu.memory_space<hbm>> -> memref<80xi32, #tpu.memory_space<hbm>>
        tpu.wait_dma2 semaphore(%arg20 : memref<!tpu.dma_semaphore, #tpu.memory_space<semaphore_mem>>) src(%dma_wait3A_879 : memref<80xi32, #tpu.memory_space<hbm>>) dst(%dma_wait3A_877 : memref<80xi32, #tpu.memory_space<vmem>>)
        %dma_wait3A_880 = arith.constant 0 : i32
        %dma_wait3A_881 = arith.constant 0 : i32
        %dma_wait3A_882 = tpu.memref_slice %arg14[%dma_wait3A_880, %dma_wait3A_881] : memref<3x80xi32, #tpu.memory_space<vmem>> -> memref<1x80xi32, #tpu.memory_space<vmem>>
        %dma_wait3A_883 = tpu.memref_squeeze %dma_wait3A_882 : memref<1x80xi32, #tpu.memory_space<vmem>> -> memref<80xi32, #tpu.memory_space<vmem>>
        %dma_wait3A_884 = arith.constant 0 : i32
        %dma_wait3A_885 = tpu.memref_slice %arg7[%dma_wait3A_884] : memref<160000xi32, #tpu.memory_space<hbm>> -> memref<80xi32, #tpu.memory_space<hbm>>
        %dma_wait3A_886 = arith.constant 0 : i32
        %dma_wait3A_887 = tpu.memref_slice %arg14[%dma_wait3A_880, %dma_wait3A_886] : memref<3x80xi32, #tpu.memory_space<vmem>> -> memref<1x80xi32, #tpu.memory_space<vmem>>
        %dma_wait3A_888 = tpu.memref_squeeze %dma_wait3A_887 : memref<1x80xi32, #tpu.memory_space<vmem>> -> memref<80xi32, #tpu.memory_space<vmem>>
        %dma_wait3A_889 = arith.constant 0 : i32
        %dma_wait3A_890 = tpu.memref_slice %arg7[%dma_wait3A_889] : memref<160000xi32, #tpu.memory_space<hbm>> -> memref<80xi32, #tpu.memory_space<hbm>>
        tpu.wait_dma2 semaphore(%arg20 : memref<!tpu.dma_semaphore, #tpu.memory_space<semaphore_mem>>) src(%dma_wait3A_890 : memref<80xi32, #tpu.memory_space<hbm>>) dst(%dma_wait3A_888 : memref<80xi32, #tpu.memory_space<vmem>>)
        %dma_wait3A_891 = arith.constant 0 : i32
        %dma_wait3A_892 = arith.constant 0 : i32
        %dma_wait3A_893 = tpu.memref_slice %arg15[%dma_wait3A_891, %dma_wait3A_892] : memref<3x80xi32, #tpu.memory_space<vmem>> -> memref<1x80xi32, #tpu.memory_space<vmem>>
        %dma_wait3A_894 = tpu.memref_squeeze %dma_wait3A_893 : memref<1x80xi32, #tpu.memory_space<vmem>> -> memref<80xi32, #tpu.memory_space<vmem>>
        %dma_wait3A_895 = arith.constant 0 : i32
        %dma_wait3A_896 = tpu.memref_slice %arg8[%dma_wait3A_895] : memref<160000xi32, #tpu.memory_space<hbm>> -> memref<80xi32, #tpu.memory_space<hbm>>
        %dma_wait3A_897 = arith.constant 0 : i32
        %dma_wait3A_898 = tpu.memref_slice %arg15[%dma_wait3A_891, %dma_wait3A_897] : memref<3x80xi32, #tpu.memory_space<vmem>> -> memref<1x80xi32, #tpu.memory_space<vmem>>
        %dma_wait3A_899 = tpu.memref_squeeze %dma_wait3A_898 : memref<1x80xi32, #tpu.memory_space<vmem>> -> memref<80xi32, #tpu.memory_space<vmem>>
        %dma_wait3A_900 = arith.constant 0 : i32
        %dma_wait3A_901 = tpu.memref_slice %arg8[%dma_wait3A_900] : memref<160000xi32, #tpu.memory_space<hbm>> -> memref<80xi32, #tpu.memory_space<hbm>>
        tpu.wait_dma2 semaphore(%arg20 : memref<!tpu.dma_semaphore, #tpu.memory_space<semaphore_mem>>) src(%dma_wait3A_901 : memref<80xi32, #tpu.memory_space<hbm>>) dst(%dma_wait3A_899 : memref<80xi32, #tpu.memory_space<vmem>>)
        %dma_start3A_902 = arith.constant 0 : i32
        %dma_start3A_903 = arith.constant 0 : i32
        %dma_start3A_904 = tpu.memref_slice %arg13[%dma_start3A_902, %dma_start3A_903] : memref<3x80xi32, #tpu.memory_space<vmem>> -> memref<1x80xi32, #tpu.memory_space<vmem>>
        %dma_start3A_905 = tpu.memref_squeeze %dma_start3A_904 : memref<1x80xi32, #tpu.memory_space<vmem>> -> memref<80xi32, #tpu.memory_space<vmem>>
        %dma_start3A_906 = arith.constant 0 : i32
        %dma_start3A_907 = arith.constant 0 : i32
        %dma_start3A_908 = tpu.memref_slice %arg2[%dma_start3A_906, %dma_start3A_907] : memref<20000x128xf32, #tpu.memory_space<hbm>> -> memref<20000x128xf32, #tpu.memory_space<hbm>>
        tpu.enqueue_indirect_dma source(%dma_start3A_908 : memref<20000x128xf32, #tpu.memory_space<hbm>>) target(%arg18 : memref<80x128xf32, #tpu.memory_space<vmem>>) offsets(%dma_start3A_905 : memref<80xi32, #tpu.memory_space<vmem>>) semaphore(%arg24 : memref<!tpu.dma_semaphore, #tpu.memory_space<semaphore_mem>>)
        %dma_start3A_909 = arith.constant 0 : i32
        %dma_start3A_910 = arith.constant 0 : i32
        %dma_start3A_911 = tpu.memref_slice %arg14[%dma_start3A_909, %dma_start3A_910] : memref<3x80xi32, #tpu.memory_space<vmem>> -> memref<1x80xi32, #tpu.memory_space<vmem>>
        %dma_start3A_912 = tpu.memref_squeeze %dma_start3A_911 : memref<1x80xi32, #tpu.memory_space<vmem>> -> memref<80xi32, #tpu.memory_space<vmem>>
        %dma_start3A_913 = arith.constant 0 : i32
        %dma_start3A_914 = arith.constant 0 : i32
        %dma_start3A_915 = tpu.memref_slice %arg3[%dma_start3A_913, %dma_start3A_914] : memref<320000x128xf32, #tpu.memory_space<hbm>> -> memref<320000x128xf32, #tpu.memory_space<hbm>>
        tpu.enqueue_indirect_dma source(%dma_start3A_915 : memref<320000x128xf32, #tpu.memory_space<hbm>>) target(%arg19 : memref<80x128xf32, #tpu.memory_space<vmem>>) offsets(%dma_start3A_912 : memref<80xi32, #tpu.memory_space<vmem>>) semaphore(%arg24 : memref<!tpu.dma_semaphore, #tpu.memory_space<semaphore_mem>>)
        %add3A_916 = arith.constant 2 : i32
        %add3A_917 = arith.addi %add3A_868, %add3A_916 : i32
        %mul3A_918 = arith.constant 10000 : i32
        %mul3A_919 = arith.muli %arg1, %mul3A_918 : i32
        %mul3A_920 = arith.constant 80 : i32
        %mul3A_921 = arith.muli %add3A_917, %mul3A_920 : i32
        %add3A_922 = arith.addi %mul3A_919, %mul3A_921 : i32
        %dma_start3A_923 = arith.constant 1 : i32
        %dma_start3A_924 = arith.constant 0 : i32
        %dma_start3A_925 = tpu.memref_slice %arg13[%dma_start3A_923, %dma_start3A_924] : memref<3x80xi32, #tpu.memory_space<vmem>> -> memref<1x80xi32, #tpu.memory_space<vmem>>
        %dma_start3A_926 = tpu.memref_squeeze %dma_start3A_925 : memref<1x80xi32, #tpu.memory_space<vmem>> -> memref<80xi32, #tpu.memory_space<vmem>>
        %dma_start3A_927 = tpu.memref_slice %arg5[%add3A_922] : memref<160000xi32, #tpu.memory_space<hbm>> -> memref<80xi32, #tpu.memory_space<hbm>>
        %dma_start3A_928 = arith.constant 0 : i32
        %dma_start3A_929 = tpu.memref_slice %arg13[%dma_start3A_923, %dma_start3A_928] : memref<3x80xi32, #tpu.memory_space<vmem>> -> memref<1x80xi32, #tpu.memory_space<vmem>>
        %dma_start3A_930 = tpu.memref_squeeze %dma_start3A_929 : memref<1x80xi32, #tpu.memory_space<vmem>> -> memref<80xi32, #tpu.memory_space<vmem>>
        %dma_start3A_931 = tpu.memref_slice %arg5[%add3A_922] : memref<160000xi32, #tpu.memory_space<hbm>> -> memref<80xi32, #tpu.memory_space<hbm>>
        tpu.enqueue_dma source(%dma_start3A_931 : memref<80xi32, #tpu.memory_space<hbm>>) target(%dma_start3A_930 : memref<80xi32, #tpu.memory_space<vmem>>) target_semaphore(%arg21 : memref<!tpu.dma_semaphore, #tpu.memory_space<semaphore_mem>>)
        %dma_start3A_932 = arith.constant 1 : i32
        %dma_start3A_933 = arith.constant 0 : i32
        %dma_start3A_934 = tpu.memref_slice %arg14[%dma_start3A_932, %dma_start3A_933] : memref<3x80xi32, #tpu.memory_space<vmem>> -> memref<1x80xi32, #tpu.memory_space<vmem>>
        %dma_start3A_935 = tpu.memref_squeeze %dma_start3A_934 : memref<1x80xi32, #tpu.memory_space<vmem>> -> memref<80xi32, #tpu.memory_space<vmem>>
        %dma_start3A_936 = tpu.memref_slice %arg7[%add3A_922] : memref<160000xi32, #tpu.memory_space<hbm>> -> memref<80xi32, #tpu.memory_space<hbm>>
        %dma_start3A_937 = arith.constant 0 : i32
        %dma_start3A_938 = tpu.memref_slice %arg14[%dma_start3A_932, %dma_start3A_937] : memref<3x80xi32, #tpu.memory_space<vmem>> -> memref<1x80xi32, #tpu.memory_space<vmem>>
        %dma_start3A_939 = tpu.memref_squeeze %dma_start3A_938 : memref<1x80xi32, #tpu.memory_space<vmem>> -> memref<80xi32, #tpu.memory_space<vmem>>
        %dma_start3A_940 = tpu.memref_slice %arg7[%add3A_922] : memref<160000xi32, #tpu.memory_space<hbm>> -> memref<80xi32, #tpu.memory_space<hbm>>
        tpu.enqueue_dma source(%dma_start3A_940 : memref<80xi32, #tpu.memory_space<hbm>>) target(%dma_start3A_939 : memref<80xi32, #tpu.memory_space<vmem>>) target_semaphore(%arg21 : memref<!tpu.dma_semaphore, #tpu.memory_space<semaphore_mem>>)
        %dma_start3A_941 = arith.constant 1 : i32
        %dma_start3A_942 = arith.constant 0 : i32
        %dma_start3A_943 = tpu.memref_slice %arg15[%dma_start3A_941, %dma_start3A_942] : memref<3x80xi32, #tpu.memory_space<vmem>> -> memref<1x80xi32, #tpu.memory_space<vmem>>
        %dma_start3A_944 = tpu.memref_squeeze %dma_start3A_943 : memref<1x80xi32, #tpu.memory_space<vmem>> -> memref<80xi32, #tpu.memory_space<vmem>>
        %dma_start3A_945 = tpu.memref_slice %arg8[%add3A_922] : memref<160000xi32, #tpu.memory_space<hbm>> -> memref<80xi32, #tpu.memory_space<hbm>>
        %dma_start3A_946 = arith.constant 0 : i32
        %dma_start3A_947 = tpu.memref_slice %arg15[%dma_start3A_941, %dma_start3A_946] : memref<3x80xi32, #tpu.memory_space<vmem>> -> memref<1x80xi32, #tpu.memory_space<vmem>>
        %dma_start3A_948 = tpu.memref_squeeze %dma_start3A_947 : memref<1x80xi32, #tpu.memory_space<vmem>> -> memref<80xi32, #tpu.memory_space<vmem>>
        %dma_start3A_949 = tpu.memref_slice %arg8[%add3A_922] : memref<160000xi32, #tpu.memory_space<hbm>> -> memref<80xi32, #tpu.memory_space<hbm>>
        tpu.enqueue_dma source(%dma_start3A_949 : memref<80xi32, #tpu.memory_space<hbm>>) target(%dma_start3A_948 : memref<80xi32, #tpu.memory_space<vmem>>) target_semaphore(%arg21 : memref<!tpu.dma_semaphore, #tpu.memory_space<semaphore_mem>>)
        %dma_wait3A_950 = arith.constant 0 : i32
        %dma_wait3A_951 = arith.constant 0 : i32
        %dma_wait3A_952 = tpu.memref_slice %arg2[%dma_wait3A_950, %dma_wait3A_951] : memref<20000x128xf32, #tpu.memory_space<hbm>> -> memref<80x128xf32, #tpu.memory_space<hbm>>
        %dma_wait3A_953 = arith.constant 0 : i32
        %dma_wait3A_954 = arith.constant 0 : i32
        %dma_wait3A_955 = tpu.memref_slice %arg2[%dma_wait3A_953, %dma_wait3A_954] : memref<20000x128xf32, #tpu.memory_space<hbm>> -> memref<80x128xf32, #tpu.memory_space<hbm>>
        tpu.wait_dma2 semaphore(%arg23 : memref<!tpu.dma_semaphore, #tpu.memory_space<semaphore_mem>>) src(%dma_wait3A_955 : memref<80x128xf32, #tpu.memory_space<hbm>>) dst(%arg16 : memref<80x128xf32, #tpu.memory_space<vmem>>)
        %dma_wait3A_956 = arith.constant 0 : i32
        %dma_wait3A_957 = arith.constant 0 : i32
        %dma_wait3A_958 = tpu.memref_slice %arg3[%dma_wait3A_956, %dma_wait3A_957] : memref<320000x128xf32, #tpu.memory_space<hbm>> -> memref<80x128xf32, #tpu.memory_space<hbm>>
        %dma_wait3A_959 = arith.constant 0 : i32
        %dma_wait3A_960 = arith.constant 0 : i32
        %dma_wait3A_961 = tpu.memref_slice %arg3[%dma_wait3A_959, %dma_wait3A_960] : memref<320000x128xf32, #tpu.memory_space<hbm>> -> memref<80x128xf32, #tpu.memory_space<hbm>>
        tpu.wait_dma2 semaphore(%arg23 : memref<!tpu.dma_semaphore, #tpu.memory_space<semaphore_mem>>) src(%dma_wait3A_961 : memref<80x128xf32, #tpu.memory_space<hbm>>) dst(%arg17 : memref<80x128xf32, #tpu.memory_space<vmem>>)
        %dma_start3A_962 = arith.constant 2 : i32
        %dma_start3A_963 = arith.constant 0 : i32
        %dma_start3A_964 = tpu.memref_slice %arg15[%dma_start3A_962, %dma_start3A_963] : memref<3x80xi32, #tpu.memory_space<vmem>> -> memref<1x80xi32, #tpu.memory_space<vmem>>
        %dma_start3A_965 = tpu.memref_squeeze %dma_start3A_964 : memref<1x80xi32, #tpu.memory_space<vmem>> -> memref<80xi32, #tpu.memory_space<vmem>>
        %dma_start3A_966 = arith.constant 0 : i32
        %dma_start3A_967 = arith.constant 0 : i32
        %dma_start3A_968 = tpu.memref_slice %arg12[%dma_start3A_966, %dma_start3A_967] : memref<10000x128xf32, #tpu.memory_space<vmem_shared>> -> memref<10000x128xf32, #tpu.memory_space<vmem_shared>>
        tpu.enqueue_indirect_dma source(%arg16 : memref<80x128xf32, #tpu.memory_space<vmem>>) target(%dma_start3A_968 : memref<10000x128xf32, #tpu.memory_space<vmem_shared>>) offsets(%dma_start3A_965 : memref<80xi32, #tpu.memory_space<vmem>>) semaphore(%arg25 : memref<!tpu.dma_semaphore, #tpu.memory_space<semaphore_mem>>) {add = true}
        %dma_start3A_969 = arith.constant 2 : i32
        %dma_start3A_970 = arith.constant 0 : i32
        %dma_start3A_971 = tpu.memref_slice %arg15[%dma_start3A_969, %dma_start3A_970] : memref<3x80xi32, #tpu.memory_space<vmem>> -> memref<1x80xi32, #tpu.memory_space<vmem>>
        %dma_start3A_972 = tpu.memref_squeeze %dma_start3A_971 : memref<1x80xi32, #tpu.memory_space<vmem>> -> memref<80xi32, #tpu.memory_space<vmem>>
        %dma_start3A_973 = arith.constant 0 : i32
        %dma_start3A_974 = arith.constant 0 : i32
        %dma_start3A_975 = tpu.memref_slice %arg12[%dma_start3A_973, %dma_start3A_974] : memref<10000x128xf32, #tpu.memory_space<vmem_shared>> -> memref<10000x128xf32, #tpu.memory_space<vmem_shared>>
        tpu.enqueue_indirect_dma source(%arg17 : memref<80x128xf32, #tpu.memory_space<vmem>>) target(%dma_start3A_975 : memref<10000x128xf32, #tpu.memory_space<vmem_shared>>) offsets(%dma_start3A_972 : memref<80xi32, #tpu.memory_space<vmem>>) semaphore(%arg25 : memref<!tpu.dma_semaphore, #tpu.memory_space<semaphore_mem>>) {add = true}
        %dma_wait3A_976 = arith.constant 2 : i32
        %dma_wait3A_977 = arith.constant 0 : i32
        %dma_wait3A_978 = tpu.memref_slice %arg15[%dma_wait3A_976, %dma_wait3A_977] : memref<3x80xi32, #tpu.memory_space<vmem>> -> memref<1x80xi32, #tpu.memory_space<vmem>>
        %dma_wait3A_979 = tpu.memref_squeeze %dma_wait3A_978 : memref<1x80xi32, #tpu.memory_space<vmem>> -> memref<80xi32, #tpu.memory_space<vmem>>
        %dma_wait3A_980 = arith.constant 0 : i32
        %dma_wait3A_981 = arith.constant 0 : i32
        %dma_wait3A_982 = tpu.memref_slice %arg12[%dma_wait3A_980, %dma_wait3A_981] : memref<10000x128xf32, #tpu.memory_space<vmem_shared>> -> memref<10000x128xf32, #tpu.memory_space<vmem_shared>>
        tpu.wait_indirect_dma semaphore(%arg25 : memref<!tpu.dma_semaphore, #tpu.memory_space<semaphore_mem>>) src(%arg16 : memref<80x128xf32, #tpu.memory_space<vmem>>) dst(%dma_wait3A_982 : memref<10000x128xf32, #tpu.memory_space<vmem_shared>>)
        %dma_wait3A_983 = arith.constant 2 : i32
        %dma_wait3A_984 = arith.constant 0 : i32
        %dma_wait3A_985 = tpu.memref_slice %arg15[%dma_wait3A_983, %dma_wait3A_984] : memref<3x80xi32, #tpu.memory_space<vmem>> -> memref<1x80xi32, #tpu.memory_space<vmem>>
        %dma_wait3A_986 = tpu.memref_squeeze %dma_wait3A_985 : memref<1x80xi32, #tpu.memory_space<vmem>> -> memref<80xi32, #tpu.memory_space<vmem>>
        %dma_wait3A_987 = arith.constant 0 : i32
        %dma_wait3A_988 = arith.constant 0 : i32
        %dma_wait3A_989 = tpu.memref_slice %arg12[%dma_wait3A_987, %dma_wait3A_988] : memref<10000x128xf32, #tpu.memory_space<vmem_shared>> -> memref<10000x128xf32, #tpu.memory_space<vmem_shared>>
        tpu.wait_indirect_dma semaphore(%arg25 : memref<!tpu.dma_semaphore, #tpu.memory_space<semaphore_mem>>) src(%arg17 : memref<80x128xf32, #tpu.memory_space<vmem>>) dst(%dma_wait3A_989 : memref<10000x128xf32, #tpu.memory_space<vmem_shared>>)
        %add3A_990 = arith.constant 3 : i32
        %add3A_991 = arith.addi %mul3A_620, %add3A_990 : i32
        %dma_wait3A_992 = arith.constant 1 : i32
        %dma_wait3A_993 = arith.constant 0 : i32
        %dma_wait3A_994 = tpu.memref_slice %arg13[%dma_wait3A_992, %dma_wait3A_993] : memref<3x80xi32, #tpu.memory_space<vmem>> -> memref<1x80xi32, #tpu.memory_space<vmem>>
        %dma_wait3A_995 = tpu.memref_squeeze %dma_wait3A_994 : memref<1x80xi32, #tpu.memory_space<vmem>> -> memref<80xi32, #tpu.memory_space<vmem>>
        %dma_wait3A_996 = arith.constant 0 : i32
        %dma_wait3A_997 = tpu.memref_slice %arg5[%dma_wait3A_996] : memref<160000xi32, #tpu.memory_space<hbm>> -> memref<80xi32, #tpu.memory_space<hbm>>
        %dma_wait3A_998 = arith.constant 0 : i32
        %dma_wait3A_999 = tpu.memref_slice %arg13[%dma_wait3A_992, %dma_wait3A_998] : memref<3x80xi32, #tpu.memory_space<vmem>> -> memref<1x80xi32, #tpu.memory_space<vmem>>
        %dma_wait3A_1000 = tpu.memref_squeeze %dma_wait3A_999 : memref<1x80xi32, #tpu.memory_space<vmem>> -> memref<80xi32, #tpu.memory_space<vmem>>
        %dma_wait3A_1001 = arith.constant 0 : i32
        %dma_wait3A_1002 = tpu.memref_slice %arg5[%dma_wait3A_1001] : memref<160000xi32, #tpu.memory_space<hbm>> -> memref<80xi32, #tpu.memory_space<hbm>>
        tpu.wait_dma2 semaphore(%arg21 : memref<!tpu.dma_semaphore, #tpu.memory_space<semaphore_mem>>) src(%dma_wait3A_1002 : memref<80xi32, #tpu.memory_space<hbm>>) dst(%dma_wait3A_1000 : memref<80xi32, #tpu.memory_space<vmem>>)
        %dma_wait3A_1003 = arith.constant 1 : i32
        %dma_wait3A_1004 = arith.constant 0 : i32
        %dma_wait3A_1005 = tpu.memref_slice %arg14[%dma_wait3A_1003, %dma_wait3A_1004] : memref<3x80xi32, #tpu.memory_space<vmem>> -> memref<1x80xi32, #tpu.memory_space<vmem>>
        %dma_wait3A_1006 = tpu.memref_squeeze %dma_wait3A_1005 : memref<1x80xi32, #tpu.memory_space<vmem>> -> memref<80xi32, #tpu.memory_space<vmem>>
        %dma_wait3A_1007 = arith.constant 0 : i32
        %dma_wait3A_1008 = tpu.memref_slice %arg7[%dma_wait3A_1007] : memref<160000xi32, #tpu.memory_space<hbm>> -> memref<80xi32, #tpu.memory_space<hbm>>
        %dma_wait3A_1009 = arith.constant 0 : i32
        %dma_wait3A_1010 = tpu.memref_slice %arg14[%dma_wait3A_1003, %dma_wait3A_1009] : memref<3x80xi32, #tpu.memory_space<vmem>> -> memref<1x80xi32, #tpu.memory_space<vmem>>
        %dma_wait3A_1011 = tpu.memref_squeeze %dma_wait3A_1010 : memref<1x80xi32, #tpu.memory_space<vmem>> -> memref<80xi32, #tpu.memory_space<vmem>>
        %dma_wait3A_1012 = arith.constant 0 : i32
        %dma_wait3A_1013 = tpu.memref_slice %arg7[%dma_wait3A_1012] : memref<160000xi32, #tpu.memory_space<hbm>> -> memref<80xi32, #tpu.memory_space<hbm>>
        tpu.wait_dma2 semaphore(%arg21 : memref<!tpu.dma_semaphore, #tpu.memory_space<semaphore_mem>>) src(%dma_wait3A_1013 : memref<80xi32, #tpu.memory_space<hbm>>) dst(%dma_wait3A_1011 : memref<80xi32, #tpu.memory_space<vmem>>)
        %dma_wait3A_1014 = arith.constant 1 : i32
        %dma_wait3A_1015 = arith.constant 0 : i32
        %dma_wait3A_1016 = tpu.memref_slice %arg15[%dma_wait3A_1014, %dma_wait3A_1015] : memref<3x80xi32, #tpu.memory_space<vmem>> -> memref<1x80xi32, #tpu.memory_space<vmem>>
        %dma_wait3A_1017 = tpu.memref_squeeze %dma_wait3A_1016 : memref<1x80xi32, #tpu.memory_space<vmem>> -> memref<80xi32, #tpu.memory_space<vmem>>
        %dma_wait3A_1018 = arith.constant 0 : i32
        %dma_wait3A_1019 = tpu.memref_slice %arg8[%dma_wait3A_1018] : memref<160000xi32, #tpu.memory_space<hbm>> -> memref<80xi32, #tpu.memory_space<hbm>>
        %dma_wait3A_1020 = arith.constant 0 : i32
        %dma_wait3A_1021 = tpu.memref_slice %arg15[%dma_wait3A_1014, %dma_wait3A_1020] : memref<3x80xi32, #tpu.memory_space<vmem>> -> memref<1x80xi32, #tpu.memory_space<vmem>>
        %dma_wait3A_1022 = tpu.memref_squeeze %dma_wait3A_1021 : memref<1x80xi32, #tpu.memory_space<vmem>> -> memref<80xi32, #tpu.memory_space<vmem>>
        %dma_wait3A_1023 = arith.constant 0 : i32
        %dma_wait3A_1024 = tpu.memref_slice %arg8[%dma_wait3A_1023] : memref<160000xi32, #tpu.memory_space<hbm>> -> memref<80xi32, #tpu.memory_space<hbm>>
        tpu.wait_dma2 semaphore(%arg21 : memref<!tpu.dma_semaphore, #tpu.memory_space<semaphore_mem>>) src(%dma_wait3A_1024 : memref<80xi32, #tpu.memory_space<hbm>>) dst(%dma_wait3A_1022 : memref<80xi32, #tpu.memory_space<vmem>>)
        %dma_start3A_1025 = arith.constant 1 : i32
        %dma_start3A_1026 = arith.constant 0 : i32
        %dma_start3A_1027 = tpu.memref_slice %arg13[%dma_start3A_1025, %dma_start3A_1026] : memref<3x80xi32, #tpu.memory_space<vmem>> -> memref<1x80xi32, #tpu.memory_space<vmem>>
        %dma_start3A_1028 = tpu.memref_squeeze %dma_start3A_1027 : memref<1x80xi32, #tpu.memory_space<vmem>> -> memref<80xi32, #tpu.memory_space<vmem>>
        %dma_start3A_1029 = arith.constant 0 : i32
        %dma_start3A_1030 = arith.constant 0 : i32
        %dma_start3A_1031 = tpu.memref_slice %arg2[%dma_start3A_1029, %dma_start3A_1030] : memref<20000x128xf32, #tpu.memory_space<hbm>> -> memref<20000x128xf32, #tpu.memory_space<hbm>>
        tpu.enqueue_indirect_dma source(%dma_start3A_1031 : memref<20000x128xf32, #tpu.memory_space<hbm>>) target(%arg16 : memref<80x128xf32, #tpu.memory_space<vmem>>) offsets(%dma_start3A_1028 : memref<80xi32, #tpu.memory_space<vmem>>) semaphore(%arg23 : memref<!tpu.dma_semaphore, #tpu.memory_space<semaphore_mem>>)
        %dma_start3A_1032 = arith.constant 1 : i32
        %dma_start3A_1033 = arith.constant 0 : i32
        %dma_start3A_1034 = tpu.memref_slice %arg14[%dma_start3A_1032, %dma_start3A_1033] : memref<3x80xi32, #tpu.memory_space<vmem>> -> memref<1x80xi32, #tpu.memory_space<vmem>>
        %dma_start3A_1035 = tpu.memref_squeeze %dma_start3A_1034 : memref<1x80xi32, #tpu.memory_space<vmem>> -> memref<80xi32, #tpu.memory_space<vmem>>
        %dma_start3A_1036 = arith.constant 0 : i32
        %dma_start3A_1037 = arith.constant 0 : i32
        %dma_start3A_1038 = tpu.memref_slice %arg3[%dma_start3A_1036, %dma_start3A_1037] : memref<320000x128xf32, #tpu.memory_space<hbm>> -> memref<320000x128xf32, #tpu.memory_space<hbm>>
        tpu.enqueue_indirect_dma source(%dma_start3A_1038 : memref<320000x128xf32, #tpu.memory_space<hbm>>) target(%arg17 : memref<80x128xf32, #tpu.memory_space<vmem>>) offsets(%dma_start3A_1035 : memref<80xi32, #tpu.memory_space<vmem>>) semaphore(%arg23 : memref<!tpu.dma_semaphore, #tpu.memory_space<semaphore_mem>>)
        %add3A_1039 = arith.constant 2 : i32
        %add3A_1040 = arith.addi %add3A_991, %add3A_1039 : i32
        %mul3A_1041 = arith.constant 10000 : i32
        %mul3A_1042 = arith.muli %arg1, %mul3A_1041 : i32
        %mul3A_1043 = arith.constant 80 : i32
        %mul3A_1044 = arith.muli %add3A_1040, %mul3A_1043 : i32
        %add3A_1045 = arith.addi %mul3A_1042, %mul3A_1044 : i32
        %dma_start3A_1046 = arith.constant 2 : i32
        %dma_start3A_1047 = arith.constant 0 : i32
        %dma_start3A_1048 = tpu.memref_slice %arg13[%dma_start3A_1046, %dma_start3A_1047] : memref<3x80xi32, #tpu.memory_space<vmem>> -> memref<1x80xi32, #tpu.memory_space<vmem>>
        %dma_start3A_1049 = tpu.memref_squeeze %dma_start3A_1048 : memref<1x80xi32, #tpu.memory_space<vmem>> -> memref<80xi32, #tpu.memory_space<vmem>>
        %dma_start3A_1050 = tpu.memref_slice %arg5[%add3A_1045] : memref<160000xi32, #tpu.memory_space<hbm>> -> memref<80xi32, #tpu.memory_space<hbm>>
        %dma_start3A_1051 = arith.constant 0 : i32
        %dma_start3A_1052 = tpu.memref_slice %arg13[%dma_start3A_1046, %dma_start3A_1051] : memref<3x80xi32, #tpu.memory_space<vmem>> -> memref<1x80xi32, #tpu.memory_space<vmem>>
        %dma_start3A_1053 = tpu.memref_squeeze %dma_start3A_1052 : memref<1x80xi32, #tpu.memory_space<vmem>> -> memref<80xi32, #tpu.memory_space<vmem>>
        %dma_start3A_1054 = tpu.memref_slice %arg5[%add3A_1045] : memref<160000xi32, #tpu.memory_space<hbm>> -> memref<80xi32, #tpu.memory_space<hbm>>
        tpu.enqueue_dma source(%dma_start3A_1054 : memref<80xi32, #tpu.memory_space<hbm>>) target(%dma_start3A_1053 : memref<80xi32, #tpu.memory_space<vmem>>) target_semaphore(%arg22 : memref<!tpu.dma_semaphore, #tpu.memory_space<semaphore_mem>>)
        %dma_start3A_1055 = arith.constant 2 : i32
        %dma_start3A_1056 = arith.constant 0 : i32
        %dma_start3A_1057 = tpu.memref_slice %arg14[%dma_start3A_1055, %dma_start3A_1056] : memref<3x80xi32, #tpu.memory_space<vmem>> -> memref<1x80xi32, #tpu.memory_space<vmem>>
        %dma_start3A_1058 = tpu.memref_squeeze %dma_start3A_1057 : memref<1x80xi32, #tpu.memory_space<vmem>> -> memref<80xi32, #tpu.memory_space<vmem>>
        %dma_start3A_1059 = tpu.memref_slice %arg7[%add3A_1045] : memref<160000xi32, #tpu.memory_space<hbm>> -> memref<80xi32, #tpu.memory_space<hbm>>
        %dma_start3A_1060 = arith.constant 0 : i32
        %dma_start3A_1061 = tpu.memref_slice %arg14[%dma_start3A_1055, %dma_start3A_1060] : memref<3x80xi32, #tpu.memory_space<vmem>> -> memref<1x80xi32, #tpu.memory_space<vmem>>
        %dma_start3A_1062 = tpu.memref_squeeze %dma_start3A_1061 : memref<1x80xi32, #tpu.memory_space<vmem>> -> memref<80xi32, #tpu.memory_space<vmem>>
        %dma_start3A_1063 = tpu.memref_slice %arg7[%add3A_1045] : memref<160000xi32, #tpu.memory_space<hbm>> -> memref<80xi32, #tpu.memory_space<hbm>>
        tpu.enqueue_dma source(%dma_start3A_1063 : memref<80xi32, #tpu.memory_space<hbm>>) target(%dma_start3A_1062 : memref<80xi32, #tpu.memory_space<vmem>>) target_semaphore(%arg22 : memref<!tpu.dma_semaphore, #tpu.memory_space<semaphore_mem>>)
        %dma_start3A_1064 = arith.constant 2 : i32
        %dma_start3A_1065 = arith.constant 0 : i32
        %dma_start3A_1066 = tpu.memref_slice %arg15[%dma_start3A_1064, %dma_start3A_1065] : memref<3x80xi32, #tpu.memory_space<vmem>> -> memref<1x80xi32, #tpu.memory_space<vmem>>
        %dma_start3A_1067 = tpu.memref_squeeze %dma_start3A_1066 : memref<1x80xi32, #tpu.memory_space<vmem>> -> memref<80xi32, #tpu.memory_space<vmem>>
        %dma_start3A_1068 = tpu.memref_slice %arg8[%add3A_1045] : memref<160000xi32, #tpu.memory_space<hbm>> -> memref<80xi32, #tpu.memory_space<hbm>>
        %dma_start3A_1069 = arith.constant 0 : i32
        %dma_start3A_1070 = tpu.memref_slice %arg15[%dma_start3A_1064, %dma_start3A_1069] : memref<3x80xi32, #tpu.memory_space<vmem>> -> memref<1x80xi32, #tpu.memory_space<vmem>>
        %dma_start3A_1071 = tpu.memref_squeeze %dma_start3A_1070 : memref<1x80xi32, #tpu.memory_space<vmem>> -> memref<80xi32, #tpu.memory_space<vmem>>
        %dma_start3A_1072 = tpu.memref_slice %arg8[%add3A_1045] : memref<160000xi32, #tpu.memory_space<hbm>> -> memref<80xi32, #tpu.memory_space<hbm>>
        tpu.enqueue_dma source(%dma_start3A_1072 : memref<80xi32, #tpu.memory_space<hbm>>) target(%dma_start3A_1071 : memref<80xi32, #tpu.memory_space<vmem>>) target_semaphore(%arg22 : memref<!tpu.dma_semaphore, #tpu.memory_space<semaphore_mem>>)
        %dma_wait3A_1073 = arith.constant 0 : i32
        %dma_wait3A_1074 = arith.constant 0 : i32
        %dma_wait3A_1075 = tpu.memref_slice %arg2[%dma_wait3A_1073, %dma_wait3A_1074] : memref<20000x128xf32, #tpu.memory_space<hbm>> -> memref<80x128xf32, #tpu.memory_space<hbm>>
        %dma_wait3A_1076 = arith.constant 0 : i32
        %dma_wait3A_1077 = arith.constant 0 : i32
        %dma_wait3A_1078 = tpu.memref_slice %arg2[%dma_wait3A_1076, %dma_wait3A_1077] : memref<20000x128xf32, #tpu.memory_space<hbm>> -> memref<80x128xf32, #tpu.memory_space<hbm>>
        tpu.wait_dma2 semaphore(%arg24 : memref<!tpu.dma_semaphore, #tpu.memory_space<semaphore_mem>>) src(%dma_wait3A_1078 : memref<80x128xf32, #tpu.memory_space<hbm>>) dst(%arg18 : memref<80x128xf32, #tpu.memory_space<vmem>>)
        %dma_wait3A_1079 = arith.constant 0 : i32
        %dma_wait3A_1080 = arith.constant 0 : i32
        %dma_wait3A_1081 = tpu.memref_slice %arg3[%dma_wait3A_1079, %dma_wait3A_1080] : memref<320000x128xf32, #tpu.memory_space<hbm>> -> memref<80x128xf32, #tpu.memory_space<hbm>>
        %dma_wait3A_1082 = arith.constant 0 : i32
        %dma_wait3A_1083 = arith.constant 0 : i32
        %dma_wait3A_1084 = tpu.memref_slice %arg3[%dma_wait3A_1082, %dma_wait3A_1083] : memref<320000x128xf32, #tpu.memory_space<hbm>> -> memref<80x128xf32, #tpu.memory_space<hbm>>
        tpu.wait_dma2 semaphore(%arg24 : memref<!tpu.dma_semaphore, #tpu.memory_space<semaphore_mem>>) src(%dma_wait3A_1084 : memref<80x128xf32, #tpu.memory_space<hbm>>) dst(%arg19 : memref<80x128xf32, #tpu.memory_space<vmem>>)
        %dma_start3A_1085 = arith.constant 0 : i32
        %dma_start3A_1086 = arith.constant 0 : i32
        %dma_start3A_1087 = tpu.memref_slice %arg15[%dma_start3A_1085, %dma_start3A_1086] : memref<3x80xi32, #tpu.memory_space<vmem>> -> memref<1x80xi32, #tpu.memory_space<vmem>>
        %dma_start3A_1088 = tpu.memref_squeeze %dma_start3A_1087 : memref<1x80xi32, #tpu.memory_space<vmem>> -> memref<80xi32, #tpu.memory_space<vmem>>
        %dma_start3A_1089 = arith.constant 0 : i32
        %dma_start3A_1090 = arith.constant 0 : i32
        %dma_start3A_1091 = tpu.memref_slice %arg12[%dma_start3A_1089, %dma_start3A_1090] : memref<10000x128xf32, #tpu.memory_space<vmem_shared>> -> memref<10000x128xf32, #tpu.memory_space<vmem_shared>>
        tpu.enqueue_indirect_dma source(%arg18 : memref<80x128xf32, #tpu.memory_space<vmem>>) target(%dma_start3A_1091 : memref<10000x128xf32, #tpu.memory_space<vmem_shared>>) offsets(%dma_start3A_1088 : memref<80xi32, #tpu.memory_space<vmem>>) semaphore(%arg25 : memref<!tpu.dma_semaphore, #tpu.memory_space<semaphore_mem>>) {add = true}
        %dma_start3A_1092 = arith.constant 0 : i32
        %dma_start3A_1093 = arith.constant 0 : i32
        %dma_start3A_1094 = tpu.memref_slice %arg15[%dma_start3A_1092, %dma_start3A_1093] : memref<3x80xi32, #tpu.memory_space<vmem>> -> memref<1x80xi32, #tpu.memory_space<vmem>>
        %dma_start3A_1095 = tpu.memref_squeeze %dma_start3A_1094 : memref<1x80xi32, #tpu.memory_space<vmem>> -> memref<80xi32, #tpu.memory_space<vmem>>
        %dma_start3A_1096 = arith.constant 0 : i32
        %dma_start3A_1097 = arith.constant 0 : i32
        %dma_start3A_1098 = tpu.memref_slice %arg12[%dma_start3A_1096, %dma_start3A_1097] : memref<10000x128xf32, #tpu.memory_space<vmem_shared>> -> memref<10000x128xf32, #tpu.memory_space<vmem_shared>>
        tpu.enqueue_indirect_dma source(%arg19 : memref<80x128xf32, #tpu.memory_space<vmem>>) target(%dma_start3A_1098 : memref<10000x128xf32, #tpu.memory_space<vmem_shared>>) offsets(%dma_start3A_1095 : memref<80xi32, #tpu.memory_space<vmem>>) semaphore(%arg25 : memref<!tpu.dma_semaphore, #tpu.memory_space<semaphore_mem>>) {add = true}
        %dma_wait3A_1099 = arith.constant 0 : i32
        %dma_wait3A_1100 = arith.constant 0 : i32
        %dma_wait3A_1101 = tpu.memref_slice %arg15[%dma_wait3A_1099, %dma_wait3A_1100] : memref<3x80xi32, #tpu.memory_space<vmem>> -> memref<1x80xi32, #tpu.memory_space<vmem>>
        %dma_wait3A_1102 = tpu.memref_squeeze %dma_wait3A_1101 : memref<1x80xi32, #tpu.memory_space<vmem>> -> memref<80xi32, #tpu.memory_space<vmem>>
        %dma_wait3A_1103 = arith.constant 0 : i32
        %dma_wait3A_1104 = arith.constant 0 : i32
        %dma_wait3A_1105 = tpu.memref_slice %arg12[%dma_wait3A_1103, %dma_wait3A_1104] : memref<10000x128xf32, #tpu.memory_space<vmem_shared>> -> memref<10000x128xf32, #tpu.memory_space<vmem_shared>>
        tpu.wait_indirect_dma semaphore(%arg25 : memref<!tpu.dma_semaphore, #tpu.memory_space<semaphore_mem>>) src(%arg18 : memref<80x128xf32, #tpu.memory_space<vmem>>) dst(%dma_wait3A_1105 : memref<10000x128xf32, #tpu.memory_space<vmem_shared>>)
        %dma_wait3A_1106 = arith.constant 0 : i32
        %dma_wait3A_1107 = arith.constant 0 : i32
        %dma_wait3A_1108 = tpu.memref_slice %arg15[%dma_wait3A_1106, %dma_wait3A_1107] : memref<3x80xi32, #tpu.memory_space<vmem>> -> memref<1x80xi32, #tpu.memory_space<vmem>>
        %dma_wait3A_1109 = tpu.memref_squeeze %dma_wait3A_1108 : memref<1x80xi32, #tpu.memory_space<vmem>> -> memref<80xi32, #tpu.memory_space<vmem>>
        %dma_wait3A_1110 = arith.constant 0 : i32
        %dma_wait3A_1111 = arith.constant 0 : i32
        %dma_wait3A_1112 = tpu.memref_slice %arg12[%dma_wait3A_1110, %dma_wait3A_1111] : memref<10000x128xf32, #tpu.memory_space<vmem_shared>> -> memref<10000x128xf32, #tpu.memory_space<vmem_shared>>
        tpu.wait_indirect_dma semaphore(%arg25 : memref<!tpu.dma_semaphore, #tpu.memory_space<semaphore_mem>>) src(%arg19 : memref<80x128xf32, #tpu.memory_space<vmem>>) dst(%dma_wait3A_1112 : memref<10000x128xf32, #tpu.memory_space<vmem_shared>>)
        %add3A_1113 = arith.constant 4 : i32
        %add3A_1114 = arith.addi %mul3A_620, %add3A_1113 : i32
        %dma_wait3A_1115 = arith.constant 2 : i32
        %dma_wait3A_1116 = arith.constant 0 : i32
        %dma_wait3A_1117 = tpu.memref_slice %arg13[%dma_wait3A_1115, %dma_wait3A_1116] : memref<3x80xi32, #tpu.memory_space<vmem>> -> memref<1x80xi32, #tpu.memory_space<vmem>>
        %dma_wait3A_1118 = tpu.memref_squeeze %dma_wait3A_1117 : memref<1x80xi32, #tpu.memory_space<vmem>> -> memref<80xi32, #tpu.memory_space<vmem>>
        %dma_wait3A_1119 = arith.constant 0 : i32
        %dma_wait3A_1120 = tpu.memref_slice %arg5[%dma_wait3A_1119] : memref<160000xi32, #tpu.memory_space<hbm>> -> memref<80xi32, #tpu.memory_space<hbm>>
        %dma_wait3A_1121 = arith.constant 0 : i32
        %dma_wait3A_1122 = tpu.memref_slice %arg13[%dma_wait3A_1115, %dma_wait3A_1121] : memref<3x80xi32, #tpu.memory_space<vmem>> -> memref<1x80xi32, #tpu.memory_space<vmem>>
        %dma_wait3A_1123 = tpu.memref_squeeze %dma_wait3A_1122 : memref<1x80xi32, #tpu.memory_space<vmem>> -> memref<80xi32, #tpu.memory_space<vmem>>
        %dma_wait3A_1124 = arith.constant 0 : i32
        %dma_wait3A_1125 = tpu.memref_slice %arg5[%dma_wait3A_1124] : memref<160000xi32, #tpu.memory_space<hbm>> -> memref<80xi32, #tpu.memory_space<hbm>>
        tpu.wait_dma2 semaphore(%arg22 : memref<!tpu.dma_semaphore, #tpu.memory_space<semaphore_mem>>) src(%dma_wait3A_1125 : memref<80xi32, #tpu.memory_space<hbm>>) dst(%dma_wait3A_1123 : memref<80xi32, #tpu.memory_space<vmem>>)
        %dma_wait3A_1126 = arith.constant 2 : i32
        %dma_wait3A_1127 = arith.constant 0 : i32
        %dma_wait3A_1128 = tpu.memref_slice %arg14[%dma_wait3A_1126, %dma_wait3A_1127] : memref<3x80xi32, #tpu.memory_space<vmem>> -> memref<1x80xi32, #tpu.memory_space<vmem>>
        %dma_wait3A_1129 = tpu.memref_squeeze %dma_wait3A_1128 : memref<1x80xi32, #tpu.memory_space<vmem>> -> memref<80xi32, #tpu.memory_space<vmem>>
        %dma_wait3A_1130 = arith.constant 0 : i32
        %dma_wait3A_1131 = tpu.memref_slice %arg7[%dma_wait3A_1130] : memref<160000xi32, #tpu.memory_space<hbm>> -> memref<80xi32, #tpu.memory_space<hbm>>
        %dma_wait3A_1132 = arith.constant 0 : i32
        %dma_wait3A_1133 = tpu.memref_slice %arg14[%dma_wait3A_1126, %dma_wait3A_1132] : memref<3x80xi32, #tpu.memory_space<vmem>> -> memref<1x80xi32, #tpu.memory_space<vmem>>
        %dma_wait3A_1134 = tpu.memref_squeeze %dma_wait3A_1133 : memref<1x80xi32, #tpu.memory_space<vmem>> -> memref<80xi32, #tpu.memory_space<vmem>>
        %dma_wait3A_1135 = arith.constant 0 : i32
        %dma_wait3A_1136 = tpu.memref_slice %arg7[%dma_wait3A_1135] : memref<160000xi32, #tpu.memory_space<hbm>> -> memref<80xi32, #tpu.memory_space<hbm>>
        tpu.wait_dma2 semaphore(%arg22 : memref<!tpu.dma_semaphore, #tpu.memory_space<semaphore_mem>>) src(%dma_wait3A_1136 : memref<80xi32, #tpu.memory_space<hbm>>) dst(%dma_wait3A_1134 : memref<80xi32, #tpu.memory_space<vmem>>)
        %dma_wait3A_1137 = arith.constant 2 : i32
        %dma_wait3A_1138 = arith.constant 0 : i32
        %dma_wait3A_1139 = tpu.memref_slice %arg15[%dma_wait3A_1137, %dma_wait3A_1138] : memref<3x80xi32, #tpu.memory_space<vmem>> -> memref<1x80xi32, #tpu.memory_space<vmem>>
        %dma_wait3A_1140 = tpu.memref_squeeze %dma_wait3A_1139 : memref<1x80xi32, #tpu.memory_space<vmem>> -> memref<80xi32, #tpu.memory_space<vmem>>
        %dma_wait3A_1141 = arith.constant 0 : i32
        %dma_wait3A_1142 = tpu.memref_slice %arg8[%dma_wait3A_1141] : memref<160000xi32, #tpu.memory_space<hbm>> -> memref<80xi32, #tpu.memory_space<hbm>>
        %dma_wait3A_1143 = arith.constant 0 : i32
        %dma_wait3A_1144 = tpu.memref_slice %arg15[%dma_wait3A_1137, %dma_wait3A_1143] : memref<3x80xi32, #tpu.memory_space<vmem>> -> memref<1x80xi32, #tpu.memory_space<vmem>>
        %dma_wait3A_1145 = tpu.memref_squeeze %dma_wait3A_1144 : memref<1x80xi32, #tpu.memory_space<vmem>> -> memref<80xi32, #tpu.memory_space<vmem>>
        %dma_wait3A_1146 = arith.constant 0 : i32
        %dma_wait3A_1147 = tpu.memref_slice %arg8[%dma_wait3A_1146] : memref<160000xi32, #tpu.memory_space<hbm>> -> memref<80xi32, #tpu.memory_space<hbm>>
        tpu.wait_dma2 semaphore(%arg22 : memref<!tpu.dma_semaphore, #tpu.memory_space<semaphore_mem>>) src(%dma_wait3A_1147 : memref<80xi32, #tpu.memory_space<hbm>>) dst(%dma_wait3A_1145 : memref<80xi32, #tpu.memory_space<vmem>>)
        %dma_start3A_1148 = arith.constant 2 : i32
        %dma_start3A_1149 = arith.constant 0 : i32
        %dma_start3A_1150 = tpu.memref_slice %arg13[%dma_start3A_1148, %dma_start3A_1149] : memref<3x80xi32, #tpu.memory_space<vmem>> -> memref<1x80xi32, #tpu.memory_space<vmem>>
        %dma_start3A_1151 = tpu.memref_squeeze %dma_start3A_1150 : memref<1x80xi32, #tpu.memory_space<vmem>> -> memref<80xi32, #tpu.memory_space<vmem>>
        %dma_start3A_1152 = arith.constant 0 : i32
        %dma_start3A_1153 = arith.constant 0 : i32
        %dma_start3A_1154 = tpu.memref_slice %arg2[%dma_start3A_1152, %dma_start3A_1153] : memref<20000x128xf32, #tpu.memory_space<hbm>> -> memref<20000x128xf32, #tpu.memory_space<hbm>>
        tpu.enqueue_indirect_dma source(%dma_start3A_1154 : memref<20000x128xf32, #tpu.memory_space<hbm>>) target(%arg18 : memref<80x128xf32, #tpu.memory_space<vmem>>) offsets(%dma_start3A_1151 : memref<80xi32, #tpu.memory_space<vmem>>) semaphore(%arg24 : memref<!tpu.dma_semaphore, #tpu.memory_space<semaphore_mem>>)
        %dma_start3A_1155 = arith.constant 2 : i32
        %dma_start3A_1156 = arith.constant 0 : i32
        %dma_start3A_1157 = tpu.memref_slice %arg14[%dma_start3A_1155, %dma_start3A_1156] : memref<3x80xi32, #tpu.memory_space<vmem>> -> memref<1x80xi32, #tpu.memory_space<vmem>>
        %dma_start3A_1158 = tpu.memref_squeeze %dma_start3A_1157 : memref<1x80xi32, #tpu.memory_space<vmem>> -> memref<80xi32, #tpu.memory_space<vmem>>
        %dma_start3A_1159 = arith.constant 0 : i32
        %dma_start3A_1160 = arith.constant 0 : i32
        %dma_start3A_1161 = tpu.memref_slice %arg3[%dma_start3A_1159, %dma_start3A_1160] : memref<320000x128xf32, #tpu.memory_space<hbm>> -> memref<320000x128xf32, #tpu.memory_space<hbm>>
        tpu.enqueue_indirect_dma source(%dma_start3A_1161 : memref<320000x128xf32, #tpu.memory_space<hbm>>) target(%arg19 : memref<80x128xf32, #tpu.memory_space<vmem>>) offsets(%dma_start3A_1158 : memref<80xi32, #tpu.memory_space<vmem>>) semaphore(%arg24 : memref<!tpu.dma_semaphore, #tpu.memory_space<semaphore_mem>>)
        %add3A_1162 = arith.constant 2 : i32
        %add3A_1163 = arith.addi %add3A_1114, %add3A_1162 : i32
        %mul3A_1164 = arith.constant 10000 : i32
        %mul3A_1165 = arith.muli %arg1, %mul3A_1164 : i32
        %mul3A_1166 = arith.constant 80 : i32
        %mul3A_1167 = arith.muli %add3A_1163, %mul3A_1166 : i32
        %add3A_1168 = arith.addi %mul3A_1165, %mul3A_1167 : i32
        %dma_start3A_1169 = arith.constant 0 : i32
        %dma_start3A_1170 = arith.constant 0 : i32
        %dma_start3A_1171 = tpu.memref_slice %arg13[%dma_start3A_1169, %dma_start3A_1170] : memref<3x80xi32, #tpu.memory_space<vmem>> -> memref<1x80xi32, #tpu.memory_space<vmem>>
        %dma_start3A_1172 = tpu.memref_squeeze %dma_start3A_1171 : memref<1x80xi32, #tpu.memory_space<vmem>> -> memref<80xi32, #tpu.memory_space<vmem>>
        %dma_start3A_1173 = tpu.memref_slice %arg5[%add3A_1168] : memref<160000xi32, #tpu.memory_space<hbm>> -> memref<80xi32, #tpu.memory_space<hbm>>
        %dma_start3A_1174 = arith.constant 0 : i32
        %dma_start3A_1175 = tpu.memref_slice %arg13[%dma_start3A_1169, %dma_start3A_1174] : memref<3x80xi32, #tpu.memory_space<vmem>> -> memref<1x80xi32, #tpu.memory_space<vmem>>
        %dma_start3A_1176 = tpu.memref_squeeze %dma_start3A_1175 : memref<1x80xi32, #tpu.memory_space<vmem>> -> memref<80xi32, #tpu.memory_space<vmem>>
        %dma_start3A_1177 = tpu.memref_slice %arg5[%add3A_1168] : memref<160000xi32, #tpu.memory_space<hbm>> -> memref<80xi32, #tpu.memory_space<hbm>>
        tpu.enqueue_dma source(%dma_start3A_1177 : memref<80xi32, #tpu.memory_space<hbm>>) target(%dma_start3A_1176 : memref<80xi32, #tpu.memory_space<vmem>>) target_semaphore(%arg20 : memref<!tpu.dma_semaphore, #tpu.memory_space<semaphore_mem>>)
        %dma_start3A_1178 = arith.constant 0 : i32
        %dma_start3A_1179 = arith.constant 0 : i32
        %dma_start3A_1180 = tpu.memref_slice %arg14[%dma_start3A_1178, %dma_start3A_1179] : memref<3x80xi32, #tpu.memory_space<vmem>> -> memref<1x80xi32, #tpu.memory_space<vmem>>
        %dma_start3A_1181 = tpu.memref_squeeze %dma_start3A_1180 : memref<1x80xi32, #tpu.memory_space<vmem>> -> memref<80xi32, #tpu.memory_space<vmem>>
        %dma_start3A_1182 = tpu.memref_slice %arg7[%add3A_1168] : memref<160000xi32, #tpu.memory_space<hbm>> -> memref<80xi32, #tpu.memory_space<hbm>>
        %dma_start3A_1183 = arith.constant 0 : i32
        %dma_start3A_1184 = tpu.memref_slice %arg14[%dma_start3A_1178, %dma_start3A_1183] : memref<3x80xi32, #tpu.memory_space<vmem>> -> memref<1x80xi32, #tpu.memory_space<vmem>>
        %dma_start3A_1185 = tpu.memref_squeeze %dma_start3A_1184 : memref<1x80xi32, #tpu.memory_space<vmem>> -> memref<80xi32, #tpu.memory_space<vmem>>
        %dma_start3A_1186 = tpu.memref_slice %arg7[%add3A_1168] : memref<160000xi32, #tpu.memory_space<hbm>> -> memref<80xi32, #tpu.memory_space<hbm>>
        tpu.enqueue_dma source(%dma_start3A_1186 : memref<80xi32, #tpu.memory_space<hbm>>) target(%dma_start3A_1185 : memref<80xi32, #tpu.memory_space<vmem>>) target_semaphore(%arg20 : memref<!tpu.dma_semaphore, #tpu.memory_space<semaphore_mem>>)
        %dma_start3A_1187 = arith.constant 0 : i32
        %dma_start3A_1188 = arith.constant 0 : i32
        %dma_start3A_1189 = tpu.memref_slice %arg15[%dma_start3A_1187, %dma_start3A_1188] : memref<3x80xi32, #tpu.memory_space<vmem>> -> memref<1x80xi32, #tpu.memory_space<vmem>>
        %dma_start3A_1190 = tpu.memref_squeeze %dma_start3A_1189 : memref<1x80xi32, #tpu.memory_space<vmem>> -> memref<80xi32, #tpu.memory_space<vmem>>
        %dma_start3A_1191 = tpu.memref_slice %arg8[%add3A_1168] : memref<160000xi32, #tpu.memory_space<hbm>> -> memref<80xi32, #tpu.memory_space<hbm>>
        %dma_start3A_1192 = arith.constant 0 : i32
        %dma_start3A_1193 = tpu.memref_slice %arg15[%dma_start3A_1187, %dma_start3A_1192] : memref<3x80xi32, #tpu.memory_space<vmem>> -> memref<1x80xi32, #tpu.memory_space<vmem>>
        %dma_start3A_1194 = tpu.memref_squeeze %dma_start3A_1193 : memref<1x80xi32, #tpu.memory_space<vmem>> -> memref<80xi32, #tpu.memory_space<vmem>>
        %dma_start3A_1195 = tpu.memref_slice %arg8[%add3A_1168] : memref<160000xi32, #tpu.memory_space<hbm>> -> memref<80xi32, #tpu.memory_space<hbm>>
        tpu.enqueue_dma source(%dma_start3A_1195 : memref<80xi32, #tpu.memory_space<hbm>>) target(%dma_start3A_1194 : memref<80xi32, #tpu.memory_space<vmem>>) target_semaphore(%arg20 : memref<!tpu.dma_semaphore, #tpu.memory_space<semaphore_mem>>)
        %dma_wait3A_1196 = arith.constant 0 : i32
        %dma_wait3A_1197 = arith.constant 0 : i32
        %dma_wait3A_1198 = tpu.memref_slice %arg2[%dma_wait3A_1196, %dma_wait3A_1197] : memref<20000x128xf32, #tpu.memory_space<hbm>> -> memref<80x128xf32, #tpu.memory_space<hbm>>
        %dma_wait3A_1199 = arith.constant 0 : i32
        %dma_wait3A_1200 = arith.constant 0 : i32
        %dma_wait3A_1201 = tpu.memref_slice %arg2[%dma_wait3A_1199, %dma_wait3A_1200] : memref<20000x128xf32, #tpu.memory_space<hbm>> -> memref<80x128xf32, #tpu.memory_space<hbm>>
        tpu.wait_dma2 semaphore(%arg23 : memref<!tpu.dma_semaphore, #tpu.memory_space<semaphore_mem>>) src(%dma_wait3A_1201 : memref<80x128xf32, #tpu.memory_space<hbm>>) dst(%arg16 : memref<80x128xf32, #tpu.memory_space<vmem>>)
        %dma_wait3A_1202 = arith.constant 0 : i32
        %dma_wait3A_1203 = arith.constant 0 : i32
        %dma_wait3A_1204 = tpu.memref_slice %arg3[%dma_wait3A_1202, %dma_wait3A_1203] : memref<320000x128xf32, #tpu.memory_space<hbm>> -> memref<80x128xf32, #tpu.memory_space<hbm>>
        %dma_wait3A_1205 = arith.constant 0 : i32
        %dma_wait3A_1206 = arith.constant 0 : i32
        %dma_wait3A_1207 = tpu.memref_slice %arg3[%dma_wait3A_1205, %dma_wait3A_1206] : memref<320000x128xf32, #tpu.memory_space<hbm>> -> memref<80x128xf32, #tpu.memory_space<hbm>>
        tpu.wait_dma2 semaphore(%arg23 : memref<!tpu.dma_semaphore, #tpu.memory_space<semaphore_mem>>) src(%dma_wait3A_1207 : memref<80x128xf32, #tpu.memory_space<hbm>>) dst(%arg17 : memref<80x128xf32, #tpu.memory_space<vmem>>)
        %dma_start3A_1208 = arith.constant 1 : i32
        %dma_start3A_1209 = arith.constant 0 : i32
        %dma_start3A_1210 = tpu.memref_slice %arg15[%dma_start3A_1208, %dma_start3A_1209] : memref<3x80xi32, #tpu.memory_space<vmem>> -> memref<1x80xi32, #tpu.memory_space<vmem>>
        %dma_start3A_1211 = tpu.memref_squeeze %dma_start3A_1210 : memref<1x80xi32, #tpu.memory_space<vmem>> -> memref<80xi32, #tpu.memory_space<vmem>>
        %dma_start3A_1212 = arith.constant 0 : i32
        %dma_start3A_1213 = arith.constant 0 : i32
        %dma_start3A_1214 = tpu.memref_slice %arg12[%dma_start3A_1212, %dma_start3A_1213] : memref<10000x128xf32, #tpu.memory_space<vmem_shared>> -> memref<10000x128xf32, #tpu.memory_space<vmem_shared>>
        tpu.enqueue_indirect_dma source(%arg16 : memref<80x128xf32, #tpu.memory_space<vmem>>) target(%dma_start3A_1214 : memref<10000x128xf32, #tpu.memory_space<vmem_shared>>) offsets(%dma_start3A_1211 : memref<80xi32, #tpu.memory_space<vmem>>) semaphore(%arg25 : memref<!tpu.dma_semaphore, #tpu.memory_space<semaphore_mem>>) {add = true}
        %dma_start3A_1215 = arith.constant 1 : i32
        %dma_start3A_1216 = arith.constant 0 : i32
        %dma_start3A_1217 = tpu.memref_slice %arg15[%dma_start3A_1215, %dma_start3A_1216] : memref<3x80xi32, #tpu.memory_space<vmem>> -> memref<1x80xi32, #tpu.memory_space<vmem>>
        %dma_start3A_1218 = tpu.memref_squeeze %dma_start3A_1217 : memref<1x80xi32, #tpu.memory_space<vmem>> -> memref<80xi32, #tpu.memory_space<vmem>>
        %dma_start3A_1219 = arith.constant 0 : i32
        %dma_start3A_1220 = arith.constant 0 : i32
        %dma_start3A_1221 = tpu.memref_slice %arg12[%dma_start3A_1219, %dma_start3A_1220] : memref<10000x128xf32, #tpu.memory_space<vmem_shared>> -> memref<10000x128xf32, #tpu.memory_space<vmem_shared>>
        tpu.enqueue_indirect_dma source(%arg17 : memref<80x128xf32, #tpu.memory_space<vmem>>) target(%dma_start3A_1221 : memref<10000x128xf32, #tpu.memory_space<vmem_shared>>) offsets(%dma_start3A_1218 : memref<80xi32, #tpu.memory_space<vmem>>) semaphore(%arg25 : memref<!tpu.dma_semaphore, #tpu.memory_space<semaphore_mem>>) {add = true}
        %dma_wait3A_1222 = arith.constant 1 : i32
        %dma_wait3A_1223 = arith.constant 0 : i32
        %dma_wait3A_1224 = tpu.memref_slice %arg15[%dma_wait3A_1222, %dma_wait3A_1223] : memref<3x80xi32, #tpu.memory_space<vmem>> -> memref<1x80xi32, #tpu.memory_space<vmem>>
        %dma_wait3A_1225 = tpu.memref_squeeze %dma_wait3A_1224 : memref<1x80xi32, #tpu.memory_space<vmem>> -> memref<80xi32, #tpu.memory_space<vmem>>
        %dma_wait3A_1226 = arith.constant 0 : i32
        %dma_wait3A_1227 = arith.constant 0 : i32
        %dma_wait3A_1228 = tpu.memref_slice %arg12[%dma_wait3A_1226, %dma_wait3A_1227] : memref<10000x128xf32, #tpu.memory_space<vmem_shared>> -> memref<10000x128xf32, #tpu.memory_space<vmem_shared>>
        tpu.wait_indirect_dma semaphore(%arg25 : memref<!tpu.dma_semaphore, #tpu.memory_space<semaphore_mem>>) src(%arg16 : memref<80x128xf32, #tpu.memory_space<vmem>>) dst(%dma_wait3A_1228 : memref<10000x128xf32, #tpu.memory_space<vmem_shared>>)
        %dma_wait3A_1229 = arith.constant 1 : i32
        %dma_wait3A_1230 = arith.constant 0 : i32
        %dma_wait3A_1231 = tpu.memref_slice %arg15[%dma_wait3A_1229, %dma_wait3A_1230] : memref<3x80xi32, #tpu.memory_space<vmem>> -> memref<1x80xi32, #tpu.memory_space<vmem>>
        %dma_wait3A_1232 = tpu.memref_squeeze %dma_wait3A_1231 : memref<1x80xi32, #tpu.memory_space<vmem>> -> memref<80xi32, #tpu.memory_space<vmem>>
        %dma_wait3A_1233 = arith.constant 0 : i32
        %dma_wait3A_1234 = arith.constant 0 : i32
        %dma_wait3A_1235 = tpu.memref_slice %arg12[%dma_wait3A_1233, %dma_wait3A_1234] : memref<10000x128xf32, #tpu.memory_space<vmem_shared>> -> memref<10000x128xf32, #tpu.memory_space<vmem_shared>>
        tpu.wait_indirect_dma semaphore(%arg25 : memref<!tpu.dma_semaphore, #tpu.memory_space<semaphore_mem>>) src(%arg17 : memref<80x128xf32, #tpu.memory_space<vmem>>) dst(%dma_wait3A_1235 : memref<10000x128xf32, #tpu.memory_space<vmem_shared>>)
        %add3A_1236 = arith.constant 5 : i32
        %add3A_1237 = arith.addi %mul3A_620, %add3A_1236 : i32
        %dma_wait3A_1238 = arith.constant 0 : i32
        %dma_wait3A_1239 = arith.constant 0 : i32
        %dma_wait3A_1240 = tpu.memref_slice %arg13[%dma_wait3A_1238, %dma_wait3A_1239] : memref<3x80xi32, #tpu.memory_space<vmem>> -> memref<1x80xi32, #tpu.memory_space<vmem>>
        %dma_wait3A_1241 = tpu.memref_squeeze %dma_wait3A_1240 : memref<1x80xi32, #tpu.memory_space<vmem>> -> memref<80xi32, #tpu.memory_space<vmem>>
        %dma_wait3A_1242 = arith.constant 0 : i32
        %dma_wait3A_1243 = tpu.memref_slice %arg5[%dma_wait3A_1242] : memref<160000xi32, #tpu.memory_space<hbm>> -> memref<80xi32, #tpu.memory_space<hbm>>
        %dma_wait3A_1244 = arith.constant 0 : i32
        %dma_wait3A_1245 = tpu.memref_slice %arg13[%dma_wait3A_1238, %dma_wait3A_1244] : memref<3x80xi32, #tpu.memory_space<vmem>> -> memref<1x80xi32, #tpu.memory_space<vmem>>
        %dma_wait3A_1246 = tpu.memref_squeeze %dma_wait3A_1245 : memref<1x80xi32, #tpu.memory_space<vmem>> -> memref<80xi32, #tpu.memory_space<vmem>>
        %dma_wait3A_1247 = arith.constant 0 : i32
        %dma_wait3A_1248 = tpu.memref_slice %arg5[%dma_wait3A_1247] : memref<160000xi32, #tpu.memory_space<hbm>> -> memref<80xi32, #tpu.memory_space<hbm>>
        tpu.wait_dma2 semaphore(%arg20 : memref<!tpu.dma_semaphore, #tpu.memory_space<semaphore_mem>>) src(%dma_wait3A_1248 : memref<80xi32, #tpu.memory_space<hbm>>) dst(%dma_wait3A_1246 : memref<80xi32, #tpu.memory_space<vmem>>)
        %dma_wait3A_1249 = arith.constant 0 : i32
        %dma_wait3A_1250 = arith.constant 0 : i32
        %dma_wait3A_1251 = tpu.memref_slice %arg14[%dma_wait3A_1249, %dma_wait3A_1250] : memref<3x80xi32, #tpu.memory_space<vmem>> -> memref<1x80xi32, #tpu.memory_space<vmem>>
        %dma_wait3A_1252 = tpu.memref_squeeze %dma_wait3A_1251 : memref<1x80xi32, #tpu.memory_space<vmem>> -> memref<80xi32, #tpu.memory_space<vmem>>
        %dma_wait3A_1253 = arith.constant 0 : i32
        %dma_wait3A_1254 = tpu.memref_slice %arg7[%dma_wait3A_1253] : memref<160000xi32, #tpu.memory_space<hbm>> -> memref<80xi32, #tpu.memory_space<hbm>>
        %dma_wait3A_1255 = arith.constant 0 : i32
        %dma_wait3A_1256 = tpu.memref_slice %arg14[%dma_wait3A_1249, %dma_wait3A_1255] : memref<3x80xi32, #tpu.memory_space<vmem>> -> memref<1x80xi32, #tpu.memory_space<vmem>>
        %dma_wait3A_1257 = tpu.memref_squeeze %dma_wait3A_1256 : memref<1x80xi32, #tpu.memory_space<vmem>> -> memref<80xi32, #tpu.memory_space<vmem>>
        %dma_wait3A_1258 = arith.constant 0 : i32
        %dma_wait3A_1259 = tpu.memref_slice %arg7[%dma_wait3A_1258] : memref<160000xi32, #tpu.memory_space<hbm>> -> memref<80xi32, #tpu.memory_space<hbm>>
        tpu.wait_dma2 semaphore(%arg20 : memref<!tpu.dma_semaphore, #tpu.memory_space<semaphore_mem>>) src(%dma_wait3A_1259 : memref<80xi32, #tpu.memory_space<hbm>>) dst(%dma_wait3A_1257 : memref<80xi32, #tpu.memory_space<vmem>>)
        %dma_wait3A_1260 = arith.constant 0 : i32
        %dma_wait3A_1261 = arith.constant 0 : i32
        %dma_wait3A_1262 = tpu.memref_slice %arg15[%dma_wait3A_1260, %dma_wait3A_1261] : memref<3x80xi32, #tpu.memory_space<vmem>> -> memref<1x80xi32, #tpu.memory_space<vmem>>
        %dma_wait3A_1263 = tpu.memref_squeeze %dma_wait3A_1262 : memref<1x80xi32, #tpu.memory_space<vmem>> -> memref<80xi32, #tpu.memory_space<vmem>>
        %dma_wait3A_1264 = arith.constant 0 : i32
        %dma_wait3A_1265 = tpu.memref_slice %arg8[%dma_wait3A_1264] : memref<160000xi32, #tpu.memory_space<hbm>> -> memref<80xi32, #tpu.memory_space<hbm>>
        %dma_wait3A_1266 = arith.constant 0 : i32
        %dma_wait3A_1267 = tpu.memref_slice %arg15[%dma_wait3A_1260, %dma_wait3A_1266] : memref<3x80xi32, #tpu.memory_space<vmem>> -> memref<1x80xi32, #tpu.memory_space<vmem>>
        %dma_wait3A_1268 = tpu.memref_squeeze %dma_wait3A_1267 : memref<1x80xi32, #tpu.memory_space<vmem>> -> memref<80xi32, #tpu.memory_space<vmem>>
        %dma_wait3A_1269 = arith.constant 0 : i32
        %dma_wait3A_1270 = tpu.memref_slice %arg8[%dma_wait3A_1269] : memref<160000xi32, #tpu.memory_space<hbm>> -> memref<80xi32, #tpu.memory_space<hbm>>
        tpu.wait_dma2 semaphore(%arg20 : memref<!tpu.dma_semaphore, #tpu.memory_space<semaphore_mem>>) src(%dma_wait3A_1270 : memref<80xi32, #tpu.memory_space<hbm>>) dst(%dma_wait3A_1268 : memref<80xi32, #tpu.memory_space<vmem>>)
        %dma_start3A_1271 = arith.constant 0 : i32
        %dma_start3A_1272 = arith.constant 0 : i32
        %dma_start3A_1273 = tpu.memref_slice %arg13[%dma_start3A_1271, %dma_start3A_1272] : memref<3x80xi32, #tpu.memory_space<vmem>> -> memref<1x80xi32, #tpu.memory_space<vmem>>
        %dma_start3A_1274 = tpu.memref_squeeze %dma_start3A_1273 : memref<1x80xi32, #tpu.memory_space<vmem>> -> memref<80xi32, #tpu.memory_space<vmem>>
        %dma_start3A_1275 = arith.constant 0 : i32
        %dma_start3A_1276 = arith.constant 0 : i32
        %dma_start3A_1277 = tpu.memref_slice %arg2[%dma_start3A_1275, %dma_start3A_1276] : memref<20000x128xf32, #tpu.memory_space<hbm>> -> memref<20000x128xf32, #tpu.memory_space<hbm>>
        tpu.enqueue_indirect_dma source(%dma_start3A_1277 : memref<20000x128xf32, #tpu.memory_space<hbm>>) target(%arg16 : memref<80x128xf32, #tpu.memory_space<vmem>>) offsets(%dma_start3A_1274 : memref<80xi32, #tpu.memory_space<vmem>>) semaphore(%arg23 : memref<!tpu.dma_semaphore, #tpu.memory_space<semaphore_mem>>)
        %dma_start3A_1278 = arith.constant 0 : i32
        %dma_start3A_1279 = arith.constant 0 : i32
        %dma_start3A_1280 = tpu.memref_slice %arg14[%dma_start3A_1278, %dma_start3A_1279] : memref<3x80xi32, #tpu.memory_space<vmem>> -> memref<1x80xi32, #tpu.memory_space<vmem>>
        %dma_start3A_1281 = tpu.memref_squeeze %dma_start3A_1280 : memref<1x80xi32, #tpu.memory_space<vmem>> -> memref<80xi32, #tpu.memory_space<vmem>>
        %dma_start3A_1282 = arith.constant 0 : i32
        %dma_start3A_1283 = arith.constant 0 : i32
        %dma_start3A_1284 = tpu.memref_slice %arg3[%dma_start3A_1282, %dma_start3A_1283] : memref<320000x128xf32, #tpu.memory_space<hbm>> -> memref<320000x128xf32, #tpu.memory_space<hbm>>
        tpu.enqueue_indirect_dma source(%dma_start3A_1284 : memref<320000x128xf32, #tpu.memory_space<hbm>>) target(%arg17 : memref<80x128xf32, #tpu.memory_space<vmem>>) offsets(%dma_start3A_1281 : memref<80xi32, #tpu.memory_space<vmem>>) semaphore(%arg23 : memref<!tpu.dma_semaphore, #tpu.memory_space<semaphore_mem>>)
        %add3A_1285 = arith.constant 2 : i32
        %add3A_1286 = arith.addi %add3A_1237, %add3A_1285 : i32
        %mul3A_1287 = arith.constant 10000 : i32
        %mul3A_1288 = arith.muli %arg1, %mul3A_1287 : i32
        %mul3A_1289 = arith.constant 80 : i32
        %mul3A_1290 = arith.muli %add3A_1286, %mul3A_1289 : i32
        %add3A_1291 = arith.addi %mul3A_1288, %mul3A_1290 : i32
        %dma_start3A_1292 = arith.constant 1 : i32
        %dma_start3A_1293 = arith.constant 0 : i32
        %dma_start3A_1294 = tpu.memref_slice %arg13[%dma_start3A_1292, %dma_start3A_1293] : memref<3x80xi32, #tpu.memory_space<vmem>> -> memref<1x80xi32, #tpu.memory_space<vmem>>
        %dma_start3A_1295 = tpu.memref_squeeze %dma_start3A_1294 : memref<1x80xi32, #tpu.memory_space<vmem>> -> memref<80xi32, #tpu.memory_space<vmem>>
        %dma_start3A_1296 = tpu.memref_slice %arg5[%add3A_1291] : memref<160000xi32, #tpu.memory_space<hbm>> -> memref<80xi32, #tpu.memory_space<hbm>>
        %dma_start3A_1297 = arith.constant 0 : i32
        %dma_start3A_1298 = tpu.memref_slice %arg13[%dma_start3A_1292, %dma_start3A_1297] : memref<3x80xi32, #tpu.memory_space<vmem>> -> memref<1x80xi32, #tpu.memory_space<vmem>>
        %dma_start3A_1299 = tpu.memref_squeeze %dma_start3A_1298 : memref<1x80xi32, #tpu.memory_space<vmem>> -> memref<80xi32, #tpu.memory_space<vmem>>
        %dma_start3A_1300 = tpu.memref_slice %arg5[%add3A_1291] : memref<160000xi32, #tpu.memory_space<hbm>> -> memref<80xi32, #tpu.memory_space<hbm>>
        tpu.enqueue_dma source(%dma_start3A_1300 : memref<80xi32, #tpu.memory_space<hbm>>) target(%dma_start3A_1299 : memref<80xi32, #tpu.memory_space<vmem>>) target_semaphore(%arg21 : memref<!tpu.dma_semaphore, #tpu.memory_space<semaphore_mem>>)
        %dma_start3A_1301 = arith.constant 1 : i32
        %dma_start3A_1302 = arith.constant 0 : i32
        %dma_start3A_1303 = tpu.memref_slice %arg14[%dma_start3A_1301, %dma_start3A_1302] : memref<3x80xi32, #tpu.memory_space<vmem>> -> memref<1x80xi32, #tpu.memory_space<vmem>>
        %dma_start3A_1304 = tpu.memref_squeeze %dma_start3A_1303 : memref<1x80xi32, #tpu.memory_space<vmem>> -> memref<80xi32, #tpu.memory_space<vmem>>
        %dma_start3A_1305 = tpu.memref_slice %arg7[%add3A_1291] : memref<160000xi32, #tpu.memory_space<hbm>> -> memref<80xi32, #tpu.memory_space<hbm>>
        %dma_start3A_1306 = arith.constant 0 : i32
        %dma_start3A_1307 = tpu.memref_slice %arg14[%dma_start3A_1301, %dma_start3A_1306] : memref<3x80xi32, #tpu.memory_space<vmem>> -> memref<1x80xi32, #tpu.memory_space<vmem>>
        %dma_start3A_1308 = tpu.memref_squeeze %dma_start3A_1307 : memref<1x80xi32, #tpu.memory_space<vmem>> -> memref<80xi32, #tpu.memory_space<vmem>>
        %dma_start3A_1309 = tpu.memref_slice %arg7[%add3A_1291] : memref<160000xi32, #tpu.memory_space<hbm>> -> memref<80xi32, #tpu.memory_space<hbm>>
        tpu.enqueue_dma source(%dma_start3A_1309 : memref<80xi32, #tpu.memory_space<hbm>>) target(%dma_start3A_1308 : memref<80xi32, #tpu.memory_space<vmem>>) target_semaphore(%arg21 : memref<!tpu.dma_semaphore, #tpu.memory_space<semaphore_mem>>)
        %dma_start3A_1310 = arith.constant 1 : i32
        %dma_start3A_1311 = arith.constant 0 : i32
        %dma_start3A_1312 = tpu.memref_slice %arg15[%dma_start3A_1310, %dma_start3A_1311] : memref<3x80xi32, #tpu.memory_space<vmem>> -> memref<1x80xi32, #tpu.memory_space<vmem>>
        %dma_start3A_1313 = tpu.memref_squeeze %dma_start3A_1312 : memref<1x80xi32, #tpu.memory_space<vmem>> -> memref<80xi32, #tpu.memory_space<vmem>>
        %dma_start3A_1314 = tpu.memref_slice %arg8[%add3A_1291] : memref<160000xi32, #tpu.memory_space<hbm>> -> memref<80xi32, #tpu.memory_space<hbm>>
        %dma_start3A_1315 = arith.constant 0 : i32
        %dma_start3A_1316 = tpu.memref_slice %arg15[%dma_start3A_1310, %dma_start3A_1315] : memref<3x80xi32, #tpu.memory_space<vmem>> -> memref<1x80xi32, #tpu.memory_space<vmem>>
        %dma_start3A_1317 = tpu.memref_squeeze %dma_start3A_1316 : memref<1x80xi32, #tpu.memory_space<vmem>> -> memref<80xi32, #tpu.memory_space<vmem>>
        %dma_start3A_1318 = tpu.memref_slice %arg8[%add3A_1291] : memref<160000xi32, #tpu.memory_space<hbm>> -> memref<80xi32, #tpu.memory_space<hbm>>
        tpu.enqueue_dma source(%dma_start3A_1318 : memref<80xi32, #tpu.memory_space<hbm>>) target(%dma_start3A_1317 : memref<80xi32, #tpu.memory_space<vmem>>) target_semaphore(%arg21 : memref<!tpu.dma_semaphore, #tpu.memory_space<semaphore_mem>>)
        %dma_wait3A_1319 = arith.constant 0 : i32
        %dma_wait3A_1320 = arith.constant 0 : i32
        %dma_wait3A_1321 = tpu.memref_slice %arg2[%dma_wait3A_1319, %dma_wait3A_1320] : memref<20000x128xf32, #tpu.memory_space<hbm>> -> memref<80x128xf32, #tpu.memory_space<hbm>>
        %dma_wait3A_1322 = arith.constant 0 : i32
        %dma_wait3A_1323 = arith.constant 0 : i32
        %dma_wait3A_1324 = tpu.memref_slice %arg2[%dma_wait3A_1322, %dma_wait3A_1323] : memref<20000x128xf32, #tpu.memory_space<hbm>> -> memref<80x128xf32, #tpu.memory_space<hbm>>
        tpu.wait_dma2 semaphore(%arg24 : memref<!tpu.dma_semaphore, #tpu.memory_space<semaphore_mem>>) src(%dma_wait3A_1324 : memref<80x128xf32, #tpu.memory_space<hbm>>) dst(%arg18 : memref<80x128xf32, #tpu.memory_space<vmem>>)
        %dma_wait3A_1325 = arith.constant 0 : i32
        %dma_wait3A_1326 = arith.constant 0 : i32
        %dma_wait3A_1327 = tpu.memref_slice %arg3[%dma_wait3A_1325, %dma_wait3A_1326] : memref<320000x128xf32, #tpu.memory_space<hbm>> -> memref<80x128xf32, #tpu.memory_space<hbm>>
        %dma_wait3A_1328 = arith.constant 0 : i32
        %dma_wait3A_1329 = arith.constant 0 : i32
        %dma_wait3A_1330 = tpu.memref_slice %arg3[%dma_wait3A_1328, %dma_wait3A_1329] : memref<320000x128xf32, #tpu.memory_space<hbm>> -> memref<80x128xf32, #tpu.memory_space<hbm>>
        tpu.wait_dma2 semaphore(%arg24 : memref<!tpu.dma_semaphore, #tpu.memory_space<semaphore_mem>>) src(%dma_wait3A_1330 : memref<80x128xf32, #tpu.memory_space<hbm>>) dst(%arg19 : memref<80x128xf32, #tpu.memory_space<vmem>>)
        %dma_start3A_1331 = arith.constant 2 : i32
        %dma_start3A_1332 = arith.constant 0 : i32
        %dma_start3A_1333 = tpu.memref_slice %arg15[%dma_start3A_1331, %dma_start3A_1332] : memref<3x80xi32, #tpu.memory_space<vmem>> -> memref<1x80xi32, #tpu.memory_space<vmem>>
        %dma_start3A_1334 = tpu.memref_squeeze %dma_start3A_1333 : memref<1x80xi32, #tpu.memory_space<vmem>> -> memref<80xi32, #tpu.memory_space<vmem>>
        %dma_start3A_1335 = arith.constant 0 : i32
        %dma_start3A_1336 = arith.constant 0 : i32
        %dma_start3A_1337 = tpu.memref_slice %arg12[%dma_start3A_1335, %dma_start3A_1336] : memref<10000x128xf32, #tpu.memory_space<vmem_shared>> -> memref<10000x128xf32, #tpu.memory_space<vmem_shared>>
        tpu.enqueue_indirect_dma source(%arg18 : memref<80x128xf32, #tpu.memory_space<vmem>>) target(%dma_start3A_1337 : memref<10000x128xf32, #tpu.memory_space<vmem_shared>>) offsets(%dma_start3A_1334 : memref<80xi32, #tpu.memory_space<vmem>>) semaphore(%arg25 : memref<!tpu.dma_semaphore, #tpu.memory_space<semaphore_mem>>) {add = true}
        %dma_start3A_1338 = arith.constant 2 : i32
        %dma_start3A_1339 = arith.constant 0 : i32
        %dma_start3A_1340 = tpu.memref_slice %arg15[%dma_start3A_1338, %dma_start3A_1339] : memref<3x80xi32, #tpu.memory_space<vmem>> -> memref<1x80xi32, #tpu.memory_space<vmem>>
        %dma_start3A_1341 = tpu.memref_squeeze %dma_start3A_1340 : memref<1x80xi32, #tpu.memory_space<vmem>> -> memref<80xi32, #tpu.memory_space<vmem>>
        %dma_start3A_1342 = arith.constant 0 : i32
        %dma_start3A_1343 = arith.constant 0 : i32
        %dma_start3A_1344 = tpu.memref_slice %arg12[%dma_start3A_1342, %dma_start3A_1343] : memref<10000x128xf32, #tpu.memory_space<vmem_shared>> -> memref<10000x128xf32, #tpu.memory_space<vmem_shared>>
        tpu.enqueue_indirect_dma source(%arg19 : memref<80x128xf32, #tpu.memory_space<vmem>>) target(%dma_start3A_1344 : memref<10000x128xf32, #tpu.memory_space<vmem_shared>>) offsets(%dma_start3A_1341 : memref<80xi32, #tpu.memory_space<vmem>>) semaphore(%arg25 : memref<!tpu.dma_semaphore, #tpu.memory_space<semaphore_mem>>) {add = true}
        %dma_wait3A_1345 = arith.constant 2 : i32
        %dma_wait3A_1346 = arith.constant 0 : i32
        %dma_wait3A_1347 = tpu.memref_slice %arg15[%dma_wait3A_1345, %dma_wait3A_1346] : memref<3x80xi32, #tpu.memory_space<vmem>> -> memref<1x80xi32, #tpu.memory_space<vmem>>
        %dma_wait3A_1348 = tpu.memref_squeeze %dma_wait3A_1347 : memref<1x80xi32, #tpu.memory_space<vmem>> -> memref<80xi32, #tpu.memory_space<vmem>>
        %dma_wait3A_1349 = arith.constant 0 : i32
        %dma_wait3A_1350 = arith.constant 0 : i32
        %dma_wait3A_1351 = tpu.memref_slice %arg12[%dma_wait3A_1349, %dma_wait3A_1350] : memref<10000x128xf32, #tpu.memory_space<vmem_shared>> -> memref<10000x128xf32, #tpu.memory_space<vmem_shared>>
        tpu.wait_indirect_dma semaphore(%arg25 : memref<!tpu.dma_semaphore, #tpu.memory_space<semaphore_mem>>) src(%arg18 : memref<80x128xf32, #tpu.memory_space<vmem>>) dst(%dma_wait3A_1351 : memref<10000x128xf32, #tpu.memory_space<vmem_shared>>)
        %dma_wait3A_1352 = arith.constant 2 : i32
        %dma_wait3A_1353 = arith.constant 0 : i32
        %dma_wait3A_1354 = tpu.memref_slice %arg15[%dma_wait3A_1352, %dma_wait3A_1353] : memref<3x80xi32, #tpu.memory_space<vmem>> -> memref<1x80xi32, #tpu.memory_space<vmem>>
        %dma_wait3A_1355 = tpu.memref_squeeze %dma_wait3A_1354 : memref<1x80xi32, #tpu.memory_space<vmem>> -> memref<80xi32, #tpu.memory_space<vmem>>
        %dma_wait3A_1356 = arith.constant 0 : i32
        %dma_wait3A_1357 = arith.constant 0 : i32
        %dma_wait3A_1358 = tpu.memref_slice %arg12[%dma_wait3A_1356, %dma_wait3A_1357] : memref<10000x128xf32, #tpu.memory_space<vmem_shared>> -> memref<10000x128xf32, #tpu.memory_space<vmem_shared>>
        tpu.wait_indirect_dma semaphore(%arg25 : memref<!tpu.dma_semaphore, #tpu.memory_space<semaphore_mem>>) src(%arg19 : memref<80x128xf32, #tpu.memory_space<vmem>>) dst(%dma_wait3A_1358 : memref<10000x128xf32, #tpu.memory_space<vmem_shared>>)
      }
      %scan3A_125 = arith.constant 20 : i32
      %dma_wait3A_126 = arith.constant 1 : i32
      %dma_wait3A_127 = arith.constant 0 : i32
      %dma_wait3A_128 = tpu.memref_slice %arg13[%dma_wait3A_126, %dma_wait3A_127] : memref<3x80xi32, #tpu.memory_space<vmem>> -> memref<1x80xi32, #tpu.memory_space<vmem>>
      %dma_wait3A_129 = tpu.memref_squeeze %dma_wait3A_128 : memref<1x80xi32, #tpu.memory_space<vmem>> -> memref<80xi32, #tpu.memory_space<vmem>>
      %dma_wait3A_130 = arith.constant 0 : i32
      %dma_wait3A_131 = tpu.memref_slice %arg5[%dma_wait3A_130] : memref<160000xi32, #tpu.memory_space<hbm>> -> memref<80xi32, #tpu.memory_space<hbm>>
      %dma_wait3A_132 = arith.constant 0 : i32
      %dma_wait3A_133 = tpu.memref_slice %arg13[%dma_wait3A_126, %dma_wait3A_132] : memref<3x80xi32, #tpu.memory_space<vmem>> -> memref<1x80xi32, #tpu.memory_space<vmem>>
      %dma_wait3A_134 = tpu.memref_squeeze %dma_wait3A_133 : memref<1x80xi32, #tpu.memory_space<vmem>> -> memref<80xi32, #tpu.memory_space<vmem>>
      %dma_wait3A_135 = arith.constant 0 : i32
      %dma_wait3A_136 = tpu.memref_slice %arg5[%dma_wait3A_135] : memref<160000xi32, #tpu.memory_space<hbm>> -> memref<80xi32, #tpu.memory_space<hbm>>
      tpu.wait_dma2 semaphore(%arg21 : memref<!tpu.dma_semaphore, #tpu.memory_space<semaphore_mem>>) src(%dma_wait3A_136 : memref<80xi32, #tpu.memory_space<hbm>>) dst(%dma_wait3A_134 : memref<80xi32, #tpu.memory_space<vmem>>)
      %dma_wait3A_137 = arith.constant 1 : i32
      %dma_wait3A_138 = arith.constant 0 : i32
      %dma_wait3A_139 = tpu.memref_slice %arg14[%dma_wait3A_137, %dma_wait3A_138] : memref<3x80xi32, #tpu.memory_space<vmem>> -> memref<1x80xi32, #tpu.memory_space<vmem>>
      %dma_wait3A_140 = tpu.memref_squeeze %dma_wait3A_139 : memref<1x80xi32, #tpu.memory_space<vmem>> -> memref<80xi32, #tpu.memory_space<vmem>>
      %dma_wait3A_141 = arith.constant 0 : i32
      %dma_wait3A_142 = tpu.memref_slice %arg7[%dma_wait3A_141] : memref<160000xi32, #tpu.memory_space<hbm>> -> memref<80xi32, #tpu.memory_space<hbm>>
      %dma_wait3A_143 = arith.constant 0 : i32
      %dma_wait3A_144 = tpu.memref_slice %arg14[%dma_wait3A_137, %dma_wait3A_143] : memref<3x80xi32, #tpu.memory_space<vmem>> -> memref<1x80xi32, #tpu.memory_space<vmem>>
      %dma_wait3A_145 = tpu.memref_squeeze %dma_wait3A_144 : memref<1x80xi32, #tpu.memory_space<vmem>> -> memref<80xi32, #tpu.memory_space<vmem>>
      %dma_wait3A_146 = arith.constant 0 : i32
      %dma_wait3A_147 = tpu.memref_slice %arg7[%dma_wait3A_146] : memref<160000xi32, #tpu.memory_space<hbm>> -> memref<80xi32, #tpu.memory_space<hbm>>
      tpu.wait_dma2 semaphore(%arg21 : memref<!tpu.dma_semaphore, #tpu.memory_space<semaphore_mem>>) src(%dma_wait3A_147 : memref<80xi32, #tpu.memory_space<hbm>>) dst(%dma_wait3A_145 : memref<80xi32, #tpu.memory_space<vmem>>)
      %dma_wait3A_148 = arith.constant 1 : i32
      %dma_wait3A_149 = arith.constant 0 : i32
      %dma_wait3A_150 = tpu.memref_slice %arg15[%dma_wait3A_148, %dma_wait3A_149] : memref<3x80xi32, #tpu.memory_space<vmem>> -> memref<1x80xi32, #tpu.memory_space<vmem>>
      %dma_wait3A_151 = tpu.memref_squeeze %dma_wait3A_150 : memref<1x80xi32, #tpu.memory_space<vmem>> -> memref<80xi32, #tpu.memory_space<vmem>>
      %dma_wait3A_152 = arith.constant 0 : i32
      %dma_wait3A_153 = tpu.memref_slice %arg8[%dma_wait3A_152] : memref<160000xi32, #tpu.memory_space<hbm>> -> memref<80xi32, #tpu.memory_space<hbm>>
      %dma_wait3A_154 = arith.constant 0 : i32
      %dma_wait3A_155 = tpu.memref_slice %arg15[%dma_wait3A_148, %dma_wait3A_154] : memref<3x80xi32, #tpu.memory_space<vmem>> -> memref<1x80xi32, #tpu.memory_space<vmem>>
      %dma_wait3A_156 = tpu.memref_squeeze %dma_wait3A_155 : memref<1x80xi32, #tpu.memory_space<vmem>> -> memref<80xi32, #tpu.memory_space<vmem>>
      %dma_wait3A_157 = arith.constant 0 : i32
      %dma_wait3A_158 = tpu.memref_slice %arg8[%dma_wait3A_157] : memref<160000xi32, #tpu.memory_space<hbm>> -> memref<80xi32, #tpu.memory_space<hbm>>
      tpu.wait_dma2 semaphore(%arg21 : memref<!tpu.dma_semaphore, #tpu.memory_space<semaphore_mem>>) src(%dma_wait3A_158 : memref<80xi32, #tpu.memory_space<hbm>>) dst(%dma_wait3A_156 : memref<80xi32, #tpu.memory_space<vmem>>)
      %dma_start3A_159 = arith.constant 1 : i32
      %dma_start3A_160 = arith.constant 0 : i32
      %dma_start3A_161 = tpu.memref_slice %arg13[%dma_start3A_159, %dma_start3A_160] : memref<3x80xi32, #tpu.memory_space<vmem>> -> memref<1x80xi32, #tpu.memory_space<vmem>>
      %dma_start3A_162 = tpu.memref_squeeze %dma_start3A_161 : memref<1x80xi32, #tpu.memory_space<vmem>> -> memref<80xi32, #tpu.memory_space<vmem>>
      %dma_start3A_163 = arith.constant 0 : i32
      %dma_start3A_164 = arith.constant 0 : i32
      %dma_start3A_165 = tpu.memref_slice %arg2[%dma_start3A_163, %dma_start3A_164] : memref<20000x128xf32, #tpu.memory_space<hbm>> -> memref<20000x128xf32, #tpu.memory_space<hbm>>
      tpu.enqueue_indirect_dma source(%dma_start3A_165 : memref<20000x128xf32, #tpu.memory_space<hbm>>) target(%arg18 : memref<80x128xf32, #tpu.memory_space<vmem>>) offsets(%dma_start3A_162 : memref<80xi32, #tpu.memory_space<vmem>>) semaphore(%arg24 : memref<!tpu.dma_semaphore, #tpu.memory_space<semaphore_mem>>)
      %dma_start3A_166 = arith.constant 1 : i32
      %dma_start3A_167 = arith.constant 0 : i32
      %dma_start3A_168 = tpu.memref_slice %arg14[%dma_start3A_166, %dma_start3A_167] : memref<3x80xi32, #tpu.memory_space<vmem>> -> memref<1x80xi32, #tpu.memory_space<vmem>>
      %dma_start3A_169 = tpu.memref_squeeze %dma_start3A_168 : memref<1x80xi32, #tpu.memory_space<vmem>> -> memref<80xi32, #tpu.memory_space<vmem>>
      %dma_start3A_170 = arith.constant 0 : i32
      %dma_start3A_171 = arith.constant 0 : i32
      %dma_start3A_172 = tpu.memref_slice %arg3[%dma_start3A_170, %dma_start3A_171] : memref<320000x128xf32, #tpu.memory_space<hbm>> -> memref<320000x128xf32, #tpu.memory_space<hbm>>
      tpu.enqueue_indirect_dma source(%dma_start3A_172 : memref<320000x128xf32, #tpu.memory_space<hbm>>) target(%arg19 : memref<80x128xf32, #tpu.memory_space<vmem>>) offsets(%dma_start3A_169 : memref<80xi32, #tpu.memory_space<vmem>>) semaphore(%arg24 : memref<!tpu.dma_semaphore, #tpu.memory_space<semaphore_mem>>)
      %mul3A_173 = arith.constant 10000 : i32
      %mul3A_174 = arith.muli %arg1, %mul3A_173 : i32
      %add3A_175 = arith.constant 9760 : i32
      %add3A_176 = arith.addi %mul3A_174, %add3A_175 : i32
      %dma_start3A_177 = arith.constant 2 : i32
      %dma_start3A_178 = arith.constant 0 : i32
      %dma_start3A_179 = tpu.memref_slice %arg13[%dma_start3A_177, %dma_start3A_178] : memref<3x80xi32, #tpu.memory_space<vmem>> -> memref<1x80xi32, #tpu.memory_space<vmem>>
      %dma_start3A_180 = tpu.memref_squeeze %dma_start3A_179 : memref<1x80xi32, #tpu.memory_space<vmem>> -> memref<80xi32, #tpu.memory_space<vmem>>
      %dma_start3A_181 = tpu.memref_slice %arg5[%add3A_176] : memref<160000xi32, #tpu.memory_space<hbm>> -> memref<80xi32, #tpu.memory_space<hbm>>
      %dma_start3A_182 = arith.constant 0 : i32
      %dma_start3A_183 = tpu.memref_slice %arg13[%dma_start3A_177, %dma_start3A_182] : memref<3x80xi32, #tpu.memory_space<vmem>> -> memref<1x80xi32, #tpu.memory_space<vmem>>
      %dma_start3A_184 = tpu.memref_squeeze %dma_start3A_183 : memref<1x80xi32, #tpu.memory_space<vmem>> -> memref<80xi32, #tpu.memory_space<vmem>>
      %dma_start3A_185 = tpu.memref_slice %arg5[%add3A_176] : memref<160000xi32, #tpu.memory_space<hbm>> -> memref<80xi32, #tpu.memory_space<hbm>>
      tpu.enqueue_dma source(%dma_start3A_185 : memref<80xi32, #tpu.memory_space<hbm>>) target(%dma_start3A_184 : memref<80xi32, #tpu.memory_space<vmem>>) target_semaphore(%arg22 : memref<!tpu.dma_semaphore, #tpu.memory_space<semaphore_mem>>)
      %dma_start3A_186 = arith.constant 2 : i32
      %dma_start3A_187 = arith.constant 0 : i32
      %dma_start3A_188 = tpu.memref_slice %arg14[%dma_start3A_186, %dma_start3A_187] : memref<3x80xi32, #tpu.memory_space<vmem>> -> memref<1x80xi32, #tpu.memory_space<vmem>>
      %dma_start3A_189 = tpu.memref_squeeze %dma_start3A_188 : memref<1x80xi32, #tpu.memory_space<vmem>> -> memref<80xi32, #tpu.memory_space<vmem>>
      %dma_start3A_190 = tpu.memref_slice %arg7[%add3A_176] : memref<160000xi32, #tpu.memory_space<hbm>> -> memref<80xi32, #tpu.memory_space<hbm>>
      %dma_start3A_191 = arith.constant 0 : i32
      %dma_start3A_192 = tpu.memref_slice %arg14[%dma_start3A_186, %dma_start3A_191] : memref<3x80xi32, #tpu.memory_space<vmem>> -> memref<1x80xi32, #tpu.memory_space<vmem>>
      %dma_start3A_193 = tpu.memref_squeeze %dma_start3A_192 : memref<1x80xi32, #tpu.memory_space<vmem>> -> memref<80xi32, #tpu.memory_space<vmem>>
      %dma_start3A_194 = tpu.memref_slice %arg7[%add3A_176] : memref<160000xi32, #tpu.memory_space<hbm>> -> memref<80xi32, #tpu.memory_space<hbm>>
      tpu.enqueue_dma source(%dma_start3A_194 : memref<80xi32, #tpu.memory_space<hbm>>) target(%dma_start3A_193 : memref<80xi32, #tpu.memory_space<vmem>>) target_semaphore(%arg22 : memref<!tpu.dma_semaphore, #tpu.memory_space<semaphore_mem>>)
      %dma_start3A_195 = arith.constant 2 : i32
      %dma_start3A_196 = arith.constant 0 : i32
      %dma_start3A_197 = tpu.memref_slice %arg15[%dma_start3A_195, %dma_start3A_196] : memref<3x80xi32, #tpu.memory_space<vmem>> -> memref<1x80xi32, #tpu.memory_space<vmem>>
      %dma_start3A_198 = tpu.memref_squeeze %dma_start3A_197 : memref<1x80xi32, #tpu.memory_space<vmem>> -> memref<80xi32, #tpu.memory_space<vmem>>
      %dma_start3A_199 = tpu.memref_slice %arg8[%add3A_176] : memref<160000xi32, #tpu.memory_space<hbm>> -> memref<80xi32, #tpu.memory_space<hbm>>
      %dma_start3A_200 = arith.constant 0 : i32
      %dma_start3A_201 = tpu.memref_slice %arg15[%dma_start3A_195, %dma_start3A_200] : memref<3x80xi32, #tpu.memory_space<vmem>> -> memref<1x80xi32, #tpu.memory_space<vmem>>
      %dma_start3A_202 = tpu.memref_squeeze %dma_start3A_201 : memref<1x80xi32, #tpu.memory_space<vmem>> -> memref<80xi32, #tpu.memory_space<vmem>>
      %dma_start3A_203 = tpu.memref_slice %arg8[%add3A_176] : memref<160000xi32, #tpu.memory_space<hbm>> -> memref<80xi32, #tpu.memory_space<hbm>>
      tpu.enqueue_dma source(%dma_start3A_203 : memref<80xi32, #tpu.memory_space<hbm>>) target(%dma_start3A_202 : memref<80xi32, #tpu.memory_space<vmem>>) target_semaphore(%arg22 : memref<!tpu.dma_semaphore, #tpu.memory_space<semaphore_mem>>)
      %dma_wait3A_204 = arith.constant 0 : i32
      %dma_wait3A_205 = arith.constant 0 : i32
      %dma_wait3A_206 = tpu.memref_slice %arg2[%dma_wait3A_204, %dma_wait3A_205] : memref<20000x128xf32, #tpu.memory_space<hbm>> -> memref<80x128xf32, #tpu.memory_space<hbm>>
      %dma_wait3A_207 = arith.constant 0 : i32
      %dma_wait3A_208 = arith.constant 0 : i32
      %dma_wait3A_209 = tpu.memref_slice %arg2[%dma_wait3A_207, %dma_wait3A_208] : memref<20000x128xf32, #tpu.memory_space<hbm>> -> memref<80x128xf32, #tpu.memory_space<hbm>>
      tpu.wait_dma2 semaphore(%arg23 : memref<!tpu.dma_semaphore, #tpu.memory_space<semaphore_mem>>) src(%dma_wait3A_209 : memref<80x128xf32, #tpu.memory_space<hbm>>) dst(%arg16 : memref<80x128xf32, #tpu.memory_space<vmem>>)
      %dma_wait3A_210 = arith.constant 0 : i32
      %dma_wait3A_211 = arith.constant 0 : i32
      %dma_wait3A_212 = tpu.memref_slice %arg3[%dma_wait3A_210, %dma_wait3A_211] : memref<320000x128xf32, #tpu.memory_space<hbm>> -> memref<80x128xf32, #tpu.memory_space<hbm>>
      %dma_wait3A_213 = arith.constant 0 : i32
      %dma_wait3A_214 = arith.constant 0 : i32
      %dma_wait3A_215 = tpu.memref_slice %arg3[%dma_wait3A_213, %dma_wait3A_214] : memref<320000x128xf32, #tpu.memory_space<hbm>> -> memref<80x128xf32, #tpu.memory_space<hbm>>
      tpu.wait_dma2 semaphore(%arg23 : memref<!tpu.dma_semaphore, #tpu.memory_space<semaphore_mem>>) src(%dma_wait3A_215 : memref<80x128xf32, #tpu.memory_space<hbm>>) dst(%arg17 : memref<80x128xf32, #tpu.memory_space<vmem>>)
      %dma_start3A_216 = arith.constant 0 : i32
      %dma_start3A_217 = arith.constant 0 : i32
      %dma_start3A_218 = tpu.memref_slice %arg15[%dma_start3A_216, %dma_start3A_217] : memref<3x80xi32, #tpu.memory_space<vmem>> -> memref<1x80xi32, #tpu.memory_space<vmem>>
      %dma_start3A_219 = tpu.memref_squeeze %dma_start3A_218 : memref<1x80xi32, #tpu.memory_space<vmem>> -> memref<80xi32, #tpu.memory_space<vmem>>
      %dma_start3A_220 = arith.constant 0 : i32
      %dma_start3A_221 = arith.constant 0 : i32
      %dma_start3A_222 = tpu.memref_slice %arg12[%dma_start3A_220, %dma_start3A_221] : memref<10000x128xf32, #tpu.memory_space<vmem_shared>> -> memref<10000x128xf32, #tpu.memory_space<vmem_shared>>
      tpu.enqueue_indirect_dma source(%arg16 : memref<80x128xf32, #tpu.memory_space<vmem>>) target(%dma_start3A_222 : memref<10000x128xf32, #tpu.memory_space<vmem_shared>>) offsets(%dma_start3A_219 : memref<80xi32, #tpu.memory_space<vmem>>) semaphore(%arg25 : memref<!tpu.dma_semaphore, #tpu.memory_space<semaphore_mem>>) {add = true}
      %dma_start3A_223 = arith.constant 0 : i32
      %dma_start3A_224 = arith.constant 0 : i32
      %dma_start3A_225 = tpu.memref_slice %arg15[%dma_start3A_223, %dma_start3A_224] : memref<3x80xi32, #tpu.memory_space<vmem>> -> memref<1x80xi32, #tpu.memory_space<vmem>>
      %dma_start3A_226 = tpu.memref_squeeze %dma_start3A_225 : memref<1x80xi32, #tpu.memory_space<vmem>> -> memref<80xi32, #tpu.memory_space<vmem>>
      %dma_start3A_227 = arith.constant 0 : i32
      %dma_start3A_228 = arith.constant 0 : i32
      %dma_start3A_229 = tpu.memref_slice %arg12[%dma_start3A_227, %dma_start3A_228] : memref<10000x128xf32, #tpu.memory_space<vmem_shared>> -> memref<10000x128xf32, #tpu.memory_space<vmem_shared>>
      tpu.enqueue_indirect_dma source(%arg17 : memref<80x128xf32, #tpu.memory_space<vmem>>) target(%dma_start3A_229 : memref<10000x128xf32, #tpu.memory_space<vmem_shared>>) offsets(%dma_start3A_226 : memref<80xi32, #tpu.memory_space<vmem>>) semaphore(%arg25 : memref<!tpu.dma_semaphore, #tpu.memory_space<semaphore_mem>>) {add = true}
      %dma_wait3A_230 = arith.constant 0 : i32
      %dma_wait3A_231 = arith.constant 0 : i32
      %dma_wait3A_232 = tpu.memref_slice %arg15[%dma_wait3A_230, %dma_wait3A_231] : memref<3x80xi32, #tpu.memory_space<vmem>> -> memref<1x80xi32, #tpu.memory_space<vmem>>
      %dma_wait3A_233 = tpu.memref_squeeze %dma_wait3A_232 : memref<1x80xi32, #tpu.memory_space<vmem>> -> memref<80xi32, #tpu.memory_space<vmem>>
      %dma_wait3A_234 = arith.constant 0 : i32
      %dma_wait3A_235 = arith.constant 0 : i32
      %dma_wait3A_236 = tpu.memref_slice %arg12[%dma_wait3A_234, %dma_wait3A_235] : memref<10000x128xf32, #tpu.memory_space<vmem_shared>> -> memref<10000x128xf32, #tpu.memory_space<vmem_shared>>
      tpu.wait_indirect_dma semaphore(%arg25 : memref<!tpu.dma_semaphore, #tpu.memory_space<semaphore_mem>>) src(%arg16 : memref<80x128xf32, #tpu.memory_space<vmem>>) dst(%dma_wait3A_236 : memref<10000x128xf32, #tpu.memory_space<vmem_shared>>)
      %dma_wait3A_237 = arith.constant 0 : i32
      %dma_wait3A_238 = arith.constant 0 : i32
      %dma_wait3A_239 = tpu.memref_slice %arg15[%dma_wait3A_237, %dma_wait3A_238] : memref<3x80xi32, #tpu.memory_space<vmem>> -> memref<1x80xi32, #tpu.memory_space<vmem>>
      %dma_wait3A_240 = tpu.memref_squeeze %dma_wait3A_239 : memref<1x80xi32, #tpu.memory_space<vmem>> -> memref<80xi32, #tpu.memory_space<vmem>>
      %dma_wait3A_241 = arith.constant 0 : i32
      %dma_wait3A_242 = arith.constant 0 : i32
      %dma_wait3A_243 = tpu.memref_slice %arg12[%dma_wait3A_241, %dma_wait3A_242] : memref<10000x128xf32, #tpu.memory_space<vmem_shared>> -> memref<10000x128xf32, #tpu.memory_space<vmem_shared>>
      tpu.wait_indirect_dma semaphore(%arg25 : memref<!tpu.dma_semaphore, #tpu.memory_space<semaphore_mem>>) src(%arg17 : memref<80x128xf32, #tpu.memory_space<vmem>>) dst(%dma_wait3A_243 : memref<10000x128xf32, #tpu.memory_space<vmem_shared>>)
      %dma_wait3A_244 = arith.constant 2 : i32
      %dma_wait3A_245 = arith.constant 0 : i32
      %dma_wait3A_246 = tpu.memref_slice %arg13[%dma_wait3A_244, %dma_wait3A_245] : memref<3x80xi32, #tpu.memory_space<vmem>> -> memref<1x80xi32, #tpu.memory_space<vmem>>
      %dma_wait3A_247 = tpu.memref_squeeze %dma_wait3A_246 : memref<1x80xi32, #tpu.memory_space<vmem>> -> memref<80xi32, #tpu.memory_space<vmem>>
      %dma_wait3A_248 = arith.constant 0 : i32
      %dma_wait3A_249 = tpu.memref_slice %arg5[%dma_wait3A_248] : memref<160000xi32, #tpu.memory_space<hbm>> -> memref<80xi32, #tpu.memory_space<hbm>>
      %dma_wait3A_250 = arith.constant 0 : i32
      %dma_wait3A_251 = tpu.memref_slice %arg13[%dma_wait3A_244, %dma_wait3A_250] : memref<3x80xi32, #tpu.memory_space<vmem>> -> memref<1x80xi32, #tpu.memory_space<vmem>>
      %dma_wait3A_252 = tpu.memref_squeeze %dma_wait3A_251 : memref<1x80xi32, #tpu.memory_space<vmem>> -> memref<80xi32, #tpu.memory_space<vmem>>
      %dma_wait3A_253 = arith.constant 0 : i32
      %dma_wait3A_254 = tpu.memref_slice %arg5[%dma_wait3A_253] : memref<160000xi32, #tpu.memory_space<hbm>> -> memref<80xi32, #tpu.memory_space<hbm>>
      tpu.wait_dma2 semaphore(%arg22 : memref<!tpu.dma_semaphore, #tpu.memory_space<semaphore_mem>>) src(%dma_wait3A_254 : memref<80xi32, #tpu.memory_space<hbm>>) dst(%dma_wait3A_252 : memref<80xi32, #tpu.memory_space<vmem>>)
      %dma_wait3A_255 = arith.constant 2 : i32
      %dma_wait3A_256 = arith.constant 0 : i32
      %dma_wait3A_257 = tpu.memref_slice %arg14[%dma_wait3A_255, %dma_wait3A_256] : memref<3x80xi32, #tpu.memory_space<vmem>> -> memref<1x80xi32, #tpu.memory_space<vmem>>
      %dma_wait3A_258 = tpu.memref_squeeze %dma_wait3A_257 : memref<1x80xi32, #tpu.memory_space<vmem>> -> memref<80xi32, #tpu.memory_space<vmem>>
      %dma_wait3A_259 = arith.constant 0 : i32
      %dma_wait3A_260 = tpu.memref_slice %arg7[%dma_wait3A_259] : memref<160000xi32, #tpu.memory_space<hbm>> -> memref<80xi32, #tpu.memory_space<hbm>>
      %dma_wait3A_261 = arith.constant 0 : i32
      %dma_wait3A_262 = tpu.memref_slice %arg14[%dma_wait3A_255, %dma_wait3A_261] : memref<3x80xi32, #tpu.memory_space<vmem>> -> memref<1x80xi32, #tpu.memory_space<vmem>>
      %dma_wait3A_263 = tpu.memref_squeeze %dma_wait3A_262 : memref<1x80xi32, #tpu.memory_space<vmem>> -> memref<80xi32, #tpu.memory_space<vmem>>
      %dma_wait3A_264 = arith.constant 0 : i32
      %dma_wait3A_265 = tpu.memref_slice %arg7[%dma_wait3A_264] : memref<160000xi32, #tpu.memory_space<hbm>> -> memref<80xi32, #tpu.memory_space<hbm>>
      tpu.wait_dma2 semaphore(%arg22 : memref<!tpu.dma_semaphore, #tpu.memory_space<semaphore_mem>>) src(%dma_wait3A_265 : memref<80xi32, #tpu.memory_space<hbm>>) dst(%dma_wait3A_263 : memref<80xi32, #tpu.memory_space<vmem>>)
      %dma_wait3A_266 = arith.constant 2 : i32
      %dma_wait3A_267 = arith.constant 0 : i32
      %dma_wait3A_268 = tpu.memref_slice %arg15[%dma_wait3A_266, %dma_wait3A_267] : memref<3x80xi32, #tpu.memory_space<vmem>> -> memref<1x80xi32, #tpu.memory_space<vmem>>
      %dma_wait3A_269 = tpu.memref_squeeze %dma_wait3A_268 : memref<1x80xi32, #tpu.memory_space<vmem>> -> memref<80xi32, #tpu.memory_space<vmem>>
      %dma_wait3A_270 = arith.constant 0 : i32
      %dma_wait3A_271 = tpu.memref_slice %arg8[%dma_wait3A_270] : memref<160000xi32, #tpu.memory_space<hbm>> -> memref<80xi32, #tpu.memory_space<hbm>>
      %dma_wait3A_272 = arith.constant 0 : i32
      %dma_wait3A_273 = tpu.memref_slice %arg15[%dma_wait3A_266, %dma_wait3A_272] : memref<3x80xi32, #tpu.memory_space<vmem>> -> memref<1x80xi32, #tpu.memory_space<vmem>>
      %dma_wait3A_274 = tpu.memref_squeeze %dma_wait3A_273 : memref<1x80xi32, #tpu.memory_space<vmem>> -> memref<80xi32, #tpu.memory_space<vmem>>
      %dma_wait3A_275 = arith.constant 0 : i32
      %dma_wait3A_276 = tpu.memref_slice %arg8[%dma_wait3A_275] : memref<160000xi32, #tpu.memory_space<hbm>> -> memref<80xi32, #tpu.memory_space<hbm>>
      tpu.wait_dma2 semaphore(%arg22 : memref<!tpu.dma_semaphore, #tpu.memory_space<semaphore_mem>>) src(%dma_wait3A_276 : memref<80xi32, #tpu.memory_space<hbm>>) dst(%dma_wait3A_274 : memref<80xi32, #tpu.memory_space<vmem>>)
      %dma_start3A_277 = arith.constant 2 : i32
      %dma_start3A_278 = arith.constant 0 : i32
      %dma_start3A_279 = tpu.memref_slice %arg13[%dma_start3A_277, %dma_start3A_278] : memref<3x80xi32, #tpu.memory_space<vmem>> -> memref<1x80xi32, #tpu.memory_space<vmem>>
      %dma_start3A_280 = tpu.memref_squeeze %dma_start3A_279 : memref<1x80xi32, #tpu.memory_space<vmem>> -> memref<80xi32, #tpu.memory_space<vmem>>
      %dma_start3A_281 = arith.constant 0 : i32
      %dma_start3A_282 = arith.constant 0 : i32
      %dma_start3A_283 = tpu.memref_slice %arg2[%dma_start3A_281, %dma_start3A_282] : memref<20000x128xf32, #tpu.memory_space<hbm>> -> memref<20000x128xf32, #tpu.memory_space<hbm>>
      tpu.enqueue_indirect_dma source(%dma_start3A_283 : memref<20000x128xf32, #tpu.memory_space<hbm>>) target(%arg16 : memref<80x128xf32, #tpu.memory_space<vmem>>) offsets(%dma_start3A_280 : memref<80xi32, #tpu.memory_space<vmem>>) semaphore(%arg23 : memref<!tpu.dma_semaphore, #tpu.memory_space<semaphore_mem>>)
      %dma_start3A_284 = arith.constant 2 : i32
      %dma_start3A_285 = arith.constant 0 : i32
      %dma_start3A_286 = tpu.memref_slice %arg14[%dma_start3A_284, %dma_start3A_285] : memref<3x80xi32, #tpu.memory_space<vmem>> -> memref<1x80xi32, #tpu.memory_space<vmem>>
      %dma_start3A_287 = tpu.memref_squeeze %dma_start3A_286 : memref<1x80xi32, #tpu.memory_space<vmem>> -> memref<80xi32, #tpu.memory_space<vmem>>
      %dma_start3A_288 = arith.constant 0 : i32
      %dma_start3A_289 = arith.constant 0 : i32
      %dma_start3A_290 = tpu.memref_slice %arg3[%dma_start3A_288, %dma_start3A_289] : memref<320000x128xf32, #tpu.memory_space<hbm>> -> memref<320000x128xf32, #tpu.memory_space<hbm>>
      tpu.enqueue_indirect_dma source(%dma_start3A_290 : memref<320000x128xf32, #tpu.memory_space<hbm>>) target(%arg17 : memref<80x128xf32, #tpu.memory_space<vmem>>) offsets(%dma_start3A_287 : memref<80xi32, #tpu.memory_space<vmem>>) semaphore(%arg23 : memref<!tpu.dma_semaphore, #tpu.memory_space<semaphore_mem>>)
      %mul3A_291 = arith.constant 10000 : i32
      %mul3A_292 = arith.muli %arg1, %mul3A_291 : i32
      %add3A_293 = arith.constant 9840 : i32
      %add3A_294 = arith.addi %mul3A_292, %add3A_293 : i32
      %dma_start3A_295 = arith.constant 0 : i32
      %dma_start3A_296 = arith.constant 0 : i32
      %dma_start3A_297 = tpu.memref_slice %arg13[%dma_start3A_295, %dma_start3A_296] : memref<3x80xi32, #tpu.memory_space<vmem>> -> memref<1x80xi32, #tpu.memory_space<vmem>>
      %dma_start3A_298 = tpu.memref_squeeze %dma_start3A_297 : memref<1x80xi32, #tpu.memory_space<vmem>> -> memref<80xi32, #tpu.memory_space<vmem>>
      %dma_start3A_299 = tpu.memref_slice %arg5[%add3A_294] : memref<160000xi32, #tpu.memory_space<hbm>> -> memref<80xi32, #tpu.memory_space<hbm>>
      %dma_start3A_300 = arith.constant 0 : i32
      %dma_start3A_301 = tpu.memref_slice %arg13[%dma_start3A_295, %dma_start3A_300] : memref<3x80xi32, #tpu.memory_space<vmem>> -> memref<1x80xi32, #tpu.memory_space<vmem>>
      %dma_start3A_302 = tpu.memref_squeeze %dma_start3A_301 : memref<1x80xi32, #tpu.memory_space<vmem>> -> memref<80xi32, #tpu.memory_space<vmem>>
      %dma_start3A_303 = tpu.memref_slice %arg5[%add3A_294] : memref<160000xi32, #tpu.memory_space<hbm>> -> memref<80xi32, #tpu.memory_space<hbm>>
      tpu.enqueue_dma source(%dma_start3A_303 : memref<80xi32, #tpu.memory_space<hbm>>) target(%dma_start3A_302 : memref<80xi32, #tpu.memory_space<vmem>>) target_semaphore(%arg20 : memref<!tpu.dma_semaphore, #tpu.memory_space<semaphore_mem>>)
      %dma_start3A_304 = arith.constant 0 : i32
      %dma_start3A_305 = arith.constant 0 : i32
      %dma_start3A_306 = tpu.memref_slice %arg14[%dma_start3A_304, %dma_start3A_305] : memref<3x80xi32, #tpu.memory_space<vmem>> -> memref<1x80xi32, #tpu.memory_space<vmem>>
      %dma_start3A_307 = tpu.memref_squeeze %dma_start3A_306 : memref<1x80xi32, #tpu.memory_space<vmem>> -> memref<80xi32, #tpu.memory_space<vmem>>
      %dma_start3A_308 = tpu.memref_slice %arg7[%add3A_294] : memref<160000xi32, #tpu.memory_space<hbm>> -> memref<80xi32, #tpu.memory_space<hbm>>
      %dma_start3A_309 = arith.constant 0 : i32
      %dma_start3A_310 = tpu.memref_slice %arg14[%dma_start3A_304, %dma_start3A_309] : memref<3x80xi32, #tpu.memory_space<vmem>> -> memref<1x80xi32, #tpu.memory_space<vmem>>
      %dma_start3A_311 = tpu.memref_squeeze %dma_start3A_310 : memref<1x80xi32, #tpu.memory_space<vmem>> -> memref<80xi32, #tpu.memory_space<vmem>>
      %dma_start3A_312 = tpu.memref_slice %arg7[%add3A_294] : memref<160000xi32, #tpu.memory_space<hbm>> -> memref<80xi32, #tpu.memory_space<hbm>>
      tpu.enqueue_dma source(%dma_start3A_312 : memref<80xi32, #tpu.memory_space<hbm>>) target(%dma_start3A_311 : memref<80xi32, #tpu.memory_space<vmem>>) target_semaphore(%arg20 : memref<!tpu.dma_semaphore, #tpu.memory_space<semaphore_mem>>)
      %dma_start3A_313 = arith.constant 0 : i32
      %dma_start3A_314 = arith.constant 0 : i32
      %dma_start3A_315 = tpu.memref_slice %arg15[%dma_start3A_313, %dma_start3A_314] : memref<3x80xi32, #tpu.memory_space<vmem>> -> memref<1x80xi32, #tpu.memory_space<vmem>>
      %dma_start3A_316 = tpu.memref_squeeze %dma_start3A_315 : memref<1x80xi32, #tpu.memory_space<vmem>> -> memref<80xi32, #tpu.memory_space<vmem>>
      %dma_start3A_317 = tpu.memref_slice %arg8[%add3A_294] : memref<160000xi32, #tpu.memory_space<hbm>> -> memref<80xi32, #tpu.memory_space<hbm>>
      %dma_start3A_318 = arith.constant 0 : i32
      %dma_start3A_319 = tpu.memref_slice %arg15[%dma_start3A_313, %dma_start3A_318] : memref<3x80xi32, #tpu.memory_space<vmem>> -> memref<1x80xi32, #tpu.memory_space<vmem>>
      %dma_start3A_320 = tpu.memref_squeeze %dma_start3A_319 : memref<1x80xi32, #tpu.memory_space<vmem>> -> memref<80xi32, #tpu.memory_space<vmem>>
      %dma_start3A_321 = tpu.memref_slice %arg8[%add3A_294] : memref<160000xi32, #tpu.memory_space<hbm>> -> memref<80xi32, #tpu.memory_space<hbm>>
      tpu.enqueue_dma source(%dma_start3A_321 : memref<80xi32, #tpu.memory_space<hbm>>) target(%dma_start3A_320 : memref<80xi32, #tpu.memory_space<vmem>>) target_semaphore(%arg20 : memref<!tpu.dma_semaphore, #tpu.memory_space<semaphore_mem>>)
      %dma_wait3A_322 = arith.constant 0 : i32
      %dma_wait3A_323 = arith.constant 0 : i32
      %dma_wait3A_324 = tpu.memref_slice %arg2[%dma_wait3A_322, %dma_wait3A_323] : memref<20000x128xf32, #tpu.memory_space<hbm>> -> memref<80x128xf32, #tpu.memory_space<hbm>>
      %dma_wait3A_325 = arith.constant 0 : i32
      %dma_wait3A_326 = arith.constant 0 : i32
      %dma_wait3A_327 = tpu.memref_slice %arg2[%dma_wait3A_325, %dma_wait3A_326] : memref<20000x128xf32, #tpu.memory_space<hbm>> -> memref<80x128xf32, #tpu.memory_space<hbm>>
      tpu.wait_dma2 semaphore(%arg24 : memref<!tpu.dma_semaphore, #tpu.memory_space<semaphore_mem>>) src(%dma_wait3A_327 : memref<80x128xf32, #tpu.memory_space<hbm>>) dst(%arg18 : memref<80x128xf32, #tpu.memory_space<vmem>>)
      %dma_wait3A_328 = arith.constant 0 : i32
      %dma_wait3A_329 = arith.constant 0 : i32
      %dma_wait3A_330 = tpu.memref_slice %arg3[%dma_wait3A_328, %dma_wait3A_329] : memref<320000x128xf32, #tpu.memory_space<hbm>> -> memref<80x128xf32, #tpu.memory_space<hbm>>
      %dma_wait3A_331 = arith.constant 0 : i32
      %dma_wait3A_332 = arith.constant 0 : i32
      %dma_wait3A_333 = tpu.memref_slice %arg3[%dma_wait3A_331, %dma_wait3A_332] : memref<320000x128xf32, #tpu.memory_space<hbm>> -> memref<80x128xf32, #tpu.memory_space<hbm>>
      tpu.wait_dma2 semaphore(%arg24 : memref<!tpu.dma_semaphore, #tpu.memory_space<semaphore_mem>>) src(%dma_wait3A_333 : memref<80x128xf32, #tpu.memory_space<hbm>>) dst(%arg19 : memref<80x128xf32, #tpu.memory_space<vmem>>)
      %dma_start3A_334 = arith.constant 1 : i32
      %dma_start3A_335 = arith.constant 0 : i32
      %dma_start3A_336 = tpu.memref_slice %arg15[%dma_start3A_334, %dma_start3A_335] : memref<3x80xi32, #tpu.memory_space<vmem>> -> memref<1x80xi32, #tpu.memory_space<vmem>>
      %dma_start3A_337 = tpu.memref_squeeze %dma_start3A_336 : memref<1x80xi32, #tpu.memory_space<vmem>> -> memref<80xi32, #tpu.memory_space<vmem>>
      %dma_start3A_338 = arith.constant 0 : i32
      %dma_start3A_339 = arith.constant 0 : i32
      %dma_start3A_340 = tpu.memref_slice %arg12[%dma_start3A_338, %dma_start3A_339] : memref<10000x128xf32, #tpu.memory_space<vmem_shared>> -> memref<10000x128xf32, #tpu.memory_space<vmem_shared>>
      tpu.enqueue_indirect_dma source(%arg18 : memref<80x128xf32, #tpu.memory_space<vmem>>) target(%dma_start3A_340 : memref<10000x128xf32, #tpu.memory_space<vmem_shared>>) offsets(%dma_start3A_337 : memref<80xi32, #tpu.memory_space<vmem>>) semaphore(%arg25 : memref<!tpu.dma_semaphore, #tpu.memory_space<semaphore_mem>>) {add = true}
      %dma_start3A_341 = arith.constant 1 : i32
      %dma_start3A_342 = arith.constant 0 : i32
      %dma_start3A_343 = tpu.memref_slice %arg15[%dma_start3A_341, %dma_start3A_342] : memref<3x80xi32, #tpu.memory_space<vmem>> -> memref<1x80xi32, #tpu.memory_space<vmem>>
      %dma_start3A_344 = tpu.memref_squeeze %dma_start3A_343 : memref<1x80xi32, #tpu.memory_space<vmem>> -> memref<80xi32, #tpu.memory_space<vmem>>
      %dma_start3A_345 = arith.constant 0 : i32
      %dma_start3A_346 = arith.constant 0 : i32
      %dma_start3A_347 = tpu.memref_slice %arg12[%dma_start3A_345, %dma_start3A_346] : memref<10000x128xf32, #tpu.memory_space<vmem_shared>> -> memref<10000x128xf32, #tpu.memory_space<vmem_shared>>
      tpu.enqueue_indirect_dma source(%arg19 : memref<80x128xf32, #tpu.memory_space<vmem>>) target(%dma_start3A_347 : memref<10000x128xf32, #tpu.memory_space<vmem_shared>>) offsets(%dma_start3A_344 : memref<80xi32, #tpu.memory_space<vmem>>) semaphore(%arg25 : memref<!tpu.dma_semaphore, #tpu.memory_space<semaphore_mem>>) {add = true}
      %dma_wait3A_348 = arith.constant 1 : i32
      %dma_wait3A_349 = arith.constant 0 : i32
      %dma_wait3A_350 = tpu.memref_slice %arg15[%dma_wait3A_348, %dma_wait3A_349] : memref<3x80xi32, #tpu.memory_space<vmem>> -> memref<1x80xi32, #tpu.memory_space<vmem>>
      %dma_wait3A_351 = tpu.memref_squeeze %dma_wait3A_350 : memref<1x80xi32, #tpu.memory_space<vmem>> -> memref<80xi32, #tpu.memory_space<vmem>>
      %dma_wait3A_352 = arith.constant 0 : i32
      %dma_wait3A_353 = arith.constant 0 : i32
      %dma_wait3A_354 = tpu.memref_slice %arg12[%dma_wait3A_352, %dma_wait3A_353] : memref<10000x128xf32, #tpu.memory_space<vmem_shared>> -> memref<10000x128xf32, #tpu.memory_space<vmem_shared>>
      tpu.wait_indirect_dma semaphore(%arg25 : memref<!tpu.dma_semaphore, #tpu.memory_space<semaphore_mem>>) src(%arg18 : memref<80x128xf32, #tpu.memory_space<vmem>>) dst(%dma_wait3A_354 : memref<10000x128xf32, #tpu.memory_space<vmem_shared>>)
      %dma_wait3A_355 = arith.constant 1 : i32
      %dma_wait3A_356 = arith.constant 0 : i32
      %dma_wait3A_357 = tpu.memref_slice %arg15[%dma_wait3A_355, %dma_wait3A_356] : memref<3x80xi32, #tpu.memory_space<vmem>> -> memref<1x80xi32, #tpu.memory_space<vmem>>
      %dma_wait3A_358 = tpu.memref_squeeze %dma_wait3A_357 : memref<1x80xi32, #tpu.memory_space<vmem>> -> memref<80xi32, #tpu.memory_space<vmem>>
      %dma_wait3A_359 = arith.constant 0 : i32
      %dma_wait3A_360 = arith.constant 0 : i32
      %dma_wait3A_361 = tpu.memref_slice %arg12[%dma_wait3A_359, %dma_wait3A_360] : memref<10000x128xf32, #tpu.memory_space<vmem_shared>> -> memref<10000x128xf32, #tpu.memory_space<vmem_shared>>
      tpu.wait_indirect_dma semaphore(%arg25 : memref<!tpu.dma_semaphore, #tpu.memory_space<semaphore_mem>>) src(%arg19 : memref<80x128xf32, #tpu.memory_space<vmem>>) dst(%dma_wait3A_361 : memref<10000x128xf32, #tpu.memory_space<vmem_shared>>)
      %dma_wait3A_362 = arith.constant 0 : i32
      %dma_wait3A_363 = arith.constant 0 : i32
      %dma_wait3A_364 = tpu.memref_slice %arg13[%dma_wait3A_362, %dma_wait3A_363] : memref<3x80xi32, #tpu.memory_space<vmem>> -> memref<1x80xi32, #tpu.memory_space<vmem>>
      %dma_wait3A_365 = tpu.memref_squeeze %dma_wait3A_364 : memref<1x80xi32, #tpu.memory_space<vmem>> -> memref<80xi32, #tpu.memory_space<vmem>>
      %dma_wait3A_366 = arith.constant 0 : i32
      %dma_wait3A_367 = tpu.memref_slice %arg5[%dma_wait3A_366] : memref<160000xi32, #tpu.memory_space<hbm>> -> memref<80xi32, #tpu.memory_space<hbm>>
      %dma_wait3A_368 = arith.constant 0 : i32
      %dma_wait3A_369 = tpu.memref_slice %arg13[%dma_wait3A_362, %dma_wait3A_368] : memref<3x80xi32, #tpu.memory_space<vmem>> -> memref<1x80xi32, #tpu.memory_space<vmem>>
      %dma_wait3A_370 = tpu.memref_squeeze %dma_wait3A_369 : memref<1x80xi32, #tpu.memory_space<vmem>> -> memref<80xi32, #tpu.memory_space<vmem>>
      %dma_wait3A_371 = arith.constant 0 : i32
      %dma_wait3A_372 = tpu.memref_slice %arg5[%dma_wait3A_371] : memref<160000xi32, #tpu.memory_space<hbm>> -> memref<80xi32, #tpu.memory_space<hbm>>
      tpu.wait_dma2 semaphore(%arg20 : memref<!tpu.dma_semaphore, #tpu.memory_space<semaphore_mem>>) src(%dma_wait3A_372 : memref<80xi32, #tpu.memory_space<hbm>>) dst(%dma_wait3A_370 : memref<80xi32, #tpu.memory_space<vmem>>)
      %dma_wait3A_373 = arith.constant 0 : i32
      %dma_wait3A_374 = arith.constant 0 : i32
      %dma_wait3A_375 = tpu.memref_slice %arg14[%dma_wait3A_373, %dma_wait3A_374] : memref<3x80xi32, #tpu.memory_space<vmem>> -> memref<1x80xi32, #tpu.memory_space<vmem>>
      %dma_wait3A_376 = tpu.memref_squeeze %dma_wait3A_375 : memref<1x80xi32, #tpu.memory_space<vmem>> -> memref<80xi32, #tpu.memory_space<vmem>>
      %dma_wait3A_377 = arith.constant 0 : i32
      %dma_wait3A_378 = tpu.memref_slice %arg7[%dma_wait3A_377] : memref<160000xi32, #tpu.memory_space<hbm>> -> memref<80xi32, #tpu.memory_space<hbm>>
      %dma_wait3A_379 = arith.constant 0 : i32
      %dma_wait3A_380 = tpu.memref_slice %arg14[%dma_wait3A_373, %dma_wait3A_379] : memref<3x80xi32, #tpu.memory_space<vmem>> -> memref<1x80xi32, #tpu.memory_space<vmem>>
      %dma_wait3A_381 = tpu.memref_squeeze %dma_wait3A_380 : memref<1x80xi32, #tpu.memory_space<vmem>> -> memref<80xi32, #tpu.memory_space<vmem>>
      %dma_wait3A_382 = arith.constant 0 : i32
      %dma_wait3A_383 = tpu.memref_slice %arg7[%dma_wait3A_382] : memref<160000xi32, #tpu.memory_space<hbm>> -> memref<80xi32, #tpu.memory_space<hbm>>
      tpu.wait_dma2 semaphore(%arg20 : memref<!tpu.dma_semaphore, #tpu.memory_space<semaphore_mem>>) src(%dma_wait3A_383 : memref<80xi32, #tpu.memory_space<hbm>>) dst(%dma_wait3A_381 : memref<80xi32, #tpu.memory_space<vmem>>)
      %dma_wait3A_384 = arith.constant 0 : i32
      %dma_wait3A_385 = arith.constant 0 : i32
      %dma_wait3A_386 = tpu.memref_slice %arg15[%dma_wait3A_384, %dma_wait3A_385] : memref<3x80xi32, #tpu.memory_space<vmem>> -> memref<1x80xi32, #tpu.memory_space<vmem>>
      %dma_wait3A_387 = tpu.memref_squeeze %dma_wait3A_386 : memref<1x80xi32, #tpu.memory_space<vmem>> -> memref<80xi32, #tpu.memory_space<vmem>>
      %dma_wait3A_388 = arith.constant 0 : i32
      %dma_wait3A_389 = tpu.memref_slice %arg8[%dma_wait3A_388] : memref<160000xi32, #tpu.memory_space<hbm>> -> memref<80xi32, #tpu.memory_space<hbm>>
      %dma_wait3A_390 = arith.constant 0 : i32
      %dma_wait3A_391 = tpu.memref_slice %arg15[%dma_wait3A_384, %dma_wait3A_390] : memref<3x80xi32, #tpu.memory_space<vmem>> -> memref<1x80xi32, #tpu.memory_space<vmem>>
      %dma_wait3A_392 = tpu.memref_squeeze %dma_wait3A_391 : memref<1x80xi32, #tpu.memory_space<vmem>> -> memref<80xi32, #tpu.memory_space<vmem>>
      %dma_wait3A_393 = arith.constant 0 : i32
      %dma_wait3A_394 = tpu.memref_slice %arg8[%dma_wait3A_393] : memref<160000xi32, #tpu.memory_space<hbm>> -> memref<80xi32, #tpu.memory_space<hbm>>
      tpu.wait_dma2 semaphore(%arg20 : memref<!tpu.dma_semaphore, #tpu.memory_space<semaphore_mem>>) src(%dma_wait3A_394 : memref<80xi32, #tpu.memory_space<hbm>>) dst(%dma_wait3A_392 : memref<80xi32, #tpu.memory_space<vmem>>)
      %dma_start3A_395 = arith.constant 0 : i32
      %dma_start3A_396 = arith.constant 0 : i32
      %dma_start3A_397 = tpu.memref_slice %arg13[%dma_start3A_395, %dma_start3A_396] : memref<3x80xi32, #tpu.memory_space<vmem>> -> memref<1x80xi32, #tpu.memory_space<vmem>>
      %dma_start3A_398 = tpu.memref_squeeze %dma_start3A_397 : memref<1x80xi32, #tpu.memory_space<vmem>> -> memref<80xi32, #tpu.memory_space<vmem>>
      %dma_start3A_399 = arith.constant 0 : i32
      %dma_start3A_400 = arith.constant 0 : i32
      %dma_start3A_401 = tpu.memref_slice %arg2[%dma_start3A_399, %dma_start3A_400] : memref<20000x128xf32, #tpu.memory_space<hbm>> -> memref<20000x128xf32, #tpu.memory_space<hbm>>
      tpu.enqueue_indirect_dma source(%dma_start3A_401 : memref<20000x128xf32, #tpu.memory_space<hbm>>) target(%arg18 : memref<80x128xf32, #tpu.memory_space<vmem>>) offsets(%dma_start3A_398 : memref<80xi32, #tpu.memory_space<vmem>>) semaphore(%arg24 : memref<!tpu.dma_semaphore, #tpu.memory_space<semaphore_mem>>)
      %dma_start3A_402 = arith.constant 0 : i32
      %dma_start3A_403 = arith.constant 0 : i32
      %dma_start3A_404 = tpu.memref_slice %arg14[%dma_start3A_402, %dma_start3A_403] : memref<3x80xi32, #tpu.memory_space<vmem>> -> memref<1x80xi32, #tpu.memory_space<vmem>>
      %dma_start3A_405 = tpu.memref_squeeze %dma_start3A_404 : memref<1x80xi32, #tpu.memory_space<vmem>> -> memref<80xi32, #tpu.memory_space<vmem>>
      %dma_start3A_406 = arith.constant 0 : i32
      %dma_start3A_407 = arith.constant 0 : i32
      %dma_start3A_408 = tpu.memref_slice %arg3[%dma_start3A_406, %dma_start3A_407] : memref<320000x128xf32, #tpu.memory_space<hbm>> -> memref<320000x128xf32, #tpu.memory_space<hbm>>
      tpu.enqueue_indirect_dma source(%dma_start3A_408 : memref<320000x128xf32, #tpu.memory_space<hbm>>) target(%arg19 : memref<80x128xf32, #tpu.memory_space<vmem>>) offsets(%dma_start3A_405 : memref<80xi32, #tpu.memory_space<vmem>>) semaphore(%arg24 : memref<!tpu.dma_semaphore, #tpu.memory_space<semaphore_mem>>)
      %mul3A_409 = arith.constant 10000 : i32
      %mul3A_410 = arith.muli %arg1, %mul3A_409 : i32
      %add3A_411 = arith.constant 9920 : i32
      %add3A_412 = arith.addi %mul3A_410, %add3A_411 : i32
      %dma_start3A_413 = arith.constant 1 : i32
      %dma_start3A_414 = arith.constant 0 : i32
      %dma_start3A_415 = tpu.memref_slice %arg13[%dma_start3A_413, %dma_start3A_414] : memref<3x80xi32, #tpu.memory_space<vmem>> -> memref<1x80xi32, #tpu.memory_space<vmem>>
      %dma_start3A_416 = tpu.memref_squeeze %dma_start3A_415 : memref<1x80xi32, #tpu.memory_space<vmem>> -> memref<80xi32, #tpu.memory_space<vmem>>
      %dma_start3A_417 = tpu.memref_slice %arg5[%add3A_412] : memref<160000xi32, #tpu.memory_space<hbm>> -> memref<80xi32, #tpu.memory_space<hbm>>
      %dma_start3A_418 = arith.constant 0 : i32
      %dma_start3A_419 = tpu.memref_slice %arg13[%dma_start3A_413, %dma_start3A_418] : memref<3x80xi32, #tpu.memory_space<vmem>> -> memref<1x80xi32, #tpu.memory_space<vmem>>
      %dma_start3A_420 = tpu.memref_squeeze %dma_start3A_419 : memref<1x80xi32, #tpu.memory_space<vmem>> -> memref<80xi32, #tpu.memory_space<vmem>>
      %dma_start3A_421 = tpu.memref_slice %arg5[%add3A_412] : memref<160000xi32, #tpu.memory_space<hbm>> -> memref<80xi32, #tpu.memory_space<hbm>>
      tpu.enqueue_dma source(%dma_start3A_421 : memref<80xi32, #tpu.memory_space<hbm>>) target(%dma_start3A_420 : memref<80xi32, #tpu.memory_space<vmem>>) target_semaphore(%arg21 : memref<!tpu.dma_semaphore, #tpu.memory_space<semaphore_mem>>)
      %dma_start3A_422 = arith.constant 1 : i32
      %dma_start3A_423 = arith.constant 0 : i32
      %dma_start3A_424 = tpu.memref_slice %arg14[%dma_start3A_422, %dma_start3A_423] : memref<3x80xi32, #tpu.memory_space<vmem>> -> memref<1x80xi32, #tpu.memory_space<vmem>>
      %dma_start3A_425 = tpu.memref_squeeze %dma_start3A_424 : memref<1x80xi32, #tpu.memory_space<vmem>> -> memref<80xi32, #tpu.memory_space<vmem>>
      %dma_start3A_426 = tpu.memref_slice %arg7[%add3A_412] : memref<160000xi32, #tpu.memory_space<hbm>> -> memref<80xi32, #tpu.memory_space<hbm>>
      %dma_start3A_427 = arith.constant 0 : i32
      %dma_start3A_428 = tpu.memref_slice %arg14[%dma_start3A_422, %dma_start3A_427] : memref<3x80xi32, #tpu.memory_space<vmem>> -> memref<1x80xi32, #tpu.memory_space<vmem>>
      %dma_start3A_429 = tpu.memref_squeeze %dma_start3A_428 : memref<1x80xi32, #tpu.memory_space<vmem>> -> memref<80xi32, #tpu.memory_space<vmem>>
      %dma_start3A_430 = tpu.memref_slice %arg7[%add3A_412] : memref<160000xi32, #tpu.memory_space<hbm>> -> memref<80xi32, #tpu.memory_space<hbm>>
      tpu.enqueue_dma source(%dma_start3A_430 : memref<80xi32, #tpu.memory_space<hbm>>) target(%dma_start3A_429 : memref<80xi32, #tpu.memory_space<vmem>>) target_semaphore(%arg21 : memref<!tpu.dma_semaphore, #tpu.memory_space<semaphore_mem>>)
      %dma_start3A_431 = arith.constant 1 : i32
      %dma_start3A_432 = arith.constant 0 : i32
      %dma_start3A_433 = tpu.memref_slice %arg15[%dma_start3A_431, %dma_start3A_432] : memref<3x80xi32, #tpu.memory_space<vmem>> -> memref<1x80xi32, #tpu.memory_space<vmem>>
      %dma_start3A_434 = tpu.memref_squeeze %dma_start3A_433 : memref<1x80xi32, #tpu.memory_space<vmem>> -> memref<80xi32, #tpu.memory_space<vmem>>
      %dma_start3A_435 = tpu.memref_slice %arg8[%add3A_412] : memref<160000xi32, #tpu.memory_space<hbm>> -> memref<80xi32, #tpu.memory_space<hbm>>
      %dma_start3A_436 = arith.constant 0 : i32
      %dma_start3A_437 = tpu.memref_slice %arg15[%dma_start3A_431, %dma_start3A_436] : memref<3x80xi32, #tpu.memory_space<vmem>> -> memref<1x80xi32, #tpu.memory_space<vmem>>
      %dma_start3A_438 = tpu.memref_squeeze %dma_start3A_437 : memref<1x80xi32, #tpu.memory_space<vmem>> -> memref<80xi32, #tpu.memory_space<vmem>>
      %dma_start3A_439 = tpu.memref_slice %arg8[%add3A_412] : memref<160000xi32, #tpu.memory_space<hbm>> -> memref<80xi32, #tpu.memory_space<hbm>>
      tpu.enqueue_dma source(%dma_start3A_439 : memref<80xi32, #tpu.memory_space<hbm>>) target(%dma_start3A_438 : memref<80xi32, #tpu.memory_space<vmem>>) target_semaphore(%arg21 : memref<!tpu.dma_semaphore, #tpu.memory_space<semaphore_mem>>)
      %dma_wait3A_440 = arith.constant 0 : i32
      %dma_wait3A_441 = arith.constant 0 : i32
      %dma_wait3A_442 = tpu.memref_slice %arg2[%dma_wait3A_440, %dma_wait3A_441] : memref<20000x128xf32, #tpu.memory_space<hbm>> -> memref<80x128xf32, #tpu.memory_space<hbm>>
      %dma_wait3A_443 = arith.constant 0 : i32
      %dma_wait3A_444 = arith.constant 0 : i32
      %dma_wait3A_445 = tpu.memref_slice %arg2[%dma_wait3A_443, %dma_wait3A_444] : memref<20000x128xf32, #tpu.memory_space<hbm>> -> memref<80x128xf32, #tpu.memory_space<hbm>>
      tpu.wait_dma2 semaphore(%arg23 : memref<!tpu.dma_semaphore, #tpu.memory_space<semaphore_mem>>) src(%dma_wait3A_445 : memref<80x128xf32, #tpu.memory_space<hbm>>) dst(%arg16 : memref<80x128xf32, #tpu.memory_space<vmem>>)
      %dma_wait3A_446 = arith.constant 0 : i32
      %dma_wait3A_447 = arith.constant 0 : i32
      %dma_wait3A_448 = tpu.memref_slice %arg3[%dma_wait3A_446, %dma_wait3A_447] : memref<320000x128xf32, #tpu.memory_space<hbm>> -> memref<80x128xf32, #tpu.memory_space<hbm>>
      %dma_wait3A_449 = arith.constant 0 : i32
      %dma_wait3A_450 = arith.constant 0 : i32
      %dma_wait3A_451 = tpu.memref_slice %arg3[%dma_wait3A_449, %dma_wait3A_450] : memref<320000x128xf32, #tpu.memory_space<hbm>> -> memref<80x128xf32, #tpu.memory_space<hbm>>
      tpu.wait_dma2 semaphore(%arg23 : memref<!tpu.dma_semaphore, #tpu.memory_space<semaphore_mem>>) src(%dma_wait3A_451 : memref<80x128xf32, #tpu.memory_space<hbm>>) dst(%arg17 : memref<80x128xf32, #tpu.memory_space<vmem>>)
      %dma_start3A_452 = arith.constant 2 : i32
      %dma_start3A_453 = arith.constant 0 : i32
      %dma_start3A_454 = tpu.memref_slice %arg15[%dma_start3A_452, %dma_start3A_453] : memref<3x80xi32, #tpu.memory_space<vmem>> -> memref<1x80xi32, #tpu.memory_space<vmem>>
      %dma_start3A_455 = tpu.memref_squeeze %dma_start3A_454 : memref<1x80xi32, #tpu.memory_space<vmem>> -> memref<80xi32, #tpu.memory_space<vmem>>
      %dma_start3A_456 = arith.constant 0 : i32
      %dma_start3A_457 = arith.constant 0 : i32
      %dma_start3A_458 = tpu.memref_slice %arg12[%dma_start3A_456, %dma_start3A_457] : memref<10000x128xf32, #tpu.memory_space<vmem_shared>> -> memref<10000x128xf32, #tpu.memory_space<vmem_shared>>
      tpu.enqueue_indirect_dma source(%arg16 : memref<80x128xf32, #tpu.memory_space<vmem>>) target(%dma_start3A_458 : memref<10000x128xf32, #tpu.memory_space<vmem_shared>>) offsets(%dma_start3A_455 : memref<80xi32, #tpu.memory_space<vmem>>) semaphore(%arg25 : memref<!tpu.dma_semaphore, #tpu.memory_space<semaphore_mem>>) {add = true}
      %dma_start3A_459 = arith.constant 2 : i32
      %dma_start3A_460 = arith.constant 0 : i32
      %dma_start3A_461 = tpu.memref_slice %arg15[%dma_start3A_459, %dma_start3A_460] : memref<3x80xi32, #tpu.memory_space<vmem>> -> memref<1x80xi32, #tpu.memory_space<vmem>>
      %dma_start3A_462 = tpu.memref_squeeze %dma_start3A_461 : memref<1x80xi32, #tpu.memory_space<vmem>> -> memref<80xi32, #tpu.memory_space<vmem>>
      %dma_start3A_463 = arith.constant 0 : i32
      %dma_start3A_464 = arith.constant 0 : i32
      %dma_start3A_465 = tpu.memref_slice %arg12[%dma_start3A_463, %dma_start3A_464] : memref<10000x128xf32, #tpu.memory_space<vmem_shared>> -> memref<10000x128xf32, #tpu.memory_space<vmem_shared>>
      tpu.enqueue_indirect_dma source(%arg17 : memref<80x128xf32, #tpu.memory_space<vmem>>) target(%dma_start3A_465 : memref<10000x128xf32, #tpu.memory_space<vmem_shared>>) offsets(%dma_start3A_462 : memref<80xi32, #tpu.memory_space<vmem>>) semaphore(%arg25 : memref<!tpu.dma_semaphore, #tpu.memory_space<semaphore_mem>>) {add = true}
      %dma_wait3A_466 = arith.constant 2 : i32
      %dma_wait3A_467 = arith.constant 0 : i32
      %dma_wait3A_468 = tpu.memref_slice %arg15[%dma_wait3A_466, %dma_wait3A_467] : memref<3x80xi32, #tpu.memory_space<vmem>> -> memref<1x80xi32, #tpu.memory_space<vmem>>
      %dma_wait3A_469 = tpu.memref_squeeze %dma_wait3A_468 : memref<1x80xi32, #tpu.memory_space<vmem>> -> memref<80xi32, #tpu.memory_space<vmem>>
      %dma_wait3A_470 = arith.constant 0 : i32
      %dma_wait3A_471 = arith.constant 0 : i32
      %dma_wait3A_472 = tpu.memref_slice %arg12[%dma_wait3A_470, %dma_wait3A_471] : memref<10000x128xf32, #tpu.memory_space<vmem_shared>> -> memref<10000x128xf32, #tpu.memory_space<vmem_shared>>
      tpu.wait_indirect_dma semaphore(%arg25 : memref<!tpu.dma_semaphore, #tpu.memory_space<semaphore_mem>>) src(%arg16 : memref<80x128xf32, #tpu.memory_space<vmem>>) dst(%dma_wait3A_472 : memref<10000x128xf32, #tpu.memory_space<vmem_shared>>)
      %dma_wait3A_473 = arith.constant 2 : i32
      %dma_wait3A_474 = arith.constant 0 : i32
      %dma_wait3A_475 = tpu.memref_slice %arg15[%dma_wait3A_473, %dma_wait3A_474] : memref<3x80xi32, #tpu.memory_space<vmem>> -> memref<1x80xi32, #tpu.memory_space<vmem>>
      %dma_wait3A_476 = tpu.memref_squeeze %dma_wait3A_475 : memref<1x80xi32, #tpu.memory_space<vmem>> -> memref<80xi32, #tpu.memory_space<vmem>>
      %dma_wait3A_477 = arith.constant 0 : i32
      %dma_wait3A_478 = arith.constant 0 : i32
      %dma_wait3A_479 = tpu.memref_slice %arg12[%dma_wait3A_477, %dma_wait3A_478] : memref<10000x128xf32, #tpu.memory_space<vmem_shared>> -> memref<10000x128xf32, #tpu.memory_space<vmem_shared>>
      tpu.wait_indirect_dma semaphore(%arg25 : memref<!tpu.dma_semaphore, #tpu.memory_space<semaphore_mem>>) src(%arg17 : memref<80x128xf32, #tpu.memory_space<vmem>>) dst(%dma_wait3A_479 : memref<10000x128xf32, #tpu.memory_space<vmem_shared>>)
      %dma_wait3A_480 = arith.constant 1 : i32
      %dma_wait3A_481 = arith.constant 0 : i32
      %dma_wait3A_482 = tpu.memref_slice %arg13[%dma_wait3A_480, %dma_wait3A_481] : memref<3x80xi32, #tpu.memory_space<vmem>> -> memref<1x80xi32, #tpu.memory_space<vmem>>
      %dma_wait3A_483 = tpu.memref_squeeze %dma_wait3A_482 : memref<1x80xi32, #tpu.memory_space<vmem>> -> memref<80xi32, #tpu.memory_space<vmem>>
      %dma_wait3A_484 = arith.constant 0 : i32
      %dma_wait3A_485 = tpu.memref_slice %arg5[%dma_wait3A_484] : memref<160000xi32, #tpu.memory_space<hbm>> -> memref<80xi32, #tpu.memory_space<hbm>>
      %dma_wait3A_486 = arith.constant 0 : i32
      %dma_wait3A_487 = tpu.memref_slice %arg13[%dma_wait3A_480, %dma_wait3A_486] : memref<3x80xi32, #tpu.memory_space<vmem>> -> memref<1x80xi32, #tpu.memory_space<vmem>>
      %dma_wait3A_488 = tpu.memref_squeeze %dma_wait3A_487 : memref<1x80xi32, #tpu.memory_space<vmem>> -> memref<80xi32, #tpu.memory_space<vmem>>
      %dma_wait3A_489 = arith.constant 0 : i32
      %dma_wait3A_490 = tpu.memref_slice %arg5[%dma_wait3A_489] : memref<160000xi32, #tpu.memory_space<hbm>> -> memref<80xi32, #tpu.memory_space<hbm>>
      tpu.wait_dma2 semaphore(%arg21 : memref<!tpu.dma_semaphore, #tpu.memory_space<semaphore_mem>>) src(%dma_wait3A_490 : memref<80xi32, #tpu.memory_space<hbm>>) dst(%dma_wait3A_488 : memref<80xi32, #tpu.memory_space<vmem>>)
      %dma_wait3A_491 = arith.constant 1 : i32
      %dma_wait3A_492 = arith.constant 0 : i32
      %dma_wait3A_493 = tpu.memref_slice %arg14[%dma_wait3A_491, %dma_wait3A_492] : memref<3x80xi32, #tpu.memory_space<vmem>> -> memref<1x80xi32, #tpu.memory_space<vmem>>
      %dma_wait3A_494 = tpu.memref_squeeze %dma_wait3A_493 : memref<1x80xi32, #tpu.memory_space<vmem>> -> memref<80xi32, #tpu.memory_space<vmem>>
      %dma_wait3A_495 = arith.constant 0 : i32
      %dma_wait3A_496 = tpu.memref_slice %arg7[%dma_wait3A_495] : memref<160000xi32, #tpu.memory_space<hbm>> -> memref<80xi32, #tpu.memory_space<hbm>>
      %dma_wait3A_497 = arith.constant 0 : i32
      %dma_wait3A_498 = tpu.memref_slice %arg14[%dma_wait3A_491, %dma_wait3A_497] : memref<3x80xi32, #tpu.memory_space<vmem>> -> memref<1x80xi32, #tpu.memory_space<vmem>>
      %dma_wait3A_499 = tpu.memref_squeeze %dma_wait3A_498 : memref<1x80xi32, #tpu.memory_space<vmem>> -> memref<80xi32, #tpu.memory_space<vmem>>
      %dma_wait3A_500 = arith.constant 0 : i32
      %dma_wait3A_501 = tpu.memref_slice %arg7[%dma_wait3A_500] : memref<160000xi32, #tpu.memory_space<hbm>> -> memref<80xi32, #tpu.memory_space<hbm>>
      tpu.wait_dma2 semaphore(%arg21 : memref<!tpu.dma_semaphore, #tpu.memory_space<semaphore_mem>>) src(%dma_wait3A_501 : memref<80xi32, #tpu.memory_space<hbm>>) dst(%dma_wait3A_499 : memref<80xi32, #tpu.memory_space<vmem>>)
      %dma_wait3A_502 = arith.constant 1 : i32
      %dma_wait3A_503 = arith.constant 0 : i32
      %dma_wait3A_504 = tpu.memref_slice %arg15[%dma_wait3A_502, %dma_wait3A_503] : memref<3x80xi32, #tpu.memory_space<vmem>> -> memref<1x80xi32, #tpu.memory_space<vmem>>
      %dma_wait3A_505 = tpu.memref_squeeze %dma_wait3A_504 : memref<1x80xi32, #tpu.memory_space<vmem>> -> memref<80xi32, #tpu.memory_space<vmem>>
      %dma_wait3A_506 = arith.constant 0 : i32
      %dma_wait3A_507 = tpu.memref_slice %arg8[%dma_wait3A_506] : memref<160000xi32, #tpu.memory_space<hbm>> -> memref<80xi32, #tpu.memory_space<hbm>>
      %dma_wait3A_508 = arith.constant 0 : i32
      %dma_wait3A_509 = tpu.memref_slice %arg15[%dma_wait3A_502, %dma_wait3A_508] : memref<3x80xi32, #tpu.memory_space<vmem>> -> memref<1x80xi32, #tpu.memory_space<vmem>>
      %dma_wait3A_510 = tpu.memref_squeeze %dma_wait3A_509 : memref<1x80xi32, #tpu.memory_space<vmem>> -> memref<80xi32, #tpu.memory_space<vmem>>
      %dma_wait3A_511 = arith.constant 0 : i32
      %dma_wait3A_512 = tpu.memref_slice %arg8[%dma_wait3A_511] : memref<160000xi32, #tpu.memory_space<hbm>> -> memref<80xi32, #tpu.memory_space<hbm>>
      tpu.wait_dma2 semaphore(%arg21 : memref<!tpu.dma_semaphore, #tpu.memory_space<semaphore_mem>>) src(%dma_wait3A_512 : memref<80xi32, #tpu.memory_space<hbm>>) dst(%dma_wait3A_510 : memref<80xi32, #tpu.memory_space<vmem>>)
      %dma_start3A_513 = arith.constant 1 : i32
      %dma_start3A_514 = arith.constant 0 : i32
      %dma_start3A_515 = tpu.memref_slice %arg13[%dma_start3A_513, %dma_start3A_514] : memref<3x80xi32, #tpu.memory_space<vmem>> -> memref<1x80xi32, #tpu.memory_space<vmem>>
      %dma_start3A_516 = tpu.memref_squeeze %dma_start3A_515 : memref<1x80xi32, #tpu.memory_space<vmem>> -> memref<80xi32, #tpu.memory_space<vmem>>
      %dma_start3A_517 = arith.constant 0 : i32
      %dma_start3A_518 = arith.constant 0 : i32
      %dma_start3A_519 = tpu.memref_slice %arg2[%dma_start3A_517, %dma_start3A_518] : memref<20000x128xf32, #tpu.memory_space<hbm>> -> memref<20000x128xf32, #tpu.memory_space<hbm>>
      tpu.enqueue_indirect_dma source(%dma_start3A_519 : memref<20000x128xf32, #tpu.memory_space<hbm>>) target(%arg16 : memref<80x128xf32, #tpu.memory_space<vmem>>) offsets(%dma_start3A_516 : memref<80xi32, #tpu.memory_space<vmem>>) semaphore(%arg23 : memref<!tpu.dma_semaphore, #tpu.memory_space<semaphore_mem>>)
      %dma_start3A_520 = arith.constant 1 : i32
      %dma_start3A_521 = arith.constant 0 : i32
      %dma_start3A_522 = tpu.memref_slice %arg14[%dma_start3A_520, %dma_start3A_521] : memref<3x80xi32, #tpu.memory_space<vmem>> -> memref<1x80xi32, #tpu.memory_space<vmem>>
      %dma_start3A_523 = tpu.memref_squeeze %dma_start3A_522 : memref<1x80xi32, #tpu.memory_space<vmem>> -> memref<80xi32, #tpu.memory_space<vmem>>
      %dma_start3A_524 = arith.constant 0 : i32
      %dma_start3A_525 = arith.constant 0 : i32
      %dma_start3A_526 = tpu.memref_slice %arg3[%dma_start3A_524, %dma_start3A_525] : memref<320000x128xf32, #tpu.memory_space<hbm>> -> memref<320000x128xf32, #tpu.memory_space<hbm>>
      tpu.enqueue_indirect_dma source(%dma_start3A_526 : memref<320000x128xf32, #tpu.memory_space<hbm>>) target(%arg17 : memref<80x128xf32, #tpu.memory_space<vmem>>) offsets(%dma_start3A_523 : memref<80xi32, #tpu.memory_space<vmem>>) semaphore(%arg23 : memref<!tpu.dma_semaphore, #tpu.memory_space<semaphore_mem>>)
      %dma_wait3A_527 = arith.constant 0 : i32
      %dma_wait3A_528 = arith.constant 0 : i32
      %dma_wait3A_529 = tpu.memref_slice %arg2[%dma_wait3A_527, %dma_wait3A_528] : memref<20000x128xf32, #tpu.memory_space<hbm>> -> memref<80x128xf32, #tpu.memory_space<hbm>>
      %dma_wait3A_530 = arith.constant 0 : i32
      %dma_wait3A_531 = arith.constant 0 : i32
      %dma_wait3A_532 = tpu.memref_slice %arg2[%dma_wait3A_530, %dma_wait3A_531] : memref<20000x128xf32, #tpu.memory_space<hbm>> -> memref<80x128xf32, #tpu.memory_space<hbm>>
      tpu.wait_dma2 semaphore(%arg24 : memref<!tpu.dma_semaphore, #tpu.memory_space<semaphore_mem>>) src(%dma_wait3A_532 : memref<80x128xf32, #tpu.memory_space<hbm>>) dst(%arg18 : memref<80x128xf32, #tpu.memory_space<vmem>>)
      %dma_wait3A_533 = arith.constant 0 : i32
      %dma_wait3A_534 = arith.constant 0 : i32
      %dma_wait3A_535 = tpu.memref_slice %arg3[%dma_wait3A_533, %dma_wait3A_534] : memref<320000x128xf32, #tpu.memory_space<hbm>> -> memref<80x128xf32, #tpu.memory_space<hbm>>
      %dma_wait3A_536 = arith.constant 0 : i32
      %dma_wait3A_537 = arith.constant 0 : i32
      %dma_wait3A_538 = tpu.memref_slice %arg3[%dma_wait3A_536, %dma_wait3A_537] : memref<320000x128xf32, #tpu.memory_space<hbm>> -> memref<80x128xf32, #tpu.memory_space<hbm>>
      tpu.wait_dma2 semaphore(%arg24 : memref<!tpu.dma_semaphore, #tpu.memory_space<semaphore_mem>>) src(%dma_wait3A_538 : memref<80x128xf32, #tpu.memory_space<hbm>>) dst(%arg19 : memref<80x128xf32, #tpu.memory_space<vmem>>)
      %dma_start3A_539 = arith.constant 0 : i32
      %dma_start3A_540 = arith.constant 0 : i32
      %dma_start3A_541 = tpu.memref_slice %arg15[%dma_start3A_539, %dma_start3A_540] : memref<3x80xi32, #tpu.memory_space<vmem>> -> memref<1x80xi32, #tpu.memory_space<vmem>>
      %dma_start3A_542 = tpu.memref_squeeze %dma_start3A_541 : memref<1x80xi32, #tpu.memory_space<vmem>> -> memref<80xi32, #tpu.memory_space<vmem>>
      %dma_start3A_543 = arith.constant 0 : i32
      %dma_start3A_544 = arith.constant 0 : i32
      %dma_start3A_545 = tpu.memref_slice %arg12[%dma_start3A_543, %dma_start3A_544] : memref<10000x128xf32, #tpu.memory_space<vmem_shared>> -> memref<10000x128xf32, #tpu.memory_space<vmem_shared>>
      tpu.enqueue_indirect_dma source(%arg18 : memref<80x128xf32, #tpu.memory_space<vmem>>) target(%dma_start3A_545 : memref<10000x128xf32, #tpu.memory_space<vmem_shared>>) offsets(%dma_start3A_542 : memref<80xi32, #tpu.memory_space<vmem>>) semaphore(%arg25 : memref<!tpu.dma_semaphore, #tpu.memory_space<semaphore_mem>>) {add = true}
      %dma_start3A_546 = arith.constant 0 : i32
      %dma_start3A_547 = arith.constant 0 : i32
      %dma_start3A_548 = tpu.memref_slice %arg15[%dma_start3A_546, %dma_start3A_547] : memref<3x80xi32, #tpu.memory_space<vmem>> -> memref<1x80xi32, #tpu.memory_space<vmem>>
      %dma_start3A_549 = tpu.memref_squeeze %dma_start3A_548 : memref<1x80xi32, #tpu.memory_space<vmem>> -> memref<80xi32, #tpu.memory_space<vmem>>
      %dma_start3A_550 = arith.constant 0 : i32
      %dma_start3A_551 = arith.constant 0 : i32
      %dma_start3A_552 = tpu.memref_slice %arg12[%dma_start3A_550, %dma_start3A_551] : memref<10000x128xf32, #tpu.memory_space<vmem_shared>> -> memref<10000x128xf32, #tpu.memory_space<vmem_shared>>
      tpu.enqueue_indirect_dma source(%arg19 : memref<80x128xf32, #tpu.memory_space<vmem>>) target(%dma_start3A_552 : memref<10000x128xf32, #tpu.memory_space<vmem_shared>>) offsets(%dma_start3A_549 : memref<80xi32, #tpu.memory_space<vmem>>) semaphore(%arg25 : memref<!tpu.dma_semaphore, #tpu.memory_space<semaphore_mem>>) {add = true}
      %dma_wait3A_553 = arith.constant 0 : i32
      %dma_wait3A_554 = arith.constant 0 : i32
      %dma_wait3A_555 = tpu.memref_slice %arg15[%dma_wait3A_553, %dma_wait3A_554] : memref<3x80xi32, #tpu.memory_space<vmem>> -> memref<1x80xi32, #tpu.memory_space<vmem>>
      %dma_wait3A_556 = tpu.memref_squeeze %dma_wait3A_555 : memref<1x80xi32, #tpu.memory_space<vmem>> -> memref<80xi32, #tpu.memory_space<vmem>>
      %dma_wait3A_557 = arith.constant 0 : i32
      %dma_wait3A_558 = arith.constant 0 : i32
      %dma_wait3A_559 = tpu.memref_slice %arg12[%dma_wait3A_557, %dma_wait3A_558] : memref<10000x128xf32, #tpu.memory_space<vmem_shared>> -> memref<10000x128xf32, #tpu.memory_space<vmem_shared>>
      tpu.wait_indirect_dma semaphore(%arg25 : memref<!tpu.dma_semaphore, #tpu.memory_space<semaphore_mem>>) src(%arg18 : memref<80x128xf32, #tpu.memory_space<vmem>>) dst(%dma_wait3A_559 : memref<10000x128xf32, #tpu.memory_space<vmem_shared>>)
      %dma_wait3A_560 = arith.constant 0 : i32
      %dma_wait3A_561 = arith.constant 0 : i32
      %dma_wait3A_562 = tpu.memref_slice %arg15[%dma_wait3A_560, %dma_wait3A_561] : memref<3x80xi32, #tpu.memory_space<vmem>> -> memref<1x80xi32, #tpu.memory_space<vmem>>
      %dma_wait3A_563 = tpu.memref_squeeze %dma_wait3A_562 : memref<1x80xi32, #tpu.memory_space<vmem>> -> memref<80xi32, #tpu.memory_space<vmem>>
      %dma_wait3A_564 = arith.constant 0 : i32
      %dma_wait3A_565 = arith.constant 0 : i32
      %dma_wait3A_566 = tpu.memref_slice %arg12[%dma_wait3A_564, %dma_wait3A_565] : memref<10000x128xf32, #tpu.memory_space<vmem_shared>> -> memref<10000x128xf32, #tpu.memory_space<vmem_shared>>
      tpu.wait_indirect_dma semaphore(%arg25 : memref<!tpu.dma_semaphore, #tpu.memory_space<semaphore_mem>>) src(%arg19 : memref<80x128xf32, #tpu.memory_space<vmem>>) dst(%dma_wait3A_566 : memref<10000x128xf32, #tpu.memory_space<vmem_shared>>)
      %dma_wait3A_567 = arith.constant 0 : i32
      %dma_wait3A_568 = arith.constant 0 : i32
      %dma_wait3A_569 = tpu.memref_slice %arg2[%dma_wait3A_567, %dma_wait3A_568] : memref<20000x128xf32, #tpu.memory_space<hbm>> -> memref<80x128xf32, #tpu.memory_space<hbm>>
      %dma_wait3A_570 = arith.constant 0 : i32
      %dma_wait3A_571 = arith.constant 0 : i32
      %dma_wait3A_572 = tpu.memref_slice %arg2[%dma_wait3A_570, %dma_wait3A_571] : memref<20000x128xf32, #tpu.memory_space<hbm>> -> memref<80x128xf32, #tpu.memory_space<hbm>>
      tpu.wait_dma2 semaphore(%arg23 : memref<!tpu.dma_semaphore, #tpu.memory_space<semaphore_mem>>) src(%dma_wait3A_572 : memref<80x128xf32, #tpu.memory_space<hbm>>) dst(%arg16 : memref<80x128xf32, #tpu.memory_space<vmem>>)
      %dma_wait3A_573 = arith.constant 0 : i32
      %dma_wait3A_574 = arith.constant 0 : i32
      %dma_wait3A_575 = tpu.memref_slice %arg3[%dma_wait3A_573, %dma_wait3A_574] : memref<320000x128xf32, #tpu.memory_space<hbm>> -> memref<80x128xf32, #tpu.memory_space<hbm>>
      %dma_wait3A_576 = arith.constant 0 : i32
      %dma_wait3A_577 = arith.constant 0 : i32
      %dma_wait3A_578 = tpu.memref_slice %arg3[%dma_wait3A_576, %dma_wait3A_577] : memref<320000x128xf32, #tpu.memory_space<hbm>> -> memref<80x128xf32, #tpu.memory_space<hbm>>
      tpu.wait_dma2 semaphore(%arg23 : memref<!tpu.dma_semaphore, #tpu.memory_space<semaphore_mem>>) src(%dma_wait3A_578 : memref<80x128xf32, #tpu.memory_space<hbm>>) dst(%arg17 : memref<80x128xf32, #tpu.memory_space<vmem>>)
      %dma_start3A_579 = arith.constant 1 : i32
      %dma_start3A_580 = arith.constant 0 : i32
      %dma_start3A_581 = tpu.memref_slice %arg15[%dma_start3A_579, %dma_start3A_580] : memref<3x80xi32, #tpu.memory_space<vmem>> -> memref<1x80xi32, #tpu.memory_space<vmem>>
      %dma_start3A_582 = tpu.memref_squeeze %dma_start3A_581 : memref<1x80xi32, #tpu.memory_space<vmem>> -> memref<80xi32, #tpu.memory_space<vmem>>
      %dma_start3A_583 = arith.constant 0 : i32
      %dma_start3A_584 = arith.constant 0 : i32
      %dma_start3A_585 = tpu.memref_slice %arg12[%dma_start3A_583, %dma_start3A_584] : memref<10000x128xf32, #tpu.memory_space<vmem_shared>> -> memref<10000x128xf32, #tpu.memory_space<vmem_shared>>
      tpu.enqueue_indirect_dma source(%arg16 : memref<80x128xf32, #tpu.memory_space<vmem>>) target(%dma_start3A_585 : memref<10000x128xf32, #tpu.memory_space<vmem_shared>>) offsets(%dma_start3A_582 : memref<80xi32, #tpu.memory_space<vmem>>) semaphore(%arg25 : memref<!tpu.dma_semaphore, #tpu.memory_space<semaphore_mem>>) {add = true}
      %dma_start3A_586 = arith.constant 1 : i32
      %dma_start3A_587 = arith.constant 0 : i32
      %dma_start3A_588 = tpu.memref_slice %arg15[%dma_start3A_586, %dma_start3A_587] : memref<3x80xi32, #tpu.memory_space<vmem>> -> memref<1x80xi32, #tpu.memory_space<vmem>>
      %dma_start3A_589 = tpu.memref_squeeze %dma_start3A_588 : memref<1x80xi32, #tpu.memory_space<vmem>> -> memref<80xi32, #tpu.memory_space<vmem>>
      %dma_start3A_590 = arith.constant 0 : i32
      %dma_start3A_591 = arith.constant 0 : i32
      %dma_start3A_592 = tpu.memref_slice %arg12[%dma_start3A_590, %dma_start3A_591] : memref<10000x128xf32, #tpu.memory_space<vmem_shared>> -> memref<10000x128xf32, #tpu.memory_space<vmem_shared>>
      tpu.enqueue_indirect_dma source(%arg17 : memref<80x128xf32, #tpu.memory_space<vmem>>) target(%dma_start3A_592 : memref<10000x128xf32, #tpu.memory_space<vmem_shared>>) offsets(%dma_start3A_589 : memref<80xi32, #tpu.memory_space<vmem>>) semaphore(%arg25 : memref<!tpu.dma_semaphore, #tpu.memory_space<semaphore_mem>>) {add = true}
      %dma_wait3A_593 = arith.constant 1 : i32
      %dma_wait3A_594 = arith.constant 0 : i32
      %dma_wait3A_595 = tpu.memref_slice %arg15[%dma_wait3A_593, %dma_wait3A_594] : memref<3x80xi32, #tpu.memory_space<vmem>> -> memref<1x80xi32, #tpu.memory_space<vmem>>
      %dma_wait3A_596 = tpu.memref_squeeze %dma_wait3A_595 : memref<1x80xi32, #tpu.memory_space<vmem>> -> memref<80xi32, #tpu.memory_space<vmem>>
      %dma_wait3A_597 = arith.constant 0 : i32
      %dma_wait3A_598 = arith.constant 0 : i32
      %dma_wait3A_599 = tpu.memref_slice %arg12[%dma_wait3A_597, %dma_wait3A_598] : memref<10000x128xf32, #tpu.memory_space<vmem_shared>> -> memref<10000x128xf32, #tpu.memory_space<vmem_shared>>
      tpu.wait_indirect_dma semaphore(%arg25 : memref<!tpu.dma_semaphore, #tpu.memory_space<semaphore_mem>>) src(%arg16 : memref<80x128xf32, #tpu.memory_space<vmem>>) dst(%dma_wait3A_599 : memref<10000x128xf32, #tpu.memory_space<vmem_shared>>)
      %dma_wait3A_600 = arith.constant 1 : i32
      %dma_wait3A_601 = arith.constant 0 : i32
      %dma_wait3A_602 = tpu.memref_slice %arg15[%dma_wait3A_600, %dma_wait3A_601] : memref<3x80xi32, #tpu.memory_space<vmem>> -> memref<1x80xi32, #tpu.memory_space<vmem>>
      %dma_wait3A_603 = tpu.memref_squeeze %dma_wait3A_602 : memref<1x80xi32, #tpu.memory_space<vmem>> -> memref<80xi32, #tpu.memory_space<vmem>>
      %dma_wait3A_604 = arith.constant 0 : i32
      %dma_wait3A_605 = arith.constant 0 : i32
      %dma_wait3A_606 = tpu.memref_slice %arg12[%dma_wait3A_604, %dma_wait3A_605] : memref<10000x128xf32, #tpu.memory_space<vmem_shared>> -> memref<10000x128xf32, #tpu.memory_space<vmem_shared>>
      tpu.wait_indirect_dma semaphore(%arg25 : memref<!tpu.dma_semaphore, #tpu.memory_space<semaphore_mem>>) src(%arg17 : memref<80x128xf32, #tpu.memory_space<vmem>>) dst(%dma_wait3A_606 : memref<10000x128xf32, #tpu.memory_space<vmem_shared>>)
      %barrier3A_607 = arith.constant 0 : index
      tpu.barrier barrier_id(%barrier3A_607)
      %lt3A_608 = arith.constant 15 : i32
      %lt3A_609 = arith.cmpi slt, %arg1, %lt3A_608 : i32
      %convert_element_type3A_610 = arith.extui %lt3A_609 : i1 to i32
      %cond3A_611 = arith.constant 0 : i32
      %cond3A_612 = arith.cmpi ne, %convert_element_type3A_610, %cond3A_611 : i32
      scf.if %cond3A_612 {
        %mul3A_618 = arith.constant 624 : i32
        %mul3A_619 = arith.muli %arg1, %mul3A_618 : i32
        %mul3A_620 = arith.constant 624 : i32
        %mul3A_621 = arith.muli %arg1, %mul3A_620 : i32
        "tpu.region"() ({
          %run_scoped3A = tpu.sem_alloc : memref<!tpu.dma_semaphore, #tpu.memory_space<semaphore_mem>>
          %dma_start3A_622 = arith.constant 0 : i32
          %dma_start3A_623 = tpu.memref_slice %arg11[%mul3A_621, %dma_start3A_622] : memref<10000x128xf32, #tpu.memory_space<hbm>> -> memref<624x128xf32, #tpu.memory_space<hbm>>
          %dma_start3A_624 = arith.constant 0 : i32
          %dma_start3A_625 = tpu.memref_slice %arg12[%mul3A_619, %dma_start3A_624] : memref<10000x128xf32, #tpu.memory_space<vmem_shared>> -> memref<624x128xf32, #tpu.memory_space<vmem_shared>>
          tpu.enqueue_dma source(%dma_start3A_625 : memref<624x128xf32, #tpu.memory_space<vmem_shared>>) target(%dma_start3A_623 : memref<624x128xf32, #tpu.memory_space<hbm>>) target_semaphore(%run_scoped3A : memref<!tpu.dma_semaphore, #tpu.memory_space<semaphore_mem>>)
          %dma_wait3A_626 = arith.constant 0 : i32
          %dma_wait3A_627 = tpu.memref_slice %arg11[%mul3A_621, %dma_wait3A_626] : memref<10000x128xf32, #tpu.memory_space<hbm>> -> memref<624x128xf32, #tpu.memory_space<hbm>>
          %dma_wait3A_628 = arith.constant 0 : i32
          %dma_wait3A_629 = tpu.memref_slice %arg12[%mul3A_619, %dma_wait3A_628] : memref<10000x128xf32, #tpu.memory_space<vmem_shared>> -> memref<624x128xf32, #tpu.memory_space<vmem_shared>>
          tpu.wait_dma2 semaphore(%run_scoped3A : memref<!tpu.dma_semaphore, #tpu.memory_space<semaphore_mem>>) src(%dma_wait3A_629 : memref<624x128xf32, #tpu.memory_space<vmem_shared>>) dst(%dma_wait3A_627 : memref<624x128xf32, #tpu.memory_space<hbm>>)
          tpu.yield
        }) : () -> ()
      } else {
      }
      %eq3A_613 = arith.constant 15 : i32
      %eq3A_614 = arith.cmpi eq, %arg1, %eq3A_613 : i32
      %convert_element_type3A_615 = arith.extui %eq3A_614 : i1 to i32
      %cond3A_616 = arith.constant 0 : i32
      %cond3A_617 = arith.cmpi ne, %convert_element_type3A_615, %cond3A_616 : i32
      scf.if %cond3A_617 {
        "tpu.region"() ({
          %run_scoped3A = tpu.sem_alloc : memref<!tpu.dma_semaphore, #tpu.memory_space<semaphore_mem>>
          %dma_start3A_618 = arith.constant 9360 : i32
          %dma_start3A_619 = arith.constant 0 : i32
          %dma_start3A_620 = tpu.memref_slice %arg11[%dma_start3A_618, %dma_start3A_619] : memref<10000x128xf32, #tpu.memory_space<hbm>> -> memref<640x128xf32, #tpu.memory_space<hbm>>
          %dma_start3A_621 = arith.constant 9360 : i32
          %dma_start3A_622 = arith.constant 0 : i32
          %dma_start3A_623 = tpu.memref_slice %arg12[%dma_start3A_621, %dma_start3A_622] : memref<10000x128xf32, #tpu.memory_space<vmem_shared>> -> memref<640x128xf32, #tpu.memory_space<vmem_shared>>
          tpu.enqueue_dma source(%dma_start3A_623 : memref<640x128xf32, #tpu.memory_space<vmem_shared>>) target(%dma_start3A_620 : memref<640x128xf32, #tpu.memory_space<hbm>>) target_semaphore(%run_scoped3A : memref<!tpu.dma_semaphore, #tpu.memory_space<semaphore_mem>>)
          %dma_wait3A_624 = arith.constant 9360 : i32
          %dma_wait3A_625 = arith.constant 0 : i32
          %dma_wait3A_626 = tpu.memref_slice %arg11[%dma_wait3A_624, %dma_wait3A_625] : memref<10000x128xf32, #tpu.memory_space<hbm>> -> memref<640x128xf32, #tpu.memory_space<hbm>>
          %dma_wait3A_627 = arith.constant 9360 : i32
          %dma_wait3A_628 = arith.constant 0 : i32
          %dma_wait3A_629 = tpu.memref_slice %arg12[%dma_wait3A_627, %dma_wait3A_628] : memref<10000x128xf32, #tpu.memory_space<vmem_shared>> -> memref<640x128xf32, #tpu.memory_space<vmem_shared>>
          tpu.wait_dma2 semaphore(%run_scoped3A : memref<!tpu.dma_semaphore, #tpu.memory_space<semaphore_mem>>) src(%dma_wait3A_629 : memref<640x128xf32, #tpu.memory_space<vmem_shared>>) dst(%dma_wait3A_626 : memref<640x128xf32, #tpu.memory_space<hbm>>)
          tpu.yield
        }) : () -> ()
      } else {
      }
    } else {
    }
    return
  }
}

module attributes {stable_mosaic.version = 14 : i64} {
  func.func @_mlp_bn_kernel(%arg0: i32, %arg1: i32, %arg2: memref<2000x128xf32, #tpu.memory_space<vmem>>, %arg3: memref<2000x128xf32, #tpu.memory_space<vmem>>, %arg4: memref<256x512xbf16, #tpu.memory_space<vmem>>, %arg5: memref<1x512xf32, #tpu.memory_space<vmem>>, %arg6: memref<512x256xbf16, #tpu.memory_space<vmem>>, %arg7: memref<1x256xf32, #tpu.memory_space<vmem>>, %arg8: memref<1x256xf32, #tpu.memory_space<vmem>>, %arg9: memref<1x256xf32, #tpu.memory_space<vmem>>, %arg10: memref<2000x256xf32, #tpu.memory_space<vmem>>, %arg11: memref<10000x256xf32, #tpu.memory_space<vmem>>, %arg12: memref<8x256xf32, #tpu.memory_space<vmem>>) attributes {dimension_semantics = [#tpu.dimension_semantics<arbitrary>, #tpu.dimension_semantics<arbitrary>], iteration_bounds = array<i64: 2, 5>, scalar_prefetch = 0 : i64, scratch_operands = 2 : i64, tpu.core_type = #tpu.core_type<tc>, window_params = [{transform_indices = @transform_0, window_bounds = array<i64: 2000, 128>}, {transform_indices = @transform_1, window_bounds = array<i64: 2000, 128>}, {pipeline_mode = #tpu.pipeline_mode<synchronous>, transform_indices = @transform_2, window_bounds = array<i64: 256, 512>}, {pipeline_mode = #tpu.pipeline_mode<synchronous>, transform_indices = @transform_3, window_bounds = array<i64: 1, 512>}, {pipeline_mode = #tpu.pipeline_mode<synchronous>, transform_indices = @transform_4, window_bounds = array<i64: 512, 256>}, {pipeline_mode = #tpu.pipeline_mode<synchronous>, transform_indices = @transform_5, window_bounds = array<i64: 1, 256>}, {pipeline_mode = #tpu.pipeline_mode<synchronous>, transform_indices = @transform_6, window_bounds = array<i64: 1, 256>}, {pipeline_mode = #tpu.pipeline_mode<synchronous>, transform_indices = @transform_7, window_bounds = array<i64: 1, 256>}, {transform_indices = @transform_8, window_bounds = array<i64: 2000, 256>}]} {
    %eq3A = arith.constant 0 : i32
    %eq3A_0 = arith.cmpi eq, %arg0, %eq3A : i32
    %convert_element_type3A = arith.extui %eq3A_0 : i1 to i32
    %cond3A = arith.constant 0 : i32
    %cond3A_1 = arith.cmpi ne, %convert_element_type3A, %cond3A : i32
    scf.if %cond3A_1 {
      %get3A = arith.constant 0 : index
      %get3A_7 = arith.constant 0 : index
      %get3A_8 = vector.load %arg2[%get3A, %get3A_7] : memref<2000x128xf32, #tpu.memory_space<vmem>>, vector<2000x128xf32>
      %get3A_9 = arith.constant 0 : index
      %get3A_10 = arith.constant 0 : index
      %get3A_11 = vector.load %arg3[%get3A_9, %get3A_10] : memref<2000x128xf32, #tpu.memory_space<vmem>>, vector<2000x128xf32>
      %concatenate3A = tpu.concatenate %get3A_8, %get3A_11 in 1 : vector<2000x128xf32>, vector<2000x128xf32> -> vector<2000x256xf32>
      %convert_element_type3A_12 = arith.truncf %concatenate3A : vector<2000x256xf32> to vector<2000x256xbf16>
      %get3A_13 = arith.constant 0 : index
      %get3A_14 = arith.constant 0 : index
      %get3A_15 = vector.load %arg4[%get3A_13, %get3A_14] : memref<256x512xbf16, #tpu.memory_space<vmem>>, vector<256x512xbf16>
      %dot_general3A = arith.constant dense<0.000000e+00> : vector<2000x512xf32>
      %dot_general3A_16 = tpu.matmul %convert_element_type3A_12, %get3A_15, %dot_general3A {dimension_numbers = #tpu.dot_dimension_numbers<[1], [0], [0], [1], [0, 0, 1, 1], [], []>, transpose_lhs_hint = false} : vector<2000x256xbf16>, vector<256x512xbf16>, vector<2000x512xf32> -> vector<2000x512xf32>
      %get3A_17 = arith.constant 0 : index
      %get3A_18 = arith.constant 0 : index
      %get3A_19 = vector.load %arg5[%get3A_17, %get3A_18] : memref<1x512xf32, #tpu.memory_space<vmem>>, vector<1x512xf32>
      %add3A = vector.broadcast %get3A_19 : vector<1x512xf32> to vector<2000x512xf32>
      %add3A_20 = arith.addf %dot_general3A_16, %add3A : vector<2000x512xf32>
      %max3A = arith.constant 0.000000e+00 : f32
      %max3A_21 = vector.broadcast %max3A : f32 to vector<2000x512xf32>
      %max3A_22 = arith.maximumf %add3A_20, %max3A_21 : vector<2000x512xf32>
      %convert_element_type3A_23 = arith.truncf %max3A_22 : vector<2000x512xf32> to vector<2000x512xbf16>
      %get3A_24 = arith.constant 0 : index
      %get3A_25 = arith.constant 0 : index
      %get3A_26 = vector.load %arg6[%get3A_24, %get3A_25] : memref<512x256xbf16, #tpu.memory_space<vmem>>, vector<512x256xbf16>
      %dot_general3A_27 = arith.constant dense<0.000000e+00> : vector<2000x256xf32>
      %dot_general3A_28 = tpu.matmul %convert_element_type3A_23, %get3A_26, %dot_general3A_27 {dimension_numbers = #tpu.dot_dimension_numbers<[1], [0], [0], [1], [0, 0, 1, 1], [], []>, transpose_lhs_hint = false} : vector<2000x512xbf16>, vector<512x256xbf16>, vector<2000x256xf32> -> vector<2000x256xf32>
      %get3A_29 = arith.constant 0 : index
      %get3A_30 = arith.constant 0 : index
      %get3A_31 = vector.load %arg7[%get3A_29, %get3A_30] : memref<1x256xf32, #tpu.memory_space<vmem>>, vector<1x256xf32>
      %add3A_32 = vector.broadcast %get3A_31 : vector<1x256xf32> to vector<2000x256xf32>
      %add3A_33 = arith.addf %dot_general3A_28, %add3A_32 : vector<2000x256xf32>
      %mul3A = arith.constant 2000 : i32
      %mul3A_34 = arith.muli %arg1, %mul3A : i32
      %swap3A = arith.index_cast %mul3A_34 : i32 to index
      %swap3A_35 = arith.constant 0 : index
      %swap3A_36 = vector.load %arg11[%swap3A, %swap3A_35] : memref<10000x256xf32, #tpu.memory_space<vmem>>, vector<2000x256xf32>
      tpu.vector_store %arg11[%swap3A, %swap3A_35], %add3A_33 {strides = array<i32>} : memref<10000x256xf32, #tpu.memory_space<vmem>>, vector<2000x256xf32>,
      %reduce_sum3A = arith.constant dense<0.000000e+00> : vector<256xf32>
      %reduce_sum3A_37 = vector.multi_reduction <add>, %add3A_33, %reduce_sum3A [0] : vector<2000x256xf32> to vector<256xf32>
      %broadcast_in_dim3A = vector.shape_cast %reduce_sum3A_37 : vector<256xf32> to vector<1x256xf32>
      %mul3A_38 = arith.mulf %add3A_33, %add3A_33 : vector<2000x256xf32>
      %reduce_sum3A_39 = arith.constant dense<0.000000e+00> : vector<256xf32>
      %reduce_sum3A_40 = vector.multi_reduction <add>, %mul3A_38, %reduce_sum3A_39 [0] : vector<2000x256xf32> to vector<256xf32>
      %broadcast_in_dim3A_41 = vector.shape_cast %reduce_sum3A_40 : vector<256xf32> to vector<1x256xf32>
      %eq3A_42 = arith.constant 0 : i32
      %eq3A_43 = arith.cmpi eq, %arg1, %eq3A_42 : i32
      %convert_element_type3A_44 = arith.extui %eq3A_43 : i1 to i32
      %cond3A_45 = arith.constant 0 : i32
      %cond3A_46 = arith.cmpi ne, %convert_element_type3A_44, %cond3A_45 : i32
      scf.if %cond3A_46 {
        %broadcast_in_dim3A_55 = arith.constant 0.000000e+00 : f32
        %broadcast_in_dim3A_56 = vector.broadcast %broadcast_in_dim3A_55 : f32 to vector<8x256xf32>
        %swap3A_57 = arith.constant 0 : index
        %swap3A_58 = arith.constant 0 : index
        %swap3A_59 = vector.load %arg12[%swap3A_57, %swap3A_58] : memref<8x256xf32, #tpu.memory_space<vmem>>, vector<8x256xf32>
        tpu.vector_store %arg12[%swap3A_57, %swap3A_58], %broadcast_in_dim3A_56 {strides = array<i32>} : memref<8x256xf32, #tpu.memory_space<vmem>>, vector<8x256xf32>,
      } else {
      }
      %get3A_47 = arith.constant 0 : index
      %get3A_48 = arith.constant 0 : index
      %get3A_49 = vector.load %arg12[%get3A_47, %get3A_48] : memref<8x256xf32, #tpu.memory_space<vmem>>, vector<2x256xf32>
      %concatenate3A_50 = tpu.concatenate %broadcast_in_dim3A, %broadcast_in_dim3A_41 in 0 : vector<1x256xf32>, vector<1x256xf32> -> vector<2x256xf32>
      %add3A_51 = arith.addf %get3A_49, %concatenate3A_50 : vector<2x256xf32>
      %swap3A_52 = arith.constant 0 : index
      %swap3A_53 = arith.constant 0 : index
      %swap3A_54 = vector.load %arg12[%swap3A_52, %swap3A_53] : memref<8x256xf32, #tpu.memory_space<vmem>>, vector<2x256xf32>
      tpu.vector_store %arg12[%swap3A_52, %swap3A_53], %add3A_51 {strides = array<i32>} : memref<8x256xf32, #tpu.memory_space<vmem>>, vector<2x256xf32>,
    } else {
    }
    %eq3A_2 = arith.constant 1 : i32
    %eq3A_3 = arith.cmpi eq, %arg0, %eq3A_2 : i32
    %convert_element_type3A_4 = arith.extui %eq3A_3 : i1 to i32
    %cond3A_5 = arith.constant 0 : i32
    %cond3A_6 = arith.cmpi ne, %convert_element_type3A_4, %cond3A_5 : i32
    scf.if %cond3A_6 {
      %get3A = arith.constant 0 : index
      %get3A_7 = arith.constant 0 : index
      %get3A_8 = vector.load %arg12[%get3A, %get3A_7] : memref<8x256xf32, #tpu.memory_space<vmem>>, vector<1x256xf32>
      %mul3A = arith.constant 9.99999974E-5 : f32
      %mul3A_9 = vector.broadcast %mul3A : f32 to vector<1x256xf32>
      %mul3A_10 = arith.mulf %get3A_8, %mul3A_9 : vector<1x256xf32>
      %get3A_11 = arith.constant 1 : index
      %get3A_12 = arith.constant 0 : index
      %get3A_13 = vector.load %arg12[%get3A_11, %get3A_12] : memref<8x256xf32, #tpu.memory_space<vmem>>, vector<1x256xf32>
      %mul3A_14 = arith.constant 9.99999974E-5 : f32
      %mul3A_15 = vector.broadcast %mul3A_14 : f32 to vector<1x256xf32>
      %mul3A_16 = arith.mulf %get3A_13, %mul3A_15 : vector<1x256xf32>
      %mul3A_17 = arith.mulf %mul3A_10, %mul3A_10 : vector<1x256xf32>
      %sub3A = arith.subf %mul3A_16, %mul3A_17 : vector<1x256xf32>
      %add3A = arith.constant 9.99999974E-6 : f32
      %add3A_18 = vector.broadcast %add3A : f32 to vector<1x256xf32>
      %add3A_19 = arith.addf %sub3A, %add3A_18 : vector<1x256xf32>
      %rsqrt3A = math.rsqrt %add3A_19 : vector<1x256xf32>
      %mul3A_20 = arith.constant 2000 : i32
      %mul3A_21 = arith.muli %arg1, %mul3A_20 : i32
      %get3A_22 = arith.index_cast %mul3A_21 : i32 to index
      %get3A_23 = arith.constant 0 : index
      %get3A_24 = vector.load %arg11[%get3A_22, %get3A_23] : memref<10000x256xf32, #tpu.memory_space<vmem>>, vector<2000x256xf32>
      %sub3A_25 = vector.broadcast %mul3A_10 : vector<1x256xf32> to vector<2000x256xf32>
      %sub3A_26 = arith.subf %get3A_24, %sub3A_25 : vector<2000x256xf32>
      %get3A_27 = arith.constant 0 : index
      %get3A_28 = arith.constant 0 : index
      %get3A_29 = vector.load %arg8[%get3A_27, %get3A_28] : memref<1x256xf32, #tpu.memory_space<vmem>>, vector<1x256xf32>
      %mul3A_30 = arith.mulf %rsqrt3A, %get3A_29 : vector<1x256xf32>
      %mul3A_31 = vector.broadcast %mul3A_30 : vector<1x256xf32> to vector<2000x256xf32>
      %mul3A_32 = arith.mulf %sub3A_26, %mul3A_31 : vector<2000x256xf32>
      %get3A_33 = arith.constant 0 : index
      %get3A_34 = arith.constant 0 : index
      %get3A_35 = vector.load %arg9[%get3A_33, %get3A_34] : memref<1x256xf32, #tpu.memory_space<vmem>>, vector<1x256xf32>
      %add3A_36 = vector.broadcast %get3A_35 : vector<1x256xf32> to vector<2000x256xf32>
      %add3A_37 = arith.addf %mul3A_32, %add3A_36 : vector<2000x256xf32>
      %swap3A = arith.constant 0 : index
      %swap3A_38 = arith.constant 0 : index
      %swap3A_39 = vector.load %arg10[%swap3A, %swap3A_38] : memref<2000x256xf32, #tpu.memory_space<vmem>>, vector<2000x256xf32>
      tpu.vector_store %arg10[%swap3A, %swap3A_38], %add3A_37 {strides = array<i32>} : memref<2000x256xf32, #tpu.memory_space<vmem>>, vector<2000x256xf32>,
    } else {
    }
    return
  }
  func.func @transform_0(%arg0: i32, %arg1: i32) -> (i32, i32) {
    %c0_i32 = arith.constant 0 : i32
    %c0_i32_0 = arith.constant 0 : i32
    return %arg1, %c0_i32 : i32, i32
  }
  func.func @transform_1(%arg0: i32, %arg1: i32) -> (i32, i32) {
    %c0_i32 = arith.constant 0 : i32
    %c0_i32_0 = arith.constant 0 : i32
    return %arg1, %c0_i32 : i32, i32
  }
  func.func @transform_2(%arg0: i32, %arg1: i32) -> (i32, i32) {
    %c0_i32 = arith.constant 0 : i32
    %c0_i32_0 = arith.constant 0 : i32
    %c0_i32_1 = arith.constant 0 : i32
    return %c0_i32, %c0_i32_0 : i32, i32
  }
  func.func @transform_3(%arg0: i32, %arg1: i32) -> (i32, i32) {
    %c0_i32 = arith.constant 0 : i32
    %c0_i32_0 = arith.constant 0 : i32
    %c0_i32_1 = arith.constant 0 : i32
    return %c0_i32, %c0_i32_0 : i32, i32
  }
  func.func @transform_4(%arg0: i32, %arg1: i32) -> (i32, i32) {
    %c0_i32 = arith.constant 0 : i32
    %c0_i32_0 = arith.constant 0 : i32
    %c0_i32_1 = arith.constant 0 : i32
    return %c0_i32, %c0_i32_0 : i32, i32
  }
  func.func @transform_5(%arg0: i32, %arg1: i32) -> (i32, i32) {
    %c0_i32 = arith.constant 0 : i32
    %c0_i32_0 = arith.constant 0 : i32
    %c0_i32_1 = arith.constant 0 : i32
    return %c0_i32, %c0_i32_0 : i32, i32
  }
  func.func @transform_6(%arg0: i32, %arg1: i32) -> (i32, i32) {
    %c0_i32 = arith.constant 0 : i32
    %c0_i32_0 = arith.constant 0 : i32
    %c0_i32_1 = arith.constant 0 : i32
    return %c0_i32, %c0_i32_0 : i32, i32
  }
  func.func @transform_7(%arg0: i32, %arg1: i32) -> (i32, i32) {
    %c0_i32 = arith.constant 0 : i32
    %c0_i32_0 = arith.constant 0 : i32
    %c0_i32_1 = arith.constant 0 : i32
    return %c0_i32, %c0_i32_0 : i32, i32
  }
  func.func @transform_8(%arg0: i32, %arg1: i32) -> (i32, i32) {
    %c0_i32 = arith.constant 0 : i32
    %c0_i32_0 = arith.constant 0 : i32
    return %arg1, %c0_i32 : i32, i32
  }
}

</mosaic_0001>

<sc_bundles>
// kernel: kernel.4.cloned.1.call-start
scs
__scs_entry_jumppad:
0x0: {  	(pc) =	sbr.rel $0x88, $3  }
0x1: {  	(tag) =	ssettag $0x0;
	lr =	simm.s32 $0x1  }
0x2: {  	[smem:$0x3F98] =	sst lr;
	_ =	strace $0xD0000000  }
0x3: {  	_ = 	snop  }
0x4: {  	_ = 	snop  }
0x5: {  	_ = 	snop  }
0x6: {  	_ = 	snop  }
0x7: {  	_ = 	snop  }
__scs_overlays_trampoline_lowered:
0x8: {  	[smem:$0x3FA7] =	sst s0  }
0x9: {  	[smem:$0x3FA8] =	sst s1  }
0xa: {  	[smem:$0x3FA9] =	sst s2  }
0xb: {  	[smem:$0x3FAA] =	sst s3  }
0xc: {  	[smem:$0x3FAB] =	sst s4  }
0xd: {  	[smem:$0x3FAC] =	sst s5  }
0xe: {  	[smem:$0x3FAD] =	sst s6  }
0xf: {  	[smem:$0x3FAE] =	sst s7  }
0x10: {  	[smem:$0x3FAF] =	sst s8  }
0x11: {  	[smem:$0x3FB0] =	sst s9;
	s0 =	simm.s32 @!p0 $0x0  }
0x12: {  	s1 =	sld [smem:$0x3F96];
	s0 =	simm.s32 @p0 $0x1  }
0x13: {  	[smem:$0x3FB1] =	sst s0;
	s0 =	simm.s32 @!p1 $0x0  }
0x14: {  	s2 =	sld [smem:$0x3F95];
	s0 =	simm.s32 @p1 $0x1  }
0x15: {  	[smem:$0x3FB2] =	sst s0;
	s0 =	simm.s32 @!p2 $0x0  }
0x16: {  	s3 =	sld [smem:$0x3FDB];
	s0 =	simm.s32 @p2 $0x1  }
0x17: {  	s4 =	simm.s32 $0x1BF5;
	[smem:$0x3FB4] =	sst s0  }
0x18: {  	s0 =	sld [smem:$0x3F97];
	_ =	swait.ge [sflag:s4], $0x0  }
0x19: {  	s7 =	sld [smem:$0x3F98]  }
0x1a: {  	s8 =	sadd.s32 $0xFFFFE003, lr  }
0x1b: {  	s9 =	sadd.s32 $0xFFFFFEF7, lr;
	s5 =	simm.s32 $0xFFFFFFFF;
	p2 =	slt.u32 s8, $0xFFFFF086  }
0x1c: {  	p1 =	slt.u32 s9, $0xF7A;
	s5 =	simm.s32 @!p2 $0x0  }
0x1d: {  	s5 =	simm.s32 @p1 $0x1;
	p0 =	seq.s32 s7, s2  }
0x1e: {  	s7 =	smul.u32 @!p0 $0xF7A, s2;
	p2 =	seq.s32 @!p0 s5, $0x0  }
0x1f: {  	s9 =	smul.u32 $0xF7A, s1;
	s8 =	simm.s32 @!p0 $0x1BF5;
	p2 =	por !p2, p0  }
0x20: {  	[sflag:s8] =	ssyncset.s32 @!p0 $0xFFFFF086;
	s6 =	sadd.s32 @!p0 s3, s7;
	s7 =	simm.s32 @!p0 $0x108  }
0x21: {  	s3 =	sadd.s32 s3, s9;
	s6 =	sadd.s32 @!p0 $0x88, s6;
	s7 =	simm.s32 @p2 $0x1082  }
0x22: {  	[simem:s7], [sflag:s8] =	dma.local @!p0 [hbm:s6], $0xF7A  }
0x23: {  	s9 =	sor.u32 $0xD0000000, s2;
	s6 =	simm.s32 $0x108;
	_ =	swait.ge @!p0 [sflag:s8], $0x0  }
0x24: {  	s3 =	sadd.s32 $0x88, s3;
	s6 =	simm.s32 @!p1 $0x1082;
	[sflag:s4] =	ssyncset.s32 $0xFFFFF086  }
0x25: {  	[simem:s6], [sflag:s4] =	dma.local [hbm:s3], $0xF7A  }
0x26: {  	[smem:$0x3F98] =	sst s1;
	(tag) =	ssettag s2;
	_ =	strace s9  }
0x27: {  	s1 =	sld [smem:$0x3FA8]  }
0x28: {  	s2 =	sld [smem:$0x3FA9]  }
0x29: {  	s4 =	sld [smem:$0x3FAB]  }
0x2a: {  	p0 =	seq.s32 s5, $0x0;
	s5 =	sld [smem:$0x3FAC]  }
0x2b: {  	s6 =	sld [smem:$0x3FAD]  }
0x2c: {  	s7 =	sld [smem:$0x3FAE]  }
0x2d: {  	s3 =	simm.s32 $0x108;
	s8 =	sld [smem:$0x3FAF]  }
0x2e: {  	s3 =	simm.s32 @!p0 $0x1082;
	s9 =	sld [smem:$0x3FB0]  }
0x2f: {  	lr =	sadd.s32 s0, s3;
	s0 =	sld [smem:$0x3FA7]  }
0x30: {  	s3 =	sld [smem:$0x3FAA]  }
0x31: {  	[smem:$0x3FB3] =	sst s10  }
0x32: {  	s10 =	sld [smem:$0x3FB1];
	_ =	sdelay $0x3  }
0x33: {  	p0 =	seq.s32 s10, $0x1;
	s10 =	sld [smem:$0x3FB3];
	_ =	sdelay $0x3  }
0x34: {  	[smem:$0x3FB3] =	sst s10  }
0x35: {  	s10 =	sld [smem:$0x3FB2];
	_ =	sdelay $0x3  }
0x36: {  	p1 =	seq.s32 s10, $0x1;
	s10 =	sld [smem:$0x3FB3];
	_ =	sdelay $0x3  }
0x37: {  	[smem:$0x3FB3] =	sst s10  }
0x38: {  	s10 =	sld [smem:$0x3FB4]  }
0x39: {  	_ = 	snop;
	(pc) =	sbr.ind lr, $3  }
0x3a: {  	_ = 	snop  }
0x3b: {  	_ = 	snop  }
0x3c: {  	p2 =	seq.s32 s10, $0x1;
	s10 =	sld [smem:$0x3FB3]  }
0x3d: {  	_ =	shalt  }
0x3e: {  	_ =	shalt  }
0x3f: {  	_ =	shalt  }
0x40: {  	_ =	shalt  }
0x41: {  	_ =	shalt  }
0x42: {  	_ =	shalt  }
0x43: {  	_ =	shalt  }
0x44: {  	_ =	shalt  }
0x45: {  	_ =	shalt  }
0x46: {  	_ =	shalt  }
0x47: {  	_ =	shalt  }
0x48: {  	_ =	shalt  }
0x49: {  	_ =	shalt  }
0x4a: {  	_ =	shalt  }
0x4b: {  	_ =	shalt  }
0x4c: {  	_ =	shalt  }
0x4d: {  	_ =	shalt  }
0x4e: {  	_ =	shalt  }
0x4f: {  	_ =	shalt  }
0x50: {  	_ =	shalt  }
0x51: {  	_ =	shalt  }
0x52: {  	_ =	shalt  }
0x53: {  	_ =	shalt  }
0x54: {  	_ =	shalt  }
0x55: {  	_ =	shalt  }
0x56: {  	_ =	shalt  }
0x57: {  	_ =	shalt  }
0x58: {  	_ =	shalt  }
0x59: {  	_ =	shalt  }
0x5a: {  	_ =	shalt  }
0x5b: {  	_ =	shalt  }
0x5c: {  	_ =	shalt  }
0x5d: {  	_ =	shalt  }
0x5e: {  	_ =	shalt  }
0x5f: {  	_ =	shalt  }
0x60: {  	_ =	shalt  }
0x61: {  	_ =	shalt  }
0x62: {  	_ =	shalt  }
0x63: {  	_ =	shalt  }
0x64: {  	_ =	shalt  }
0x65: {  	_ =	shalt  }
0x66: {  	_ =	shalt  }
0x67: {  	_ =	shalt  }
0x68: {  	_ =	shalt  }
0x69: {  	_ =	shalt  }
0x6a: {  	_ =	shalt  }
0x6b: {  	_ =	shalt  }
0x6c: {  	_ =	shalt  }
0x6d: {  	_ =	shalt  }
0x6e: {  	_ =	shalt  }
0x6f: {  	_ =	shalt  }
0x70: {  	_ =	shalt  }
0x71: {  	_ =	shalt  }
0x72: {  	_ =	shalt  }
0x73: {  	_ =	shalt  }
0x74: {  	_ =	shalt  }
0x75: {  	_ =	shalt  }
0x76: {  	_ =	shalt  }
0x77: {  	_ =	shalt  }
0x78: {  	_ =	shalt  }
0x79: {  	_ =	shalt  }
0x7a: {  	_ =	shalt  }
0x7b: {  	_ =	shalt  }
0x7c: {  	_ =	shalt  }
0x7d: {  	_ =	shalt  }
0x7e: {  	_ =	shalt  }
0x7f: {  	_ =	shalt  }
0x80: {  	_ =	shalt  }
0x81: {  	_ =	shalt  }
0x82: {  	_ =	shalt  }
0x83: {  	_ =	shalt  }
0x84: {  	_ =	shalt  }
0x85: {  	_ =	shalt  }
0x86: {  	_ =	shalt  }
0x87: {  	_ =	shalt  }
.Lfunc_end0:
.L_simem_size_0:
called_computation_lowered:
.L_overlay_start_0:
0x88: {  	s2 =	sld [smem:$0x3FD9]  }
0x89: {  	s3 =	sld [smem:$0x3FFE];
	_ =	sdelay $0x1  }
0x8a: {  	s1 =	srdreg.scid  }
0x8b: {  	s0 =	sand.u32 $0x1, s1  }
0x8c: {  	s17 =	sshll.u32 s0, $0xA;
	s2 =	sadd.s32 s3, s2  }
0x8d: {  	s2 =	sadd.s32 s2, s17  }
0x8e: {  	[smem:$0x3FBF] =	sst s2  }
0x8f: {  	_ = 	snop  }
0x90: {  	s2 =	sld [smem:$0x3FD0];
	(tm) =	ssettm $0x1  }
0x91: {  	s18 =	sld [smem:$0x3FFB];
	_ =	sdelay $0x3  }
0x92: {  	_ =	strace s18  }
0x93: {  	s3 =	sld [smem:$0x3FFC];
	_ =	sdelay $0x3  }
0x94: {  	_ =	strace s3  }
0x95: {  	s3 =	sld [smem:$0x3FFD];
	_ =	sdelay $0x3  }
0x96: {  	_ =	strace s3  }
0x97: {  	_ =	strace $0x8FFFFFFF  }
0x98: {  	s19 =	sld [smem:$0x3FDB];
	_ =	sdelay $0x1  }
0x99: {  	s4 =	simm.s32 $_scs_section_size  }
0x9a: {  	s5 =	simm.s32 $_size__tile_overlayer_lowered;
	s6 =	simm.s32 $_tile_overlayer_lowered  }
0x9b: {  	s22 =	simm.s32 $0x1BFF;
	s21 =	sshll.u32 s6, $0x1;
	s3 =	sadd.s32 s4, s19  }
0x9c: {  	s7 =	simm.s32 $0x0;
	s20 =	sshll.u32 s5, $0x1;
	s5 =	sadd.s32 s21, s3  }
0x9d: {  	[timem:s7], [sflag:s22] =	dma.local [hbm:s5], s20  }
0x9e: {  	_ =	swait.ge [sflag:s22], s20  }
0x9f: {  	s4 =	ssub.s32 $0x0, s20;
	[sflag:s22] =	ssyncset.done $0x0  }
0xa0: {  	[sflag:s22] =	ssyncadd.s32 s4;
	_ =	sdelay $0x1  }
0xa1: {  	s23 =	simm.s32 $0x1B8B  }
0xa2: {  	_ =	swait.ge [sflag:s23], $0x1  }
0xa3: {  	[sflag:s23] =	ssyncset.done $0x0  }
0xa4: {  	s25 =	simm.s32 $0x1B8E;
	s24 =	sld [smem:$0x3FFE];
	[sflag:s23] =	ssyncadd.s32 $0xFFFFFFFF  }
0xa5: {  	s26 =	simm.s32 $execute0_lowered;
	[smem:$0x3FD2] =	sst s25  }
0xa6: {  	s5 =	sshll.u32 s26, $0x1;
	_ =	strace $0x80000046;
	[dreg:$0x1] =	wrdreg $0xFFFFFFFF  }
0xa7: {  	s28 =	simm.s32 $_size_execute0_lowered;
	s3 =	sadd.s32 s3, s5;
	[dreg:$0x0] =	wrdreg $0x0  }
0xa8: {  	s5 =	sshll.u32 s28, $0x1;
	[dreg:$0x2] =	wrdreg s3  }
0xa9: {  	[dreg:$0x3] =	wrdreg s5  }
0xaa: {  	[dreg:$0x4] =	wrdreg $0xC0  }
0xab: {  	_ =	task [dreg:s7], $0x5FFFF  }
0xac: {  	[dreg:$0x1] =	wrdreg $0xFFFFFFFF  }
0xad: {  	[dreg:$0x0] =	wrdreg $0x60  }
0xae: {  	[dreg:$0x2] =	wrdreg s2  }
0xaf: {  	[dreg:$0x3] =	wrdreg s24  }
0xb0: {  	[dreg:$0x4] =	wrdreg $0x0  }
0xb1: {  	[dreg:$0x5] =	wrdreg $0x9  }
0xb2: {  	_ =	task.clear_ibuf [dreg:s7], $0x6FFFF;
	_ =	strace $0x90000046  }
0xb3: {  	s29 =	simm.s32 $0x9;
	_ =	strace $0x80000048  }
0xb4: {  	_ =	swait.ge [sflag:s29], $0x1  }
0xb5: {  	[sflag:s29] =	ssyncadd.s32 $0xFFFFFFFF  }
0xb6: {  	_ =	strace $0x90000048  }
0xb7: {  	_ =	sfence  }
0xb8: {  	s30 =	sld [smem:$0x0];
	_ =	sdelay $0x2  }
0xb9: {  	s31 =	sshll.u32 s1, $0xD;
	s1 =	sshrl.u32 s1, $0x2  }
0xba: {  	s3 =	sand.u32 $0x4000, s31;
	s1 =	sadd.s32 s1, s30  }
0xbb: {  	s0 =	sor.u32 s3, s0;
	s1 =	sshll.u32 s1, $0x11  }
0xbc: {  	s0 =	sor.u32 s1, s0  }
0xbd: {  	s0 =	sadd.s32 $0x8F2B, s0  }
0xbe: {  	[sflag:s0] =	ssyncadd.remote.s32 $0x1  }
0xbf: {  	_ =	sfence.sel $0xFFFF  }
0xc0: {  	[dreg:$0x0] =	wrdreg $0xFFFFFFFF;
	(pc) =	sbr.abs _section_cstart, $3  }
0xc1: {  	[dreg:$0x1] =	wrdreg $0xFFFFFFFF  }
0xc2: {  	_ =	task.clear_ibuf [dreg:s7], $0x2FFFF;
	_ =	strace $0x9FFFFFFF  }
0xc3: {  	(tm) =	ssettm $0x7FFFFFFF  }
tec
execute0_lowered:
.L_overlay_start_1:
0x0: {  	(tag) =	ssettag $0x1  }
0x1: {  	s1 =	rddreg [dreg:$0x0]  }
0x2: {  	s0 =	rddreg [dreg:$0x1]  }
0x3: {  	s2 =	rddreg [dreg:$0x2];
	s3 =	simm.s32 $0x0;
	s4 =	srdreg.scid  }
0x4: {  	s17 =	stileid.u32;
	[smem:$0x7FF] =	sst s3  }
0x5: {  	s5 =	sadd.s32 $0x11000, s0;
	s4 =	sand.u32 $0x1, s4;
	s13 =	smul.u32 $0x4E2, s17  }
0x6: {  	s6 =	sadd.s32 $0x16000, s0;
	s8 =	smul.u32 $0x2710, s17;
	s9 =	sadd.s32 $0x2000, s0  }
0x7: {  	s10 =	sadd.s32 $0x7000, s0;
	_ =	strace $0x80000047;
	s18 =	sadd.s32 s13, s5  }
0x8: {  	s8 =	sshrl.u32 s8, $0x3;
	s19 =	sadd.s32 s13, s10;
	[dreg:$0x5] =	wrdreg s18  }
0x9: {  	s12 =	sadd.s32 $0xC000, s0;
	s25 =	sadd.s32 s5, s8;
	[dreg:$0x6] =	wrdreg s19  }
0xa: {  	s7 =	ssub.s32 $0x2, s4;
	s26 =	sadd.s32 s9, s8;
	[dreg:$0x8] =	wrdreg s25  }
0xb: {  	p0 =	seq.s32 s4, $0x1;
	s22 =	sadd.s32 s12, s8;
	[dreg:$0x9] =	wrdreg s26  }
0xc: {  	s11 =	sshrl.u32 s7, $0x1;
	s23 =	sadd.s32 s6, s8;
	[dreg:$0x12] =	wrdreg s22  }
0xd: {  	s4 =	sadd.s32 $0xA, s8;
	s24 =	sadd.s32 s10, s8;
	[dreg:$0x13] =	wrdreg s23  }
0xe: {  	s7 =	ssub.s32 s7, s11;
	s14 =	sadd.s32 s5, s4;
	[dreg:$0x14] =	wrdreg s24  }
0xf: {  	s11 =	sadd.s32 $0x4C4, s8;
	s29 =	sadd.s32 s9, s4;
	[dreg:$0xa] =	wrdreg s14  }
0x10: {  	s15 =	sadd.s32 s5, s11;
	[dreg:$0xb] =	wrdreg s29  }
0x11: {  	s16 =	sadd.s32 s9, s11;
	[dreg:$0xc] =	wrdreg s15  }
0x12: {  	s25 =	sadd.s32 s12, s4;
	[dreg:$0xd] =	wrdreg s16  }
0x13: {  	s26 =	sadd.s32 s6, s4;
	[dreg:$0x15] =	wrdreg s25  }
0x14: {  	s4 =	sadd.s32 s10, s4;
	[dreg:$0x16] =	wrdreg s26  }
0x15: {  	s28 =	simm.s32 $0x2;
	s23 =	sadd.s32 $0x4FD000, s0;
	[dreg:$0x17] =	wrdreg s4  }
0x16: {  	s30 =	simm.s32 $0x18E80;
	s15 =	sadd.s32 s13, s9;
	[smem:$0x7F8] =	sst s23  }
0x17: {  	p1 =	seq.s32 s17, $0xF;
	s29 =	sadd.s32 s12, s11;
	[dreg:$0x4] =	wrdreg s15  }
0x18: {  	s18 =	smul.u32 $0x2700, s17;
	s25 =	sadd.s32 $0x524100, s0;
	[dreg:$0x18] =	wrdreg s29  }
0x19: {  	s14 =	sadd.s32 $0x4CE, s8;
	s26 =	smax.u32 s7, $0x1;
	[smem:$0x7FA] =	sst s25  }
0x1a: {  	s31 =	sadd.s32 s13, s12;
	s16 =	sadd.s32 s5, s14;
	[smem:$0x7FC] =	sst s26  }
0x1b: {  	s4 =	sadd.s32 s18, s0;
	s20 =	sadd.s32 s9, s14;
	[dreg:$0xe] =	wrdreg s16  }
0x1c: {  	s23 =	simm.s32 $0x13900;
	s22 =	sadd.s32 $0x4FF800, s4;
	[dreg:$0xf] =	wrdreg s20  }
0x1d: {  	s18 =	simm.s32 $0x3;
	s4 =	sadd.s32 $0x526A00, s4;
	[smem:$0x7F6] =	sst s22  }
0x1e: {  	s29 =	sadd.s32 $0x124800, s2;
	s25 =	simm.s32 $0x13B00;
	[smem:$0x7F7] =	sst s4  }
0x1f: {  	s16 =	sadd.s32 $0x4D8, s8;
	s8 =	sadd.s32 s10, s11;
	[smem:$0x7FD] =	sst s29  }
0x20: {  	s26 =	simm.s32 $0x13D00;
	s5 =	sadd.s32 s5, s16;
	[dreg:$0x1a] =	wrdreg s8  }
0x21: {  	s22 =	simm.s32 $0x16680;
	s21 =	sadd.s32 s9, s16;
	[dreg:$0x10] =	wrdreg s5  }
0x22: {  	s4 =	simm.s32 $0x4;
	s9 =	sadd.s32 s12, s14;
	[dreg:$0x11] =	wrdreg s21  }
0x23: {  	s15 =	sadd.s32 s10, s16;
	s19 =	sadd.s32 s12, s16;
	[dreg:$0x1b] =	wrdreg s9  }
0x24: {  	s20 =	sadd.s32 s6, s16;
	s16 =	simm.s32 $0x13C80;
	[dreg:$0x1e] =	wrdreg s15  }
0x25: {  	s8 =	simm.s32 $0x0;
	s5 =	sadd.s32 s6, s11;
	[dreg:$0x1f] =	wrdreg s19  }
0x26: {  	s11 =	sadd.s32 s6, s14;
	s14 =	sadd.s32 s10, s14;
	[smem:$0x7F5] =	sst s20  }
0x27: {  	s21 =	smul.u32 $0x4E000, s17;
	s6 =	sadd.s32 s13, s6;
	s13 =	simm.s32 $0x13880  }
0x28: {  	s17 =	simm.s32 $0x1;
	s19 =	simm.s32 $0x50;
	[dreg:$0x19] =	wrdreg s5  }
0x29: {  	s20 =	simm.s32 $0x13E80;
	s9 =	simm.s32 $0x13B80;
	[dreg:$0x1c] =	wrdreg s11  }
.Ltmp0:
0x2a: {  	s10 =	simm.s32 $0x13D80;
	[dreg:$0x1d] =	wrdreg s14;
	(pc) =	sbr.rel .LBB2_1-.Ltmp0, $4  }
0x2b: {  	s15 =	simm.s32 $0x6;
	[dreg:$0x7] =	wrdreg s6;
	s6 =	sadd.s32 $0x1B000, s0  }
0x2c: {  	s0 =	sadd.s32 $0x54B300, s0;
	s14 =	simm.s32 $0x13A80;
	s5 =	sshrl.u32 s21, $0x2  }
0x2d: {  	[smem:$0x7FB] =	sst s0;
	s0 =	simm.s32 $0x1B680;
	s24 =	sadd.s32 s5, s2  }
0x2e: {  	s21 =	simm.s32 $0x5;
	s5 =	simm.s32 $0x13980;
	[smem:$0x7F9] =	sst s24  }
.LBB2_7:
0x2f: {  	[sflag:s15] =	ssyncset.done $0x0  }
0x30: {  	[sflag:s15] =	ssyncadd.s32 $0xFFFFD800  }
0x31: {  	_ =	swait.ge [sflag:s28], $0x50  }
0x32: {  	[sflag:s28] =	ssyncset.done $0x0  }
0x33: {  	[sflag:s28] =	ssyncadd.s32 $0xFFFFFFB0  }
0x34: {  	_ =	swait.ge [sflag:s28], $0x50  }
0x35: {  	[sflag:s28] =	ssyncset.done $0x0  }
0x36: {  	[sflag:s28] =	ssyncadd.s32 $0xFFFFFFB0  }
0x37: {  	_ =	swait.ge [sflag:s28], $0x50  }
0x38: {  	[sflag:s28] =	ssyncset.done $0x0  }
0x39: {  	[sflag:s28] =	ssyncadd.s32 $0xFFFFFFB0  }
0x3a: {  	[tilespmem:s30], [sflag:$0x5] =	stream.indirect.gather [hbm4b:s1+s19], $0x80, s23, s19, $0xb8;
	[tilespmem:$0x1DE80] =	vst v63  }
0x3b: {  	_ = 	snop  }
0x3c: {  	[tilespmem:s0], [sflag:$0x5] =	stream.indirect.gather [hbm4b:s6+s19], $0x80, s25, s19, $0xb8;
	[tilespmem:$0x1DE80] =	vst v63  }
0x3d: {  	s7 =	rddreg [dreg:$0x19]  }
0x3e: {  	[tilespmem:s5], [sflag:$0x3] =	stream.linear.gather [hbm4b:s7+s3], $0x50, $0x38;
	[tilespmem:$0x1DE80] =	vst v63  }
0x3f: {  	s12 =	rddreg [dreg:$0x1a]  }
0x40: {  	[tilespmem:s9], [sflag:$0x3] =	stream.linear.gather [hbm4b:s12+s3], $0x50, $0x38;
	[tilespmem:$0x1DE80] =	vst v63  }
0x41: {  	s24 =	rddreg [dreg:$0x18]  }
0x42: {  	[tilespmem:s10], [sflag:$0x3] =	stream.linear.gather [hbm4b:s24+s3], $0x50, $0x38;
	[tilespmem:$0x1DE80] =	vst v63  }
0x43: {  	_ =	swait.ge [sflag:s4], $0x2800  }
0x44: {  	[sflag:s4] =	ssyncset.done $0x0  }
0x45: {  	[sflag:s4] =	ssyncadd.s32 $0xFFFFD800  }
0x46: {  	_ =	swait.ge [sflag:s4], $0x2800  }
0x47: {  	[sflag:s4] =	ssyncset.done $0x0  }
0x48: {  	[sflag:s4] =	ssyncadd.s32 $0xFFFFD800  }
0x49: {  	[spmem:s2] =	stream.indirect.scatter.add.f32 [tilespmem:s20], [sflag:$0x6], $0x80, s16, s19, $0xb8;
	[tilespmem:$0x1DE80] =	vst v63  }
0x4a: {  	_ = 	snop  }
0x4b: {  	[spmem:s2] =	stream.indirect.scatter.add.f32 [tilespmem:s22], [sflag:$0x6], $0x80, s16, s19, $0xb8;
	[tilespmem:$0x1DE80] =	vst v63  }
0x4c: {  	_ =	swait.ge [sflag:s15], $0x2800  }
0x4d: {  	[sflag:s15] =	ssyncset.done $0x0  }
0x4e: {  	[sflag:s15] =	ssyncadd.s32 $0xFFFFD800  }
0x4f: {  	_ =	swait.ge [sflag:s15], $0x2800  }
0x50: {  	[sflag:s15] =	ssyncset.done $0x0  }
0x51: {  	[sflag:s15] =	ssyncadd.s32 $0xFFFFD800  }
0x52: {  	_ =	swait.ge [sflag:s18], $0x50  }
0x53: {  	[sflag:s18] =	ssyncset.done $0x0  }
0x54: {  	[sflag:s18] =	ssyncadd.s32 $0xFFFFFFB0  }
0x55: {  	_ =	swait.ge [sflag:s18], $0x50  }
0x56: {  	[sflag:s18] =	ssyncset.done $0x0  }
0x57: {  	[sflag:s18] =	ssyncadd.s32 $0xFFFFFFB0  }
0x58: {  	_ =	swait.ge [sflag:s18], $0x50  }
0x59: {  	[sflag:s18] =	ssyncset.done $0x0  }
0x5a: {  	[sflag:s18] =	ssyncadd.s32 $0xFFFFFFB0  }
0x5b: {  	[tilespmem:s20], [sflag:$0x4] =	stream.indirect.gather [hbm4b:s1+s19], $0x80, s5, s19, $0xb8;
	[tilespmem:$0x1DE80] =	vst v63  }
0x5c: {  	_ = 	snop  }
0x5d: {  	[tilespmem:s22], [sflag:$0x4] =	stream.indirect.gather [hbm4b:s6+s19], $0x80, s9, s19, $0xb8;
	[tilespmem:$0x1DE80] =	vst v63  }
0x5e: {  	s29 =	rddreg [dreg:$0x1c]  }
0x5f: {  	[tilespmem:s13], [sflag:$0x1] =	stream.linear.gather [hbm4b:s29+s3], $0x50, $0x38;
	[tilespmem:$0x1DE80] =	vst v63  }
0x60: {  	s8 =	rddreg [dreg:$0x1d]  }
0x61: {  	[tilespmem:s14], [sflag:$0x1] =	stream.linear.gather [hbm4b:s8+s3], $0x50, $0x38;
	[tilespmem:$0x1DE80] =	vst v63  }
0x62: {  	s11 =	rddreg [dreg:$0x1b]  }
0x63: {  	[tilespmem:s16], [sflag:$0x1] =	stream.linear.gather [hbm4b:s11+s3], $0x50, $0x38;
	[tilespmem:$0x1DE80] =	vst v63  }
0x64: {  	_ =	swait.ge [sflag:s21], $0x2800  }
0x65: {  	[sflag:s21] =	ssyncset.done $0x0  }
0x66: {  	[sflag:s21] =	ssyncadd.s32 $0xFFFFD800  }
0x67: {  	_ =	swait.ge [sflag:s21], $0x2800  }
0x68: {  	[sflag:s21] =	ssyncset.done $0x0  }
0x69: {  	[sflag:s21] =	ssyncadd.s32 $0xFFFFD800  }
0x6a: {  	[spmem:s2] =	stream.indirect.scatter.add.f32 [tilespmem:s30], [sflag:$0x6], $0x80, s26, s19, $0xb8;
	[tilespmem:$0x1DE80] =	vst v63  }
0x6b: {  	_ = 	snop  }
0x6c: {  	[spmem:s2] =	stream.indirect.scatter.add.f32 [tilespmem:s0], [sflag:$0x6], $0x80, s26, s19, $0xb8;
	[tilespmem:$0x1DE80] =	vst v63  }
0x6d: {  	_ =	swait.ge [sflag:s15], $0x2800  }
0x6e: {  	[sflag:s15] =	ssyncset.done $0x0  }
0x6f: {  	[sflag:s15] =	ssyncadd.s32 $0xFFFFD800  }
0x70: {  	_ =	swait.ge [sflag:s15], $0x2800  }
0x71: {  	[sflag:s15] =	ssyncset.done $0x0  }
0x72: {  	[sflag:s15] =	ssyncadd.s32 $0xFFFFD800  }
0x73: {  	_ =	swait.ge [sflag:s17], $0x50  }
0x74: {  	[sflag:s17] =	ssyncset.done $0x0  }
0x75: {  	[sflag:s17] =	ssyncadd.s32 $0xFFFFFFB0  }
0x76: {  	_ =	swait.ge [sflag:s17], $0x50  }
0x77: {  	[sflag:s17] =	ssyncset.done $0x0  }
0x78: {  	[sflag:s17] =	ssyncadd.s32 $0xFFFFFFB0  }
0x79: {  	_ =	swait.ge [sflag:s17], $0x50  }
0x7a: {  	[sflag:s17] =	ssyncset.done $0x0  }
0x7b: {  	[sflag:s17] =	ssyncadd.s32 $0xFFFFFFB0  }
0x7c: {  	[tilespmem:s30], [sflag:$0x5] =	stream.indirect.gather [hbm4b:s1+s19], $0x80, s13, s19, $0xb8;
	[tilespmem:$0x1DE80] =	vst v63  }
0x7d: {  	s12 =	sld [smem:$0x7F5]  }
0x7e: {  	[tilespmem:s0], [sflag:$0x5] =	stream.indirect.gather [hbm4b:s6+s19], $0x80, s14, s19, $0xb8;
	[tilespmem:$0x1DE80] =	vst v63  }
0x7f: {  	_ = 	snop  }
0x80: {  	[tilespmem:s23], [sflag:$0x2] =	stream.linear.gather [hbm4b:s12+s3], $0x50, $0x38;
	[tilespmem:$0x1DE80] =	vst v63  }
0x81: {  	s24 =	rddreg [dreg:$0x1e]  }
0x82: {  	[tilespmem:s25], [sflag:$0x2] =	stream.linear.gather [hbm4b:s24+s3], $0x50, $0x38;
	[tilespmem:$0x1DE80] =	vst v63  }
0x83: {  	s29 =	rddreg [dreg:$0x1f]  }
0x84: {  	[tilespmem:s26], [sflag:$0x2] =	stream.linear.gather [hbm4b:s29+s3], $0x50, $0x38;
	[tilespmem:$0x1DE80] =	vst v63  }
0x85: {  	_ =	swait.ge [sflag:s4], $0x2800  }
0x86: {  	[sflag:s4] =	ssyncset.done $0x0  }
0x87: {  	[sflag:s4] =	ssyncadd.s32 $0xFFFFD800  }
0x88: {  	_ =	swait.ge [sflag:s4], $0x2800  }
0x89: {  	[sflag:s4] =	ssyncset.done $0x0  }
0x8a: {  	[sflag:s4] =	ssyncadd.s32 $0xFFFFD800  }
0x8b: {  	[spmem:s2] =	stream.indirect.scatter.add.f32 [tilespmem:s20], [sflag:$0x6], $0x80, s10, s19, $0xb8;
	[tilespmem:$0x1DE80] =	vst v63  }
0x8c: {  	_ = 	snop  }
0x8d: {  	[spmem:s2] =	stream.indirect.scatter.add.f32 [tilespmem:s22], [sflag:$0x6], $0x80, s10, s19, $0xb8;
	[tilespmem:$0x1DE80] =	vst v63  }
0x8e: {  	_ =	swait.ge [sflag:s15], $0x2800  }
0x8f: {  	[sflag:s15] =	ssyncset.done $0x0  }
0x90: {  	[sflag:s15] =	ssyncadd.s32 $0xFFFFD800  }
0x91: {  	_ =	swait.ge [sflag:s15], $0x2800  }
0x92: {  	[sflag:s15] =	ssyncset.done $0x0  }
0x93: {  	[sflag:s15] =	ssyncadd.s32 $0xFFFFD800  }
0x94: {  	_ =	swait.ge [sflag:s28], $0x50  }
0x95: {  	[sflag:s28] =	ssyncset.done $0x0  }
0x96: {  	[sflag:s28] =	ssyncadd.s32 $0xFFFFFFB0  }
0x97: {  	_ =	swait.ge [sflag:s28], $0x50  }
0x98: {  	[sflag:s28] =	ssyncset.done $0x0  }
0x99: {  	[sflag:s28] =	ssyncadd.s32 $0xFFFFFFB0  }
0x9a: {  	_ =	swait.ge [sflag:s28], $0x50  }
0x9b: {  	[sflag:s28] =	ssyncset.done $0x0  }
0x9c: {  	[sflag:s28] =	ssyncadd.s32 $0xFFFFFFB0  }
0x9d: {  	[tilespmem:s20], [sflag:$0x4] =	stream.indirect.gather [hbm4b:s1+s19], $0x80, s23, s19, $0xb8;
	[tilespmem:$0x1DE80] =	vst v63  }
0x9e: {  	_ = 	snop  }
0x9f: {  	[tilespmem:s22], [sflag:$0x4] =	stream.indirect.gather [hbm4b:s6+s19], $0x80, s25, s19, $0xb8;
	[tilespmem:$0x1DE80] =	vst v63  }
0xa0: {  	_ =	swait.ge [sflag:s21], $0x2800  }
0xa1: {  	[sflag:s21] =	ssyncset.done $0x0  }
0xa2: {  	[sflag:s21] =	ssyncadd.s32 $0xFFFFD800  }
0xa3: {  	_ =	swait.ge [sflag:s21], $0x2800  }
0xa4: {  	[sflag:s21] =	ssyncset.done $0x0  }
0xa5: {  	[sflag:s21] =	ssyncadd.s32 $0xFFFFD800  }
0xa6: {  	[spmem:s2] =	stream.indirect.scatter.add.f32 [tilespmem:s30], [sflag:$0x6], $0x80, s16, s19, $0xb8;
	[tilespmem:$0x1DE80] =	vst v63  }
0xa7: {  	_ = 	snop  }
0xa8: {  	[spmem:s2] =	stream.indirect.scatter.add.f32 [tilespmem:s0], [sflag:$0x6], $0x80, s16, s19, $0xb8;
	[tilespmem:$0x1DE80] =	vst v63  }
0xa9: {  	_ =	swait.ge [sflag:s15], $0x2800  }
0xaa: {  	[sflag:s15] =	ssyncset.done $0x0  }
0xab: {  	[sflag:s15] =	ssyncadd.s32 $0xFFFFD800  }
0xac: {  	_ =	swait.ge [sflag:s15], $0x2800  }
0xad: {  	[sflag:s15] =	ssyncset.done $0x0  }
0xae: {  	[sflag:s15] =	ssyncadd.s32 $0xFFFFD800  }
0xaf: {  	_ =	swait.ge [sflag:s4], $0x2800  }
0xb0: {  	[sflag:s4] =	ssyncset.done $0x0  }
0xb1: {  	[sflag:s4] =	ssyncadd.s32 $0xFFFFD800  }
0xb2: {  	_ =	swait.ge [sflag:s4], $0x2800  }
0xb3: {  	[sflag:s4] =	ssyncset.done $0x0  }
0xb4: {  	[sflag:s4] =	ssyncadd.s32 $0xFFFFD800  }
0xb5: {  	[spmem:s2] =	stream.indirect.scatter.add.f32 [tilespmem:s20], [sflag:$0x6], $0x80, s26, s19, $0xb8;
	[tilespmem:$0x1DE80] =	vst v63  }
0xb6: {  	_ = 	snop  }
0xb7: {  	[spmem:s2] =	stream.indirect.scatter.add.f32 [tilespmem:s22], [sflag:$0x6], $0x80, s26, s19, $0xb8;
	[tilespmem:$0x1DE80] =	vst v63  }
0xb8: {  	_ =	swait.ge [sflag:s15], $0x2800  }
0xb9: {  	[sflag:s15] =	ssyncset.done $0x0  }
0xba: {  	[sflag:s15] =	ssyncadd.s32 $0xFFFFD800  }
0xbb: {  	_ =	swait.ge [sflag:s15], $0x2800  }
0xbc: {  	[sflag:s15] =	ssyncset.done $0x0  }
0xbd: {  	[sflag:s15] =	ssyncadd.s32 $0xFFFFD800  }
0xbe: {  	[bflag:$0x0] =	sbarrier.arrive $0xFFFF  }
0xbf: {  	s8 =	sld [smem:$0x7FB]  }
0xc0: {  	s11 =	sld [smem:$0x7F4];
	_ =	sdelay $0x1  }
0xc1: {  	s7 =	simm.s32 @p1 $0x1FC7  }
0xc2: {  	[hbm:s8], [sflag:s7] =	dma.local @p1 [spmem:s11], $0x2800  }
0xc3: {  	s7 =	simm.s32 @p1 $0x7  }
0xc4: {  	_ =	swait.ge @p1 [sflag:s7], $0x2800  }
0xc5: {  	s8 =	sld [smem:$0x7F2]  }
0xc6: {  	[sflag:s7] =	ssyncset.done @p1 $0x0;
	s11 =	sld [smem:$0x7F3]  }
0xc7: {  	[sflag:s7] =	ssyncadd.s32 @p1 $0xFFFFD800;
	s7 =	sld [smem:$0x7F7];
	_ =	sdelay $0x2  }
0xc8: {  	[hbm:s7], [sflag:s11] =	dma.local @!p1 [spmem:s8], $0x2700  }
0xc9: {  	s7 =	simm.s32 @!p1 $0x7  }
0xca: {  	_ =	swait.ge @!p1 [sflag:s7], $0x2700  }
0xcb: {  	[sflag:s7] =	ssyncset.done @!p1 $0x0  }
0xcc: {  	s8 =	sld [smem:$0x7F1];
	[sflag:s7] =	ssyncadd.s32 @!p1 $0xFFFFD900  }
.LBB2_8:
0xcd: {  	s7 =	sld [smem:$0x7FC];
	_ =	sdelay $0x1  }
0xce: {  	s8 =	sadd.s32 $0x1, s8  }
0xcf: {  	p2 =	sne.s32 s8, s7  }
.Ltmp1:
0xd0: {  	_ = 	snop;
	(pc) =	sbr.rel @!p2 .LBB2_9-.Ltmp1, $1  }
0xd1: {  	_ =	sdelay $0x3  }
.LBB2_1:
0xd2: {  	[smem:$0x7F1] =	sst s8  }
0xd3: {  	s8 =	sld [smem:$0x7FD]  }
0xd4: {  	s7 =	stileid.u32  }
0xd5: {  	s7 =	sshll.u32 @!p1 s7, $0x6  }
.Ltmp2:
0xd6: {  	s24 =	sshrl.u32 @p1 s8, $0x3;
	s8 =	sld [smem:$0x7F9];
	(pc) =	sbr.rel @!p0 .LBB2_2-.Ltmp2, $4  }
0xd7: {  	s12 =	sor.u32 @!p1 $0x1C07, s7  }
0xd8: {  	[smem:$0x7F3] =	sst s12  }
0xd9: {  	[smem:$0x7F4] =	sst s24;
	s11 =	sshrl.u32 @!p1 s8, $0x3  }
0xda: {  	[smem:$0x7F2] =	sst s11  }
0xdb: {  	s7 =	rddreg [dreg:$0x13]  }
0xdc: {  	[tilespmem:s13], [sflag:$0x1] =	stream.linear.gather [hbm4b:s7+s3], $0x50, $0x38;
	[tilespmem:$0x1DE80] =	vst v63  }
0xdd: {  	s29 =	rddreg [dreg:$0x14]  }
0xde: {  	[tilespmem:s14], [sflag:$0x1] =	stream.linear.gather [hbm4b:s29+s3], $0x50, $0x38;
	[tilespmem:$0x1DE80] =	vst v63  }
0xdf: {  	s8 =	rddreg [dreg:$0x12]  }
0xe0: {  	[tilespmem:s16], [sflag:$0x1] =	stream.linear.gather [hbm4b:s8+s3], $0x50, $0x38;
	[tilespmem:$0x1DE80] =	vst v63  }
0xe1: {  	_ =	swait.ge [sflag:s17], $0x50  }
0xe2: {  	[sflag:s17] =	ssyncset.done $0x0  }
0xe3: {  	[sflag:s17] =	ssyncadd.s32 $0xFFFFFFB0  }
0xe4: {  	_ =	swait.ge [sflag:s17], $0x50  }
0xe5: {  	[sflag:s17] =	ssyncset.done $0x0  }
0xe6: {  	[sflag:s17] =	ssyncadd.s32 $0xFFFFFFB0  }
0xe7: {  	_ =	swait.ge [sflag:s17], $0x50  }
0xe8: {  	[sflag:s17] =	ssyncset.done $0x0  }
0xe9: {  	[sflag:s17] =	ssyncadd.s32 $0xFFFFFFB0  }
0xea: {  	[tilespmem:s20], [sflag:$0x4] =	stream.indirect.gather [hbm4b:s1+s19], $0x80, s13, s19, $0xb8;
	[tilespmem:$0x1DE80] =	vst v63  }
0xeb: {  	_ = 	snop  }
0xec: {  	[tilespmem:s22], [sflag:$0x4] =	stream.indirect.gather [hbm4b:s6+s19], $0x80, s14, s19, $0xb8;
	[tilespmem:$0x1DE80] =	vst v63  }
0xed: {  	s29 =	rddreg [dreg:$0x16]  }
0xee: {  	[tilespmem:s23], [sflag:$0x2] =	stream.linear.gather [hbm4b:s29+s3], $0x50, $0x38;
	[tilespmem:$0x1DE80] =	vst v63  }
0xef: {  	s8 =	rddreg [dreg:$0x17]  }
0xf0: {  	[tilespmem:s25], [sflag:$0x2] =	stream.linear.gather [hbm4b:s8+s3], $0x50, $0x38;
	[tilespmem:$0x1DE80] =	vst v63  }
0xf1: {  	s8 =	sld [smem:$0x7F8]  }
0xf2: {  	s7 =	simm.s32 @p1 $0x1FC7;
	s29 =	rddreg [dreg:$0x15]  }
0xf3: {  	[tilespmem:s26], [sflag:$0x2] =	stream.linear.gather [hbm4b:s29+s3], $0x50, $0x38;
	[tilespmem:$0x1DE80] =	vst v63  }
0xf4: {  	[spmem:s24], [sflag:s7] =	dma.local @p1 [hbm:s8], $0x2800  }
0xf5: {  	s7 =	simm.s32 @p1 $0x7  }
0xf6: {  	_ =	swait.ge @p1 [sflag:s7], $0x2800  }
0xf7: {  	[sflag:s7] =	ssyncset.done @p1 $0x0  }
0xf8: {  	[sflag:s7] =	ssyncadd.s32 @p1 $0xFFFFD800;
	s7 =	simm.s32 @!p1 $0x7  }
0xf9: {  	[spmem:s11], [sflag:s12] =	dma.local @!p1 [hbm:s8], $0x2700  }
0xfa: {  	_ =	swait.ge @!p1 [sflag:s7], $0x2700  }
0xfb: {  	[sflag:s7] =	ssyncset.done @!p1 $0x0  }
0xfc: {  	[sflag:s7] =	ssyncadd.s32 @!p1 $0xFFFFD900  }
0xfd: {  	[bflag:$0x0] =	sbarrier.arrive $0xFFFF  }
0xfe: {  	_ =	swait.ge [sflag:s28], $0x50  }
0xff: {  	[sflag:s28] =	ssyncset.done $0x0  }
0x100: {  	[sflag:s28] =	ssyncadd.s32 $0xFFFFFFB0  }
0x101: {  	_ =	swait.ge [sflag:s28], $0x50  }
0x102: {  	[sflag:s28] =	ssyncset.done $0x0  }
0x103: {  	[sflag:s28] =	ssyncadd.s32 $0xFFFFFFB0  }
0x104: {  	_ =	swait.ge [sflag:s28], $0x50  }
0x105: {  	[sflag:s28] =	ssyncset.done $0x0  }
0x106: {  	s8 =	rddreg [dreg:$0x7];
	[sflag:s28] =	ssyncadd.s32 $0xFFFFFFB0  }
0x107: {  	[tilespmem:s30], [sflag:$0x5] =	stream.indirect.gather [hbm4b:s1+s19], $0x80, s23, s19, $0xb8;
	[tilespmem:$0x1DE80] =	vst v63  }
0x108: {  	s11 =	rddreg [dreg:$0x6];
	s7 =	sadd.s32 $0x0, s8  }
0x109: {  	[tilespmem:s0], [sflag:$0x5] =	stream.indirect.gather [hbm4b:s6+s19], $0x80, s25, s19, $0xb8;
	[tilespmem:$0x1DE80] =	vst v63  }
0x10a: {  	s8 =	sadd.s32 $0x0, s11;
	s12 =	sadd.s32 $0x14, s7  }
0x10b: {  	[tilespmem:s5], [sflag:$0x3] =	stream.linear.gather [hbm4b:s12+s3], $0x50, $0x38;
	[tilespmem:$0x1DE80] =	vst v63  }
0x10c: {  	s24 =	sadd.s32 $0x14, s8;
	s12 =	sadd.s32 $0x0, s31  }
0x10d: {  	[tilespmem:s9], [sflag:$0x3] =	stream.linear.gather [hbm4b:s24+s3], $0x50, $0x38;
	[tilespmem:$0x1DE80] =	vst v63  }
0x10e: {  	s29 =	sadd.s32 $0x14, s12  }
0x10f: {  	[tilespmem:s10], [sflag:$0x3] =	stream.linear.gather [hbm4b:s29+s3], $0x50, $0x38;
	[tilespmem:$0x1DE80] =	vst v63  }
0x110: {  	_ =	swait.ge [sflag:s4], $0x2800  }
0x111: {  	[sflag:s4] =	ssyncset.done $0x0  }
0x112: {  	[sflag:s4] =	ssyncadd.s32 $0xFFFFD800  }
0x113: {  	_ =	swait.ge [sflag:s4], $0x2800  }
0x114: {  	[sflag:s4] =	ssyncset.done $0x0  }
0x115: {  	[sflag:s4] =	ssyncadd.s32 $0xFFFFD800  }
0x116: {  	[spmem:s2] =	stream.indirect.scatter.add.f32 [tilespmem:s20], [sflag:$0x6], $0x80, s16, s19, $0xb8;
	[tilespmem:$0x1DE80] =	vst v63  }
0x117: {  	_ = 	snop  }
0x118: {  	[spmem:s2] =	stream.indirect.scatter.add.f32 [tilespmem:s22], [sflag:$0x6], $0x80, s16, s19, $0xb8;
	[tilespmem:$0x1DE80] =	vst v63  }
0x119: {  	_ =	swait.ge [sflag:s15], $0x2800  }
0x11a: {  	[sflag:s15] =	ssyncset.done $0x0  }
0x11b: {  	[sflag:s15] =	ssyncadd.s32 $0xFFFFD800  }
0x11c: {  	_ =	swait.ge [sflag:s15], $0x2800  }
0x11d: {  	[sflag:s15] =	ssyncset.done $0x0  }
0x11e: {  	[sflag:s15] =	ssyncadd.s32 $0xFFFFD800  }
0x11f: {  	_ =	swait.ge [sflag:s18], $0x50  }
0x120: {  	[sflag:s18] =	ssyncset.done $0x0  }
0x121: {  	[sflag:s18] =	ssyncadd.s32 $0xFFFFFFB0  }
0x122: {  	_ =	swait.ge [sflag:s18], $0x50  }
0x123: {  	[sflag:s18] =	ssyncset.done $0x0  }
0x124: {  	[sflag:s18] =	ssyncadd.s32 $0xFFFFFFB0  }
0x125: {  	_ =	swait.ge [sflag:s18], $0x50  }
0x126: {  	[sflag:s18] =	ssyncset.done $0x0  }
0x127: {  	[sflag:s18] =	ssyncadd.s32 $0xFFFFFFB0  }
0x128: {  	[tilespmem:s20], [sflag:$0x4] =	stream.indirect.gather [hbm4b:s1+s19], $0x80, s5, s19, $0xb8;
	[tilespmem:$0x1DE80] =	vst v63  }
0x129: {  	_ = 	snop  }
0x12a: {  	[tilespmem:s22], [sflag:$0x4] =	stream.indirect.gather [hbm4b:s6+s19], $0x80, s9, s19, $0xb8;
	[tilespmem:$0x1DE80] =	vst v63  }
0x12b: {  	s24 =	sadd.s32 $0x1E, s7  }
0x12c: {  	[tilespmem:s13], [sflag:$0x1] =	stream.linear.gather [hbm4b:s24+s3], $0x50, $0x38;
	[tilespmem:$0x1DE80] =	vst v63  }
0x12d: {  	s29 =	sadd.s32 $0x1E, s8  }
0x12e: {  	[tilespmem:s14], [sflag:$0x1] =	stream.linear.gather [hbm4b:s29+s3], $0x50, $0x38;
	[tilespmem:$0x1DE80] =	vst v63  }
0x12f: {  	s24 =	sadd.s32 $0x1E, s12  }
0x130: {  	[tilespmem:s16], [sflag:$0x1] =	stream.linear.gather [hbm4b:s24+s3], $0x50, $0x38;
	[tilespmem:$0x1DE80] =	vst v63  }
0x131: {  	_ =	swait.ge [sflag:s21], $0x2800  }
0x132: {  	[sflag:s21] =	ssyncset.done $0x0  }
0x133: {  	[sflag:s21] =	ssyncadd.s32 $0xFFFFD800  }
0x134: {  	_ =	swait.ge [sflag:s21], $0x2800  }
0x135: {  	[sflag:s21] =	ssyncset.done $0x0  }
0x136: {  	[sflag:s21] =	ssyncadd.s32 $0xFFFFD800  }
0x137: {  	[spmem:s2] =	stream.indirect.scatter.add.f32 [tilespmem:s30], [sflag:$0x6], $0x80, s26, s19, $0xb8;
	[tilespmem:$0x1DE80] =	vst v63  }
0x138: {  	_ = 	snop  }
0x139: {  	[spmem:s2] =	stream.indirect.scatter.add.f32 [tilespmem:s0], [sflag:$0x6], $0x80, s26, s19, $0xb8;
	[tilespmem:$0x1DE80] =	vst v63  }
0x13a: {  	_ =	swait.ge [sflag:s15], $0x2800  }
0x13b: {  	[sflag:s15] =	ssyncset.done $0x0  }
0x13c: {  	[sflag:s15] =	ssyncadd.s32 $0xFFFFD800  }
0x13d: {  	_ =	swait.ge [sflag:s15], $0x2800  }
0x13e: {  	[sflag:s15] =	ssyncset.done $0x0  }
0x13f: {  	[sflag:s15] =	ssyncadd.s32 $0xFFFFD800  }
0x140: {  	_ =	swait.ge [sflag:s17], $0x50  }
0x141: {  	[sflag:s17] =	ssyncset.done $0x0  }
0x142: {  	[sflag:s17] =	ssyncadd.s32 $0xFFFFFFB0  }
0x143: {  	_ =	swait.ge [sflag:s17], $0x50  }
0x144: {  	[sflag:s17] =	ssyncset.done $0x0  }
0x145: {  	[sflag:s17] =	ssyncadd.s32 $0xFFFFFFB0  }
0x146: {  	_ =	swait.ge [sflag:s17], $0x50  }
0x147: {  	[sflag:s17] =	ssyncset.done $0x0  }
0x148: {  	[sflag:s17] =	ssyncadd.s32 $0xFFFFFFB0  }
0x149: {  	[tilespmem:s30], [sflag:$0x5] =	stream.indirect.gather [hbm4b:s1+s19], $0x80, s13, s19, $0xb8;
	[tilespmem:$0x1DE80] =	vst v63  }
0x14a: {  	_ = 	snop  }
0x14b: {  	[tilespmem:s0], [sflag:$0x5] =	stream.indirect.gather [hbm4b:s6+s19], $0x80, s14, s19, $0xb8;
	[tilespmem:$0x1DE80] =	vst v63  }
0x14c: {  	s29 =	sadd.s32 $0x28, s7  }
0x14d: {  	[tilespmem:s23], [sflag:$0x2] =	stream.linear.gather [hbm4b:s29+s3], $0x50, $0x38;
	[tilespmem:$0x1DE80] =	vst v63  }
0x14e: {  	s24 =	sadd.s32 $0x28, s8  }
0x14f: {  	[tilespmem:s25], [sflag:$0x2] =	stream.linear.gather [hbm4b:s24+s3], $0x50, $0x38;
	[tilespmem:$0x1DE80] =	vst v63  }
0x150: {  	s29 =	sadd.s32 $0x28, s12  }
0x151: {  	[tilespmem:s26], [sflag:$0x2] =	stream.linear.gather [hbm4b:s29+s3], $0x50, $0x38;
	[tilespmem:$0x1DE80] =	vst v63  }
0x152: {  	_ =	swait.ge [sflag:s4], $0x2800  }
0x153: {  	[sflag:s4] =	ssyncset.done $0x0  }
0x154: {  	[sflag:s4] =	ssyncadd.s32 $0xFFFFD800  }
0x155: {  	_ =	swait.ge [sflag:s4], $0x2800  }
0x156: {  	[sflag:s4] =	ssyncset.done $0x0  }
0x157: {  	[sflag:s4] =	ssyncadd.s32 $0xFFFFD800  }
0x158: {  	[spmem:s2] =	stream.indirect.scatter.add.f32 [tilespmem:s20], [sflag:$0x6], $0x80, s10, s19, $0xb8;
	[tilespmem:$0x1DE80] =	vst v63  }
0x159: {  	_ = 	snop  }
0x15a: {  	[spmem:s2] =	stream.indirect.scatter.add.f32 [tilespmem:s22], [sflag:$0x6], $0x80, s10, s19, $0xb8;
	[tilespmem:$0x1DE80] =	vst v63  }
0x15b: {  	_ =	swait.ge [sflag:s15], $0x2800  }
0x15c: {  	[sflag:s15] =	ssyncset.done $0x0  }
0x15d: {  	[sflag:s15] =	ssyncadd.s32 $0xFFFFD800  }
0x15e: {  	_ =	swait.ge [sflag:s15], $0x2800  }
0x15f: {  	[sflag:s15] =	ssyncset.done $0x0  }
0x160: {  	[sflag:s15] =	ssyncadd.s32 $0xFFFFD800  }
0x161: {  	_ =	swait.ge [sflag:s28], $0x50  }
0x162: {  	[sflag:s28] =	ssyncset.done $0x0  }
0x163: {  	[sflag:s28] =	ssyncadd.s32 $0xFFFFFFB0  }
0x164: {  	_ =	swait.ge [sflag:s28], $0x50  }
0x165: {  	[sflag:s28] =	ssyncset.done $0x0  }
0x166: {  	[sflag:s28] =	ssyncadd.s32 $0xFFFFFFB0  }
0x167: {  	_ =	swait.ge [sflag:s28], $0x50  }
0x168: {  	[sflag:s28] =	ssyncset.done $0x0  }
0x169: {  	[sflag:s28] =	ssyncadd.s32 $0xFFFFFFB0  }
0x16a: {  	[tilespmem:s20], [sflag:$0x4] =	stream.indirect.gather [hbm4b:s1+s19], $0x80, s23, s19, $0xb8;
	[tilespmem:$0x1DE80] =	vst v63  }
0x16b: {  	_ = 	snop  }
0x16c: {  	[tilespmem:s22], [sflag:$0x4] =	stream.indirect.gather [hbm4b:s6+s19], $0x80, s25, s19, $0xb8;
	[tilespmem:$0x1DE80] =	vst v63  }
0x16d: {  	s24 =	sadd.s32 $0x32, s7  }
0x16e: {  	[tilespmem:s5], [sflag:$0x3] =	stream.linear.gather [hbm4b:s24+s3], $0x50, $0x38;
	[tilespmem:$0x1DE80] =	vst v63  }
0x16f: {  	s29 =	sadd.s32 $0x32, s8  }
0x170: {  	[tilespmem:s9], [sflag:$0x3] =	stream.linear.gather [hbm4b:s29+s3], $0x50, $0x38;
	[tilespmem:$0x1DE80] =	vst v63  }
0x171: {  	s24 =	sadd.s32 $0x32, s12  }
0x172: {  	[tilespmem:s10], [sflag:$0x3] =	stream.linear.gather [hbm4b:s24+s3], $0x50, $0x38;
	[tilespmem:$0x1DE80] =	vst v63  }
0x173: {  	_ =	swait.ge [sflag:s21], $0x2800  }
0x174: {  	[sflag:s21] =	ssyncset.done $0x0  }
0x175: {  	[sflag:s21] =	ssyncadd.s32 $0xFFFFD800  }
0x176: {  	_ =	swait.ge [sflag:s21], $0x2800  }
0x177: {  	[sflag:s21] =	ssyncset.done $0x0  }
0x178: {  	[sflag:s21] =	ssyncadd.s32 $0xFFFFD800  }
0x179: {  	[spmem:s2] =	stream.indirect.scatter.add.f32 [tilespmem:s30], [sflag:$0x6], $0x80, s16, s19, $0xb8;
	[tilespmem:$0x1DE80] =	vst v63  }
0x17a: {  	_ = 	snop  }
0x17b: {  	[spmem:s2] =	stream.indirect.scatter.add.f32 [tilespmem:s0], [sflag:$0x6], $0x80, s16, s19, $0xb8;
	[tilespmem:$0x1DE80] =	vst v63  }
0x17c: {  	_ =	swait.ge [sflag:s15], $0x2800  }
0x17d: {  	[sflag:s15] =	ssyncset.done $0x0  }
0x17e: {  	[sflag:s15] =	ssyncadd.s32 $0xFFFFD800  }
0x17f: {  	_ =	swait.ge [sflag:s15], $0x2800  }
0x180: {  	[sflag:s15] =	ssyncset.done $0x0  }
0x181: {  	[sflag:s15] =	ssyncadd.s32 $0xFFFFD800  }
0x182: {  	_ =	swait.ge [sflag:s18], $0x50  }
0x183: {  	[sflag:s18] =	ssyncset.done $0x0  }
0x184: {  	[sflag:s18] =	ssyncadd.s32 $0xFFFFFFB0  }
0x185: {  	_ =	swait.ge [sflag:s18], $0x50  }
0x186: {  	[sflag:s18] =	ssyncset.done $0x0  }
0x187: {  	[sflag:s18] =	ssyncadd.s32 $0xFFFFFFB0  }
0x188: {  	_ =	swait.ge [sflag:s18], $0x50  }
0x189: {  	[sflag:s18] =	ssyncset.done $0x0  }
0x18a: {  	[sflag:s18] =	ssyncadd.s32 $0xFFFFFFB0  }
0x18b: {  	[tilespmem:s30], [sflag:$0x5] =	stream.indirect.gather [hbm4b:s1+s19], $0x80, s5, s19, $0xb8;
	[tilespmem:$0x1DE80] =	vst v63  }
0x18c: {  	_ = 	snop  }
0x18d: {  	[tilespmem:s0], [sflag:$0x5] =	stream.indirect.gather [hbm4b:s6+s19], $0x80, s9, s19, $0xb8;
	[tilespmem:$0x1DE80] =	vst v63  }
0x18e: {  	s29 =	sadd.s32 $0x3C, s7  }
0x18f: {  	[tilespmem:s13], [sflag:$0x1] =	stream.linear.gather [hbm4b:s29+s3], $0x50, $0x38;
	[tilespmem:$0x1DE80] =	vst v63  }
0x190: {  	s24 =	sadd.s32 $0x3C, s8  }
0x191: {  	[tilespmem:s14], [sflag:$0x1] =	stream.linear.gather [hbm4b:s24+s3], $0x50, $0x38;
	[tilespmem:$0x1DE80] =	vst v63  }
0x192: {  	s29 =	sadd.s32 $0x3C, s12  }
0x193: {  	[tilespmem:s16], [sflag:$0x1] =	stream.linear.gather [hbm4b:s29+s3], $0x50, $0x38;
	[tilespmem:$0x1DE80] =	vst v63  }
0x194: {  	_ =	swait.ge [sflag:s4], $0x2800  }
0x195: {  	[sflag:s4] =	ssyncset.done $0x0  }
0x196: {  	[sflag:s4] =	ssyncadd.s32 $0xFFFFD800  }
0x197: {  	_ =	swait.ge [sflag:s4], $0x2800  }
0x198: {  	[sflag:s4] =	ssyncset.done $0x0  }
0x199: {  	[sflag:s4] =	ssyncadd.s32 $0xFFFFD800  }
0x19a: {  	[spmem:s2] =	stream.indirect.scatter.add.f32 [tilespmem:s20], [sflag:$0x6], $0x80, s26, s19, $0xb8;
	[tilespmem:$0x1DE80] =	vst v63  }
0x19b: {  	_ = 	snop  }
0x19c: {  	[spmem:s2] =	stream.indirect.scatter.add.f32 [tilespmem:s22], [sflag:$0x6], $0x80, s26, s19, $0xb8;
	[tilespmem:$0x1DE80] =	vst v63  }
0x19d: {  	_ =	swait.ge [sflag:s15], $0x2800  }
0x19e: {  	[sflag:s15] =	ssyncset.done $0x0  }
0x19f: {  	[sflag:s15] =	ssyncadd.s32 $0xFFFFD800  }
0x1a0: {  	_ =	swait.ge [sflag:s15], $0x2800  }
0x1a1: {  	[sflag:s15] =	ssyncset.done $0x0  }
0x1a2: {  	[sflag:s15] =	ssyncadd.s32 $0xFFFFD800  }
0x1a3: {  	_ =	swait.ge [sflag:s17], $0x50  }
0x1a4: {  	[sflag:s17] =	ssyncset.done $0x0  }
0x1a5: {  	[sflag:s17] =	ssyncadd.s32 $0xFFFFFFB0  }
0x1a6: {  	_ =	swait.ge [sflag:s17], $0x50  }
0x1a7: {  	[sflag:s17] =	ssyncset.done $0x0  }
0x1a8: {  	[sflag:s17] =	ssyncadd.s32 $0xFFFFFFB0  }
0x1a9: {  	_ =	swait.ge [sflag:s17], $0x50  }
0x1aa: {  	[sflag:s17] =	ssyncset.done $0x0  }
0x1ab: {  	[sflag:s17] =	ssyncadd.s32 $0xFFFFFFB0  }
0x1ac: {  	[tilespmem:s20], [sflag:$0x4] =	stream.indirect.gather [hbm4b:s1+s19], $0x80, s13, s19, $0xb8;
	[tilespmem:$0x1DE80] =	vst v63  }
0x1ad: {  	_ = 	snop  }
0x1ae: {  	[tilespmem:s22], [sflag:$0x4] =	stream.indirect.gather [hbm4b:s6+s19], $0x80, s14, s19, $0xb8;
	[tilespmem:$0x1DE80] =	vst v63  }
0x1af: {  	s7 =	sadd.s32 $0x46, s7  }
0x1b0: {  	[tilespmem:s23], [sflag:$0x2] =	stream.linear.gather [hbm4b:s7+s3], $0x50, $0x38;
	[tilespmem:$0x1DE80] =	vst v63  }
0x1b1: {  	s24 =	sadd.s32 $0x46, s8  }
0x1b2: {  	[tilespmem:s25], [sflag:$0x2] =	stream.linear.gather [hbm4b:s24+s3], $0x50, $0x38;
	[tilespmem:$0x1DE80] =	vst v63  }
0x1b3: {  	s29 =	sadd.s32 $0x46, s12  }
0x1b4: {  	[tilespmem:s26], [sflag:$0x2] =	stream.linear.gather [hbm4b:s29+s3], $0x50, $0x38;
	[tilespmem:$0x1DE80] =	vst v63  }
0x1b5: {  	_ =	swait.ge [sflag:s21], $0x2800  }
0x1b6: {  	[sflag:s21] =	ssyncset.done $0x0  }
0x1b7: {  	[sflag:s21] =	ssyncadd.s32 $0xFFFFD800  }
0x1b8: {  	_ =	swait.ge [sflag:s21], $0x2800  }
0x1b9: {  	[sflag:s21] =	ssyncset.done $0x0  }
0x1ba: {  	[sflag:s21] =	ssyncadd.s32 $0xFFFFD800  }
0x1bb: {  	[spmem:s2] =	stream.indirect.scatter.add.f32 [tilespmem:s30], [sflag:$0x6], $0x80, s10, s19, $0xb8;
	[tilespmem:$0x1DE80] =	vst v63  }
0x1bc: {  	_ = 	snop  }
0x1bd: {  	[spmem:s2] =	stream.indirect.scatter.add.f32 [tilespmem:s0], [sflag:$0x6], $0x80, s10, s19, $0xb8;
	[tilespmem:$0x1DE80] =	vst v63  }
0x1be: {  	_ =	swait.ge [sflag:s15], $0x2800  }
0x1bf: {  	[sflag:s15] =	ssyncset.done $0x0  }
0x1c0: {  	[sflag:s15] =	ssyncadd.s32 $0xFFFFD800  }
0x1c1: {  	s12 =	simm.s32 $0x3C;
	_ =	swait.ge [sflag:s15], $0x2800  }
.LBB2_6:
0x1c2: {  	[sflag:s15] =	ssyncset.done $0x0  }
0x1c3: {  	[sflag:s15] =	ssyncadd.s32 $0xFFFFD800  }
0x1c4: {  	_ =	swait.ge [sflag:s28], $0x50  }
0x1c5: {  	[sflag:s28] =	ssyncset.done $0x0  }
0x1c6: {  	[sflag:s28] =	ssyncadd.s32 $0xFFFFFFB0  }
0x1c7: {  	_ =	swait.ge [sflag:s28], $0x50  }
0x1c8: {  	[sflag:s28] =	ssyncset.done $0x0  }
0x1c9: {  	[sflag:s28] =	ssyncadd.s32 $0xFFFFFFB0  }
0x1ca: {  	_ =	swait.ge [sflag:s28], $0x50  }
0x1cb: {  	[sflag:s28] =	ssyncset.done $0x0  }
0x1cc: {  	s11 =	smov.u32 s12;
	s7 =	rddreg [dreg:$0x7];
	[sflag:s28] =	ssyncadd.s32 $0xFFFFFFB0  }
0x1cd: {  	[tilespmem:s30], [sflag:$0x5] =	stream.indirect.gather [hbm4b:s1+s19], $0x80, s23, s19, $0xb8;
	[tilespmem:$0x1DE80] =	vst v63  }
0x1ce: {  	s24 =	rddreg [dreg:$0x6];
	s8 =	sadd.s32 s11, s7  }
0x1cf: {  	[tilespmem:s0], [sflag:$0x5] =	stream.indirect.gather [hbm4b:s6+s19], $0x80, s25, s19, $0xb8;
	[tilespmem:$0x1DE80] =	vst v63  }
0x1d0: {  	s7 =	sadd.s32 s11, s24;
	s29 =	sadd.s32 $0x14, s8  }
0x1d1: {  	[tilespmem:s5], [sflag:$0x3] =	stream.linear.gather [hbm4b:s29+s3], $0x50, $0x38;
	[tilespmem:$0x1DE80] =	vst v63  }
0x1d2: {  	s24 =	sadd.s32 $0x14, s7;
	s29 =	sadd.s32 s11, s31  }
0x1d3: {  	[tilespmem:s9], [sflag:$0x3] =	stream.linear.gather [hbm4b:s24+s3], $0x50, $0x38;
	[tilespmem:$0x1DE80] =	vst v63  }
0x1d4: {  	s11 =	sadd.s32 $0x14, s29  }
0x1d5: {  	[tilespmem:s10], [sflag:$0x3] =	stream.linear.gather [hbm4b:s11+s3], $0x50, $0x38;
	[tilespmem:$0x1DE80] =	vst v63  }
0x1d6: {  	_ =	swait.ge [sflag:s4], $0x2800  }
0x1d7: {  	[sflag:s4] =	ssyncset.done $0x0  }
0x1d8: {  	[sflag:s4] =	ssyncadd.s32 $0xFFFFD800  }
0x1d9: {  	_ =	swait.ge [sflag:s4], $0x2800  }
0x1da: {  	[sflag:s4] =	ssyncset.done $0x0  }
0x1db: {  	[sflag:s4] =	ssyncadd.s32 $0xFFFFD800  }
0x1dc: {  	[spmem:s2] =	stream.indirect.scatter.add.f32 [tilespmem:s20], [sflag:$0x6], $0x80, s16, s19, $0xb8;
	[tilespmem:$0x1DE80] =	vst v63  }
0x1dd: {  	_ = 	snop  }
0x1de: {  	[spmem:s2] =	stream.indirect.scatter.add.f32 [tilespmem:s22], [sflag:$0x6], $0x80, s16, s19, $0xb8;
	[tilespmem:$0x1DE80] =	vst v63  }
0x1df: {  	_ =	swait.ge [sflag:s15], $0x2800  }
0x1e0: {  	[sflag:s15] =	ssyncset.done $0x0  }
0x1e1: {  	[sflag:s15] =	ssyncadd.s32 $0xFFFFD800  }
0x1e2: {  	_ =	swait.ge [sflag:s15], $0x2800  }
0x1e3: {  	[sflag:s15] =	ssyncset.done $0x0  }
0x1e4: {  	[sflag:s15] =	ssyncadd.s32 $0xFFFFD800  }
0x1e5: {  	_ =	swait.ge [sflag:s18], $0x50  }
0x1e6: {  	[sflag:s18] =	ssyncset.done $0x0  }
0x1e7: {  	[sflag:s18] =	ssyncadd.s32 $0xFFFFFFB0  }
0x1e8: {  	_ =	swait.ge [sflag:s18], $0x50  }
0x1e9: {  	[sflag:s18] =	ssyncset.done $0x0  }
0x1ea: {  	[sflag:s18] =	ssyncadd.s32 $0xFFFFFFB0  }
0x1eb: {  	_ =	swait.ge [sflag:s18], $0x50  }
0x1ec: {  	[sflag:s18] =	ssyncset.done $0x0  }
0x1ed: {  	[sflag:s18] =	ssyncadd.s32 $0xFFFFFFB0  }
0x1ee: {  	[tilespmem:s20], [sflag:$0x4] =	stream.indirect.gather [hbm4b:s1+s19], $0x80, s5, s19, $0xb8;
	[tilespmem:$0x1DE80] =	vst v63  }
0x1ef: {  	_ = 	snop  }
0x1f0: {  	[tilespmem:s22], [sflag:$0x4] =	stream.indirect.gather [hbm4b:s6+s19], $0x80, s9, s19, $0xb8;
	[tilespmem:$0x1DE80] =	vst v63  }
0x1f1: {  	s11 =	sadd.s32 $0x1E, s8  }
0x1f2: {  	[tilespmem:s13], [sflag:$0x1] =	stream.linear.gather [hbm4b:s11+s3], $0x50, $0x38;
	[tilespmem:$0x1DE80] =	vst v63  }
0x1f3: {  	s24 =	sadd.s32 $0x1E, s7  }
0x1f4: {  	[tilespmem:s14], [sflag:$0x1] =	stream.linear.gather [hbm4b:s24+s3], $0x50, $0x38;
	[tilespmem:$0x1DE80] =	vst v63  }
0x1f5: {  	s11 =	sadd.s32 $0x1E, s29  }
0x1f6: {  	[tilespmem:s16], [sflag:$0x1] =	stream.linear.gather [hbm4b:s11+s3], $0x50, $0x38;
	[tilespmem:$0x1DE80] =	vst v63  }
0x1f7: {  	_ =	swait.ge [sflag:s21], $0x2800  }
0x1f8: {  	[sflag:s21] =	ssyncset.done $0x0  }
0x1f9: {  	[sflag:s21] =	ssyncadd.s32 $0xFFFFD800  }
0x1fa: {  	_ =	swait.ge [sflag:s21], $0x2800  }
0x1fb: {  	[sflag:s21] =	ssyncset.done $0x0  }
0x1fc: {  	[sflag:s21] =	ssyncadd.s32 $0xFFFFD800  }
0x1fd: {  	[spmem:s2] =	stream.indirect.scatter.add.f32 [tilespmem:s30], [sflag:$0x6], $0x80, s26, s19, $0xb8;
	[tilespmem:$0x1DE80] =	vst v63  }
0x1fe: {  	_ = 	snop  }
0x1ff: {  	[spmem:s2] =	stream.indirect.scatter.add.f32 [tilespmem:s0], [sflag:$0x6], $0x80, s26, s19, $0xb8;
	[tilespmem:$0x1DE80] =	vst v63  }
0x200: {  	_ =	swait.ge [sflag:s15], $0x2800  }
0x201: {  	[sflag:s15] =	ssyncset.done $0x0  }
0x202: {  	[sflag:s15] =	ssyncadd.s32 $0xFFFFD800  }
0x203: {  	_ =	swait.ge [sflag:s15], $0x2800  }
0x204: {  	[sflag:s15] =	ssyncset.done $0x0  }
0x205: {  	[sflag:s15] =	ssyncadd.s32 $0xFFFFD800  }
0x206: {  	_ =	swait.ge [sflag:s17], $0x50  }
0x207: {  	[sflag:s17] =	ssyncset.done $0x0  }
0x208: {  	[sflag:s17] =	ssyncadd.s32 $0xFFFFFFB0  }
0x209: {  	_ =	swait.ge [sflag:s17], $0x50  }
0x20a: {  	[sflag:s17] =	ssyncset.done $0x0  }
0x20b: {  	[sflag:s17] =	ssyncadd.s32 $0xFFFFFFB0  }
0x20c: {  	_ =	swait.ge [sflag:s17], $0x50  }
0x20d: {  	[sflag:s17] =	ssyncset.done $0x0  }
0x20e: {  	[sflag:s17] =	ssyncadd.s32 $0xFFFFFFB0  }
0x20f: {  	[tilespmem:s30], [sflag:$0x5] =	stream.indirect.gather [hbm4b:s1+s19], $0x80, s13, s19, $0xb8;
	[tilespmem:$0x1DE80] =	vst v63  }
0x210: {  	_ = 	snop  }
0x211: {  	[tilespmem:s0], [sflag:$0x5] =	stream.indirect.gather [hbm4b:s6+s19], $0x80, s14, s19, $0xb8;
	[tilespmem:$0x1DE80] =	vst v63  }
0x212: {  	s11 =	sadd.s32 $0x28, s8  }
0x213: {  	[tilespmem:s23], [sflag:$0x2] =	stream.linear.gather [hbm4b:s11+s3], $0x50, $0x38;
	[tilespmem:$0x1DE80] =	vst v63  }
0x214: {  	s24 =	sadd.s32 $0x28, s7  }
0x215: {  	[tilespmem:s25], [sflag:$0x2] =	stream.linear.gather [hbm4b:s24+s3], $0x50, $0x38;
	[tilespmem:$0x1DE80] =	vst v63  }
0x216: {  	s11 =	sadd.s32 $0x28, s29  }
0x217: {  	[tilespmem:s26], [sflag:$0x2] =	stream.linear.gather [hbm4b:s11+s3], $0x50, $0x38;
	[tilespmem:$0x1DE80] =	vst v63  }
0x218: {  	_ =	swait.ge [sflag:s4], $0x2800  }
0x219: {  	[sflag:s4] =	ssyncset.done $0x0  }
0x21a: {  	[sflag:s4] =	ssyncadd.s32 $0xFFFFD800  }
0x21b: {  	_ =	swait.ge [sflag:s4], $0x2800  }
0x21c: {  	[sflag:s4] =	ssyncset.done $0x0  }
0x21d: {  	[sflag:s4] =	ssyncadd.s32 $0xFFFFD800  }
0x21e: {  	[spmem:s2] =	stream.indirect.scatter.add.f32 [tilespmem:s20], [sflag:$0x6], $0x80, s10, s19, $0xb8;
	[tilespmem:$0x1DE80] =	vst v63  }
0x21f: {  	_ = 	snop  }
0x220: {  	[spmem:s2] =	stream.indirect.scatter.add.f32 [tilespmem:s22], [sflag:$0x6], $0x80, s10, s19, $0xb8;
	[tilespmem:$0x1DE80] =	vst v63  }
0x221: {  	_ =	swait.ge [sflag:s15], $0x2800  }
0x222: {  	[sflag:s15] =	ssyncset.done $0x0  }
0x223: {  	[sflag:s15] =	ssyncadd.s32 $0xFFFFD800  }
0x224: {  	_ =	swait.ge [sflag:s15], $0x2800  }
0x225: {  	[sflag:s15] =	ssyncset.done $0x0  }
0x226: {  	[sflag:s15] =	ssyncadd.s32 $0xFFFFD800  }
0x227: {  	_ =	swait.ge [sflag:s28], $0x50  }
0x228: {  	[sflag:s28] =	ssyncset.done $0x0  }
0x229: {  	[sflag:s28] =	ssyncadd.s32 $0xFFFFFFB0  }
0x22a: {  	_ =	swait.ge [sflag:s28], $0x50  }
0x22b: {  	[sflag:s28] =	ssyncset.done $0x0  }
0x22c: {  	[sflag:s28] =	ssyncadd.s32 $0xFFFFFFB0  }
0x22d: {  	_ =	swait.ge [sflag:s28], $0x50  }
0x22e: {  	[sflag:s28] =	ssyncset.done $0x0  }
0x22f: {  	[sflag:s28] =	ssyncadd.s32 $0xFFFFFFB0  }
0x230: {  	[tilespmem:s20], [sflag:$0x4] =	stream.indirect.gather [hbm4b:s1+s19], $0x80, s23, s19, $0xb8;
	[tilespmem:$0x1DE80] =	vst v63  }
0x231: {  	_ = 	snop  }
0x232: {  	[tilespmem:s22], [sflag:$0x4] =	stream.indirect.gather [hbm4b:s6+s19], $0x80, s25, s19, $0xb8;
	[tilespmem:$0x1DE80] =	vst v63  }
0x233: {  	s11 =	sadd.s32 $0x32, s8  }
0x234: {  	[tilespmem:s5], [sflag:$0x3] =	stream.linear.gather [hbm4b:s11+s3], $0x50, $0x38;
	[tilespmem:$0x1DE80] =	vst v63  }
0x235: {  	s24 =	sadd.s32 $0x32, s7  }
0x236: {  	[tilespmem:s9], [sflag:$0x3] =	stream.linear.gather [hbm4b:s24+s3], $0x50, $0x38;
	[tilespmem:$0x1DE80] =	vst v63  }
0x237: {  	s11 =	sadd.s32 $0x32, s29  }
0x238: {  	[tilespmem:s10], [sflag:$0x3] =	stream.linear.gather [hbm4b:s11+s3], $0x50, $0x38;
	[tilespmem:$0x1DE80] =	vst v63  }
0x239: {  	_ =	swait.ge [sflag:s21], $0x2800  }
0x23a: {  	[sflag:s21] =	ssyncset.done $0x0  }
0x23b: {  	[sflag:s21] =	ssyncadd.s32 $0xFFFFD800  }
0x23c: {  	_ =	swait.ge [sflag:s21], $0x2800  }
0x23d: {  	[sflag:s21] =	ssyncset.done $0x0  }
0x23e: {  	[sflag:s21] =	ssyncadd.s32 $0xFFFFD800  }
0x23f: {  	[spmem:s2] =	stream.indirect.scatter.add.f32 [tilespmem:s30], [sflag:$0x6], $0x80, s16, s19, $0xb8;
	[tilespmem:$0x1DE80] =	vst v63  }
0x240: {  	_ = 	snop  }
0x241: {  	[spmem:s2] =	stream.indirect.scatter.add.f32 [tilespmem:s0], [sflag:$0x6], $0x80, s16, s19, $0xb8;
	[tilespmem:$0x1DE80] =	vst v63  }
0x242: {  	_ =	swait.ge [sflag:s15], $0x2800  }
0x243: {  	[sflag:s15] =	ssyncset.done $0x0  }
0x244: {  	[sflag:s15] =	ssyncadd.s32 $0xFFFFD800  }
0x245: {  	_ =	swait.ge [sflag:s15], $0x2800  }
0x246: {  	[sflag:s15] =	ssyncset.done $0x0  }
0x247: {  	[sflag:s15] =	ssyncadd.s32 $0xFFFFD800  }
0x248: {  	_ =	swait.ge [sflag:s18], $0x50  }
0x249: {  	[sflag:s18] =	ssyncset.done $0x0  }
0x24a: {  	[sflag:s18] =	ssyncadd.s32 $0xFFFFFFB0  }
0x24b: {  	_ =	swait.ge [sflag:s18], $0x50  }
0x24c: {  	[sflag:s18] =	ssyncset.done $0x0  }
0x24d: {  	[sflag:s18] =	ssyncadd.s32 $0xFFFFFFB0  }
0x24e: {  	_ =	swait.ge [sflag:s18], $0x50  }
0x24f: {  	[sflag:s18] =	ssyncset.done $0x0  }
0x250: {  	[sflag:s18] =	ssyncadd.s32 $0xFFFFFFB0  }
0x251: {  	[tilespmem:s30], [sflag:$0x5] =	stream.indirect.gather [hbm4b:s1+s19], $0x80, s5, s19, $0xb8;
	[tilespmem:$0x1DE80] =	vst v63  }
0x252: {  	_ = 	snop  }
0x253: {  	[tilespmem:s0], [sflag:$0x5] =	stream.indirect.gather [hbm4b:s6+s19], $0x80, s9, s19, $0xb8;
	[tilespmem:$0x1DE80] =	vst v63  }
0x254: {  	s11 =	sadd.s32 $0x3C, s8  }
0x255: {  	[tilespmem:s13], [sflag:$0x1] =	stream.linear.gather [hbm4b:s11+s3], $0x50, $0x38;
	[tilespmem:$0x1DE80] =	vst v63  }
0x256: {  	s24 =	sadd.s32 $0x3C, s7  }
0x257: {  	[tilespmem:s14], [sflag:$0x1] =	stream.linear.gather [hbm4b:s24+s3], $0x50, $0x38;
	[tilespmem:$0x1DE80] =	vst v63  }
0x258: {  	s11 =	sadd.s32 $0x3C, s29  }
0x259: {  	[tilespmem:s16], [sflag:$0x1] =	stream.linear.gather [hbm4b:s11+s3], $0x50, $0x38;
	[tilespmem:$0x1DE80] =	vst v63  }
0x25a: {  	_ =	swait.ge [sflag:s4], $0x2800  }
0x25b: {  	[sflag:s4] =	ssyncset.done $0x0  }
0x25c: {  	[sflag:s4] =	ssyncadd.s32 $0xFFFFD800  }
0x25d: {  	_ =	swait.ge [sflag:s4], $0x2800  }
0x25e: {  	[sflag:s4] =	ssyncset.done $0x0  }
0x25f: {  	[sflag:s4] =	ssyncadd.s32 $0xFFFFD800  }
0x260: {  	[spmem:s2] =	stream.indirect.scatter.add.f32 [tilespmem:s20], [sflag:$0x6], $0x80, s26, s19, $0xb8;
	[tilespmem:$0x1DE80] =	vst v63  }
0x261: {  	_ = 	snop  }
0x262: {  	[spmem:s2] =	stream.indirect.scatter.add.f32 [tilespmem:s22], [sflag:$0x6], $0x80, s26, s19, $0xb8;
	[tilespmem:$0x1DE80] =	vst v63  }
0x263: {  	_ =	swait.ge [sflag:s15], $0x2800  }
0x264: {  	[sflag:s15] =	ssyncset.done $0x0  }
0x265: {  	[sflag:s15] =	ssyncadd.s32 $0xFFFFD800  }
0x266: {  	_ =	swait.ge [sflag:s15], $0x2800  }
0x267: {  	[sflag:s15] =	ssyncset.done $0x0  }
0x268: {  	[sflag:s15] =	ssyncadd.s32 $0xFFFFD800  }
0x269: {  	_ =	swait.ge [sflag:s17], $0x50  }
0x26a: {  	[sflag:s17] =	ssyncset.done $0x0  }
0x26b: {  	[sflag:s17] =	ssyncadd.s32 $0xFFFFFFB0  }
0x26c: {  	_ =	swait.ge [sflag:s17], $0x50  }
0x26d: {  	[sflag:s17] =	ssyncset.done $0x0  }
0x26e: {  	[sflag:s17] =	ssyncadd.s32 $0xFFFFFFB0  }
0x26f: {  	_ =	swait.ge [sflag:s17], $0x50  }
0x270: {  	[sflag:s17] =	ssyncset.done $0x0  }
0x271: {  	[sflag:s17] =	ssyncadd.s32 $0xFFFFFFB0  }
0x272: {  	[tilespmem:s20], [sflag:$0x4] =	stream.indirect.gather [hbm4b:s1+s19], $0x80, s13, s19, $0xb8;
	[tilespmem:$0x1DE80] =	vst v63  }
0x273: {  	_ = 	snop  }
0x274: {  	[tilespmem:s22], [sflag:$0x4] =	stream.indirect.gather [hbm4b:s6+s19], $0x80, s14, s19, $0xb8;
	[tilespmem:$0x1DE80] =	vst v63  }
0x275: {  	s8 =	sadd.s32 $0x46, s8  }
0x276: {  	[tilespmem:s23], [sflag:$0x2] =	stream.linear.gather [hbm4b:s8+s3], $0x50, $0x38;
	[tilespmem:$0x1DE80] =	vst v63  }
0x277: {  	s7 =	sadd.s32 $0x46, s7  }
0x278: {  	[tilespmem:s25], [sflag:$0x2] =	stream.linear.gather [hbm4b:s7+s3], $0x50, $0x38;
	[tilespmem:$0x1DE80] =	vst v63  }
0x279: {  	s29 =	sadd.s32 $0x46, s29  }
0x27a: {  	[tilespmem:s26], [sflag:$0x2] =	stream.linear.gather [hbm4b:s29+s3], $0x50, $0x38;
	[tilespmem:$0x1DE80] =	vst v63  }
0x27b: {  	_ =	swait.ge [sflag:s21], $0x2800  }
0x27c: {  	[sflag:s21] =	ssyncset.done $0x0  }
0x27d: {  	[sflag:s21] =	ssyncadd.s32 $0xFFFFD800  }
0x27e: {  	_ =	swait.ge [sflag:s21], $0x2800  }
0x27f: {  	[sflag:s21] =	ssyncset.done $0x0  }
0x280: {  	[sflag:s21] =	ssyncadd.s32 $0xFFFFD800  }
0x281: {  	[spmem:s2] =	stream.indirect.scatter.add.f32 [tilespmem:s30], [sflag:$0x6], $0x80, s10, s19, $0xb8;
	[tilespmem:$0x1DE80] =	vst v63  }
0x282: {  	p2 =	sne.s32 s12, $0x474  }
0x283: {  	[spmem:s2] =	stream.indirect.scatter.add.f32 [tilespmem:s0], [sflag:$0x6], $0x80, s10, s19, $0xb8;
	[tilespmem:$0x1DE80] =	vst v63  }
.Ltmp3:
0x284: {  	_ = 	snop;
	(pc) =	sbr.rel @p2 .LBB2_6-.Ltmp3, $4  }
0x285: {  	_ =	swait.ge [sflag:s15], $0x2800  }
0x286: {  	[sflag:s15] =	ssyncset.done $0x0  }
0x287: {  	[sflag:s15] =	ssyncadd.s32 $0xFFFFD800  }
0x288: {  	s12 =	sadd.s32 $0x3C, s12;
	_ =	swait.ge [sflag:s15], $0x2800  }
.Ltmp4:
0x289: {  	_ = 	snop;
	(pc) =	sbr.rel .LBB2_7-.Ltmp4, $1  }
0x28a: {  	_ =	sdelay $0x3  }
.LBB2_2:
0x28b: {  	s7 =	rddreg [dreg:$0x8]  }
0x28c: {  	[tilespmem:s13], [sflag:$0x1] =	stream.linear.gather [hbm4b:s7+s3], $0x50, $0x38;
	[tilespmem:$0x1DE80] =	vst v63  }
0x28d: {  	s8 =	rddreg [dreg:$0x9]  }
0x28e: {  	[tilespmem:s14], [sflag:$0x1] =	stream.linear.gather [hbm4b:s8+s3], $0x50, $0x38;
	[tilespmem:$0x1DE80] =	vst v63  }
0x28f: {  	s29 =	rddreg [dreg:$0x12]  }
0x290: {  	[tilespmem:s16], [sflag:$0x1] =	stream.linear.gather [hbm4b:s29+s3], $0x50, $0x38;
	[tilespmem:$0x1DE80] =	vst v63  }
0x291: {  	_ =	swait.ge [sflag:s17], $0x50  }
0x292: {  	[sflag:s17] =	ssyncset.done $0x0  }
0x293: {  	[sflag:s17] =	ssyncadd.s32 $0xFFFFFFB0  }
0x294: {  	_ =	swait.ge [sflag:s17], $0x50  }
0x295: {  	[sflag:s17] =	ssyncset.done $0x0  }
0x296: {  	[sflag:s17] =	ssyncadd.s32 $0xFFFFFFB0  }
0x297: {  	_ =	swait.ge [sflag:s17], $0x50  }
0x298: {  	[sflag:s17] =	ssyncset.done $0x0  }
0x299: {  	[sflag:s17] =	ssyncadd.s32 $0xFFFFFFB0  }
0x29a: {  	[tilespmem:s20], [sflag:$0x4] =	stream.indirect.gather [hbm4b:s1+s19], $0x80, s13, s19, $0xb8;
	[tilespmem:$0x1DE80] =	vst v63  }
0x29b: {  	_ = 	snop  }
0x29c: {  	[tilespmem:s22], [sflag:$0x4] =	stream.indirect.gather [hbm4b:s6+s19], $0x80, s14, s19, $0xb8;
	[tilespmem:$0x1DE80] =	vst v63  }
0x29d: {  	s8 =	rddreg [dreg:$0xa]  }
0x29e: {  	[tilespmem:s23], [sflag:$0x2] =	stream.linear.gather [hbm4b:s8+s3], $0x50, $0x38;
	[tilespmem:$0x1DE80] =	vst v63  }
0x29f: {  	s29 =	rddreg [dreg:$0xb]  }
0x2a0: {  	[tilespmem:s25], [sflag:$0x2] =	stream.linear.gather [hbm4b:s29+s3], $0x50, $0x38;
	[tilespmem:$0x1DE80] =	vst v63  }
0x2a1: {  	s8 =	rddreg [dreg:$0x15]  }
0x2a2: {  	[tilespmem:s26], [sflag:$0x2] =	stream.linear.gather [hbm4b:s8+s3], $0x50, $0x38;
	[tilespmem:$0x1DE80] =	vst v63  }
0x2a3: {  	s8 =	sld [smem:$0x7F8];
	_ =	sdelay $0x1  }
0x2a4: {  	s7 =	simm.s32 @p1 $0x1FC7  }
0x2a5: {  	[spmem:s24], [sflag:s7] =	dma.local @p1 [hbm:s8], $0x2800  }
0x2a6: {  	s7 =	simm.s32 @p1 $0x7  }
0x2a7: {  	_ =	swait.ge @p1 [sflag:s7], $0x2800  }
0x2a8: {  	[sflag:s7] =	ssyncset.done @p1 $0x0  }
0x2a9: {  	[sflag:s7] =	ssyncadd.s32 @p1 $0xFFFFD800;
	s7 =	simm.s32 @!p1 $0x7  }
0x2aa: {  	[spmem:s11], [sflag:s12] =	dma.local @!p1 [hbm:s8], $0x2700  }
0x2ab: {  	_ =	swait.ge @!p1 [sflag:s7], $0x2700  }
0x2ac: {  	[sflag:s7] =	ssyncset.done @!p1 $0x0  }
0x2ad: {  	[sflag:s7] =	ssyncadd.s32 @!p1 $0xFFFFD900  }
0x2ae: {  	[bflag:$0x0] =	sbarrier.arrive $0xFFFF  }
0x2af: {  	_ =	swait.ge [sflag:s28], $0x50  }
0x2b0: {  	[sflag:s28] =	ssyncset.done $0x0  }
0x2b1: {  	[sflag:s28] =	ssyncadd.s32 $0xFFFFFFB0  }
0x2b2: {  	_ =	swait.ge [sflag:s28], $0x50  }
0x2b3: {  	[sflag:s28] =	ssyncset.done $0x0  }
0x2b4: {  	[sflag:s28] =	ssyncadd.s32 $0xFFFFFFB0  }
0x2b5: {  	_ =	swait.ge [sflag:s28], $0x50  }
0x2b6: {  	[sflag:s28] =	ssyncset.done $0x0  }
0x2b7: {  	s12 =	rddreg [dreg:$0x5];
	[sflag:s28] =	ssyncadd.s32 $0xFFFFFFB0  }
0x2b8: {  	[tilespmem:s30], [sflag:$0x5] =	stream.indirect.gather [hbm4b:s1+s19], $0x80, s23, s19, $0xb8;
	[tilespmem:$0x1DE80] =	vst v63  }
0x2b9: {  	s24 =	rddreg [dreg:$0x4];
	s7 =	sadd.s32 $0x0, s12  }
0x2ba: {  	[tilespmem:s0], [sflag:$0x5] =	stream.indirect.gather [hbm4b:s6+s19], $0x80, s25, s19, $0xb8;
	[tilespmem:$0x1DE80] =	vst v63  }
0x2bb: {  	s8 =	sadd.s32 $0x0, s24;
	s29 =	sadd.s32 $0x14, s7  }
0x2bc: {  	[tilespmem:s5], [sflag:$0x3] =	stream.linear.gather [hbm4b:s29+s3], $0x50, $0x38;
	[tilespmem:$0x1DE80] =	vst v63  }
0x2bd: {  	s12 =	sadd.s32 $0x0, s31;
	s29 =	sadd.s32 $0x14, s8  }
0x2be: {  	[tilespmem:s9], [sflag:$0x3] =	stream.linear.gather [hbm4b:s29+s3], $0x50, $0x38;
	[tilespmem:$0x1DE80] =	vst v63  }
0x2bf: {  	s11 =	sadd.s32 $0x14, s12  }
0x2c0: {  	[tilespmem:s10], [sflag:$0x3] =	stream.linear.gather [hbm4b:s11+s3], $0x50, $0x38;
	[tilespmem:$0x1DE80] =	vst v63  }
0x2c1: {  	_ =	swait.ge [sflag:s4], $0x2800  }
0x2c2: {  	[sflag:s4] =	ssyncset.done $0x0  }
0x2c3: {  	[sflag:s4] =	ssyncadd.s32 $0xFFFFD800  }
0x2c4: {  	_ =	swait.ge [sflag:s4], $0x2800  }
0x2c5: {  	[sflag:s4] =	ssyncset.done $0x0  }
0x2c6: {  	[sflag:s4] =	ssyncadd.s32 $0xFFFFD800  }
0x2c7: {  	[spmem:s2] =	stream.indirect.scatter.add.f32 [tilespmem:s20], [sflag:$0x6], $0x80, s16, s19, $0xb8;
	[tilespmem:$0x1DE80] =	vst v63  }
0x2c8: {  	_ = 	snop  }
0x2c9: {  	[spmem:s2] =	stream.indirect.scatter.add.f32 [tilespmem:s22], [sflag:$0x6], $0x80, s16, s19, $0xb8;
	[tilespmem:$0x1DE80] =	vst v63  }
0x2ca: {  	_ =	swait.ge [sflag:s15], $0x2800  }
0x2cb: {  	[sflag:s15] =	ssyncset.done $0x0  }
0x2cc: {  	[sflag:s15] =	ssyncadd.s32 $0xFFFFD800  }
0x2cd: {  	_ =	swait.ge [sflag:s15], $0x2800  }
0x2ce: {  	[sflag:s15] =	ssyncset.done $0x0  }
0x2cf: {  	[sflag:s15] =	ssyncadd.s32 $0xFFFFD800  }
0x2d0: {  	_ =	swait.ge [sflag:s18], $0x50  }
0x2d1: {  	[sflag:s18] =	ssyncset.done $0x0  }
0x2d2: {  	[sflag:s18] =	ssyncadd.s32 $0xFFFFFFB0  }
0x2d3: {  	_ =	swait.ge [sflag:s18], $0x50  }
0x2d4: {  	[sflag:s18] =	ssyncset.done $0x0  }
0x2d5: {  	[sflag:s18] =	ssyncadd.s32 $0xFFFFFFB0  }
0x2d6: {  	_ =	swait.ge [sflag:s18], $0x50  }
0x2d7: {  	[sflag:s18] =	ssyncset.done $0x0  }
0x2d8: {  	[sflag:s18] =	ssyncadd.s32 $0xFFFFFFB0  }
0x2d9: {  	[tilespmem:s20], [sflag:$0x4] =	stream.indirect.gather [hbm4b:s1+s19], $0x80, s5, s19, $0xb8;
	[tilespmem:$0x1DE80] =	vst v63  }
0x2da: {  	_ = 	snop  }
0x2db: {  	[tilespmem:s22], [sflag:$0x4] =	stream.indirect.gather [hbm4b:s6+s19], $0x80, s9, s19, $0xb8;
	[tilespmem:$0x1DE80] =	vst v63  }
0x2dc: {  	s24 =	sadd.s32 $0x1E, s7  }
0x2dd: {  	[tilespmem:s13], [sflag:$0x1] =	stream.linear.gather [hbm4b:s24+s3], $0x50, $0x38;
	[tilespmem:$0x1DE80] =	vst v63  }
0x2de: {  	s11 =	sadd.s32 $0x1E, s8  }
0x2df: {  	[tilespmem:s14], [sflag:$0x1] =	stream.linear.gather [hbm4b:s11+s3], $0x50, $0x38;
	[tilespmem:$0x1DE80] =	vst v63  }
0x2e0: {  	s24 =	sadd.s32 $0x1E, s12  }
0x2e1: {  	[tilespmem:s16], [sflag:$0x1] =	stream.linear.gather [hbm4b:s24+s3], $0x50, $0x38;
	[tilespmem:$0x1DE80] =	vst v63  }
0x2e2: {  	_ =	swait.ge [sflag:s21], $0x2800  }
0x2e3: {  	[sflag:s21] =	ssyncset.done $0x0  }
0x2e4: {  	[sflag:s21] =	ssyncadd.s32 $0xFFFFD800  }
0x2e5: {  	_ =	swait.ge [sflag:s21], $0x2800  }
0x2e6: {  	[sflag:s21] =	ssyncset.done $0x0  }
0x2e7: {  	[sflag:s21] =	ssyncadd.s32 $0xFFFFD800  }
0x2e8: {  	[spmem:s2] =	stream.indirect.scatter.add.f32 [tilespmem:s30], [sflag:$0x6], $0x80, s26, s19, $0xb8;
	[tilespmem:$0x1DE80] =	vst v63  }
0x2e9: {  	_ = 	snop  }
0x2ea: {  	[spmem:s2] =	stream.indirect.scatter.add.f32 [tilespmem:s0], [sflag:$0x6], $0x80, s26, s19, $0xb8;
	[tilespmem:$0x1DE80] =	vst v63  }
0x2eb: {  	_ =	swait.ge [sflag:s15], $0x2800  }
0x2ec: {  	[sflag:s15] =	ssyncset.done $0x0  }
0x2ed: {  	[sflag:s15] =	ssyncadd.s32 $0xFFFFD800  }
0x2ee: {  	_ =	swait.ge [sflag:s15], $0x2800  }
0x2ef: {  	[sflag:s15] =	ssyncset.done $0x0  }
0x2f0: {  	[sflag:s15] =	ssyncadd.s32 $0xFFFFD800  }
0x2f1: {  	_ =	swait.ge [sflag:s17], $0x50  }
0x2f2: {  	[sflag:s17] =	ssyncset.done $0x0  }
0x2f3: {  	[sflag:s17] =	ssyncadd.s32 $0xFFFFFFB0  }
0x2f4: {  	_ =	swait.ge [sflag:s17], $0x50  }
0x2f5: {  	[sflag:s17] =	ssyncset.done $0x0  }
0x2f6: {  	[sflag:s17] =	ssyncadd.s32 $0xFFFFFFB0  }
0x2f7: {  	_ =	swait.ge [sflag:s17], $0x50  }
0x2f8: {  	[sflag:s17] =	ssyncset.done $0x0  }
0x2f9: {  	[sflag:s17] =	ssyncadd.s32 $0xFFFFFFB0  }
0x2fa: {  	[tilespmem:s30], [sflag:$0x5] =	stream.indirect.gather [hbm4b:s1+s19], $0x80, s13, s19, $0xb8;
	[tilespmem:$0x1DE80] =	vst v63  }
0x2fb: {  	_ = 	snop  }
0x2fc: {  	[tilespmem:s0], [sflag:$0x5] =	stream.indirect.gather [hbm4b:s6+s19], $0x80, s14, s19, $0xb8;
	[tilespmem:$0x1DE80] =	vst v63  }
0x2fd: {  	s11 =	sadd.s32 $0x28, s7  }
0x2fe: {  	[tilespmem:s23], [sflag:$0x2] =	stream.linear.gather [hbm4b:s11+s3], $0x50, $0x38;
	[tilespmem:$0x1DE80] =	vst v63  }
0x2ff: {  	s24 =	sadd.s32 $0x28, s8  }
0x300: {  	[tilespmem:s25], [sflag:$0x2] =	stream.linear.gather [hbm4b:s24+s3], $0x50, $0x38;
	[tilespmem:$0x1DE80] =	vst v63  }
0x301: {  	s11 =	sadd.s32 $0x28, s12  }
0x302: {  	[tilespmem:s26], [sflag:$0x2] =	stream.linear.gather [hbm4b:s11+s3], $0x50, $0x38;
	[tilespmem:$0x1DE80] =	vst v63  }
0x303: {  	_ =	swait.ge [sflag:s4], $0x2800  }
0x304: {  	[sflag:s4] =	ssyncset.done $0x0  }
0x305: {  	[sflag:s4] =	ssyncadd.s32 $0xFFFFD800  }
0x306: {  	_ =	swait.ge [sflag:s4], $0x2800  }
0x307: {  	[sflag:s4] =	ssyncset.done $0x0  }
0x308: {  	[sflag:s4] =	ssyncadd.s32 $0xFFFFD800  }
0x309: {  	[spmem:s2] =	stream.indirect.scatter.add.f32 [tilespmem:s20], [sflag:$0x6], $0x80, s10, s19, $0xb8;
	[tilespmem:$0x1DE80] =	vst v63  }
0x30a: {  	_ = 	snop  }
0x30b: {  	[spmem:s2] =	stream.indirect.scatter.add.f32 [tilespmem:s22], [sflag:$0x6], $0x80, s10, s19, $0xb8;
	[tilespmem:$0x1DE80] =	vst v63  }
0x30c: {  	_ =	swait.ge [sflag:s15], $0x2800  }
0x30d: {  	[sflag:s15] =	ssyncset.done $0x0  }
0x30e: {  	[sflag:s15] =	ssyncadd.s32 $0xFFFFD800  }
0x30f: {  	_ =	swait.ge [sflag:s15], $0x2800  }
0x310: {  	[sflag:s15] =	ssyncset.done $0x0  }
0x311: {  	[sflag:s15] =	ssyncadd.s32 $0xFFFFD800  }
0x312: {  	_ =	swait.ge [sflag:s28], $0x50  }
0x313: {  	[sflag:s28] =	ssyncset.done $0x0  }
0x314: {  	[sflag:s28] =	ssyncadd.s32 $0xFFFFFFB0  }
0x315: {  	_ =	swait.ge [sflag:s28], $0x50  }
0x316: {  	[sflag:s28] =	ssyncset.done $0x0  }
0x317: {  	[sflag:s28] =	ssyncadd.s32 $0xFFFFFFB0  }
0x318: {  	_ =	swait.ge [sflag:s28], $0x50  }
0x319: {  	[sflag:s28] =	ssyncset.done $0x0  }
0x31a: {  	[sflag:s28] =	ssyncadd.s32 $0xFFFFFFB0  }
0x31b: {  	[tilespmem:s20], [sflag:$0x4] =	stream.indirect.gather [hbm4b:s1+s19], $0x80, s23, s19, $0xb8;
	[tilespmem:$0x1DE80] =	vst v63  }
0x31c: {  	_ = 	snop  }
0x31d: {  	[tilespmem:s22], [sflag:$0x4] =	stream.indirect.gather [hbm4b:s6+s19], $0x80, s25, s19, $0xb8;
	[tilespmem:$0x1DE80] =	vst v63  }
0x31e: {  	s24 =	sadd.s32 $0x32, s7  }
0x31f: {  	[tilespmem:s5], [sflag:$0x3] =	stream.linear.gather [hbm4b:s24+s3], $0x50, $0x38;
	[tilespmem:$0x1DE80] =	vst v63  }
0x320: {  	s11 =	sadd.s32 $0x32, s8  }
0x321: {  	[tilespmem:s9], [sflag:$0x3] =	stream.linear.gather [hbm4b:s11+s3], $0x50, $0x38;
	[tilespmem:$0x1DE80] =	vst v63  }
0x322: {  	s24 =	sadd.s32 $0x32, s12  }
0x323: {  	[tilespmem:s10], [sflag:$0x3] =	stream.linear.gather [hbm4b:s24+s3], $0x50, $0x38;
	[tilespmem:$0x1DE80] =	vst v63  }
0x324: {  	_ =	swait.ge [sflag:s21], $0x2800  }
0x325: {  	[sflag:s21] =	ssyncset.done $0x0  }
0x326: {  	[sflag:s21] =	ssyncadd.s32 $0xFFFFD800  }
0x327: {  	_ =	swait.ge [sflag:s21], $0x2800  }
0x328: {  	[sflag:s21] =	ssyncset.done $0x0  }
0x329: {  	[sflag:s21] =	ssyncadd.s32 $0xFFFFD800  }
0x32a: {  	[spmem:s2] =	stream.indirect.scatter.add.f32 [tilespmem:s30], [sflag:$0x6], $0x80, s16, s19, $0xb8;
	[tilespmem:$0x1DE80] =	vst v63  }
0x32b: {  	_ = 	snop  }
0x32c: {  	[spmem:s2] =	stream.indirect.scatter.add.f32 [tilespmem:s0], [sflag:$0x6], $0x80, s16, s19, $0xb8;
	[tilespmem:$0x1DE80] =	vst v63  }
0x32d: {  	_ =	swait.ge [sflag:s15], $0x2800  }
0x32e: {  	[sflag:s15] =	ssyncset.done $0x0  }
0x32f: {  	[sflag:s15] =	ssyncadd.s32 $0xFFFFD800  }
0x330: {  	_ =	swait.ge [sflag:s15], $0x2800  }
0x331: {  	[sflag:s15] =	ssyncset.done $0x0  }
0x332: {  	[sflag:s15] =	ssyncadd.s32 $0xFFFFD800  }
0x333: {  	_ =	swait.ge [sflag:s18], $0x50  }
0x334: {  	[sflag:s18] =	ssyncset.done $0x0  }
0x335: {  	[sflag:s18] =	ssyncadd.s32 $0xFFFFFFB0  }
0x336: {  	_ =	swait.ge [sflag:s18], $0x50  }
0x337: {  	[sflag:s18] =	ssyncset.done $0x0  }
0x338: {  	[sflag:s18] =	ssyncadd.s32 $0xFFFFFFB0  }
0x339: {  	_ =	swait.ge [sflag:s18], $0x50  }
0x33a: {  	[sflag:s18] =	ssyncset.done $0x0  }
0x33b: {  	[sflag:s18] =	ssyncadd.s32 $0xFFFFFFB0  }
0x33c: {  	[tilespmem:s30], [sflag:$0x5] =	stream.indirect.gather [hbm4b:s1+s19], $0x80, s5, s19, $0xb8;
	[tilespmem:$0x1DE80] =	vst v63  }
0x33d: {  	_ = 	snop  }
0x33e: {  	[tilespmem:s0], [sflag:$0x5] =	stream.indirect.gather [hbm4b:s6+s19], $0x80, s9, s19, $0xb8;
	[tilespmem:$0x1DE80] =	vst v63  }
0x33f: {  	s11 =	sadd.s32 $0x3C, s7  }
0x340: {  	[tilespmem:s13], [sflag:$0x1] =	stream.linear.gather [hbm4b:s11+s3], $0x50, $0x38;
	[tilespmem:$0x1DE80] =	vst v63  }
0x341: {  	s24 =	sadd.s32 $0x3C, s8  }
0x342: {  	[tilespmem:s14], [sflag:$0x1] =	stream.linear.gather [hbm4b:s24+s3], $0x50, $0x38;
	[tilespmem:$0x1DE80] =	vst v63  }
0x343: {  	s11 =	sadd.s32 $0x3C, s12  }
0x344: {  	[tilespmem:s16], [sflag:$0x1] =	stream.linear.gather [hbm4b:s11+s3], $0x50, $0x38;
	[tilespmem:$0x1DE80] =	vst v63  }
0x345: {  	_ =	swait.ge [sflag:s4], $0x2800  }
0x346: {  	[sflag:s4] =	ssyncset.done $0x0  }
0x347: {  	[sflag:s4] =	ssyncadd.s32 $0xFFFFD800  }
0x348: {  	_ =	swait.ge [sflag:s4], $0x2800  }
0x349: {  	[sflag:s4] =	ssyncset.done $0x0  }
0x34a: {  	[sflag:s4] =	ssyncadd.s32 $0xFFFFD800  }
0x34b: {  	[spmem:s2] =	stream.indirect.scatter.add.f32 [tilespmem:s20], [sflag:$0x6], $0x80, s26, s19, $0xb8;
	[tilespmem:$0x1DE80] =	vst v63  }
0x34c: {  	_ = 	snop  }
0x34d: {  	[spmem:s2] =	stream.indirect.scatter.add.f32 [tilespmem:s22], [sflag:$0x6], $0x80, s26, s19, $0xb8;
	[tilespmem:$0x1DE80] =	vst v63  }
0x34e: {  	_ =	swait.ge [sflag:s15], $0x2800  }
0x34f: {  	[sflag:s15] =	ssyncset.done $0x0  }
0x350: {  	[sflag:s15] =	ssyncadd.s32 $0xFFFFD800  }
0x351: {  	_ =	swait.ge [sflag:s15], $0x2800  }
0x352: {  	[sflag:s15] =	ssyncset.done $0x0  }
0x353: {  	[sflag:s15] =	ssyncadd.s32 $0xFFFFD800  }
0x354: {  	_ =	swait.ge [sflag:s17], $0x50  }
0x355: {  	[sflag:s17] =	ssyncset.done $0x0  }
0x356: {  	[sflag:s17] =	ssyncadd.s32 $0xFFFFFFB0  }
0x357: {  	_ =	swait.ge [sflag:s17], $0x50  }
0x358: {  	[sflag:s17] =	ssyncset.done $0x0  }
0x359: {  	[sflag:s17] =	ssyncadd.s32 $0xFFFFFFB0  }
0x35a: {  	_ =	swait.ge [sflag:s17], $0x50  }
0x35b: {  	[sflag:s17] =	ssyncset.done $0x0  }
0x35c: {  	[sflag:s17] =	ssyncadd.s32 $0xFFFFFFB0  }
0x35d: {  	[tilespmem:s20], [sflag:$0x4] =	stream.indirect.gather [hbm4b:s1+s19], $0x80, s13, s19, $0xb8;
	[tilespmem:$0x1DE80] =	vst v63  }
0x35e: {  	_ = 	snop  }
0x35f: {  	[tilespmem:s22], [sflag:$0x4] =	stream.indirect.gather [hbm4b:s6+s19], $0x80, s14, s19, $0xb8;
	[tilespmem:$0x1DE80] =	vst v63  }
0x360: {  	s7 =	sadd.s32 $0x46, s7  }
0x361: {  	[tilespmem:s23], [sflag:$0x2] =	stream.linear.gather [hbm4b:s7+s3], $0x50, $0x38;
	[tilespmem:$0x1DE80] =	vst v63  }
0x362: {  	s24 =	sadd.s32 $0x46, s8  }
0x363: {  	[tilespmem:s25], [sflag:$0x2] =	stream.linear.gather [hbm4b:s24+s3], $0x50, $0x38;
	[tilespmem:$0x1DE80] =	vst v63  }
0x364: {  	s29 =	sadd.s32 $0x46, s12  }
0x365: {  	[tilespmem:s26], [sflag:$0x2] =	stream.linear.gather [hbm4b:s29+s3], $0x50, $0x38;
	[tilespmem:$0x1DE80] =	vst v63  }
0x366: {  	_ =	swait.ge [sflag:s21], $0x2800  }
0x367: {  	[sflag:s21] =	ssyncset.done $0x0  }
0x368: {  	[sflag:s21] =	ssyncadd.s32 $0xFFFFD800  }
0x369: {  	_ =	swait.ge [sflag:s21], $0x2800  }
0x36a: {  	[sflag:s21] =	ssyncset.done $0x0  }
0x36b: {  	[sflag:s21] =	ssyncadd.s32 $0xFFFFD800  }
0x36c: {  	[spmem:s2] =	stream.indirect.scatter.add.f32 [tilespmem:s30], [sflag:$0x6], $0x80, s10, s19, $0xb8;
	[tilespmem:$0x1DE80] =	vst v63  }
0x36d: {  	_ = 	snop  }
0x36e: {  	[spmem:s2] =	stream.indirect.scatter.add.f32 [tilespmem:s0], [sflag:$0x6], $0x80, s10, s19, $0xb8;
	[tilespmem:$0x1DE80] =	vst v63  }
0x36f: {  	_ =	swait.ge [sflag:s15], $0x2800  }
0x370: {  	[sflag:s15] =	ssyncset.done $0x0  }
0x371: {  	[sflag:s15] =	ssyncadd.s32 $0xFFFFD800  }
0x372: {  	s12 =	simm.s32 $0x3C;
	_ =	swait.ge [sflag:s15], $0x2800  }
.LBB2_3:
0x373: {  	[sflag:s15] =	ssyncset.done $0x0  }
0x374: {  	[sflag:s15] =	ssyncadd.s32 $0xFFFFD800  }
0x375: {  	_ =	swait.ge [sflag:s28], $0x50  }
0x376: {  	[sflag:s28] =	ssyncset.done $0x0  }
0x377: {  	[sflag:s28] =	ssyncadd.s32 $0xFFFFFFB0  }
0x378: {  	_ =	swait.ge [sflag:s28], $0x50  }
0x379: {  	[sflag:s28] =	ssyncset.done $0x0  }
0x37a: {  	[sflag:s28] =	ssyncadd.s32 $0xFFFFFFB0  }
0x37b: {  	_ =	swait.ge [sflag:s28], $0x50  }
0x37c: {  	[sflag:s28] =	ssyncset.done $0x0  }
0x37d: {  	s8 =	smov.u32 s12;
	s7 =	rddreg [dreg:$0x5];
	[sflag:s28] =	ssyncadd.s32 $0xFFFFFFB0  }
0x37e: {  	[tilespmem:s30], [sflag:$0x5] =	stream.indirect.gather [hbm4b:s1+s19], $0x80, s23, s19, $0xb8;
	[tilespmem:$0x1DE80] =	vst v63  }
0x37f: {  	s11 =	rddreg [dreg:$0x4];
	s29 =	sadd.s32 s8, s7  }
0x380: {  	[tilespmem:s0], [sflag:$0x5] =	stream.indirect.gather [hbm4b:s6+s19], $0x80, s25, s19, $0xb8;
	[tilespmem:$0x1DE80] =	vst v63  }
0x381: {  	s7 =	sadd.s32 s8, s11;
	s24 =	sadd.s32 $0x14, s29  }
0x382: {  	[tilespmem:s5], [sflag:$0x3] =	stream.linear.gather [hbm4b:s24+s3], $0x50, $0x38;
	[tilespmem:$0x1DE80] =	vst v63  }
0x383: {  	s8 =	sadd.s32 s8, s31;
	s11 =	sadd.s32 $0x14, s7  }
0x384: {  	[tilespmem:s9], [sflag:$0x3] =	stream.linear.gather [hbm4b:s11+s3], $0x50, $0x38;
	[tilespmem:$0x1DE80] =	vst v63  }
0x385: {  	s24 =	sadd.s32 $0x14, s8  }
0x386: {  	[tilespmem:s10], [sflag:$0x3] =	stream.linear.gather [hbm4b:s24+s3], $0x50, $0x38;
	[tilespmem:$0x1DE80] =	vst v63  }
0x387: {  	_ =	swait.ge [sflag:s4], $0x2800  }
0x388: {  	[sflag:s4] =	ssyncset.done $0x0  }
0x389: {  	[sflag:s4] =	ssyncadd.s32 $0xFFFFD800  }
0x38a: {  	_ =	swait.ge [sflag:s4], $0x2800  }
0x38b: {  	[sflag:s4] =	ssyncset.done $0x0  }
0x38c: {  	[sflag:s4] =	ssyncadd.s32 $0xFFFFD800  }
0x38d: {  	[spmem:s2] =	stream.indirect.scatter.add.f32 [tilespmem:s20], [sflag:$0x6], $0x80, s16, s19, $0xb8;
	[tilespmem:$0x1DE80] =	vst v63  }
0x38e: {  	_ = 	snop  }
0x38f: {  	[spmem:s2] =	stream.indirect.scatter.add.f32 [tilespmem:s22], [sflag:$0x6], $0x80, s16, s19, $0xb8;
	[tilespmem:$0x1DE80] =	vst v63  }
0x390: {  	_ =	swait.ge [sflag:s15], $0x2800  }
0x391: {  	[sflag:s15] =	ssyncset.done $0x0  }
0x392: {  	[sflag:s15] =	ssyncadd.s32 $0xFFFFD800  }
0x393: {  	_ =	swait.ge [sflag:s15], $0x2800  }
0x394: {  	[sflag:s15] =	ssyncset.done $0x0  }
0x395: {  	[sflag:s15] =	ssyncadd.s32 $0xFFFFD800  }
0x396: {  	_ =	swait.ge [sflag:s18], $0x50  }
0x397: {  	[sflag:s18] =	ssyncset.done $0x0  }
0x398: {  	[sflag:s18] =	ssyncadd.s32 $0xFFFFFFB0  }
0x399: {  	_ =	swait.ge [sflag:s18], $0x50  }
0x39a: {  	[sflag:s18] =	ssyncset.done $0x0  }
0x39b: {  	[sflag:s18] =	ssyncadd.s32 $0xFFFFFFB0  }
0x39c: {  	_ =	swait.ge [sflag:s18], $0x50  }
0x39d: {  	[sflag:s18] =	ssyncset.done $0x0  }
0x39e: {  	[sflag:s18] =	ssyncadd.s32 $0xFFFFFFB0  }
0x39f: {  	[tilespmem:s20], [sflag:$0x4] =	stream.indirect.gather [hbm4b:s1+s19], $0x80, s5, s19, $0xb8;
	[tilespmem:$0x1DE80] =	vst v63  }
0x3a0: {  	_ = 	snop  }
0x3a1: {  	[tilespmem:s22], [sflag:$0x4] =	stream.indirect.gather [hbm4b:s6+s19], $0x80, s9, s19, $0xb8;
	[tilespmem:$0x1DE80] =	vst v63  }
0x3a2: {  	s11 =	sadd.s32 $0x1E, s29  }
0x3a3: {  	[tilespmem:s13], [sflag:$0x1] =	stream.linear.gather [hbm4b:s11+s3], $0x50, $0x38;
	[tilespmem:$0x1DE80] =	vst v63  }
0x3a4: {  	s24 =	sadd.s32 $0x1E, s7  }
0x3a5: {  	[tilespmem:s14], [sflag:$0x1] =	stream.linear.gather [hbm4b:s24+s3], $0x50, $0x38;
	[tilespmem:$0x1DE80] =	vst v63  }
0x3a6: {  	s11 =	sadd.s32 $0x1E, s8  }
0x3a7: {  	[tilespmem:s16], [sflag:$0x1] =	stream.linear.gather [hbm4b:s11+s3], $0x50, $0x38;
	[tilespmem:$0x1DE80] =	vst v63  }
0x3a8: {  	_ =	swait.ge [sflag:s21], $0x2800  }
0x3a9: {  	[sflag:s21] =	ssyncset.done $0x0  }
0x3aa: {  	[sflag:s21] =	ssyncadd.s32 $0xFFFFD800  }
0x3ab: {  	_ =	swait.ge [sflag:s21], $0x2800  }
0x3ac: {  	[sflag:s21] =	ssyncset.done $0x0  }
0x3ad: {  	[sflag:s21] =	ssyncadd.s32 $0xFFFFD800  }
0x3ae: {  	[spmem:s2] =	stream.indirect.scatter.add.f32 [tilespmem:s30], [sflag:$0x6], $0x80, s26, s19, $0xb8;
	[tilespmem:$0x1DE80] =	vst v63  }
0x3af: {  	_ = 	snop  }
0x3b0: {  	[spmem:s2] =	stream.indirect.scatter.add.f32 [tilespmem:s0], [sflag:$0x6], $0x80, s26, s19, $0xb8;
	[tilespmem:$0x1DE80] =	vst v63  }
0x3b1: {  	_ =	swait.ge [sflag:s15], $0x2800  }
0x3b2: {  	[sflag:s15] =	ssyncset.done $0x0  }
0x3b3: {  	[sflag:s15] =	ssyncadd.s32 $0xFFFFD800  }
0x3b4: {  	_ =	swait.ge [sflag:s15], $0x2800  }
0x3b5: {  	[sflag:s15] =	ssyncset.done $0x0  }
0x3b6: {  	[sflag:s15] =	ssyncadd.s32 $0xFFFFD800  }
0x3b7: {  	_ =	swait.ge [sflag:s17], $0x50  }
0x3b8: {  	[sflag:s17] =	ssyncset.done $0x0  }
0x3b9: {  	[sflag:s17] =	ssyncadd.s32 $0xFFFFFFB0  }
0x3ba: {  	_ =	swait.ge [sflag:s17], $0x50  }
0x3bb: {  	[sflag:s17] =	ssyncset.done $0x0  }
0x3bc: {  	[sflag:s17] =	ssyncadd.s32 $0xFFFFFFB0  }
0x3bd: {  	_ =	swait.ge [sflag:s17], $0x50  }
0x3be: {  	[sflag:s17] =	ssyncset.done $0x0  }
0x3bf: {  	[sflag:s17] =	ssyncadd.s32 $0xFFFFFFB0  }
0x3c0: {  	[tilespmem:s30], [sflag:$0x5] =	stream.indirect.gather [hbm4b:s1+s19], $0x80, s13, s19, $0xb8;
	[tilespmem:$0x1DE80] =	vst v63  }
0x3c1: {  	_ = 	snop  }
0x3c2: {  	[tilespmem:s0], [sflag:$0x5] =	stream.indirect.gather [hbm4b:s6+s19], $0x80, s14, s19, $0xb8;
	[tilespmem:$0x1DE80] =	vst v63  }
0x3c3: {  	s11 =	sadd.s32 $0x28, s29  }
0x3c4: {  	[tilespmem:s23], [sflag:$0x2] =	stream.linear.gather [hbm4b:s11+s3], $0x50, $0x38;
	[tilespmem:$0x1DE80] =	vst v63  }
0x3c5: {  	s24 =	sadd.s32 $0x28, s7  }
0x3c6: {  	[tilespmem:s25], [sflag:$0x2] =	stream.linear.gather [hbm4b:s24+s3], $0x50, $0x38;
	[tilespmem:$0x1DE80] =	vst v63  }
0x3c7: {  	s11 =	sadd.s32 $0x28, s8  }
0x3c8: {  	[tilespmem:s26], [sflag:$0x2] =	stream.linear.gather [hbm4b:s11+s3], $0x50, $0x38;
	[tilespmem:$0x1DE80] =	vst v63  }
0x3c9: {  	_ =	swait.ge [sflag:s4], $0x2800  }
0x3ca: {  	[sflag:s4] =	ssyncset.done $0x0  }
0x3cb: {  	[sflag:s4] =	ssyncadd.s32 $0xFFFFD800  }
0x3cc: {  	_ =	swait.ge [sflag:s4], $0x2800  }
0x3cd: {  	[sflag:s4] =	ssyncset.done $0x0  }
0x3ce: {  	[sflag:s4] =	ssyncadd.s32 $0xFFFFD800  }
0x3cf: {  	[spmem:s2] =	stream.indirect.scatter.add.f32 [tilespmem:s20], [sflag:$0x6], $0x80, s10, s19, $0xb8;
	[tilespmem:$0x1DE80] =	vst v63  }
0x3d0: {  	_ = 	snop  }
0x3d1: {  	[spmem:s2] =	stream.indirect.scatter.add.f32 [tilespmem:s22], [sflag:$0x6], $0x80, s10, s19, $0xb8;
	[tilespmem:$0x1DE80] =	vst v63  }
0x3d2: {  	_ =	swait.ge [sflag:s15], $0x2800  }
0x3d3: {  	[sflag:s15] =	ssyncset.done $0x0  }
0x3d4: {  	[sflag:s15] =	ssyncadd.s32 $0xFFFFD800  }
0x3d5: {  	_ =	swait.ge [sflag:s15], $0x2800  }
0x3d6: {  	[sflag:s15] =	ssyncset.done $0x0  }
0x3d7: {  	[sflag:s15] =	ssyncadd.s32 $0xFFFFD800  }
0x3d8: {  	_ =	swait.ge [sflag:s28], $0x50  }
0x3d9: {  	[sflag:s28] =	ssyncset.done $0x0  }
0x3da: {  	[sflag:s28] =	ssyncadd.s32 $0xFFFFFFB0  }
0x3db: {  	_ =	swait.ge [sflag:s28], $0x50  }
0x3dc: {  	[sflag:s28] =	ssyncset.done $0x0  }
0x3dd: {  	[sflag:s28] =	ssyncadd.s32 $0xFFFFFFB0  }
0x3de: {  	_ =	swait.ge [sflag:s28], $0x50  }
0x3df: {  	[sflag:s28] =	ssyncset.done $0x0  }
0x3e0: {  	[sflag:s28] =	ssyncadd.s32 $0xFFFFFFB0  }
0x3e1: {  	[tilespmem:s20], [sflag:$0x4] =	stream.indirect.gather [hbm4b:s1+s19], $0x80, s23, s19, $0xb8;
	[tilespmem:$0x1DE80] =	vst v63  }
0x3e2: {  	_ = 	snop  }
0x3e3: {  	[tilespmem:s22], [sflag:$0x4] =	stream.indirect.gather [hbm4b:s6+s19], $0x80, s25, s19, $0xb8;
	[tilespmem:$0x1DE80] =	vst v63  }
0x3e4: {  	s11 =	sadd.s32 $0x32, s29  }
0x3e5: {  	[tilespmem:s5], [sflag:$0x3] =	stream.linear.gather [hbm4b:s11+s3], $0x50, $0x38;
	[tilespmem:$0x1DE80] =	vst v63  }
0x3e6: {  	s24 =	sadd.s32 $0x32, s7  }
0x3e7: {  	[tilespmem:s9], [sflag:$0x3] =	stream.linear.gather [hbm4b:s24+s3], $0x50, $0x38;
	[tilespmem:$0x1DE80] =	vst v63  }
0x3e8: {  	s11 =	sadd.s32 $0x32, s8  }
0x3e9: {  	[tilespmem:s10], [sflag:$0x3] =	stream.linear.gather [hbm4b:s11+s3], $0x50, $0x38;
	[tilespmem:$0x1DE80] =	vst v63  }
0x3ea: {  	_ =	swait.ge [sflag:s21], $0x2800  }
0x3eb: {  	[sflag:s21] =	ssyncset.done $0x0  }
0x3ec: {  	[sflag:s21] =	ssyncadd.s32 $0xFFFFD800  }
0x3ed: {  	_ =	swait.ge [sflag:s21], $0x2800  }
0x3ee: {  	[sflag:s21] =	ssyncset.done $0x0  }
0x3ef: {  	[sflag:s21] =	ssyncadd.s32 $0xFFFFD800  }
0x3f0: {  	[spmem:s2] =	stream.indirect.scatter.add.f32 [tilespmem:s30], [sflag:$0x6], $0x80, s16, s19, $0xb8;
	[tilespmem:$0x1DE80] =	vst v63  }
0x3f1: {  	_ = 	snop  }
0x3f2: {  	[spmem:s2] =	stream.indirect.scatter.add.f32 [tilespmem:s0], [sflag:$0x6], $0x80, s16, s19, $0xb8;
	[tilespmem:$0x1DE80] =	vst v63  }
0x3f3: {  	_ =	swait.ge [sflag:s15], $0x2800  }
0x3f4: {  	[sflag:s15] =	ssyncset.done $0x0  }
0x3f5: {  	[sflag:s15] =	ssyncadd.s32 $0xFFFFD800  }
0x3f6: {  	_ =	swait.ge [sflag:s15], $0x2800  }
0x3f7: {  	[sflag:s15] =	ssyncset.done $0x0  }
0x3f8: {  	[sflag:s15] =	ssyncadd.s32 $0xFFFFD800  }
0x3f9: {  	_ =	swait.ge [sflag:s18], $0x50  }
0x3fa: {  	[sflag:s18] =	ssyncset.done $0x0  }
0x3fb: {  	[sflag:s18] =	ssyncadd.s32 $0xFFFFFFB0  }
0x3fc: {  	_ =	swait.ge [sflag:s18], $0x50  }
0x3fd: {  	[sflag:s18] =	ssyncset.done $0x0  }
0x3fe: {  	[sflag:s18] =	ssyncadd.s32 $0xFFFFFFB0  }
0x3ff: {  	_ =	swait.ge [sflag:s18], $0x50  }
0x400: {  	[sflag:s18] =	ssyncset.done $0x0  }
0x401: {  	[sflag:s18] =	ssyncadd.s32 $0xFFFFFFB0  }
0x402: {  	[tilespmem:s30], [sflag:$0x5] =	stream.indirect.gather [hbm4b:s1+s19], $0x80, s5, s19, $0xb8;
	[tilespmem:$0x1DE80] =	vst v63  }
0x403: {  	_ = 	snop  }
0x404: {  	[tilespmem:s0], [sflag:$0x5] =	stream.indirect.gather [hbm4b:s6+s19], $0x80, s9, s19, $0xb8;
	[tilespmem:$0x1DE80] =	vst v63  }
0x405: {  	s11 =	sadd.s32 $0x3C, s29  }
0x406: {  	[tilespmem:s13], [sflag:$0x1] =	stream.linear.gather [hbm4b:s11+s3], $0x50, $0x38;
	[tilespmem:$0x1DE80] =	vst v63  }
0x407: {  	s24 =	sadd.s32 $0x3C, s7  }
0x408: {  	[tilespmem:s14], [sflag:$0x1] =	stream.linear.gather [hbm4b:s24+s3], $0x50, $0x38;
	[tilespmem:$0x1DE80] =	vst v63  }
0x409: {  	s11 =	sadd.s32 $0x3C, s8  }
0x40a: {  	[tilespmem:s16], [sflag:$0x1] =	stream.linear.gather [hbm4b:s11+s3], $0x50, $0x38;
	[tilespmem:$0x1DE80] =	vst v63  }
0x40b: {  	_ =	swait.ge [sflag:s4], $0x2800  }
0x40c: {  	[sflag:s4] =	ssyncset.done $0x0  }
0x40d: {  	[sflag:s4] =	ssyncadd.s32 $0xFFFFD800  }
0x40e: {  	_ =	swait.ge [sflag:s4], $0x2800  }
0x40f: {  	[sflag:s4] =	ssyncset.done $0x0  }
0x410: {  	[sflag:s4] =	ssyncadd.s32 $0xFFFFD800  }
0x411: {  	[spmem:s2] =	stream.indirect.scatter.add.f32 [tilespmem:s20], [sflag:$0x6], $0x80, s26, s19, $0xb8;
	[tilespmem:$0x1DE80] =	vst v63  }
0x412: {  	_ = 	snop  }
0x413: {  	[spmem:s2] =	stream.indirect.scatter.add.f32 [tilespmem:s22], [sflag:$0x6], $0x80, s26, s19, $0xb8;
	[tilespmem:$0x1DE80] =	vst v63  }
0x414: {  	_ =	swait.ge [sflag:s15], $0x2800  }
0x415: {  	[sflag:s15] =	ssyncset.done $0x0  }
0x416: {  	[sflag:s15] =	ssyncadd.s32 $0xFFFFD800  }
0x417: {  	_ =	swait.ge [sflag:s15], $0x2800  }
0x418: {  	[sflag:s15] =	ssyncset.done $0x0  }
0x419: {  	[sflag:s15] =	ssyncadd.s32 $0xFFFFD800  }
0x41a: {  	_ =	swait.ge [sflag:s17], $0x50  }
0x41b: {  	[sflag:s17] =	ssyncset.done $0x0  }
0x41c: {  	[sflag:s17] =	ssyncadd.s32 $0xFFFFFFB0  }
0x41d: {  	_ =	swait.ge [sflag:s17], $0x50  }
0x41e: {  	[sflag:s17] =	ssyncset.done $0x0  }
0x41f: {  	[sflag:s17] =	ssyncadd.s32 $0xFFFFFFB0  }
0x420: {  	_ =	swait.ge [sflag:s17], $0x50  }
0x421: {  	[sflag:s17] =	ssyncset.done $0x0  }
0x422: {  	[sflag:s17] =	ssyncadd.s32 $0xFFFFFFB0  }
0x423: {  	[tilespmem:s20], [sflag:$0x4] =	stream.indirect.gather [hbm4b:s1+s19], $0x80, s13, s19, $0xb8;
	[tilespmem:$0x1DE80] =	vst v63  }
0x424: {  	_ = 	snop  }
0x425: {  	[tilespmem:s22], [sflag:$0x4] =	stream.indirect.gather [hbm4b:s6+s19], $0x80, s14, s19, $0xb8;
	[tilespmem:$0x1DE80] =	vst v63  }
0x426: {  	s29 =	sadd.s32 $0x46, s29  }
0x427: {  	[tilespmem:s23], [sflag:$0x2] =	stream.linear.gather [hbm4b:s29+s3], $0x50, $0x38;
	[tilespmem:$0x1DE80] =	vst v63  }
0x428: {  	s7 =	sadd.s32 $0x46, s7  }
0x429: {  	[tilespmem:s25], [sflag:$0x2] =	stream.linear.gather [hbm4b:s7+s3], $0x50, $0x38;
	[tilespmem:$0x1DE80] =	vst v63  }
0x42a: {  	s8 =	sadd.s32 $0x46, s8  }
0x42b: {  	[tilespmem:s26], [sflag:$0x2] =	stream.linear.gather [hbm4b:s8+s3], $0x50, $0x38;
	[tilespmem:$0x1DE80] =	vst v63  }
0x42c: {  	_ =	swait.ge [sflag:s21], $0x2800  }
0x42d: {  	[sflag:s21] =	ssyncset.done $0x0  }
0x42e: {  	[sflag:s21] =	ssyncadd.s32 $0xFFFFD800  }
0x42f: {  	_ =	swait.ge [sflag:s21], $0x2800  }
0x430: {  	[sflag:s21] =	ssyncset.done $0x0  }
0x431: {  	[sflag:s21] =	ssyncadd.s32 $0xFFFFD800  }
0x432: {  	[spmem:s2] =	stream.indirect.scatter.add.f32 [tilespmem:s30], [sflag:$0x6], $0x80, s10, s19, $0xb8;
	[tilespmem:$0x1DE80] =	vst v63  }
0x433: {  	p2 =	sne.s32 s12, $0x474  }
0x434: {  	[spmem:s2] =	stream.indirect.scatter.add.f32 [tilespmem:s0], [sflag:$0x6], $0x80, s10, s19, $0xb8;
	[tilespmem:$0x1DE80] =	vst v63  }
.Ltmp5:
0x435: {  	_ = 	snop;
	(pc) =	sbr.rel @p2 .LBB2_3-.Ltmp5, $4  }
0x436: {  	_ =	swait.ge [sflag:s15], $0x2800  }
0x437: {  	[sflag:s15] =	ssyncset.done $0x0  }
0x438: {  	[sflag:s15] =	ssyncadd.s32 $0xFFFFD800  }
0x439: {  	s12 =	sadd.s32 $0x3C, s12;
	_ =	swait.ge [sflag:s15], $0x2800  }
0x43a: {  	[sflag:s15] =	ssyncset.done $0x0  }
0x43b: {  	[sflag:s15] =	ssyncadd.s32 $0xFFFFD800  }
0x43c: {  	_ =	swait.ge [sflag:s28], $0x50  }
0x43d: {  	[sflag:s28] =	ssyncset.done $0x0  }
0x43e: {  	[sflag:s28] =	ssyncadd.s32 $0xFFFFFFB0  }
0x43f: {  	_ =	swait.ge [sflag:s28], $0x50  }
0x440: {  	[sflag:s28] =	ssyncset.done $0x0  }
0x441: {  	[sflag:s28] =	ssyncadd.s32 $0xFFFFFFB0  }
0x442: {  	_ =	swait.ge [sflag:s28], $0x50  }
0x443: {  	[sflag:s28] =	ssyncset.done $0x0  }
0x444: {  	[sflag:s28] =	ssyncadd.s32 $0xFFFFFFB0  }
0x445: {  	[tilespmem:s30], [sflag:$0x5] =	stream.indirect.gather [hbm4b:s1+s19], $0x80, s23, s19, $0xb8;
	[tilespmem:$0x1DE80] =	vst v63  }
0x446: {  	_ = 	snop  }
0x447: {  	[tilespmem:s0], [sflag:$0x5] =	stream.indirect.gather [hbm4b:s6+s19], $0x80, s25, s19, $0xb8;
	[tilespmem:$0x1DE80] =	vst v63  }
0x448: {  	s7 =	rddreg [dreg:$0xc]  }
0x449: {  	[tilespmem:s5], [sflag:$0x3] =	stream.linear.gather [hbm4b:s7+s3], $0x50, $0x38;
	[tilespmem:$0x1DE80] =	vst v63  }
0x44a: {  	s12 =	rddreg [dreg:$0xd]  }
0x44b: {  	[tilespmem:s9], [sflag:$0x3] =	stream.linear.gather [hbm4b:s12+s3], $0x50, $0x38;
	[tilespmem:$0x1DE80] =	vst v63  }
0x44c: {  	s24 =	rddreg [dreg:$0x18]  }
0x44d: {  	[tilespmem:s10], [sflag:$0x3] =	stream.linear.gather [hbm4b:s24+s3], $0x50, $0x38;
	[tilespmem:$0x1DE80] =	vst v63  }
0x44e: {  	_ =	swait.ge [sflag:s4], $0x2800  }
0x44f: {  	[sflag:s4] =	ssyncset.done $0x0  }
0x450: {  	[sflag:s4] =	ssyncadd.s32 $0xFFFFD800  }
0x451: {  	_ =	swait.ge [sflag:s4], $0x2800  }
0x452: {  	[sflag:s4] =	ssyncset.done $0x0  }
0x453: {  	[sflag:s4] =	ssyncadd.s32 $0xFFFFD800  }
0x454: {  	[spmem:s2] =	stream.indirect.scatter.add.f32 [tilespmem:s20], [sflag:$0x6], $0x80, s16, s19, $0xb8;
	[tilespmem:$0x1DE80] =	vst v63  }
0x455: {  	_ = 	snop  }
0x456: {  	[spmem:s2] =	stream.indirect.scatter.add.f32 [tilespmem:s22], [sflag:$0x6], $0x80, s16, s19, $0xb8;
	[tilespmem:$0x1DE80] =	vst v63  }
0x457: {  	_ =	swait.ge [sflag:s15], $0x2800  }
0x458: {  	[sflag:s15] =	ssyncset.done $0x0  }
0x459: {  	[sflag:s15] =	ssyncadd.s32 $0xFFFFD800  }
0x45a: {  	_ =	swait.ge [sflag:s15], $0x2800  }
0x45b: {  	[sflag:s15] =	ssyncset.done $0x0  }
0x45c: {  	[sflag:s15] =	ssyncadd.s32 $0xFFFFD800  }
0x45d: {  	_ =	swait.ge [sflag:s18], $0x50  }
0x45e: {  	[sflag:s18] =	ssyncset.done $0x0  }
0x45f: {  	[sflag:s18] =	ssyncadd.s32 $0xFFFFFFB0  }
0x460: {  	_ =	swait.ge [sflag:s18], $0x50  }
0x461: {  	[sflag:s18] =	ssyncset.done $0x0  }
0x462: {  	[sflag:s18] =	ssyncadd.s32 $0xFFFFFFB0  }
0x463: {  	_ =	swait.ge [sflag:s18], $0x50  }
0x464: {  	[sflag:s18] =	ssyncset.done $0x0  }
0x465: {  	[sflag:s18] =	ssyncadd.s32 $0xFFFFFFB0  }
0x466: {  	[tilespmem:s20], [sflag:$0x4] =	stream.indirect.gather [hbm4b:s1+s19], $0x80, s5, s19, $0xb8;
	[tilespmem:$0x1DE80] =	vst v63  }
0x467: {  	_ = 	snop  }
0x468: {  	[tilespmem:s22], [sflag:$0x4] =	stream.indirect.gather [hbm4b:s6+s19], $0x80, s9, s19, $0xb8;
	[tilespmem:$0x1DE80] =	vst v63  }
0x469: {  	s29 =	rddreg [dreg:$0xe]  }
0x46a: {  	[tilespmem:s13], [sflag:$0x1] =	stream.linear.gather [hbm4b:s29+s3], $0x50, $0x38;
	[tilespmem:$0x1DE80] =	vst v63  }
0x46b: {  	s8 =	rddreg [dreg:$0xf]  }
0x46c: {  	[tilespmem:s14], [sflag:$0x1] =	stream.linear.gather [hbm4b:s8+s3], $0x50, $0x38;
	[tilespmem:$0x1DE80] =	vst v63  }
0x46d: {  	s11 =	rddreg [dreg:$0x1b]  }
0x46e: {  	[tilespmem:s16], [sflag:$0x1] =	stream.linear.gather [hbm4b:s11+s3], $0x50, $0x38;
	[tilespmem:$0x1DE80] =	vst v63  }
0x46f: {  	_ =	swait.ge [sflag:s21], $0x2800  }
0x470: {  	[sflag:s21] =	ssyncset.done $0x0  }
0x471: {  	[sflag:s21] =	ssyncadd.s32 $0xFFFFD800  }
0x472: {  	_ =	swait.ge [sflag:s21], $0x2800  }
0x473: {  	[sflag:s21] =	ssyncset.done $0x0  }
0x474: {  	[sflag:s21] =	ssyncadd.s32 $0xFFFFD800  }
0x475: {  	[spmem:s2] =	stream.indirect.scatter.add.f32 [tilespmem:s30], [sflag:$0x6], $0x80, s26, s19, $0xb8;
	[tilespmem:$0x1DE80] =	vst v63  }
0x476: {  	_ = 	snop  }
0x477: {  	[spmem:s2] =	stream.indirect.scatter.add.f32 [tilespmem:s0], [sflag:$0x6], $0x80, s26, s19, $0xb8;
	[tilespmem:$0x1DE80] =	vst v63  }
0x478: {  	_ =	swait.ge [sflag:s15], $0x2800  }
0x479: {  	[sflag:s15] =	ssyncset.done $0x0  }
0x47a: {  	[sflag:s15] =	ssyncadd.s32 $0xFFFFD800  }
0x47b: {  	_ =	swait.ge [sflag:s15], $0x2800  }
0x47c: {  	[sflag:s15] =	ssyncset.done $0x0  }
0x47d: {  	[sflag:s15] =	ssyncadd.s32 $0xFFFFD800  }
0x47e: {  	_ =	swait.ge [sflag:s17], $0x50  }
0x47f: {  	[sflag:s17] =	ssyncset.done $0x0  }
0x480: {  	[sflag:s17] =	ssyncadd.s32 $0xFFFFFFB0  }
0x481: {  	_ =	swait.ge [sflag:s17], $0x50  }
0x482: {  	[sflag:s17] =	ssyncset.done $0x0  }
0x483: {  	[sflag:s17] =	ssyncadd.s32 $0xFFFFFFB0  }
0x484: {  	_ =	swait.ge [sflag:s17], $0x50  }
0x485: {  	[sflag:s17] =	ssyncset.done $0x0  }
0x486: {  	[sflag:s17] =	ssyncadd.s32 $0xFFFFFFB0  }
0x487: {  	[tilespmem:s30], [sflag:$0x5] =	stream.indirect.gather [hbm4b:s1+s19], $0x80, s13, s19, $0xb8;
	[tilespmem:$0x1DE80] =	vst v63  }
0x488: {  	_ = 	snop  }
0x489: {  	[tilespmem:s0], [sflag:$0x5] =	stream.indirect.gather [hbm4b:s6+s19], $0x80, s14, s19, $0xb8;
	[tilespmem:$0x1DE80] =	vst v63  }
0x48a: {  	s12 =	rddreg [dreg:$0x10]  }
0x48b: {  	[tilespmem:s23], [sflag:$0x2] =	stream.linear.gather [hbm4b:s12+s3], $0x50, $0x38;
	[tilespmem:$0x1DE80] =	vst v63  }
0x48c: {  	s24 =	rddreg [dreg:$0x11]  }
0x48d: {  	[tilespmem:s25], [sflag:$0x2] =	stream.linear.gather [hbm4b:s24+s3], $0x50, $0x38;
	[tilespmem:$0x1DE80] =	vst v63  }
0x48e: {  	s29 =	rddreg [dreg:$0x1f]  }
0x48f: {  	[tilespmem:s26], [sflag:$0x2] =	stream.linear.gather [hbm4b:s29+s3], $0x50, $0x38;
	[tilespmem:$0x1DE80] =	vst v63  }
0x490: {  	_ =	swait.ge [sflag:s4], $0x2800  }
0x491: {  	[sflag:s4] =	ssyncset.done $0x0  }
0x492: {  	[sflag:s4] =	ssyncadd.s32 $0xFFFFD800  }
0x493: {  	_ =	swait.ge [sflag:s4], $0x2800  }
0x494: {  	[sflag:s4] =	ssyncset.done $0x0  }
0x495: {  	[sflag:s4] =	ssyncadd.s32 $0xFFFFD800  }
0x496: {  	[spmem:s2] =	stream.indirect.scatter.add.f32 [tilespmem:s20], [sflag:$0x6], $0x80, s10, s19, $0xb8;
	[tilespmem:$0x1DE80] =	vst v63  }
0x497: {  	_ = 	snop  }
0x498: {  	[spmem:s2] =	stream.indirect.scatter.add.f32 [tilespmem:s22], [sflag:$0x6], $0x80, s10, s19, $0xb8;
	[tilespmem:$0x1DE80] =	vst v63  }
0x499: {  	_ =	swait.ge [sflag:s15], $0x2800  }
0x49a: {  	[sflag:s15] =	ssyncset.done $0x0  }
0x49b: {  	[sflag:s15] =	ssyncadd.s32 $0xFFFFD800  }
0x49c: {  	_ =	swait.ge [sflag:s15], $0x2800  }
0x49d: {  	[sflag:s15] =	ssyncset.done $0x0  }
0x49e: {  	[sflag:s15] =	ssyncadd.s32 $0xFFFFD800  }
0x49f: {  	_ =	swait.ge [sflag:s28], $0x50  }
0x4a0: {  	[sflag:s28] =	ssyncset.done $0x0  }
0x4a1: {  	[sflag:s28] =	ssyncadd.s32 $0xFFFFFFB0  }
0x4a2: {  	_ =	swait.ge [sflag:s28], $0x50  }
0x4a3: {  	[sflag:s28] =	ssyncset.done $0x0  }
0x4a4: {  	[sflag:s28] =	ssyncadd.s32 $0xFFFFFFB0  }
0x4a5: {  	_ =	swait.ge [sflag:s28], $0x50  }
0x4a6: {  	[sflag:s28] =	ssyncset.done $0x0  }
0x4a7: {  	[sflag:s28] =	ssyncadd.s32 $0xFFFFFFB0  }
0x4a8: {  	[tilespmem:s20], [sflag:$0x4] =	stream.indirect.gather [hbm4b:s1+s19], $0x80, s23, s19, $0xb8;
	[tilespmem:$0x1DE80] =	vst v63  }
0x4a9: {  	_ = 	snop  }
0x4aa: {  	[tilespmem:s22], [sflag:$0x4] =	stream.indirect.gather [hbm4b:s6+s19], $0x80, s25, s19, $0xb8;
	[tilespmem:$0x1DE80] =	vst v63  }
0x4ab: {  	_ =	swait.ge [sflag:s21], $0x2800  }
0x4ac: {  	[sflag:s21] =	ssyncset.done $0x0  }
0x4ad: {  	[sflag:s21] =	ssyncadd.s32 $0xFFFFD800  }
0x4ae: {  	_ =	swait.ge [sflag:s21], $0x2800  }
0x4af: {  	[sflag:s21] =	ssyncset.done $0x0  }
0x4b0: {  	[sflag:s21] =	ssyncadd.s32 $0xFFFFD800  }
0x4b1: {  	[spmem:s2] =	stream.indirect.scatter.add.f32 [tilespmem:s30], [sflag:$0x6], $0x80, s16, s19, $0xb8;
	[tilespmem:$0x1DE80] =	vst v63  }
0x4b2: {  	_ = 	snop  }
0x4b3: {  	[spmem:s2] =	stream.indirect.scatter.add.f32 [tilespmem:s0], [sflag:$0x6], $0x80, s16, s19, $0xb8;
	[tilespmem:$0x1DE80] =	vst v63  }
0x4b4: {  	_ =	swait.ge [sflag:s15], $0x2800  }
0x4b5: {  	[sflag:s15] =	ssyncset.done $0x0  }
0x4b6: {  	[sflag:s15] =	ssyncadd.s32 $0xFFFFD800  }
0x4b7: {  	_ =	swait.ge [sflag:s15], $0x2800  }
0x4b8: {  	[sflag:s15] =	ssyncset.done $0x0  }
0x4b9: {  	[sflag:s15] =	ssyncadd.s32 $0xFFFFD800  }
0x4ba: {  	_ =	swait.ge [sflag:s4], $0x2800  }
0x4bb: {  	[sflag:s4] =	ssyncset.done $0x0  }
0x4bc: {  	[sflag:s4] =	ssyncadd.s32 $0xFFFFD800  }
0x4bd: {  	_ =	swait.ge [sflag:s4], $0x2800  }
0x4be: {  	[sflag:s4] =	ssyncset.done $0x0  }
0x4bf: {  	[sflag:s4] =	ssyncadd.s32 $0xFFFFD800  }
0x4c0: {  	[spmem:s2] =	stream.indirect.scatter.add.f32 [tilespmem:s20], [sflag:$0x6], $0x80, s26, s19, $0xb8;
	[tilespmem:$0x1DE80] =	vst v63  }
0x4c1: {  	_ = 	snop  }
0x4c2: {  	[spmem:s2] =	stream.indirect.scatter.add.f32 [tilespmem:s22], [sflag:$0x6], $0x80, s26, s19, $0xb8;
	[tilespmem:$0x1DE80] =	vst v63  }
0x4c3: {  	_ =	swait.ge [sflag:s15], $0x2800  }
0x4c4: {  	[sflag:s15] =	ssyncset.done $0x0  }
0x4c5: {  	[sflag:s15] =	ssyncadd.s32 $0xFFFFD800  }
0x4c6: {  	_ =	swait.ge [sflag:s15], $0x2800  }
0x4c7: {  	[sflag:s15] =	ssyncset.done $0x0  }
0x4c8: {  	[sflag:s15] =	ssyncadd.s32 $0xFFFFD800  }
0x4c9: {  	[bflag:$0x0] =	sbarrier.arrive $0xFFFF  }
0x4ca: {  	s8 =	sld [smem:$0x7FA]  }
0x4cb: {  	s11 =	sld [smem:$0x7F4];
	_ =	sdelay $0x1  }
0x4cc: {  	s7 =	simm.s32 @p1 $0x1FC7  }
0x4cd: {  	[hbm:s8], [sflag:s7] =	dma.local @p1 [spmem:s11], $0x2800  }
0x4ce: {  	s7 =	simm.s32 @p1 $0x7  }
0x4cf: {  	_ =	swait.ge @p1 [sflag:s7], $0x2800  }
0x4d0: {  	s8 =	sld [smem:$0x7F2]  }
0x4d1: {  	[sflag:s7] =	ssyncset.done @p1 $0x0;
	s11 =	sld [smem:$0x7F3]  }
0x4d2: {  	[sflag:s7] =	ssyncadd.s32 @p1 $0xFFFFD800;
	s7 =	sld [smem:$0x7F6];
	_ =	sdelay $0x2  }
0x4d3: {  	[hbm:s7], [sflag:s11] =	dma.local @!p1 [spmem:s8], $0x2700  }
.Ltmp6:
0x4d4: {  	_ = 	snop;
	(pc) =	sbr.rel .LBB2_8-.Ltmp6, $4  }
0x4d5: {  	s7 =	simm.s32 @!p1 $0x7  }
0x4d6: {  	_ =	swait.ge @!p1 [sflag:s7], $0x2700  }
0x4d7: {  	[sflag:s7] =	ssyncset.done @!p1 $0x0  }
0x4d8: {  	s8 =	sld [smem:$0x7F1];
	[sflag:s7] =	ssyncadd.s32 @!p1 $0xFFFFD900  }
.LBB2_9:
0x4d9: {  	_ =	sfence.sel $0x180000  }
0x4da: {  	[bflag:$0x0] =	sbarrier.arrive $0xFFFF  }
0x4db: {  	_ =	strace $0x90000047  }
0x4dc: {  	s0 =	stileid.u32;
	[bflag:$0x2] =	sbarrier.arrive $0xFFFF  }
0x4dd: {  	p0 =	sne.s32 s0, $0x0;
	s0 =	rddreg [dreg:$0x3]  }
0x4de: {  	s0 =	sadd.s32 @!p0 $0x100000, s0  }
0x4df: {  	[sflag:s0] =	ssyncadd.tile.s32 @!p0 $0x1;
	_ =	shalt  }
.Lfunc_end2:
_tile_overlayer_lowered:
.L_overlay_start_2:
0x4e0: {  	(tag) =	ssettag $0x2  }
0x4e1: {  	s0 =	rddreg [dreg:$0x0];
	s2 =	stileid.u32  }
0x4e2: {  	s1 =	rddreg [dreg:$0x1];
	p0 =	sne.s32 s2, $0x0  }
0x4e3: {  	s3 =	rddreg [dreg:$0x2];
	[bflag:$0x3] =	sbarrier.arrive $0xFFFF;
	s2 =	simm.s32 @!p0 $0x1C07  }
0x4e4: {  	[timem:s3], [sflag:s2] =	dma.local @!p0 [hbm:s0], s1  }
0x4e5: {  	s0 =	simm.s32 @!p0 $0x7  }
0x4e6: {  	_ =	swait.ge @!p0 [sflag:s0], s1  }
0x4e7: {  	s1 =	ssub.s32 @!p0 $0x0, s1;
	[sflag:s0] =	ssyncset.done @!p0 $0x0  }
0x4e8: {  	[sflag:s0] =	ssyncadd.s32 @!p0 s1  }
0x4e9: {  	[bflag:$0x3] =	sbarrier.arrive $0xFFFF  }
0x4ea: {  	_ =	shalt  }

</sc_bundles>
